<compile_context>
chip_gen: v7x
topology: tpu7x:2x2x1
jax: 0.10.2.dev20260603
libtpu: 0.0.44.dev20260713+nightly
codegen_flags: <defaults>
</compile_context>

<pallas_src>
import functools

import jax
import jax.numpy as jnp
from jax import lax
from jax.experimental import pallas as pl
from jax.experimental.pallas import tpu as pltpu
from jax.experimental.pallas import tpu_sc as plsc

N = 10000
E = 160000
D = 256
G = 64

NC = 2
NS = 16
LANES = 16
NW = NC * NS
CH = 128
NCH = 40
CHP = 64
NCHP = 80
EPT = E // NW
PADPT = NCH * CH - EPT
DUMP = 4
NP = N + NS * DUMP
RPA = 624
REM = N - NS * RPA
ZCH = 48
EPS = 1e-5

_HIGH = lax.Precision.HIGHEST


def _mesh():
    return plsc.VectorSubcoreMesh(core_axis_name="c", subcore_axis_name="s",
                                  num_cores=NC, num_subcores=NS)


@functools.lru_cache(maxsize=None)
def _make_deg():
    @functools.partial(
        pl.kernel,
        out_type=jax.ShapeDtypeStruct((NC, N, LANES), jnp.float32),
        mesh=_mesh(),
        scratch_types=[
            pltpu.VMEM((NCH, CH), jnp.int32),
            pltpu.VMEM((CH, LANES), jnp.float32),
            pltpu.VMEM_SHARED((NP, LANES), jnp.float32),
            pltpu.SemaphoreType.DMA,
        ],
        compiler_params=pltpu.CompilerParams(use_tc_tiling_on_sc=False),
    )
    def deg_kernel(dst_hbm, out_hbm, dstb, ones_v, table, sem):
        c = lax.axis_index("c")
        s = lax.axis_index("s")
        wid = s * NC + c
        pltpu.sync_copy(dst_hbm.at[pl.ds(wid * NCH, NCH)], dstb)
        zeros16 = jnp.zeros((LANES,), jnp.float32)

        def zrow(r, carry):
            ones_v[r, :] = zeros16
            return carry

        lax.fori_loop(0, CH, zrow, None)
        for k in range(RPA // ZCH):
            pltpu.async_copy(ones_v.at[pl.ds(0, ZCH)],
                             table.at[pl.ds(s * RPA + k * ZCH, ZCH)], sem)
        for k in range(RPA // ZCH):
            pltpu.make_async_copy(
                ones_v.at[pl.ds(0, ZCH)],
                table.at[pl.ds(s * RPA + k * ZCH, ZCH)], sem).wait()

        @pl.when(s == 0)
        def _ztail():
            pltpu.sync_copy(ones_v.at[pl.ds(0, REM)],
                            table.at[pl.ds(NS * RPA, REM)])

        ones16 = jnp.ones((LANES,), jnp.float32)

        def orow(r, carry):
            ones_v[r, :] = ones16
            return carry

        lax.fori_loop(0, CH, orow, None)
        plsc.subcore_barrier()

        def group(g, carry):
            def fire(j, carry2):
                pltpu.async_copy(ones_v, table.at[dstb.at[g * 8 + j]], sem,
                                 add=True)
                return carry2

            lax.fori_loop(0, 8, fire, None)

            def drain(j, carry2):
                pltpu.make_async_copy(ones_v, table.at[dstb.at[g * 8 + j]],
                                      sem).wait()
                return carry2

            lax.fori_loop(0, 8, drain, None)
            return carry

        lax.fori_loop(0, NCH // 8, group, None)

        plsc.subcore_barrier()
        pltpu.sync_copy(table.at[pl.ds(s * RPA, RPA)],
                        out_hbm.at[c, pl.ds(s * RPA, RPA)])

        @pl.when(s == 0)
        def _rtail():
            pltpu.sync_copy(table.at[pl.ds(NS * RPA, REM)],
                            out_hbm.at[c, pl.ds(NS * RPA, REM)])

    return deg_kernel


@functools.lru_cache(maxsize=None)
def _make_prop(F):
    @functools.partial(
        pl.kernel,
        out_type=jax.ShapeDtypeStruct((NC, N, F), jnp.float32),
        mesh=_mesh(),
        scratch_types=[
            pltpu.VMEM((NCHP, CHP), jnp.int32),
            pltpu.VMEM((NCHP, CHP), jnp.int32),
            pltpu.VMEM((CHP, F), jnp.float32),
            pltpu.VMEM((CHP, F), jnp.float32),
            pltpu.VMEM((CHP, F), jnp.float32),
            pltpu.VMEM((CHP, F), jnp.float32),
            pltpu.SemaphoreType.DMA,
            pltpu.SemaphoreType.DMA,
            pltpu.SemaphoreType.DMA,
            pltpu.SemaphoreType.DMA,
            pltpu.SemaphoreType.DMA,
            pltpu.SemaphoreType.DMA,
            pltpu.SemaphoreType.DMA,
            pltpu.SemaphoreType.DMA,
            pltpu.VMEM_SHARED((NP, F), jnp.float32),
            pltpu.SemaphoreType.DMA,
        ],
        compiler_params=pltpu.CompilerParams(use_tc_tiling_on_sc=False),
    )
    def prop_kernel(xz_hbm, src_hbm, dst_hbm, out_hbm,
                    srcb, dstb, r0, r1, r2, r3, g0, g1, g2, g3,
                    s0, s1, s2, s3, accum, sem):
        rows = (r0, r1, r2, r3)
        gsem = (g0, g1, g2, g3)
        ssem = (s0, s1, s2, s3)
        c = lax.axis_index("c")
        s = lax.axis_index("s")
        wid = s * NC + c
        pltpu.async_copy(src_hbm.at[pl.ds(wid * NCHP, NCHP)], srcb, sem)
        pltpu.sync_copy(dst_hbm.at[pl.ds(wid * NCHP, NCHP)], dstb)
        pltpu.make_async_copy(src_hbm.at[pl.ds(wid * NCHP, NCHP)], srcb,
                              sem).wait()
        zeros16 = jnp.zeros((LANES,), jnp.float32)

        def zrow(r, carry):
            for j in range(F // LANES):
                rows[0][r, pl.ds(j * LANES, LANES)] = zeros16
            return carry

        lax.fori_loop(0, ZCH, zrow, None)
        for k in range(RPA // ZCH):
            pltpu.async_copy(rows[0].at[pl.ds(0, ZCH)],
                             accum.at[pl.ds(s * RPA + k * ZCH, ZCH)], sem)
        for k in range(RPA // ZCH):
            pltpu.make_async_copy(
                rows[0].at[pl.ds(0, ZCH)],
                accum.at[pl.ds(s * RPA + k * ZCH, ZCH)], sem).wait()

        @pl.when(s == 0)
        def _ztail():
            pltpu.sync_copy(rows[0].at[pl.ds(0, REM + 8)],
                            accum.at[pl.ds(NS * RPA, REM + 8)])

        plsc.subcore_barrier()

        pltpu.async_copy(xz_hbm.at[srcb.at[0]], rows[0], gsem[0])
        pltpu.async_copy(xz_hbm.at[srcb.at[1]], rows[1], gsem[1])

        def group(g, carry):
            for b in range(4):
                i = 4 * g + b
                b2 = (b + 2) % 4

                @pl.when(i >= 2)
                def _drain():
                    pltpu.make_async_copy(
                        rows[b2], accum.at[dstb.at[i - 2]], ssem[b2]).wait()

                @pl.when(i + 2 < NCHP)
                def _prefetch():
                    pltpu.async_copy(xz_hbm.at[srcb.at[i + 2]], rows[b2],
                                     gsem[b2])

                pltpu.make_async_copy(xz_hbm.at[srcb.at[i]], rows[b],
                                      gsem[b]).wait()
                pltpu.async_copy(rows[b], accum.at[dstb.at[i]], ssem[b],
                                 add=True)
            return carry

        lax.fori_loop(0, NCHP // 4, group, None)
        for b in (2, 3):
            pltpu.make_async_copy(rows[b], accum.at[dstb.at[NCHP - 4 + b]],
                                  ssem[b]).wait()

        plsc.subcore_barrier()
        pltpu.sync_copy(accum.at[pl.ds(s * RPA, RPA)],
                        out_hbm.at[c, pl.ds(s * RPA, RPA)])

        @pl.when(s == 0)
        def _rtail():
            pltpu.sync_copy(accum.at[pl.ds(NS * RPA, REM)],
                            out_hbm.at[c, pl.ds(NS * RPA, REM)])

    return prop_kernel


_BR = 1000
_GRID = N // _BR


def _mm1_body(x_ref, degt_ref, w1_ref, xz_ref, dis_ref):
    dsum = (jnp.sum(degt_ref[0], axis=1, keepdims=True)
            + jnp.sum(degt_ref[1], axis=1, keepdims=True))
    deg = 1.0 + dsum / float(LANES)
    dis = lax.rsqrt(deg)
    xw = jnp.dot(x_ref[...], w1_ref[...],
                 preferred_element_type=jnp.float32, precision=_HIGH)
    xz_ref[...] = xw * dis
    dis_ref[...] = dis


def _lm1_body(part_ref, xz_ref, dis_ref, b_ref, g_ref, be_ref, w2_ref,
              xz2_ref, a1_s, st_s):
    i = pl.program_id(0)

    @pl.when(i < _GRID)
    def _phase_a():
        acc = part_ref[0] + part_ref[1] + xz_ref[...]
        pre = acc * dis_ref[...] + b_ref[...][None, :]
        a = jnp.maximum(pre, 0.0)
        a1_s[pl.ds(i * _BR, _BR), :] = a
        st = jnp.stack([jnp.sum(a, axis=0), jnp.sum(a * a, axis=0)], axis=0)

        @pl.when(i == 0)
        def _init():
            st_s[...] = st

        @pl.when(i != 0)
        def _acc():
            st_s[...] = st_s[...] + st

    @pl.when(i >= _GRID)
    def _phase_b():
        j = i - _GRID
        mu = st_s[0] / float(N)
        var = st_s[1] / float(N) - mu * mu
        scale = g_ref[...] * lax.rsqrt(var + EPS)
        shift = be_ref[...] - mu * scale
        h = a1_s[pl.ds(j * _BR, _BR), :] * scale[None, :] + shift[None, :]
        xw2 = jnp.dot(h, w2_ref[...],
                      preferred_element_type=jnp.float32, precision=_HIGH)
        xz2_ref[...] = xw2 * dis_ref[...]


def _lh_body(part_ref, xz_ref, dis_ref, b_ref, batch_ref,
             g2_ref, be2_ref, wf1_ref, bf1_ref, g3_ref, be3_ref,
             wf2_ref, bf2_ref, wf3_ref, bf3_ref,
             out_ref, st_s, q_s, cnt_s):
    i = pl.program_id(0)

    @pl.when(i < _GRID)
    def _phase_pool():
        acc = part_ref[0] + part_ref[1] + xz_ref[...]
        pre = acc * dis_ref[...] + b_ref[...][None, :]
        a = jnp.maximum(pre, 0.0)
        st = jnp.stack([jnp.sum(a, axis=0), jnp.sum(a * a, axis=0)], axis=0)
        gids = lax.broadcasted_iota(jnp.int32, (_BR, G), 1)
        oh = (batch_ref[...] == gids).astype(jnp.float32)
        q = lax.dot_general(oh, a, (((0,), (0,)), ((), ())),
                            preferred_element_type=jnp.float32,
                            precision=_HIGH)
        cnt = jnp.sum(oh, axis=0)[None, :]

        @pl.when(i == 0)
        def _init():
            st_s[...] = st
            q_s[...] = q
            cnt_s[...] = cnt

        @pl.when(i != 0)
        def _acc():
            st_s[...] = st_s[...] + st
            q_s[...] = q_s[...] + q
            cnt_s[...] = cnt_s[...] + cnt

    @pl.when(i == _GRID)
    def _phase_head():
        mu = st_s[0] / float(N)
        var = st_s[1] / float(N) - mu * mu
        scale = g2_ref[...] * lax.rsqrt(var + EPS)
        shift = be2_ref[...] - mu * scale
        p = q_s[...] * scale[None, :] + cnt_s[0][:, None] * shift[None, :]
        p = jnp.maximum(jnp.dot(p, wf1_ref[...],
                                preferred_element_type=jnp.float32,
                                precision=_HIGH) + bf1_ref[...][None, :], 0.0)
        mu3 = jnp.mean(p, axis=0)
        var3 = jnp.mean((p - mu3[None, :]) ** 2, axis=0)
        p = g3_ref[...][None, :] * (p - mu3[None, :]) * lax.rsqrt(var3 + EPS) \
            + be3_ref[...][None, :]
        p = jnp.maximum(jnp.dot(p, wf2_ref[...],
                                preferred_element_type=jnp.float32,
                                precision=_HIGH) + bf2_ref[...][None, :], 0.0)
        z = jnp.dot(p, wf3_ref[...],
                    preferred_element_type=jnp.float32,
                    precision=_HIGH) + bf3_ref[...][None, :]
        m = jnp.max(z, axis=1, keepdims=True)
        out_ref[...] = z - m - jnp.log(jnp.sum(jnp.exp(z - m), axis=1,
                                               keepdims=True))


def _full(shape):
    return pl.BlockSpec(shape, lambda i: tuple(0 for _ in shape))


def _rows(bshape):
    return pl.BlockSpec(bshape, lambda i: (i,) + tuple(0 for _ in bshape[1:]))


def _tc_mm1(x, degt, w1):
    return pl.pallas_call(
        _mm1_body,
        grid=(_GRID,),
        in_specs=[
            _rows((_BR, D)),
            pl.BlockSpec((NC, _BR, LANES), lambda i: (0, i, 0)),
            _full((D, 128)),
        ],
        out_specs=[_rows((_BR, 128)), _rows((_BR, 1))],
        out_shape=[jax.ShapeDtypeStruct((N, 128), jnp.float32),
                   jax.ShapeDtypeStruct((N, 1), jnp.float32)],
    )(x, degt, w1)


def _frz(bshape):
    return pl.BlockSpec(
        bshape,
        lambda i: (jnp.where(i < _GRID, i, _GRID - 1),)
        + tuple(0 for _ in bshape[1:]))


def _frz3(bshape):
    return pl.BlockSpec(
        bshape,
        lambda i: (0, jnp.where(i < _GRID, i, _GRID - 1))
        + tuple(0 for _ in bshape[2:]))


def _tc_lm1(part, xz, dis, b1, g1, be1, w2):
    return pl.pallas_call(
        _lm1_body,
        grid=(2 * _GRID,),
        in_specs=[
            _frz3((NC, _BR, 128)),
            _frz((_BR, 128)),
            pl.BlockSpec((_BR, 1), lambda i: (i % _GRID, 0)),
            _full((128,)),
            _full((128,)),
            _full((128,)),
            _full((128, 64)),
        ],
        out_specs=pl.BlockSpec((_BR, 64), lambda i: (i % _GRID, 0)),
        out_shape=jax.ShapeDtypeStruct((N, 64), jnp.float32),
        scratch_shapes=[pltpu.VMEM((N, 128), jnp.float32),
                        pltpu.VMEM((2, 128), jnp.float32)],
    )(part, xz, dis, b1, g1, be1, w2)


def _tc_lh(part, xz2, dis, b2, batch,
           g2, be2, wf1, bf1, g3, be3, wf2, bf2, wf3, bf3):
    return pl.pallas_call(
        _lh_body,
        grid=(_GRID + 1,),
        in_specs=[
            _frz3((NC, _BR, 64)),
            _frz((_BR, 64)),
            _frz((_BR, 1)),
            _full((64,)),
            _frz((_BR, 1)),
            _full((64,)), _full((64,)),
            _full((64, 64)), _full((64,)), _full((64,)), _full((64,)),
            _full((64, 64)), _full((64,)), _full((64, 2)), _full((2,)),
        ],
        out_specs=pl.BlockSpec((G, 2), lambda i: (0, 0)),
        out_shape=jax.ShapeDtypeStruct((G, 2), jnp.float32),
        scratch_shapes=[pltpu.VMEM((2, 64), jnp.float32),
                        pltpu.VMEM((G, 64), jnp.float32),
                        pltpu.VMEM((1, 64), jnp.float32)],
    )(part, xz2, dis, b2, batch,
      g2, be2, wf1, bf1, g3, be3, wf2, bf2, wf3, bf3)


def kernel(x, edge_index, batch, W1, b1, g1, be1, W2, b2, g2, be2,
           Wf1, bf1, g3, be3, Wf2, bf2, Wf3, bf3):
    pad_src = jnp.broadcast_to(jnp.arange(PADPT, dtype=jnp.int32) * 64,
                               (NW, PADPT))
    pad_dst = (N + (jnp.arange(NW, dtype=jnp.int32) // NC)[:, None] * DUMP
               + (jnp.arange(PADPT, dtype=jnp.int32) % DUMP)[None, :])
    srcf = jnp.concatenate([edge_index[0].reshape(NW, EPT), pad_src], axis=1)
    dstf = jnp.concatenate([edge_index[1].reshape(NW, EPT), pad_dst], axis=1)
    srcp = srcf.reshape(NW * NCHP, CHP)
    dstp = dstf.reshape(NW * NCHP, CHP)
    degt = _make_deg()(dstf.reshape(NW * NCH, CH))
    xz1, dis = _tc_mm1(x, degt, W1)
    part1 = _make_prop(128)(xz1, srcp, dstp)
    xz2 = _tc_lm1(part1, xz1, dis, b1, g1, be1, W2)
    part2 = _make_prop(64)(xz2, srcp, dstp)
    return _tc_lh(part2, xz2, dis, b2, batch[:, None],
                  g2, be2, Wf1, bf1, g3, be3, Wf2, bf2, Wf3, bf3)

# --- scband reference (transcript-rebuilt; emitter-appended) ---
"""Pipeline reference for scband-conv-net-40535901339812 (READ-ONLY COPY).

The authoritative reference and input builder live on the scoring server;
editing this copy changes nothing except your own understanding.
"""

import jax, jax.numpy as jnp
import numpy as np

N = 10000
E = 160000
D = 256
G = 64


def _bn(x, gamma, beta, eps=1e-5):
    mu = jnp.mean(x, axis=0)
    var = jnp.var(x, axis=0)
    return gamma * (x - mu) / jnp.sqrt(var + eps) + beta


def _gcn(x, src, dst, W, b):
    n = x.shape[0]
    loop = jnp.arange(n, dtype=src.dtype)
    s = jnp.concatenate([src, loop])
    d = jnp.concatenate([dst, loop])
    deg = jnp.zeros((n,), x.dtype).at[d].add(1.0)
    dis = jnp.where(deg > 0, 1.0 / jnp.sqrt(deg), 0.0)
    norm = dis[s] * dis[d]
    xw = x @ W
    out = jnp.zeros((n, W.shape[1]), x.dtype).at[d].add(xw[s] * norm[:, None])
    return out + b


def setup_inputs(seed: int = 0) -> dict:
    key = jax.random.key(seed)
    ks = jax.random.split(key, 24)
    x = jax.random.normal(ks[0], (N, D), dtype=jnp.float32)
    edge_index = jax.random.randint(ks[1], (2, E), 0, N, dtype=jnp.int32)
    batch = jnp.sort(jax.random.randint(ks[2], (N,), 0, G, dtype=jnp.int32))
    s = 0.1
    W1 = jax.random.normal(ks[3], (D, 128), jnp.float32) * s
    b1 = jnp.zeros((128,), jnp.float32)
    g1 = jnp.ones((128,), jnp.float32)
    be1 = jnp.zeros((128,), jnp.float32)
    W2 = jax.random.normal(ks[4], (128, 64), jnp.float32) * s
    b2 = jnp.zeros((64,), jnp.float32)
    g2 = jnp.ones((64,), jnp.float32)
    be2 = jnp.zeros((64,), jnp.float32)
    Wf1 = jax.random.normal(ks[5], (64, 64), jnp.float32) * s
    bf1 = jnp.zeros((64,), jnp.float32)
    g3 = jnp.ones((64,), jnp.float32)
    be3 = jnp.zeros((64,), jnp.float32)
    Wf2 = jax.random.normal(ks[6], (64, 64), jnp.float32) * s
    bf2 = jnp.zeros((64,), jnp.float32)
    Wf3 = jax.random.normal(ks[7], (64, 2), jnp.float32) * s
    bf3 = jnp.zeros((2,), jnp.float32)
    return {"x": x, "edge_index": edge_index, "batch": batch,
            "W1": W1, "b1": b1, "g1": g1, "be1": be1,
            "W2": W2, "b2": b2, "g2": g2, "be2": be2,
            "Wf1": Wf1, "bf1": bf1, "g3": g3, "be3": be3,
            "Wf2": Wf2, "bf2": bf2, "Wf3": Wf3, "bf3": bf3}


def reference(x, edge_index, batch, W1, b1, g1, be1, W2, b2, g2, be2,
              Wf1, bf1, g3, be3, Wf2, bf2, Wf3, bf3):
    src, dst = edge_index[0], edge_index[1]
    h = jax.nn.relu(_gcn(x, src, dst, W1, b1))
    h = _bn(h, g1, be1)
    h = jax.nn.relu(_gcn(h, src, dst, W2, b2))
    h = _bn(h, g2, be2)
    p = jax.ops.segment_sum(h, batch, num_segments=G)
    p = jax.nn.relu(p @ Wf1 + bf1)
    p = _bn(p, g3, be3)
    p = jax.nn.relu(p @ Wf2 + bf2)
    # dropout p=0.2 is identity in eval mode
    p = p @ Wf3 + bf3
    return jax.nn.log_softmax(p, axis=1)

if __name__ == "__main__":
    import jax
    _d = setup_inputs()
    print(jax.jit(kernel)(*tuple(_d.values())))

</pallas_src>

<mosaic_0001>
#map = affine_map<(d0, d1) -> (0, 0)>
#map1 = affine_map<(d0, d1) -> (0, 0, 0)>
module attributes {stable_mosaic.version = 14 : i64} {
  func.func @deg_kernel(%arg0: i32, %arg1: i32, %arg2: memref<1280x128xi32, #tpu.memory_space<hbm>>, %arg3: memref<2x10000x16xf32, #tpu.memory_space<hbm>>, %arg4: memref<40x128xi32, #tpu.memory_space<vmem>>, %arg5: memref<128x16xf32, #tpu.memory_space<vmem>>, %arg6: memref<10064x16xf32, #tpu.memory_space<vmem_shared>>, %arg7: memref<!tpu.dma_semaphore, #tpu.memory_space<semaphore_mem>>) attributes {dimension_semantics = [#tpu.dimension_semantics<core_parallel>, #tpu.dimension_semantics<subcore_parallel>], iteration_bounds = array<i64: 2, 16>, scalar_prefetch = 0 : i64, scratch_operands = 4 : i64, tpu.core_type = #tpu.core_type<sc_vector_subcore>, window_params = [{transform_indices = #map}, {transform_indices = #map1}]} {
    %mul3A = arith.constant 2 : i32
    %mul3A_0 = arith.muli %arg1, %mul3A : i32
    %add3A = arith.addi %mul3A_0, %arg0 : i32
    %mul3A_1 = arith.constant 40 : i32
    %mul3A_2 = arith.muli %add3A, %mul3A_1 : i32
    "tpu.region"() ({
      %run_scoped3A = tpu.sem_alloc : memref<!tpu.dma_semaphore, #tpu.memory_space<semaphore_mem>>
      %dma_start3A_394 = arith.constant 0 : i32
      %dma_start3A_395 = tpu.memref_slice %arg2[%mul3A_2, %dma_start3A_394] : memref<1280x128xi32, #tpu.memory_space<hbm>> -> memref<40x128xi32, #tpu.memory_space<hbm>>
      %dma_start3A_396 = arith.constant 0 : i32
      %dma_start3A_397 = tpu.memref_slice %arg2[%mul3A_2, %dma_start3A_396] : memref<1280x128xi32, #tpu.memory_space<hbm>> -> memref<40x128xi32, #tpu.memory_space<hbm>>
      tpu.enqueue_dma source(%dma_start3A_397 : memref<40x128xi32, #tpu.memory_space<hbm>>) target(%arg4 : memref<40x128xi32, #tpu.memory_space<vmem>>) target_semaphore(%run_scoped3A : memref<!tpu.dma_semaphore, #tpu.memory_space<semaphore_mem>>)
      %dma_wait3A_398 = arith.constant 0 : i32
      %dma_wait3A_399 = tpu.memref_slice %arg2[%mul3A_2, %dma_wait3A_398] : memref<1280x128xi32, #tpu.memory_space<hbm>> -> memref<40x128xi32, #tpu.memory_space<hbm>>
      %dma_wait3A_400 = arith.constant 0 : i32
      %dma_wait3A_401 = tpu.memref_slice %arg2[%mul3A_2, %dma_wait3A_400] : memref<1280x128xi32, #tpu.memory_space<hbm>> -> memref<40x128xi32, #tpu.memory_space<hbm>>
      tpu.wait_dma2 semaphore(%run_scoped3A : memref<!tpu.dma_semaphore, #tpu.memory_space<semaphore_mem>>) src(%dma_wait3A_401 : memref<40x128xi32, #tpu.memory_space<hbm>>) dst(%arg4 : memref<40x128xi32, #tpu.memory_space<vmem>>)
      tpu.yield
    }) : () -> ()
    %broadcast_in_dim3A = arith.constant 0.000000e+00 : f32
    %broadcast_in_dim3A_3 = vector.broadcast %broadcast_in_dim3A : f32 to vector<16xf32>
    %scan3A = arith.constant 0 : i32
    %scan3A_4 = arith.constant 128 : i32
    %scan3A_5 = arith.addi %scan3A, %scan3A_4 : i32
    %scan3A_6 = arith.constant 1 : i32
    scf.for %scan3A_394 = %scan3A to %scan3A_5 step %scan3A_6  : i32 {
      %swap3A = arith.index_cast %scan3A_394 : i32 to index
      %swap3A_395 = arith.constant 0 : index
      %swap3A_396 = tpu.vector_load %arg5[%swap3A, %swap3A_395] {strides = array<i32>} : memref<128x16xf32, #tpu.memory_space<vmem>>, vector<1x16xf32>,
      %swap3A_397 = vector.shape_cast %swap3A_396 : vector<1x16xf32> to vector<16xf32>
      %swap3A_398 = vector.shape_cast %broadcast_in_dim3A_3 : vector<16xf32> to vector<1x16xf32>
      tpu.vector_store %arg5[%swap3A, %swap3A_395], %swap3A_398 {strides = array<i32>} : memref<128x16xf32, #tpu.memory_space<vmem>>, vector<1x16xf32>,
    }
    %scan3A_7 = arith.constant 128 : i32
    %mul3A_8 = arith.constant 624 : i32
    %mul3A_9 = arith.muli %arg1, %mul3A_8 : i32
    %add3A_10 = arith.constant 0 : i32
    %add3A_11 = arith.addi %mul3A_9, %add3A_10 : i32
    %dma_start3A = arith.constant 0 : i32
    %dma_start3A_12 = arith.constant 0 : i32
    %dma_start3A_13 = tpu.memref_slice %arg5[%dma_start3A, %dma_start3A_12] : memref<128x16xf32, #tpu.memory_space<vmem>> -> memref<48x16xf32, #tpu.memory_space<vmem>>
    %dma_start3A_14 = arith.constant 0 : i32
    %dma_start3A_15 = tpu.memref_slice %arg6[%add3A_11, %dma_start3A_14] : memref<10064x16xf32, #tpu.memory_space<vmem_shared>> -> memref<48x16xf32, #tpu.memory_space<vmem_shared>>
    %dma_start3A_16 = arith.constant 0 : i32
    %dma_start3A_17 = tpu.memref_slice %arg6[%add3A_11, %dma_start3A_16] : memref<10064x16xf32, #tpu.memory_space<vmem_shared>> -> memref<48x16xf32, #tpu.memory_space<vmem_shared>>
    %dma_start3A_18 = arith.constant 0 : i32
    %dma_start3A_19 = arith.constant 0 : i32
    %dma_start3A_20 = tpu.memref_slice %arg5[%dma_start3A_18, %dma_start3A_19] : memref<128x16xf32, #tpu.memory_space<vmem>> -> memref<48x16xf32, #tpu.memory_space<vmem>>
    tpu.enqueue_dma source(%dma_start3A_20 : memref<48x16xf32, #tpu.memory_space<vmem>>) target(%dma_start3A_17 : memref<48x16xf32, #tpu.memory_space<vmem_shared>>) target_semaphore(%arg7 : memref<!tpu.dma_semaphore, #tpu.memory_space<semaphore_mem>>)
    %mul3A_21 = arith.constant 624 : i32
    %mul3A_22 = arith.muli %arg1, %mul3A_21 : i32
    %add3A_23 = arith.constant 48 : i32
    %add3A_24 = arith.addi %mul3A_22, %add3A_23 : i32
    %dma_start3A_25 = arith.constant 0 : i32
    %dma_start3A_26 = arith.constant 0 : i32
    %dma_start3A_27 = tpu.memref_slice %arg5[%dma_start3A_25, %dma_start3A_26] : memref<128x16xf32, #tpu.memory_space<vmem>> -> memref<48x16xf32, #tpu.memory_space<vmem>>
    %dma_start3A_28 = arith.constant 0 : i32
    %dma_start3A_29 = tpu.memref_slice %arg6[%add3A_24, %dma_start3A_28] : memref<10064x16xf32, #tpu.memory_space<vmem_shared>> -> memref<48x16xf32, #tpu.memory_space<vmem_shared>>
    %dma_start3A_30 = arith.constant 0 : i32
    %dma_start3A_31 = tpu.memref_slice %arg6[%add3A_24, %dma_start3A_30] : memref<10064x16xf32, #tpu.memory_space<vmem_shared>> -> memref<48x16xf32, #tpu.memory_space<vmem_shared>>
    %dma_start3A_32 = arith.constant 0 : i32
    %dma_start3A_33 = arith.constant 0 : i32
    %dma_start3A_34 = tpu.memref_slice %arg5[%dma_start3A_32, %dma_start3A_33] : memref<128x16xf32, #tpu.memory_space<vmem>> -> memref<48x16xf32, #tpu.memory_space<vmem>>
    tpu.enqueue_dma source(%dma_start3A_34 : memref<48x16xf32, #tpu.memory_space<vmem>>) target(%dma_start3A_31 : memref<48x16xf32, #tpu.memory_space<vmem_shared>>) target_semaphore(%arg7 : memref<!tpu.dma_semaphore, #tpu.memory_space<semaphore_mem>>)
    %mul3A_35 = arith.constant 624 : i32
    %mul3A_36 = arith.muli %arg1, %mul3A_35 : i32
    %add3A_37 = arith.constant 96 : i32
    %add3A_38 = arith.addi %mul3A_36, %add3A_37 : i32
    %dma_start3A_39 = arith.constant 0 : i32
    %dma_start3A_40 = arith.constant 0 : i32
    %dma_start3A_41 = tpu.memref_slice %arg5[%dma_start3A_39, %dma_start3A_40] : memref<128x16xf32, #tpu.memory_space<vmem>> -> memref<48x16xf32, #tpu.memory_space<vmem>>
    %dma_start3A_42 = arith.constant 0 : i32
    %dma_start3A_43 = tpu.memref_slice %arg6[%add3A_38, %dma_start3A_42] : memref<10064x16xf32, #tpu.memory_space<vmem_shared>> -> memref<48x16xf32, #tpu.memory_space<vmem_shared>>
    %dma_start3A_44 = arith.constant 0 : i32
    %dma_start3A_45 = tpu.memref_slice %arg6[%add3A_38, %dma_start3A_44] : memref<10064x16xf32, #tpu.memory_space<vmem_shared>> -> memref<48x16xf32, #tpu.memory_space<vmem_shared>>
    %dma_start3A_46 = arith.constant 0 : i32
    %dma_start3A_47 = arith.constant 0 : i32
    %dma_start3A_48 = tpu.memref_slice %arg5[%dma_start3A_46, %dma_start3A_47] : memref<128x16xf32, #tpu.memory_space<vmem>> -> memref<48x16xf32, #tpu.memory_space<vmem>>
    tpu.enqueue_dma source(%dma_start3A_48 : memref<48x16xf32, #tpu.memory_space<vmem>>) target(%dma_start3A_45 : memref<48x16xf32, #tpu.memory_space<vmem_shared>>) target_semaphore(%arg7 : memref<!tpu.dma_semaphore, #tpu.memory_space<semaphore_mem>>)
    %mul3A_49 = arith.constant 624 : i32
    %mul3A_50 = arith.muli %arg1, %mul3A_49 : i32
    %add3A_51 = arith.constant 144 : i32
    %add3A_52 = arith.addi %mul3A_50, %add3A_51 : i32
    %dma_start3A_53 = arith.constant 0 : i32
    %dma_start3A_54 = arith.constant 0 : i32
    %dma_start3A_55 = tpu.memref_slice %arg5[%dma_start3A_53, %dma_start3A_54] : memref<128x16xf32, #tpu.memory_space<vmem>> -> memref<48x16xf32, #tpu.memory_space<vmem>>
    %dma_start3A_56 = arith.constant 0 : i32
    %dma_start3A_57 = tpu.memref_slice %arg6[%add3A_52, %dma_start3A_56] : memref<10064x16xf32, #tpu.memory_space<vmem_shared>> -> memref<48x16xf32, #tpu.memory_space<vmem_shared>>
    %dma_start3A_58 = arith.constant 0 : i32
    %dma_start3A_59 = tpu.memref_slice %arg6[%add3A_52, %dma_start3A_58] : memref<10064x16xf32, #tpu.memory_space<vmem_shared>> -> memref<48x16xf32, #tpu.memory_space<vmem_shared>>
    %dma_start3A_60 = arith.constant 0 : i32
    %dma_start3A_61 = arith.constant 0 : i32
    %dma_start3A_62 = tpu.memref_slice %arg5[%dma_start3A_60, %dma_start3A_61] : memref<128x16xf32, #tpu.memory_space<vmem>> -> memref<48x16xf32, #tpu.memory_space<vmem>>
    tpu.enqueue_dma source(%dma_start3A_62 : memref<48x16xf32, #tpu.memory_space<vmem>>) target(%dma_start3A_59 : memref<48x16xf32, #tpu.memory_space<vmem_shared>>) target_semaphore(%arg7 : memref<!tpu.dma_semaphore, #tpu.memory_space<semaphore_mem>>)
    %mul3A_63 = arith.constant 624 : i32
    %mul3A_64 = arith.muli %arg1, %mul3A_63 : i32
    %add3A_65 = arith.constant 192 : i32
    %add3A_66 = arith.addi %mul3A_64, %add3A_65 : i32
    %dma_start3A_67 = arith.constant 0 : i32
    %dma_start3A_68 = arith.constant 0 : i32
    %dma_start3A_69 = tpu.memref_slice %arg5[%dma_start3A_67, %dma_start3A_68] : memref<128x16xf32, #tpu.memory_space<vmem>> -> memref<48x16xf32, #tpu.memory_space<vmem>>
    %dma_start3A_70 = arith.constant 0 : i32
    %dma_start3A_71 = tpu.memref_slice %arg6[%add3A_66, %dma_start3A_70] : memref<10064x16xf32, #tpu.memory_space<vmem_shared>> -> memref<48x16xf32, #tpu.memory_space<vmem_shared>>
    %dma_start3A_72 = arith.constant 0 : i32
    %dma_start3A_73 = tpu.memref_slice %arg6[%add3A_66, %dma_start3A_72] : memref<10064x16xf32, #tpu.memory_space<vmem_shared>> -> memref<48x16xf32, #tpu.memory_space<vmem_shared>>
    %dma_start3A_74 = arith.constant 0 : i32
    %dma_start3A_75 = arith.constant 0 : i32
    %dma_start3A_76 = tpu.memref_slice %arg5[%dma_start3A_74, %dma_start3A_75] : memref<128x16xf32, #tpu.memory_space<vmem>> -> memref<48x16xf32, #tpu.memory_space<vmem>>
    tpu.enqueue_dma source(%dma_start3A_76 : memref<48x16xf32, #tpu.memory_space<vmem>>) target(%dma_start3A_73 : memref<48x16xf32, #tpu.memory_space<vmem_shared>>) target_semaphore(%arg7 : memref<!tpu.dma_semaphore, #tpu.memory_space<semaphore_mem>>)
    %mul3A_77 = arith.constant 624 : i32
    %mul3A_78 = arith.muli %arg1, %mul3A_77 : i32
    %add3A_79 = arith.constant 240 : i32
    %add3A_80 = arith.addi %mul3A_78, %add3A_79 : i32
    %dma_start3A_81 = arith.constant 0 : i32
    %dma_start3A_82 = arith.constant 0 : i32
    %dma_start3A_83 = tpu.memref_slice %arg5[%dma_start3A_81, %dma_start3A_82] : memref<128x16xf32, #tpu.memory_space<vmem>> -> memref<48x16xf32, #tpu.memory_space<vmem>>
    %dma_start3A_84 = arith.constant 0 : i32
    %dma_start3A_85 = tpu.memref_slice %arg6[%add3A_80, %dma_start3A_84] : memref<10064x16xf32, #tpu.memory_space<vmem_shared>> -> memref<48x16xf32, #tpu.memory_space<vmem_shared>>
    %dma_start3A_86 = arith.constant 0 : i32
    %dma_start3A_87 = tpu.memref_slice %arg6[%add3A_80, %dma_start3A_86] : memref<10064x16xf32, #tpu.memory_space<vmem_shared>> -> memref<48x16xf32, #tpu.memory_space<vmem_shared>>
    %dma_start3A_88 = arith.constant 0 : i32
    %dma_start3A_89 = arith.constant 0 : i32
    %dma_start3A_90 = tpu.memref_slice %arg5[%dma_start3A_88, %dma_start3A_89] : memref<128x16xf32, #tpu.memory_space<vmem>> -> memref<48x16xf32, #tpu.memory_space<vmem>>
    tpu.enqueue_dma source(%dma_start3A_90 : memref<48x16xf32, #tpu.memory_space<vmem>>) target(%dma_start3A_87 : memref<48x16xf32, #tpu.memory_space<vmem_shared>>) target_semaphore(%arg7 : memref<!tpu.dma_semaphore, #tpu.memory_space<semaphore_mem>>)
    %mul3A_91 = arith.constant 624 : i32
    %mul3A_92 = arith.muli %arg1, %mul3A_91 : i32
    %add3A_93 = arith.constant 288 : i32
    %add3A_94 = arith.addi %mul3A_92, %add3A_93 : i32
    %dma_start3A_95 = arith.constant 0 : i32
    %dma_start3A_96 = arith.constant 0 : i32
    %dma_start3A_97 = tpu.memref_slice %arg5[%dma_start3A_95, %dma_start3A_96] : memref<128x16xf32, #tpu.memory_space<vmem>> -> memref<48x16xf32, #tpu.memory_space<vmem>>
    %dma_start3A_98 = arith.constant 0 : i32
    %dma_start3A_99 = tpu.memref_slice %arg6[%add3A_94, %dma_start3A_98] : memref<10064x16xf32, #tpu.memory_space<vmem_shared>> -> memref<48x16xf32, #tpu.memory_space<vmem_shared>>
    %dma_start3A_100 = arith.constant 0 : i32
    %dma_start3A_101 = tpu.memref_slice %arg6[%add3A_94, %dma_start3A_100] : memref<10064x16xf32, #tpu.memory_space<vmem_shared>> -> memref<48x16xf32, #tpu.memory_space<vmem_shared>>
    %dma_start3A_102 = arith.constant 0 : i32
    %dma_start3A_103 = arith.constant 0 : i32
    %dma_start3A_104 = tpu.memref_slice %arg5[%dma_start3A_102, %dma_start3A_103] : memref<128x16xf32, #tpu.memory_space<vmem>> -> memref<48x16xf32, #tpu.memory_space<vmem>>
    tpu.enqueue_dma source(%dma_start3A_104 : memref<48x16xf32, #tpu.memory_space<vmem>>) target(%dma_start3A_101 : memref<48x16xf32, #tpu.memory_space<vmem_shared>>) target_semaphore(%arg7 : memref<!tpu.dma_semaphore, #tpu.memory_space<semaphore_mem>>)
    %mul3A_105 = arith.constant 624 : i32
    %mul3A_106 = arith.muli %arg1, %mul3A_105 : i32
    %add3A_107 = arith.constant 336 : i32
    %add3A_108 = arith.addi %mul3A_106, %add3A_107 : i32
    %dma_start3A_109 = arith.constant 0 : i32
    %dma_start3A_110 = arith.constant 0 : i32
    %dma_start3A_111 = tpu.memref_slice %arg5[%dma_start3A_109, %dma_start3A_110] : memref<128x16xf32, #tpu.memory_space<vmem>> -> memref<48x16xf32, #tpu.memory_space<vmem>>
    %dma_start3A_112 = arith.constant 0 : i32
    %dma_start3A_113 = tpu.memref_slice %arg6[%add3A_108, %dma_start3A_112] : memref<10064x16xf32, #tpu.memory_space<vmem_shared>> -> memref<48x16xf32, #tpu.memory_space<vmem_shared>>
    %dma_start3A_114 = arith.constant 0 : i32
    %dma_start3A_115 = tpu.memref_slice %arg6[%add3A_108, %dma_start3A_114] : memref<10064x16xf32, #tpu.memory_space<vmem_shared>> -> memref<48x16xf32, #tpu.memory_space<vmem_shared>>
    %dma_start3A_116 = arith.constant 0 : i32
    %dma_start3A_117 = arith.constant 0 : i32
    %dma_start3A_118 = tpu.memref_slice %arg5[%dma_start3A_116, %dma_start3A_117] : memref<128x16xf32, #tpu.memory_space<vmem>> -> memref<48x16xf32, #tpu.memory_space<vmem>>
    tpu.enqueue_dma source(%dma_start3A_118 : memref<48x16xf32, #tpu.memory_space<vmem>>) target(%dma_start3A_115 : memref<48x16xf32, #tpu.memory_space<vmem_shared>>) target_semaphore(%arg7 : memref<!tpu.dma_semaphore, #tpu.memory_space<semaphore_mem>>)
    %mul3A_119 = arith.constant 624 : i32
    %mul3A_120 = arith.muli %arg1, %mul3A_119 : i32
    %add3A_121 = arith.constant 384 : i32
    %add3A_122 = arith.addi %mul3A_120, %add3A_121 : i32
    %dma_start3A_123 = arith.constant 0 : i32
    %dma_start3A_124 = arith.constant 0 : i32
    %dma_start3A_125 = tpu.memref_slice %arg5[%dma_start3A_123, %dma_start3A_124] : memref<128x16xf32, #tpu.memory_space<vmem>> -> memref<48x16xf32, #tpu.memory_space<vmem>>
    %dma_start3A_126 = arith.constant 0 : i32
    %dma_start3A_127 = tpu.memref_slice %arg6[%add3A_122, %dma_start3A_126] : memref<10064x16xf32, #tpu.memory_space<vmem_shared>> -> memref<48x16xf32, #tpu.memory_space<vmem_shared>>
    %dma_start3A_128 = arith.constant 0 : i32
    %dma_start3A_129 = tpu.memref_slice %arg6[%add3A_122, %dma_start3A_128] : memref<10064x16xf32, #tpu.memory_space<vmem_shared>> -> memref<48x16xf32, #tpu.memory_space<vmem_shared>>
    %dma_start3A_130 = arith.constant 0 : i32
    %dma_start3A_131 = arith.constant 0 : i32
    %dma_start3A_132 = tpu.memref_slice %arg5[%dma_start3A_130, %dma_start3A_131] : memref<128x16xf32, #tpu.memory_space<vmem>> -> memref<48x16xf32, #tpu.memory_space<vmem>>
    tpu.enqueue_dma source(%dma_start3A_132 : memref<48x16xf32, #tpu.memory_space<vmem>>) target(%dma_start3A_129 : memref<48x16xf32, #tpu.memory_space<vmem_shared>>) target_semaphore(%arg7 : memref<!tpu.dma_semaphore, #tpu.memory_space<semaphore_mem>>)
    %mul3A_133 = arith.constant 624 : i32
    %mul3A_134 = arith.muli %arg1, %mul3A_133 : i32
    %add3A_135 = arith.constant 432 : i32
    %add3A_136 = arith.addi %mul3A_134, %add3A_135 : i32
    %dma_start3A_137 = arith.constant 0 : i32
    %dma_start3A_138 = arith.constant 0 : i32
    %dma_start3A_139 = tpu.memref_slice %arg5[%dma_start3A_137, %dma_start3A_138] : memref<128x16xf32, #tpu.memory_space<vmem>> -> memref<48x16xf32, #tpu.memory_space<vmem>>
    %dma_start3A_140 = arith.constant 0 : i32
    %dma_start3A_141 = tpu.memref_slice %arg6[%add3A_136, %dma_start3A_140] : memref<10064x16xf32, #tpu.memory_space<vmem_shared>> -> memref<48x16xf32, #tpu.memory_space<vmem_shared>>
    %dma_start3A_142 = arith.constant 0 : i32
    %dma_start3A_143 = tpu.memref_slice %arg6[%add3A_136, %dma_start3A_142] : memref<10064x16xf32, #tpu.memory_space<vmem_shared>> -> memref<48x16xf32, #tpu.memory_space<vmem_shared>>
    %dma_start3A_144 = arith.constant 0 : i32
    %dma_start3A_145 = arith.constant 0 : i32
    %dma_start3A_146 = tpu.memref_slice %arg5[%dma_start3A_144, %dma_start3A_145] : memref<128x16xf32, #tpu.memory_space<vmem>> -> memref<48x16xf32, #tpu.memory_space<vmem>>
    tpu.enqueue_dma source(%dma_start3A_146 : memref<48x16xf32, #tpu.memory_space<vmem>>) target(%dma_start3A_143 : memref<48x16xf32, #tpu.memory_space<vmem_shared>>) target_semaphore(%arg7 : memref<!tpu.dma_semaphore, #tpu.memory_space<semaphore_mem>>)
    %mul3A_147 = arith.constant 624 : i32
    %mul3A_148 = arith.muli %arg1, %mul3A_147 : i32
    %add3A_149 = arith.constant 480 : i32
    %add3A_150 = arith.addi %mul3A_148, %add3A_149 : i32
    %dma_start3A_151 = arith.constant 0 : i32
    %dma_start3A_152 = arith.constant 0 : i32
    %dma_start3A_153 = tpu.memref_slice %arg5[%dma_start3A_151, %dma_start3A_152] : memref<128x16xf32, #tpu.memory_space<vmem>> -> memref<48x16xf32, #tpu.memory_space<vmem>>
    %dma_start3A_154 = arith.constant 0 : i32
    %dma_start3A_155 = tpu.memref_slice %arg6[%add3A_150, %dma_start3A_154] : memref<10064x16xf32, #tpu.memory_space<vmem_shared>> -> memref<48x16xf32, #tpu.memory_space<vmem_shared>>
    %dma_start3A_156 = arith.constant 0 : i32
    %dma_start3A_157 = tpu.memref_slice %arg6[%add3A_150, %dma_start3A_156] : memref<10064x16xf32, #tpu.memory_space<vmem_shared>> -> memref<48x16xf32, #tpu.memory_space<vmem_shared>>
    %dma_start3A_158 = arith.constant 0 : i32
    %dma_start3A_159 = arith.constant 0 : i32
    %dma_start3A_160 = tpu.memref_slice %arg5[%dma_start3A_158, %dma_start3A_159] : memref<128x16xf32, #tpu.memory_space<vmem>> -> memref<48x16xf32, #tpu.memory_space<vmem>>
    tpu.enqueue_dma source(%dma_start3A_160 : memref<48x16xf32, #tpu.memory_space<vmem>>) target(%dma_start3A_157 : memref<48x16xf32, #tpu.memory_space<vmem_shared>>) target_semaphore(%arg7 : memref<!tpu.dma_semaphore, #tpu.memory_space<semaphore_mem>>)
    %mul3A_161 = arith.constant 624 : i32
    %mul3A_162 = arith.muli %arg1, %mul3A_161 : i32
    %add3A_163 = arith.constant 528 : i32
    %add3A_164 = arith.addi %mul3A_162, %add3A_163 : i32
    %dma_start3A_165 = arith.constant 0 : i32
    %dma_start3A_166 = arith.constant 0 : i32
    %dma_start3A_167 = tpu.memref_slice %arg5[%dma_start3A_165, %dma_start3A_166] : memref<128x16xf32, #tpu.memory_space<vmem>> -> memref<48x16xf32, #tpu.memory_space<vmem>>
    %dma_start3A_168 = arith.constant 0 : i32
    %dma_start3A_169 = tpu.memref_slice %arg6[%add3A_164, %dma_start3A_168] : memref<10064x16xf32, #tpu.memory_space<vmem_shared>> -> memref<48x16xf32, #tpu.memory_space<vmem_shared>>
    %dma_start3A_170 = arith.constant 0 : i32
    %dma_start3A_171 = tpu.memref_slice %arg6[%add3A_164, %dma_start3A_170] : memref<10064x16xf32, #tpu.memory_space<vmem_shared>> -> memref<48x16xf32, #tpu.memory_space<vmem_shared>>
    %dma_start3A_172 = arith.constant 0 : i32
    %dma_start3A_173 = arith.constant 0 : i32
    %dma_start3A_174 = tpu.memref_slice %arg5[%dma_start3A_172, %dma_start3A_173] : memref<128x16xf32, #tpu.memory_space<vmem>> -> memref<48x16xf32, #tpu.memory_space<vmem>>
    tpu.enqueue_dma source(%dma_start3A_174 : memref<48x16xf32, #tpu.memory_space<vmem>>) target(%dma_start3A_171 : memref<48x16xf32, #tpu.memory_space<vmem_shared>>) target_semaphore(%arg7 : memref<!tpu.dma_semaphore, #tpu.memory_space<semaphore_mem>>)
    %mul3A_175 = arith.constant 624 : i32
    %mul3A_176 = arith.muli %arg1, %mul3A_175 : i32
    %add3A_177 = arith.constant 576 : i32
    %add3A_178 = arith.addi %mul3A_176, %add3A_177 : i32
    %dma_start3A_179 = arith.constant 0 : i32
    %dma_start3A_180 = arith.constant 0 : i32
    %dma_start3A_181 = tpu.memref_slice %arg5[%dma_start3A_179, %dma_start3A_180] : memref<128x16xf32, #tpu.memory_space<vmem>> -> memref<48x16xf32, #tpu.memory_space<vmem>>
    %dma_start3A_182 = arith.constant 0 : i32
    %dma_start3A_183 = tpu.memref_slice %arg6[%add3A_178, %dma_start3A_182] : memref<10064x16xf32, #tpu.memory_space<vmem_shared>> -> memref<48x16xf32, #tpu.memory_space<vmem_shared>>
    %dma_start3A_184 = arith.constant 0 : i32
    %dma_start3A_185 = tpu.memref_slice %arg6[%add3A_178, %dma_start3A_184] : memref<10064x16xf32, #tpu.memory_space<vmem_shared>> -> memref<48x16xf32, #tpu.memory_space<vmem_shared>>
    %dma_start3A_186 = arith.constant 0 : i32
    %dma_start3A_187 = arith.constant 0 : i32
    %dma_start3A_188 = tpu.memref_slice %arg5[%dma_start3A_186, %dma_start3A_187] : memref<128x16xf32, #tpu.memory_space<vmem>> -> memref<48x16xf32, #tpu.memory_space<vmem>>
    tpu.enqueue_dma source(%dma_start3A_188 : memref<48x16xf32, #tpu.memory_space<vmem>>) target(%dma_start3A_185 : memref<48x16xf32, #tpu.memory_space<vmem_shared>>) target_semaphore(%arg7 : memref<!tpu.dma_semaphore, #tpu.memory_space<semaphore_mem>>)
    %mul3A_189 = arith.constant 624 : i32
    %mul3A_190 = arith.muli %arg1, %mul3A_189 : i32
    %add3A_191 = arith.constant 0 : i32
    %add3A_192 = arith.addi %mul3A_190, %add3A_191 : i32
    %dma_wait3A = arith.constant 0 : i32
    %dma_wait3A_193 = arith.constant 0 : i32
    %dma_wait3A_194 = tpu.memref_slice %arg5[%dma_wait3A, %dma_wait3A_193] : memref<128x16xf32, #tpu.memory_space<vmem>> -> memref<48x16xf32, #tpu.memory_space<vmem>>
    %dma_wait3A_195 = arith.constant 0 : i32
    %dma_wait3A_196 = tpu.memref_slice %arg6[%add3A_192, %dma_wait3A_195] : memref<10064x16xf32, #tpu.memory_space<vmem_shared>> -> memref<48x16xf32, #tpu.memory_space<vmem_shared>>
    %dma_wait3A_197 = arith.constant 0 : i32
    %dma_wait3A_198 = tpu.memref_slice %arg6[%add3A_192, %dma_wait3A_197] : memref<10064x16xf32, #tpu.memory_space<vmem_shared>> -> memref<48x16xf32, #tpu.memory_space<vmem_shared>>
    %dma_wait3A_199 = arith.constant 0 : i32
    %dma_wait3A_200 = arith.constant 0 : i32
    %dma_wait3A_201 = tpu.memref_slice %arg5[%dma_wait3A_199, %dma_wait3A_200] : memref<128x16xf32, #tpu.memory_space<vmem>> -> memref<48x16xf32, #tpu.memory_space<vmem>>
    tpu.wait_dma2 semaphore(%arg7 : memref<!tpu.dma_semaphore, #tpu.memory_space<semaphore_mem>>) src(%dma_wait3A_201 : memref<48x16xf32, #tpu.memory_space<vmem>>) dst(%dma_wait3A_198 : memref<48x16xf32, #tpu.memory_space<vmem_shared>>)
    %mul3A_202 = arith.constant 624 : i32
    %mul3A_203 = arith.muli %arg1, %mul3A_202 : i32
    %add3A_204 = arith.constant 48 : i32
    %add3A_205 = arith.addi %mul3A_203, %add3A_204 : i32
    %dma_wait3A_206 = arith.constant 0 : i32
    %dma_wait3A_207 = arith.constant 0 : i32
    %dma_wait3A_208 = tpu.memref_slice %arg5[%dma_wait3A_206, %dma_wait3A_207] : memref<128x16xf32, #tpu.memory_space<vmem>> -> memref<48x16xf32, #tpu.memory_space<vmem>>
    %dma_wait3A_209 = arith.constant 0 : i32
    %dma_wait3A_210 = tpu.memref_slice %arg6[%add3A_205, %dma_wait3A_209] : memref<10064x16xf32, #tpu.memory_space<vmem_shared>> -> memref<48x16xf32, #tpu.memory_space<vmem_shared>>
    %dma_wait3A_211 = arith.constant 0 : i32
    %dma_wait3A_212 = tpu.memref_slice %arg6[%add3A_205, %dma_wait3A_211] : memref<10064x16xf32, #tpu.memory_space<vmem_shared>> -> memref<48x16xf32, #tpu.memory_space<vmem_shared>>
    %dma_wait3A_213 = arith.constant 0 : i32
    %dma_wait3A_214 = arith.constant 0 : i32
    %dma_wait3A_215 = tpu.memref_slice %arg5[%dma_wait3A_213, %dma_wait3A_214] : memref<128x16xf32, #tpu.memory_space<vmem>> -> memref<48x16xf32, #tpu.memory_space<vmem>>
    tpu.wait_dma2 semaphore(%arg7 : memref<!tpu.dma_semaphore, #tpu.memory_space<semaphore_mem>>) src(%dma_wait3A_215 : memref<48x16xf32, #tpu.memory_space<vmem>>) dst(%dma_wait3A_212 : memref<48x16xf32, #tpu.memory_space<vmem_shared>>)
    %mul3A_216 = arith.constant 624 : i32
    %mul3A_217 = arith.muli %arg1, %mul3A_216 : i32
    %add3A_218 = arith.constant 96 : i32
    %add3A_219 = arith.addi %mul3A_217, %add3A_218 : i32
    %dma_wait3A_220 = arith.constant 0 : i32
    %dma_wait3A_221 = arith.constant 0 : i32
    %dma_wait3A_222 = tpu.memref_slice %arg5[%dma_wait3A_220, %dma_wait3A_221] : memref<128x16xf32, #tpu.memory_space<vmem>> -> memref<48x16xf32, #tpu.memory_space<vmem>>
    %dma_wait3A_223 = arith.constant 0 : i32
    %dma_wait3A_224 = tpu.memref_slice %arg6[%add3A_219, %dma_wait3A_223] : memref<10064x16xf32, #tpu.memory_space<vmem_shared>> -> memref<48x16xf32, #tpu.memory_space<vmem_shared>>
    %dma_wait3A_225 = arith.constant 0 : i32
    %dma_wait3A_226 = tpu.memref_slice %arg6[%add3A_219, %dma_wait3A_225] : memref<10064x16xf32, #tpu.memory_space<vmem_shared>> -> memref<48x16xf32, #tpu.memory_space<vmem_shared>>
    %dma_wait3A_227 = arith.constant 0 : i32
    %dma_wait3A_228 = arith.constant 0 : i32
    %dma_wait3A_229 = tpu.memref_slice %arg5[%dma_wait3A_227, %dma_wait3A_228] : memref<128x16xf32, #tpu.memory_space<vmem>> -> memref<48x16xf32, #tpu.memory_space<vmem>>
    tpu.wait_dma2 semaphore(%arg7 : memref<!tpu.dma_semaphore, #tpu.memory_space<semaphore_mem>>) src(%dma_wait3A_229 : memref<48x16xf32, #tpu.memory_space<vmem>>) dst(%dma_wait3A_226 : memref<48x16xf32, #tpu.memory_space<vmem_shared>>)
    %mul3A_230 = arith.constant 624 : i32
    %mul3A_231 = arith.muli %arg1, %mul3A_230 : i32
    %add3A_232 = arith.constant 144 : i32
    %add3A_233 = arith.addi %mul3A_231, %add3A_232 : i32
    %dma_wait3A_234 = arith.constant 0 : i32
    %dma_wait3A_235 = arith.constant 0 : i32
    %dma_wait3A_236 = tpu.memref_slice %arg5[%dma_wait3A_234, %dma_wait3A_235] : memref<128x16xf32, #tpu.memory_space<vmem>> -> memref<48x16xf32, #tpu.memory_space<vmem>>
    %dma_wait3A_237 = arith.constant 0 : i32
    %dma_wait3A_238 = tpu.memref_slice %arg6[%add3A_233, %dma_wait3A_237] : memref<10064x16xf32, #tpu.memory_space<vmem_shared>> -> memref<48x16xf32, #tpu.memory_space<vmem_shared>>
    %dma_wait3A_239 = arith.constant 0 : i32
    %dma_wait3A_240 = tpu.memref_slice %arg6[%add3A_233, %dma_wait3A_239] : memref<10064x16xf32, #tpu.memory_space<vmem_shared>> -> memref<48x16xf32, #tpu.memory_space<vmem_shared>>
    %dma_wait3A_241 = arith.constant 0 : i32
    %dma_wait3A_242 = arith.constant 0 : i32
    %dma_wait3A_243 = tpu.memref_slice %arg5[%dma_wait3A_241, %dma_wait3A_242] : memref<128x16xf32, #tpu.memory_space<vmem>> -> memref<48x16xf32, #tpu.memory_space<vmem>>
    tpu.wait_dma2 semaphore(%arg7 : memref<!tpu.dma_semaphore, #tpu.memory_space<semaphore_mem>>) src(%dma_wait3A_243 : memref<48x16xf32, #tpu.memory_space<vmem>>) dst(%dma_wait3A_240 : memref<48x16xf32, #tpu.memory_space<vmem_shared>>)
    %mul3A_244 = arith.constant 624 : i32
    %mul3A_245 = arith.muli %arg1, %mul3A_244 : i32
    %add3A_246 = arith.constant 192 : i32
    %add3A_247 = arith.addi %mul3A_245, %add3A_246 : i32
    %dma_wait3A_248 = arith.constant 0 : i32
    %dma_wait3A_249 = arith.constant 0 : i32
    %dma_wait3A_250 = tpu.memref_slice %arg5[%dma_wait3A_248, %dma_wait3A_249] : memref<128x16xf32, #tpu.memory_space<vmem>> -> memref<48x16xf32, #tpu.memory_space<vmem>>
    %dma_wait3A_251 = arith.constant 0 : i32
    %dma_wait3A_252 = tpu.memref_slice %arg6[%add3A_247, %dma_wait3A_251] : memref<10064x16xf32, #tpu.memory_space<vmem_shared>> -> memref<48x16xf32, #tpu.memory_space<vmem_shared>>
    %dma_wait3A_253 = arith.constant 0 : i32
    %dma_wait3A_254 = tpu.memref_slice %arg6[%add3A_247, %dma_wait3A_253] : memref<10064x16xf32, #tpu.memory_space<vmem_shared>> -> memref<48x16xf32, #tpu.memory_space<vmem_shared>>
    %dma_wait3A_255 = arith.constant 0 : i32
    %dma_wait3A_256 = arith.constant 0 : i32
    %dma_wait3A_257 = tpu.memref_slice %arg5[%dma_wait3A_255, %dma_wait3A_256] : memref<128x16xf32, #tpu.memory_space<vmem>> -> memref<48x16xf32, #tpu.memory_space<vmem>>
    tpu.wait_dma2 semaphore(%arg7 : memref<!tpu.dma_semaphore, #tpu.memory_space<semaphore_mem>>) src(%dma_wait3A_257 : memref<48x16xf32, #tpu.memory_space<vmem>>) dst(%dma_wait3A_254 : memref<48x16xf32, #tpu.memory_space<vmem_shared>>)
    %mul3A_258 = arith.constant 624 : i32
    %mul3A_259 = arith.muli %arg1, %mul3A_258 : i32
    %add3A_260 = arith.constant 240 : i32
    %add3A_261 = arith.addi %mul3A_259, %add3A_260 : i32
    %dma_wait3A_262 = arith.constant 0 : i32
    %dma_wait3A_263 = arith.constant 0 : i32
    %dma_wait3A_264 = tpu.memref_slice %arg5[%dma_wait3A_262, %dma_wait3A_263] : memref<128x16xf32, #tpu.memory_space<vmem>> -> memref<48x16xf32, #tpu.memory_space<vmem>>
    %dma_wait3A_265 = arith.constant 0 : i32
    %dma_wait3A_266 = tpu.memref_slice %arg6[%add3A_261, %dma_wait3A_265] : memref<10064x16xf32, #tpu.memory_space<vmem_shared>> -> memref<48x16xf32, #tpu.memory_space<vmem_shared>>
    %dma_wait3A_267 = arith.constant 0 : i32
    %dma_wait3A_268 = tpu.memref_slice %arg6[%add3A_261, %dma_wait3A_267] : memref<10064x16xf32, #tpu.memory_space<vmem_shared>> -> memref<48x16xf32, #tpu.memory_space<vmem_shared>>
    %dma_wait3A_269 = arith.constant 0 : i32
    %dma_wait3A_270 = arith.constant 0 : i32
    %dma_wait3A_271 = tpu.memref_slice %arg5[%dma_wait3A_269, %dma_wait3A_270] : memref<128x16xf32, #tpu.memory_space<vmem>> -> memref<48x16xf32, #tpu.memory_space<vmem>>
    tpu.wait_dma2 semaphore(%arg7 : memref<!tpu.dma_semaphore, #tpu.memory_space<semaphore_mem>>) src(%dma_wait3A_271 : memref<48x16xf32, #tpu.memory_space<vmem>>) dst(%dma_wait3A_268 : memref<48x16xf32, #tpu.memory_space<vmem_shared>>)
    %mul3A_272 = arith.constant 624 : i32
    %mul3A_273 = arith.muli %arg1, %mul3A_272 : i32
    %add3A_274 = arith.constant 288 : i32
    %add3A_275 = arith.addi %mul3A_273, %add3A_274 : i32
    %dma_wait3A_276 = arith.constant 0 : i32
    %dma_wait3A_277 = arith.constant 0 : i32
    %dma_wait3A_278 = tpu.memref_slice %arg5[%dma_wait3A_276, %dma_wait3A_277] : memref<128x16xf32, #tpu.memory_space<vmem>> -> memref<48x16xf32, #tpu.memory_space<vmem>>
    %dma_wait3A_279 = arith.constant 0 : i32
    %dma_wait3A_280 = tpu.memref_slice %arg6[%add3A_275, %dma_wait3A_279] : memref<10064x16xf32, #tpu.memory_space<vmem_shared>> -> memref<48x16xf32, #tpu.memory_space<vmem_shared>>
    %dma_wait3A_281 = arith.constant 0 : i32
    %dma_wait3A_282 = tpu.memref_slice %arg6[%add3A_275, %dma_wait3A_281] : memref<10064x16xf32, #tpu.memory_space<vmem_shared>> -> memref<48x16xf32, #tpu.memory_space<vmem_shared>>
    %dma_wait3A_283 = arith.constant 0 : i32
    %dma_wait3A_284 = arith.constant 0 : i32
    %dma_wait3A_285 = tpu.memref_slice %arg5[%dma_wait3A_283, %dma_wait3A_284] : memref<128x16xf32, #tpu.memory_space<vmem>> -> memref<48x16xf32, #tpu.memory_space<vmem>>
    tpu.wait_dma2 semaphore(%arg7 : memref<!tpu.dma_semaphore, #tpu.memory_space<semaphore_mem>>) src(%dma_wait3A_285 : memref<48x16xf32, #tpu.memory_space<vmem>>) dst(%dma_wait3A_282 : memref<48x16xf32, #tpu.memory_space<vmem_shared>>)
    %mul3A_286 = arith.constant 624 : i32
    %mul3A_287 = arith.muli %arg1, %mul3A_286 : i32
    %add3A_288 = arith.constant 336 : i32
    %add3A_289 = arith.addi %mul3A_287, %add3A_288 : i32
    %dma_wait3A_290 = arith.constant 0 : i32
    %dma_wait3A_291 = arith.constant 0 : i32
    %dma_wait3A_292 = tpu.memref_slice %arg5[%dma_wait3A_290, %dma_wait3A_291] : memref<128x16xf32, #tpu.memory_space<vmem>> -> memref<48x16xf32, #tpu.memory_space<vmem>>
    %dma_wait3A_293 = arith.constant 0 : i32
    %dma_wait3A_294 = tpu.memref_slice %arg6[%add3A_289, %dma_wait3A_293] : memref<10064x16xf32, #tpu.memory_space<vmem_shared>> -> memref<48x16xf32, #tpu.memory_space<vmem_shared>>
    %dma_wait3A_295 = arith.constant 0 : i32
    %dma_wait3A_296 = tpu.memref_slice %arg6[%add3A_289, %dma_wait3A_295] : memref<10064x16xf32, #tpu.memory_space<vmem_shared>> -> memref<48x16xf32, #tpu.memory_space<vmem_shared>>
    %dma_wait3A_297 = arith.constant 0 : i32
    %dma_wait3A_298 = arith.constant 0 : i32
    %dma_wait3A_299 = tpu.memref_slice %arg5[%dma_wait3A_297, %dma_wait3A_298] : memref<128x16xf32, #tpu.memory_space<vmem>> -> memref<48x16xf32, #tpu.memory_space<vmem>>
    tpu.wait_dma2 semaphore(%arg7 : memref<!tpu.dma_semaphore, #tpu.memory_space<semaphore_mem>>) src(%dma_wait3A_299 : memref<48x16xf32, #tpu.memory_space<vmem>>) dst(%dma_wait3A_296 : memref<48x16xf32, #tpu.memory_space<vmem_shared>>)
    %mul3A_300 = arith.constant 624 : i32
    %mul3A_301 = arith.muli %arg1, %mul3A_300 : i32
    %add3A_302 = arith.constant 384 : i32
    %add3A_303 = arith.addi %mul3A_301, %add3A_302 : i32
    %dma_wait3A_304 = arith.constant 0 : i32
    %dma_wait3A_305 = arith.constant 0 : i32
    %dma_wait3A_306 = tpu.memref_slice %arg5[%dma_wait3A_304, %dma_wait3A_305] : memref<128x16xf32, #tpu.memory_space<vmem>> -> memref<48x16xf32, #tpu.memory_space<vmem>>
    %dma_wait3A_307 = arith.constant 0 : i32
    %dma_wait3A_308 = tpu.memref_slice %arg6[%add3A_303, %dma_wait3A_307] : memref<10064x16xf32, #tpu.memory_space<vmem_shared>> -> memref<48x16xf32, #tpu.memory_space<vmem_shared>>
    %dma_wait3A_309 = arith.constant 0 : i32
    %dma_wait3A_310 = tpu.memref_slice %arg6[%add3A_303, %dma_wait3A_309] : memref<10064x16xf32, #tpu.memory_space<vmem_shared>> -> memref<48x16xf32, #tpu.memory_space<vmem_shared>>
    %dma_wait3A_311 = arith.constant 0 : i32
    %dma_wait3A_312 = arith.constant 0 : i32
    %dma_wait3A_313 = tpu.memref_slice %arg5[%dma_wait3A_311, %dma_wait3A_312] : memref<128x16xf32, #tpu.memory_space<vmem>> -> memref<48x16xf32, #tpu.memory_space<vmem>>
    tpu.wait_dma2 semaphore(%arg7 : memref<!tpu.dma_semaphore, #tpu.memory_space<semaphore_mem>>) src(%dma_wait3A_313 : memref<48x16xf32, #tpu.memory_space<vmem>>) dst(%dma_wait3A_310 : memref<48x16xf32, #tpu.memory_space<vmem_shared>>)
    %mul3A_314 = arith.constant 624 : i32
    %mul3A_315 = arith.muli %arg1, %mul3A_314 : i32
    %add3A_316 = arith.constant 432 : i32
    %add3A_317 = arith.addi %mul3A_315, %add3A_316 : i32
    %dma_wait3A_318 = arith.constant 0 : i32
    %dma_wait3A_319 = arith.constant 0 : i32
    %dma_wait3A_320 = tpu.memref_slice %arg5[%dma_wait3A_318, %dma_wait3A_319] : memref<128x16xf32, #tpu.memory_space<vmem>> -> memref<48x16xf32, #tpu.memory_space<vmem>>
    %dma_wait3A_321 = arith.constant 0 : i32
    %dma_wait3A_322 = tpu.memref_slice %arg6[%add3A_317, %dma_wait3A_321] : memref<10064x16xf32, #tpu.memory_space<vmem_shared>> -> memref<48x16xf32, #tpu.memory_space<vmem_shared>>
    %dma_wait3A_323 = arith.constant 0 : i32
    %dma_wait3A_324 = tpu.memref_slice %arg6[%add3A_317, %dma_wait3A_323] : memref<10064x16xf32, #tpu.memory_space<vmem_shared>> -> memref<48x16xf32, #tpu.memory_space<vmem_shared>>
    %dma_wait3A_325 = arith.constant 0 : i32
    %dma_wait3A_326 = arith.constant 0 : i32
    %dma_wait3A_327 = tpu.memref_slice %arg5[%dma_wait3A_325, %dma_wait3A_326] : memref<128x16xf32, #tpu.memory_space<vmem>> -> memref<48x16xf32, #tpu.memory_space<vmem>>
    tpu.wait_dma2 semaphore(%arg7 : memref<!tpu.dma_semaphore, #tpu.memory_space<semaphore_mem>>) src(%dma_wait3A_327 : memref<48x16xf32, #tpu.memory_space<vmem>>) dst(%dma_wait3A_324 : memref<48x16xf32, #tpu.memory_space<vmem_shared>>)
    %mul3A_328 = arith.constant 624 : i32
    %mul3A_329 = arith.muli %arg1, %mul3A_328 : i32
    %add3A_330 = arith.constant 480 : i32
    %add3A_331 = arith.addi %mul3A_329, %add3A_330 : i32
    %dma_wait3A_332 = arith.constant 0 : i32
    %dma_wait3A_333 = arith.constant 0 : i32
    %dma_wait3A_334 = tpu.memref_slice %arg5[%dma_wait3A_332, %dma_wait3A_333] : memref<128x16xf32, #tpu.memory_space<vmem>> -> memref<48x16xf32, #tpu.memory_space<vmem>>
    %dma_wait3A_335 = arith.constant 0 : i32
    %dma_wait3A_336 = tpu.memref_slice %arg6[%add3A_331, %dma_wait3A_335] : memref<10064x16xf32, #tpu.memory_space<vmem_shared>> -> memref<48x16xf32, #tpu.memory_space<vmem_shared>>
    %dma_wait3A_337 = arith.constant 0 : i32
    %dma_wait3A_338 = tpu.memref_slice %arg6[%add3A_331, %dma_wait3A_337] : memref<10064x16xf32, #tpu.memory_space<vmem_shared>> -> memref<48x16xf32, #tpu.memory_space<vmem_shared>>
    %dma_wait3A_339 = arith.constant 0 : i32
    %dma_wait3A_340 = arith.constant 0 : i32
    %dma_wait3A_341 = tpu.memref_slice %arg5[%dma_wait3A_339, %dma_wait3A_340] : memref<128x16xf32, #tpu.memory_space<vmem>> -> memref<48x16xf32, #tpu.memory_space<vmem>>
    tpu.wait_dma2 semaphore(%arg7 : memref<!tpu.dma_semaphore, #tpu.memory_space<semaphore_mem>>) src(%dma_wait3A_341 : memref<48x16xf32, #tpu.memory_space<vmem>>) dst(%dma_wait3A_338 : memref<48x16xf32, #tpu.memory_space<vmem_shared>>)
    %mul3A_342 = arith.constant 624 : i32
    %mul3A_343 = arith.muli %arg1, %mul3A_342 : i32
    %add3A_344 = arith.constant 528 : i32
    %add3A_345 = arith.addi %mul3A_343, %add3A_344 : i32
    %dma_wait3A_346 = arith.constant 0 : i32
    %dma_wait3A_347 = arith.constant 0 : i32
    %dma_wait3A_348 = tpu.memref_slice %arg5[%dma_wait3A_346, %dma_wait3A_347] : memref<128x16xf32, #tpu.memory_space<vmem>> -> memref<48x16xf32, #tpu.memory_space<vmem>>
    %dma_wait3A_349 = arith.constant 0 : i32
    %dma_wait3A_350 = tpu.memref_slice %arg6[%add3A_345, %dma_wait3A_349] : memref<10064x16xf32, #tpu.memory_space<vmem_shared>> -> memref<48x16xf32, #tpu.memory_space<vmem_shared>>
    %dma_wait3A_351 = arith.constant 0 : i32
    %dma_wait3A_352 = tpu.memref_slice %arg6[%add3A_345, %dma_wait3A_351] : memref<10064x16xf32, #tpu.memory_space<vmem_shared>> -> memref<48x16xf32, #tpu.memory_space<vmem_shared>>
    %dma_wait3A_353 = arith.constant 0 : i32
    %dma_wait3A_354 = arith.constant 0 : i32
    %dma_wait3A_355 = tpu.memref_slice %arg5[%dma_wait3A_353, %dma_wait3A_354] : memref<128x16xf32, #tpu.memory_space<vmem>> -> memref<48x16xf32, #tpu.memory_space<vmem>>
    tpu.wait_dma2 semaphore(%arg7 : memref<!tpu.dma_semaphore, #tpu.memory_space<semaphore_mem>>) src(%dma_wait3A_355 : memref<48x16xf32, #tpu.memory_space<vmem>>) dst(%dma_wait3A_352 : memref<48x16xf32, #tpu.memory_space<vmem_shared>>)
    %mul3A_356 = arith.constant 624 : i32
    %mul3A_357 = arith.muli %arg1, %mul3A_356 : i32
    %add3A_358 = arith.constant 576 : i32
    %add3A_359 = arith.addi %mul3A_357, %add3A_358 : i32
    %dma_wait3A_360 = arith.constant 0 : i32
    %dma_wait3A_361 = arith.constant 0 : i32
    %dma_wait3A_362 = tpu.memref_slice %arg5[%dma_wait3A_360, %dma_wait3A_361] : memref<128x16xf32, #tpu.memory_space<vmem>> -> memref<48x16xf32, #tpu.memory_space<vmem>>
    %dma_wait3A_363 = arith.constant 0 : i32
    %dma_wait3A_364 = tpu.memref_slice %arg6[%add3A_359, %dma_wait3A_363] : memref<10064x16xf32, #tpu.memory_space<vmem_shared>> -> memref<48x16xf32, #tpu.memory_space<vmem_shared>>
    %dma_wait3A_365 = arith.constant 0 : i32
    %dma_wait3A_366 = tpu.memref_slice %arg6[%add3A_359, %dma_wait3A_365] : memref<10064x16xf32, #tpu.memory_space<vmem_shared>> -> memref<48x16xf32, #tpu.memory_space<vmem_shared>>
    %dma_wait3A_367 = arith.constant 0 : i32
    %dma_wait3A_368 = arith.constant 0 : i32
    %dma_wait3A_369 = tpu.memref_slice %arg5[%dma_wait3A_367, %dma_wait3A_368] : memref<128x16xf32, #tpu.memory_space<vmem>> -> memref<48x16xf32, #tpu.memory_space<vmem>>
    tpu.wait_dma2 semaphore(%arg7 : memref<!tpu.dma_semaphore, #tpu.memory_space<semaphore_mem>>) src(%dma_wait3A_369 : memref<48x16xf32, #tpu.memory_space<vmem>>) dst(%dma_wait3A_366 : memref<48x16xf32, #tpu.memory_space<vmem_shared>>)
    %eq3A = arith.constant 0 : i32
    %eq3A_370 = arith.cmpi eq, %arg1, %eq3A : i32
    %convert_element_type3A = arith.extui %eq3A_370 : i1 to i32
    %cond3A = arith.constant 0 : i32
    %cond3A_371 = arith.cmpi ne, %convert_element_type3A, %cond3A : i32
    scf.if %cond3A_371 {
      "tpu.region"() ({
        %run_scoped3A = tpu.sem_alloc : memref<!tpu.dma_semaphore, #tpu.memory_space<semaphore_mem>>
        %dma_start3A_394 = arith.constant 0 : i32
        %dma_start3A_395 = arith.constant 0 : i32
        %dma_start3A_396 = tpu.memref_slice %arg5[%dma_start3A_394, %dma_start3A_395] : memref<128x16xf32, #tpu.memory_space<vmem>> -> memref<16x16xf32, #tpu.memory_space<vmem>>
        %dma_start3A_397 = arith.constant 9984 : i32
        %dma_start3A_398 = arith.constant 0 : i32
        %dma_start3A_399 = tpu.memref_slice %arg6[%dma_start3A_397, %dma_start3A_398] : memref<10064x16xf32, #tpu.memory_space<vmem_shared>> -> memref<16x16xf32, #tpu.memory_space<vmem_shared>>
        %dma_start3A_400 = arith.constant 9984 : i32
        %dma_start3A_401 = arith.constant 0 : i32
        %dma_start3A_402 = tpu.memref_slice %arg6[%dma_start3A_400, %dma_start3A_401] : memref<10064x16xf32, #tpu.memory_space<vmem_shared>> -> memref<16x16xf32, #tpu.memory_space<vmem_shared>>
        %dma_start3A_403 = arith.constant 0 : i32
        %dma_start3A_404 = arith.constant 0 : i32
        %dma_start3A_405 = tpu.memref_slice %arg5[%dma_start3A_403, %dma_start3A_404] : memref<128x16xf32, #tpu.memory_space<vmem>> -> memref<16x16xf32, #tpu.memory_space<vmem>>
        tpu.enqueue_dma source(%dma_start3A_405 : memref<16x16xf32, #tpu.memory_space<vmem>>) target(%dma_start3A_402 : memref<16x16xf32, #tpu.memory_space<vmem_shared>>) target_semaphore(%run_scoped3A : memref<!tpu.dma_semaphore, #tpu.memory_space<semaphore_mem>>)
        %dma_wait3A_406 = arith.constant 0 : i32
        %dma_wait3A_407 = arith.constant 0 : i32
        %dma_wait3A_408 = tpu.memref_slice %arg5[%dma_wait3A_406, %dma_wait3A_407] : memref<128x16xf32, #tpu.memory_space<vmem>> -> memref<16x16xf32, #tpu.memory_space<vmem>>
        %dma_wait3A_409 = arith.constant 9984 : i32
        %dma_wait3A_410 = arith.constant 0 : i32
        %dma_wait3A_411 = tpu.memref_slice %arg6[%dma_wait3A_409, %dma_wait3A_410] : memref<10064x16xf32, #tpu.memory_space<vmem_shared>> -> memref<16x16xf32, #tpu.memory_space<vmem_shared>>
        %dma_wait3A_412 = arith.constant 9984 : i32
        %dma_wait3A_413 = arith.constant 0 : i32
        %dma_wait3A_414 = tpu.memref_slice %arg6[%dma_wait3A_412, %dma_wait3A_413] : memref<10064x16xf32, #tpu.memory_space<vmem_shared>> -> memref<16x16xf32, #tpu.memory_space<vmem_shared>>
        %dma_wait3A_415 = arith.constant 0 : i32
        %dma_wait3A_416 = arith.constant 0 : i32
        %dma_wait3A_417 = tpu.memref_slice %arg5[%dma_wait3A_415, %dma_wait3A_416] : memref<128x16xf32, #tpu.memory_space<vmem>> -> memref<16x16xf32, #tpu.memory_space<vmem>>
        tpu.wait_dma2 semaphore(%run_scoped3A : memref<!tpu.dma_semaphore, #tpu.memory_space<semaphore_mem>>) src(%dma_wait3A_417 : memref<16x16xf32, #tpu.memory_space<vmem>>) dst(%dma_wait3A_414 : memref<16x16xf32, #tpu.memory_space<vmem_shared>>)
        tpu.yield
      }) : () -> ()
    } else {
    }
    %broadcast_in_dim3A_372 = arith.constant 1.000000e+00 : f32
    %broadcast_in_dim3A_373 = vector.broadcast %broadcast_in_dim3A_372 : f32 to vector<16xf32>
    %scan3A_374 = arith.constant 0 : i32
    %scan3A_375 = arith.constant 128 : i32
    %scan3A_376 = arith.addi %scan3A_374, %scan3A_375 : i32
    %scan3A_377 = arith.constant 1 : i32
    scf.for %scan3A_394 = %scan3A_374 to %scan3A_376 step %scan3A_377  : i32 {
      %swap3A = arith.index_cast %scan3A_394 : i32 to index
      %swap3A_395 = arith.constant 0 : index
      %swap3A_396 = tpu.vector_load %arg5[%swap3A, %swap3A_395] {strides = array<i32>} : memref<128x16xf32, #tpu.memory_space<vmem>>, vector<1x16xf32>,
      %swap3A_397 = vector.shape_cast %swap3A_396 : vector<1x16xf32> to vector<16xf32>
      %swap3A_398 = vector.shape_cast %broadcast_in_dim3A_373 : vector<16xf32> to vector<1x16xf32>
      tpu.vector_store %arg5[%swap3A, %swap3A_395], %swap3A_398 {strides = array<i32>} : memref<128x16xf32, #tpu.memory_space<vmem>>, vector<1x16xf32>,
    }
    %scan3A_378 = arith.constant 128 : i32
    %barrier3A = arith.constant 0 : index
    tpu.barrier barrier_id(%barrier3A)
    %scan3A_379 = arith.constant 0 : i32
    %scan3A_380 = arith.constant 5 : i32
    %scan3A_381 = arith.addi %scan3A_379, %scan3A_380 : i32
    %scan3A_382 = arith.constant 1 : i32
    scf.for %scan3A_394 = %scan3A_379 to %scan3A_381 step %scan3A_382  : i32 {
      %scan3A_395 = arith.constant 0 : i32
      %scan3A_396 = arith.constant 8 : i32
      %scan3A_397 = arith.addi %scan3A_395, %scan3A_396 : i32
      %scan3A_398 = arith.constant 1 : i32
      scf.for %scan3A_405 = %scan3A_395 to %scan3A_397 step %scan3A_398  : i32 {
        %mul3A_406 = arith.constant 8 : i32
        %mul3A_407 = arith.muli %scan3A_394, %mul3A_406 : i32
        %add3A_408 = arith.addi %mul3A_407, %scan3A_405 : i32
        %dma_start3A_409 = arith.constant 0 : i32
        %dma_start3A_410 = tpu.memref_slice %arg4[%add3A_408, %dma_start3A_409] : memref<40x128xi32, #tpu.memory_space<vmem>> -> memref<1x128xi32, #tpu.memory_space<vmem>>
        %dma_start3A_411 = tpu.memref_squeeze %dma_start3A_410 : memref<1x128xi32, #tpu.memory_space<vmem>> -> memref<128xi32, #tpu.memory_space<vmem>>
        %dma_start3A_412 = arith.constant 0 : i32
        %dma_start3A_413 = arith.constant 0 : i32
        %dma_start3A_414 = tpu.memref_slice %arg6[%dma_start3A_412, %dma_start3A_413] : memref<10064x16xf32, #tpu.memory_space<vmem_shared>> -> memref<10064x16xf32, #tpu.memory_space<vmem_shared>>
        tpu.enqueue_indirect_dma source(%arg5 : memref<128x16xf32, #tpu.memory_space<vmem>>) target(%dma_start3A_414 : memref<10064x16xf32, #tpu.memory_space<vmem_shared>>) offsets(%dma_start3A_411 : memref<128xi32, #tpu.memory_space<vmem>>) semaphore(%arg7 : memref<!tpu.dma_semaphore, #tpu.memory_space<semaphore_mem>>) {add = true}
      }
      %scan3A_399 = arith.constant 8 : i32
      %scan3A_400 = arith.constant 0 : i32
      %scan3A_401 = arith.constant 8 : i32
      %scan3A_402 = arith.addi %scan3A_400, %scan3A_401 : i32
      %scan3A_403 = arith.constant 1 : i32
      scf.for %scan3A_405 = %scan3A_400 to %scan3A_402 step %scan3A_403  : i32 {
        %mul3A_406 = arith.constant 8 : i32
        %mul3A_407 = arith.muli %scan3A_394, %mul3A_406 : i32
        %add3A_408 = arith.addi %mul3A_407, %scan3A_405 : i32
        %dma_wait3A_409 = arith.constant 0 : i32
        %dma_wait3A_410 = tpu.memref_slice %arg4[%add3A_408, %dma_wait3A_409] : memref<40x128xi32, #tpu.memory_space<vmem>> -> memref<1x128xi32, #tpu.memory_space<vmem>>
        %dma_wait3A_411 = tpu.memref_squeeze %dma_wait3A_410 : memref<1x128xi32, #tpu.memory_space<vmem>> -> memref<128xi32, #tpu.memory_space<vmem>>
        %dma_wait3A_412 = arith.constant 0 : i32
        %dma_wait3A_413 = arith.constant 0 : i32
        %dma_wait3A_414 = tpu.memref_slice %arg6[%dma_wait3A_412, %dma_wait3A_413] : memref<10064x16xf32, #tpu.memory_space<vmem_shared>> -> memref<10064x16xf32, #tpu.memory_space<vmem_shared>>
        tpu.wait_indirect_dma semaphore(%arg7 : memref<!tpu.dma_semaphore, #tpu.memory_space<semaphore_mem>>) src(%arg5 : memref<128x16xf32, #tpu.memory_space<vmem>>) dst(%dma_wait3A_414 : memref<10064x16xf32, #tpu.memory_space<vmem_shared>>)
      }
      %scan3A_404 = arith.constant 8 : i32
    }
    %scan3A_383 = arith.constant 5 : i32
    %barrier3A_384 = arith.constant 0 : index
    tpu.barrier barrier_id(%barrier3A_384)
    %mul3A_385 = arith.constant 624 : i32
    %mul3A_386 = arith.muli %arg1, %mul3A_385 : i32
    %mul3A_387 = arith.constant 624 : i32
    %mul3A_388 = arith.muli %arg1, %mul3A_387 : i32
    "tpu.region"() ({
      %run_scoped3A = tpu.sem_alloc : memref<!tpu.dma_semaphore, #tpu.memory_space<semaphore_mem>>
      %dma_start3A_394 = arith.constant 0 : i32
      %dma_start3A_395 = tpu.memref_slice %arg3[%arg0, %mul3A_388, %dma_start3A_394] : memref<2x10000x16xf32, #tpu.memory_space<hbm>> -> memref<1x624x16xf32, #tpu.memory_space<hbm>>
      %dma_start3A_396 = tpu.memref_squeeze %dma_start3A_395 : memref<1x624x16xf32, #tpu.memory_space<hbm>> -> memref<624x16xf32, #tpu.memory_space<hbm>>
      %dma_start3A_397 = arith.constant 0 : i32
      %dma_start3A_398 = tpu.memref_slice %arg6[%mul3A_386, %dma_start3A_397] : memref<10064x16xf32, #tpu.memory_space<vmem_shared>> -> memref<624x16xf32, #tpu.memory_space<vmem_shared>>
      tpu.enqueue_dma source(%dma_start3A_398 : memref<624x16xf32, #tpu.memory_space<vmem_shared>>) target(%dma_start3A_396 : memref<624x16xf32, #tpu.memory_space<hbm>>) target_semaphore(%run_scoped3A : memref<!tpu.dma_semaphore, #tpu.memory_space<semaphore_mem>>)
      %dma_wait3A_399 = arith.constant 0 : i32
      %dma_wait3A_400 = tpu.memref_slice %arg3[%arg0, %mul3A_388, %dma_wait3A_399] : memref<2x10000x16xf32, #tpu.memory_space<hbm>> -> memref<1x624x16xf32, #tpu.memory_space<hbm>>
      %dma_wait3A_401 = tpu.memref_squeeze %dma_wait3A_400 : memref<1x624x16xf32, #tpu.memory_space<hbm>> -> memref<624x16xf32, #tpu.memory_space<hbm>>
      %dma_wait3A_402 = arith.constant 0 : i32
      %dma_wait3A_403 = tpu.memref_slice %arg6[%mul3A_386, %dma_wait3A_402] : memref<10064x16xf32, #tpu.memory_space<vmem_shared>> -> memref<624x16xf32, #tpu.memory_space<vmem_shared>>
      tpu.wait_dma2 semaphore(%run_scoped3A : memref<!tpu.dma_semaphore, #tpu.memory_space<semaphore_mem>>) src(%dma_wait3A_403 : memref<624x16xf32, #tpu.memory_space<vmem_shared>>) dst(%dma_wait3A_401 : memref<624x16xf32, #tpu.memory_space<hbm>>)
      tpu.yield
    }) : () -> ()
    %eq3A_389 = arith.constant 0 : i32
    %eq3A_390 = arith.cmpi eq, %arg1, %eq3A_389 : i32
    %convert_element_type3A_391 = arith.extui %eq3A_390 : i1 to i32
    %cond3A_392 = arith.constant 0 : i32
    %cond3A_393 = arith.cmpi ne, %convert_element_type3A_391, %cond3A_392 : i32
    scf.if %cond3A_393 {
      "tpu.region"() ({
        %run_scoped3A = tpu.sem_alloc : memref<!tpu.dma_semaphore, #tpu.memory_space<semaphore_mem>>
        %dma_start3A_394 = arith.constant 9984 : i32
        %dma_start3A_395 = arith.constant 0 : i32
        %dma_start3A_396 = tpu.memref_slice %arg3[%arg0, %dma_start3A_394, %dma_start3A_395] : memref<2x10000x16xf32, #tpu.memory_space<hbm>> -> memref<1x16x16xf32, #tpu.memory_space<hbm>>
        %dma_start3A_397 = tpu.memref_squeeze %dma_start3A_396 : memref<1x16x16xf32, #tpu.memory_space<hbm>> -> memref<16x16xf32, #tpu.memory_space<hbm>>
        %dma_start3A_398 = arith.constant 9984 : i32
        %dma_start3A_399 = arith.constant 0 : i32
        %dma_start3A_400 = tpu.memref_slice %arg6[%dma_start3A_398, %dma_start3A_399] : memref<10064x16xf32, #tpu.memory_space<vmem_shared>> -> memref<16x16xf32, #tpu.memory_space<vmem_shared>>
        tpu.enqueue_dma source(%dma_start3A_400 : memref<16x16xf32, #tpu.memory_space<vmem_shared>>) target(%dma_start3A_397 : memref<16x16xf32, #tpu.memory_space<hbm>>) target_semaphore(%run_scoped3A : memref<!tpu.dma_semaphore, #tpu.memory_space<semaphore_mem>>)
        %dma_wait3A_401 = arith.constant 9984 : i32
        %dma_wait3A_402 = arith.constant 0 : i32
        %dma_wait3A_403 = tpu.memref_slice %arg3[%arg0, %dma_wait3A_401, %dma_wait3A_402] : memref<2x10000x16xf32, #tpu.memory_space<hbm>> -> memref<1x16x16xf32, #tpu.memory_space<hbm>>
        %dma_wait3A_404 = tpu.memref_squeeze %dma_wait3A_403 : memref<1x16x16xf32, #tpu.memory_space<hbm>> -> memref<16x16xf32, #tpu.memory_space<hbm>>
        %dma_wait3A_405 = arith.constant 9984 : i32
        %dma_wait3A_406 = arith.constant 0 : i32
        %dma_wait3A_407 = tpu.memref_slice %arg6[%dma_wait3A_405, %dma_wait3A_406] : memref<10064x16xf32, #tpu.memory_space<vmem_shared>> -> memref<16x16xf32, #tpu.memory_space<vmem_shared>>
        tpu.wait_dma2 semaphore(%run_scoped3A : memref<!tpu.dma_semaphore, #tpu.memory_space<semaphore_mem>>) src(%dma_wait3A_407 : memref<16x16xf32, #tpu.memory_space<vmem_shared>>) dst(%dma_wait3A_404 : memref<16x16xf32, #tpu.memory_space<hbm>>)
        tpu.yield
      }) : () -> ()
    } else {
    }
    return
  }
}

#map = affine_map<(d0, d1) -> (0, 0)>
#map1 = affine_map<(d0, d1) -> (0, 0, 0)>
module attributes {stable_mosaic.version = 14 : i64} {
  func.func @prop_kernel(%arg0: i32, %arg1: i32, %arg2: memref<10000x128xf32, #tpu.memory_space<hbm>>, %arg3: memref<2560x64xi32, #tpu.memory_space<hbm>>, %arg4: memref<2560x64xi32, #tpu.memory_space<hbm>>, %arg5: memref<2x10000x128xf32, #tpu.memory_space<hbm>>, %arg6: memref<80x64xi32, #tpu.memory_space<vmem>>, %arg7: memref<80x64xi32, #tpu.memory_space<vmem>>, %arg8: memref<64x128xf32, #tpu.memory_space<vmem>>, %arg9: memref<64x128xf32, #tpu.memory_space<vmem>>, %arg10: memref<64x128xf32, #tpu.memory_space<vmem>>, %arg11: memref<64x128xf32, #tpu.memory_space<vmem>>, %arg12: memref<!tpu.dma_semaphore, #tpu.memory_space<semaphore_mem>>, %arg13: memref<!tpu.dma_semaphore, #tpu.memory_space<semaphore_mem>>, %arg14: memref<!tpu.dma_semaphore, #tpu.memory_space<semaphore_mem>>, %arg15: memref<!tpu.dma_semaphore, #tpu.memory_space<semaphore_mem>>, %arg16: memref<!tpu.dma_semaphore, #tpu.memory_space<semaphore_mem>>, %arg17: memref<!tpu.dma_semaphore, #tpu.memory_space<semaphore_mem>>, %arg18: memref<!tpu.dma_semaphore, #tpu.memory_space<semaphore_mem>>, %arg19: memref<!tpu.dma_semaphore, #tpu.memory_space<semaphore_mem>>, %arg20: memref<10064x128xf32, #tpu.memory_space<vmem_shared>>, %arg21: memref<!tpu.dma_semaphore, #tpu.memory_space<semaphore_mem>>) attributes {dimension_semantics = [#tpu.dimension_semantics<core_parallel>, #tpu.dimension_semantics<subcore_parallel>], iteration_bounds = array<i64: 2, 16>, scalar_prefetch = 0 : i64, scratch_operands = 16 : i64, tpu.core_type = #tpu.core_type<sc_vector_subcore>, window_params = [{transform_indices = #map}, {transform_indices = #map}, {transform_indices = #map}, {transform_indices = #map1}]} {
    %mul3A = arith.constant 2 : i32
    %mul3A_0 = arith.muli %arg1, %mul3A : i32
    %add3A = arith.addi %mul3A_0, %arg0 : i32
    %mul3A_1 = arith.constant 80 : i32
    %mul3A_2 = arith.muli %add3A, %mul3A_1 : i32
    %dma_start3A = arith.constant 0 : i32
    %dma_start3A_3 = tpu.memref_slice %arg3[%mul3A_2, %dma_start3A] : memref<2560x64xi32, #tpu.memory_space<hbm>> -> memref<80x64xi32, #tpu.memory_space<hbm>>
    %dma_start3A_4 = arith.constant 0 : i32
    %dma_start3A_5 = tpu.memref_slice %arg3[%mul3A_2, %dma_start3A_4] : memref<2560x64xi32, #tpu.memory_space<hbm>> -> memref<80x64xi32, #tpu.memory_space<hbm>>
    tpu.enqueue_dma source(%dma_start3A_5 : memref<80x64xi32, #tpu.memory_space<hbm>>) target(%arg6 : memref<80x64xi32, #tpu.memory_space<vmem>>) target_semaphore(%arg21 : memref<!tpu.dma_semaphore, #tpu.memory_space<semaphore_mem>>)
    %mul3A_6 = arith.constant 80 : i32
    %mul3A_7 = arith.muli %add3A, %mul3A_6 : i32
    "tpu.region"() ({
      %run_scoped3A = tpu.sem_alloc : memref<!tpu.dma_semaphore, #tpu.memory_space<semaphore_mem>>
      %dma_start3A_427 = arith.constant 0 : i32
      %dma_start3A_428 = tpu.memref_slice %arg4[%mul3A_7, %dma_start3A_427] : memref<2560x64xi32, #tpu.memory_space<hbm>> -> memref<80x64xi32, #tpu.memory_space<hbm>>
      %dma_start3A_429 = arith.constant 0 : i32
      %dma_start3A_430 = tpu.memref_slice %arg4[%mul3A_7, %dma_start3A_429] : memref<2560x64xi32, #tpu.memory_space<hbm>> -> memref<80x64xi32, #tpu.memory_space<hbm>>
      tpu.enqueue_dma source(%dma_start3A_430 : memref<80x64xi32, #tpu.memory_space<hbm>>) target(%arg7 : memref<80x64xi32, #tpu.memory_space<vmem>>) target_semaphore(%run_scoped3A : memref<!tpu.dma_semaphore, #tpu.memory_space<semaphore_mem>>)
      %dma_wait3A_431 = arith.constant 0 : i32
      %dma_wait3A_432 = tpu.memref_slice %arg4[%mul3A_7, %dma_wait3A_431] : memref<2560x64xi32, #tpu.memory_space<hbm>> -> memref<80x64xi32, #tpu.memory_space<hbm>>
      %dma_wait3A_433 = arith.constant 0 : i32
      %dma_wait3A_434 = tpu.memref_slice %arg4[%mul3A_7, %dma_wait3A_433] : memref<2560x64xi32, #tpu.memory_space<hbm>> -> memref<80x64xi32, #tpu.memory_space<hbm>>
      tpu.wait_dma2 semaphore(%run_scoped3A : memref<!tpu.dma_semaphore, #tpu.memory_space<semaphore_mem>>) src(%dma_wait3A_434 : memref<80x64xi32, #tpu.memory_space<hbm>>) dst(%arg7 : memref<80x64xi32, #tpu.memory_space<vmem>>)
      tpu.yield
    }) : () -> ()
    %mul3A_8 = arith.constant 80 : i32
    %mul3A_9 = arith.muli %add3A, %mul3A_8 : i32
    %dma_wait3A = arith.constant 0 : i32
    %dma_wait3A_10 = tpu.memref_slice %arg3[%mul3A_9, %dma_wait3A] : memref<2560x64xi32, #tpu.memory_space<hbm>> -> memref<80x64xi32, #tpu.memory_space<hbm>>
    %dma_wait3A_11 = arith.constant 0 : i32
    %dma_wait3A_12 = tpu.memref_slice %arg3[%mul3A_9, %dma_wait3A_11] : memref<2560x64xi32, #tpu.memory_space<hbm>> -> memref<80x64xi32, #tpu.memory_space<hbm>>
    tpu.wait_dma2 semaphore(%arg21 : memref<!tpu.dma_semaphore, #tpu.memory_space<semaphore_mem>>) src(%dma_wait3A_12 : memref<80x64xi32, #tpu.memory_space<hbm>>) dst(%arg6 : memref<80x64xi32, #tpu.memory_space<vmem>>)
    %broadcast_in_dim3A = arith.constant 0.000000e+00 : f32
    %broadcast_in_dim3A_13 = vector.broadcast %broadcast_in_dim3A : f32 to vector<16xf32>
    %scan3A = arith.constant 0 : i32
    %scan3A_14 = arith.constant 48 : i32
    %scan3A_15 = arith.addi %scan3A, %scan3A_14 : i32
    %scan3A_16 = arith.constant 1 : i32
    scf.for %scan3A_427 = %scan3A to %scan3A_15 step %scan3A_16  : i32 {
      %swap3A = arith.index_cast %scan3A_427 : i32 to index
      %swap3A_428 = arith.constant 0 : index
      %swap3A_429 = tpu.vector_load %arg8[%swap3A, %swap3A_428] {strides = array<i32>} : memref<64x128xf32, #tpu.memory_space<vmem>>, vector<1x16xf32>,
      %swap3A_430 = vector.shape_cast %swap3A_429 : vector<1x16xf32> to vector<16xf32>
      %swap3A_431 = vector.shape_cast %broadcast_in_dim3A_13 : vector<16xf32> to vector<1x16xf32>
      tpu.vector_store %arg8[%swap3A, %swap3A_428], %swap3A_431 {strides = array<i32>} : memref<64x128xf32, #tpu.memory_space<vmem>>, vector<1x16xf32>,
      %swap3A_432 = arith.index_cast %scan3A_427 : i32 to index
      %swap3A_433 = arith.constant 16 : index
      %swap3A_434 = tpu.vector_load %arg8[%swap3A_432, %swap3A_433] {strides = array<i32>} : memref<64x128xf32, #tpu.memory_space<vmem>>, vector<1x16xf32>,
      %swap3A_435 = vector.shape_cast %swap3A_434 : vector<1x16xf32> to vector<16xf32>
      %swap3A_436 = vector.shape_cast %broadcast_in_dim3A_13 : vector<16xf32> to vector<1x16xf32>
      tpu.vector_store %arg8[%swap3A_432, %swap3A_433], %swap3A_436 {strides = array<i32>} : memref<64x128xf32, #tpu.memory_space<vmem>>, vector<1x16xf32>,
      %swap3A_437 = arith.index_cast %scan3A_427 : i32 to index
      %swap3A_438 = arith.constant 32 : index
      %swap3A_439 = tpu.vector_load %arg8[%swap3A_437, %swap3A_438] {strides = array<i32>} : memref<64x128xf32, #tpu.memory_space<vmem>>, vector<1x16xf32>,
      %swap3A_440 = vector.shape_cast %swap3A_439 : vector<1x16xf32> to vector<16xf32>
      %swap3A_441 = vector.shape_cast %broadcast_in_dim3A_13 : vector<16xf32> to vector<1x16xf32>
      tpu.vector_store %arg8[%swap3A_437, %swap3A_438], %swap3A_441 {strides = array<i32>} : memref<64x128xf32, #tpu.memory_space<vmem>>, vector<1x16xf32>,
      %swap3A_442 = arith.index_cast %scan3A_427 : i32 to index
      %swap3A_443 = arith.constant 48 : index
      %swap3A_444 = tpu.vector_load %arg8[%swap3A_442, %swap3A_443] {strides = array<i32>} : memref<64x128xf32, #tpu.memory_space<vmem>>, vector<1x16xf32>,
      %swap3A_445 = vector.shape_cast %swap3A_444 : vector<1x16xf32> to vector<16xf32>
      %swap3A_446 = vector.shape_cast %broadcast_in_dim3A_13 : vector<16xf32> to vector<1x16xf32>
      tpu.vector_store %arg8[%swap3A_442, %swap3A_443], %swap3A_446 {strides = array<i32>} : memref<64x128xf32, #tpu.memory_space<vmem>>, vector<1x16xf32>,
      %swap3A_447 = arith.index_cast %scan3A_427 : i32 to index
      %swap3A_448 = arith.constant 64 : index
      %swap3A_449 = tpu.vector_load %arg8[%swap3A_447, %swap3A_448] {strides = array<i32>} : memref<64x128xf32, #tpu.memory_space<vmem>>, vector<1x16xf32>,
      %swap3A_450 = vector.shape_cast %swap3A_449 : vector<1x16xf32> to vector<16xf32>
      %swap3A_451 = vector.shape_cast %broadcast_in_dim3A_13 : vector<16xf32> to vector<1x16xf32>
      tpu.vector_store %arg8[%swap3A_447, %swap3A_448], %swap3A_451 {strides = array<i32>} : memref<64x128xf32, #tpu.memory_space<vmem>>, vector<1x16xf32>,
      %swap3A_452 = arith.index_cast %scan3A_427 : i32 to index
      %swap3A_453 = arith.constant 80 : index
      %swap3A_454 = tpu.vector_load %arg8[%swap3A_452, %swap3A_453] {strides = array<i32>} : memref<64x128xf32, #tpu.memory_space<vmem>>, vector<1x16xf32>,
      %swap3A_455 = vector.shape_cast %swap3A_454 : vector<1x16xf32> to vector<16xf32>
      %swap3A_456 = vector.shape_cast %broadcast_in_dim3A_13 : vector<16xf32> to vector<1x16xf32>
      tpu.vector_store %arg8[%swap3A_452, %swap3A_453], %swap3A_456 {strides = array<i32>} : memref<64x128xf32, #tpu.memory_space<vmem>>, vector<1x16xf32>,
      %swap3A_457 = arith.index_cast %scan3A_427 : i32 to index
      %swap3A_458 = arith.constant 96 : index
      %swap3A_459 = tpu.vector_load %arg8[%swap3A_457, %swap3A_458] {strides = array<i32>} : memref<64x128xf32, #tpu.memory_space<vmem>>, vector<1x16xf32>,
      %swap3A_460 = vector.shape_cast %swap3A_459 : vector<1x16xf32> to vector<16xf32>
      %swap3A_461 = vector.shape_cast %broadcast_in_dim3A_13 : vector<16xf32> to vector<1x16xf32>
      tpu.vector_store %arg8[%swap3A_457, %swap3A_458], %swap3A_461 {strides = array<i32>} : memref<64x128xf32, #tpu.memory_space<vmem>>, vector<1x16xf32>,
      %swap3A_462 = arith.index_cast %scan3A_427 : i32 to index
      %swap3A_463 = arith.constant 112 : index
      %swap3A_464 = tpu.vector_load %arg8[%swap3A_462, %swap3A_463] {strides = array<i32>} : memref<64x128xf32, #tpu.memory_space<vmem>>, vector<1x16xf32>,
      %swap3A_465 = vector.shape_cast %swap3A_464 : vector<1x16xf32> to vector<16xf32>
      %swap3A_466 = vector.shape_cast %broadcast_in_dim3A_13 : vector<16xf32> to vector<1x16xf32>
      tpu.vector_store %arg8[%swap3A_462, %swap3A_463], %swap3A_466 {strides = array<i32>} : memref<64x128xf32, #tpu.memory_space<vmem>>, vector<1x16xf32>,
    }
    %scan3A_17 = arith.constant 48 : i32
    %mul3A_18 = arith.constant 624 : i32
    %mul3A_19 = arith.muli %arg1, %mul3A_18 : i32
    %add3A_20 = arith.constant 0 : i32
    %add3A_21 = arith.addi %mul3A_19, %add3A_20 : i32
    %dma_start3A_22 = arith.constant 0 : i32
    %dma_start3A_23 = arith.constant 0 : i32
    %dma_start3A_24 = tpu.memref_slice %arg8[%dma_start3A_22, %dma_start3A_23] : memref<64x128xf32, #tpu.memory_space<vmem>> -> memref<48x128xf32, #tpu.memory_space<vmem>>
    %dma_start3A_25 = arith.constant 0 : i32
    %dma_start3A_26 = tpu.memref_slice %arg20[%add3A_21, %dma_start3A_25] : memref<10064x128xf32, #tpu.memory_space<vmem_shared>> -> memref<48x128xf32, #tpu.memory_space<vmem_shared>>
    %dma_start3A_27 = arith.constant 0 : i32
    %dma_start3A_28 = tpu.memref_slice %arg20[%add3A_21, %dma_start3A_27] : memref<10064x128xf32, #tpu.memory_space<vmem_shared>> -> memref<48x128xf32, #tpu.memory_space<vmem_shared>>
    %dma_start3A_29 = arith.constant 0 : i32
    %dma_start3A_30 = arith.constant 0 : i32
    %dma_start3A_31 = tpu.memref_slice %arg8[%dma_start3A_29, %dma_start3A_30] : memref<64x128xf32, #tpu.memory_space<vmem>> -> memref<48x128xf32, #tpu.memory_space<vmem>>
    tpu.enqueue_dma source(%dma_start3A_31 : memref<48x128xf32, #tpu.memory_space<vmem>>) target(%dma_start3A_28 : memref<48x128xf32, #tpu.memory_space<vmem_shared>>) target_semaphore(%arg21 : memref<!tpu.dma_semaphore, #tpu.memory_space<semaphore_mem>>)
    %mul3A_32 = arith.constant 624 : i32
    %mul3A_33 = arith.muli %arg1, %mul3A_32 : i32
    %add3A_34 = arith.constant 48 : i32
    %add3A_35 = arith.addi %mul3A_33, %add3A_34 : i32
    %dma_start3A_36 = arith.constant 0 : i32
    %dma_start3A_37 = arith.constant 0 : i32
    %dma_start3A_38 = tpu.memref_slice %arg8[%dma_start3A_36, %dma_start3A_37] : memref<64x128xf32, #tpu.memory_space<vmem>> -> memref<48x128xf32, #tpu.memory_space<vmem>>
    %dma_start3A_39 = arith.constant 0 : i32
    %dma_start3A_40 = tpu.memref_slice %arg20[%add3A_35, %dma_start3A_39] : memref<10064x128xf32, #tpu.memory_space<vmem_shared>> -> memref<48x128xf32, #tpu.memory_space<vmem_shared>>
    %dma_start3A_41 = arith.constant 0 : i32
    %dma_start3A_42 = tpu.memref_slice %arg20[%add3A_35, %dma_start3A_41] : memref<10064x128xf32, #tpu.memory_space<vmem_shared>> -> memref<48x128xf32, #tpu.memory_space<vmem_shared>>
    %dma_start3A_43 = arith.constant 0 : i32
    %dma_start3A_44 = arith.constant 0 : i32
    %dma_start3A_45 = tpu.memref_slice %arg8[%dma_start3A_43, %dma_start3A_44] : memref<64x128xf32, #tpu.memory_space<vmem>> -> memref<48x128xf32, #tpu.memory_space<vmem>>
    tpu.enqueue_dma source(%dma_start3A_45 : memref<48x128xf32, #tpu.memory_space<vmem>>) target(%dma_start3A_42 : memref<48x128xf32, #tpu.memory_space<vmem_shared>>) target_semaphore(%arg21 : memref<!tpu.dma_semaphore, #tpu.memory_space<semaphore_mem>>)
    %mul3A_46 = arith.constant 624 : i32
    %mul3A_47 = arith.muli %arg1, %mul3A_46 : i32
    %add3A_48 = arith.constant 96 : i32
    %add3A_49 = arith.addi %mul3A_47, %add3A_48 : i32
    %dma_start3A_50 = arith.constant 0 : i32
    %dma_start3A_51 = arith.constant 0 : i32
    %dma_start3A_52 = tpu.memref_slice %arg8[%dma_start3A_50, %dma_start3A_51] : memref<64x128xf32, #tpu.memory_space<vmem>> -> memref<48x128xf32, #tpu.memory_space<vmem>>
    %dma_start3A_53 = arith.constant 0 : i32
    %dma_start3A_54 = tpu.memref_slice %arg20[%add3A_49, %dma_start3A_53] : memref<10064x128xf32, #tpu.memory_space<vmem_shared>> -> memref<48x128xf32, #tpu.memory_space<vmem_shared>>
    %dma_start3A_55 = arith.constant 0 : i32
    %dma_start3A_56 = tpu.memref_slice %arg20[%add3A_49, %dma_start3A_55] : memref<10064x128xf32, #tpu.memory_space<vmem_shared>> -> memref<48x128xf32, #tpu.memory_space<vmem_shared>>
    %dma_start3A_57 = arith.constant 0 : i32
    %dma_start3A_58 = arith.constant 0 : i32
    %dma_start3A_59 = tpu.memref_slice %arg8[%dma_start3A_57, %dma_start3A_58] : memref<64x128xf32, #tpu.memory_space<vmem>> -> memref<48x128xf32, #tpu.memory_space<vmem>>
    tpu.enqueue_dma source(%dma_start3A_59 : memref<48x128xf32, #tpu.memory_space<vmem>>) target(%dma_start3A_56 : memref<48x128xf32, #tpu.memory_space<vmem_shared>>) target_semaphore(%arg21 : memref<!tpu.dma_semaphore, #tpu.memory_space<semaphore_mem>>)
    %mul3A_60 = arith.constant 624 : i32
    %mul3A_61 = arith.muli %arg1, %mul3A_60 : i32
    %add3A_62 = arith.constant 144 : i32
    %add3A_63 = arith.addi %mul3A_61, %add3A_62 : i32
    %dma_start3A_64 = arith.constant 0 : i32
    %dma_start3A_65 = arith.constant 0 : i32
    %dma_start3A_66 = tpu.memref_slice %arg8[%dma_start3A_64, %dma_start3A_65] : memref<64x128xf32, #tpu.memory_space<vmem>> -> memref<48x128xf32, #tpu.memory_space<vmem>>
    %dma_start3A_67 = arith.constant 0 : i32
    %dma_start3A_68 = tpu.memref_slice %arg20[%add3A_63, %dma_start3A_67] : memref<10064x128xf32, #tpu.memory_space<vmem_shared>> -> memref<48x128xf32, #tpu.memory_space<vmem_shared>>
    %dma_start3A_69 = arith.constant 0 : i32
    %dma_start3A_70 = tpu.memref_slice %arg20[%add3A_63, %dma_start3A_69] : memref<10064x128xf32, #tpu.memory_space<vmem_shared>> -> memref<48x128xf32, #tpu.memory_space<vmem_shared>>
    %dma_start3A_71 = arith.constant 0 : i32
    %dma_start3A_72 = arith.constant 0 : i32
    %dma_start3A_73 = tpu.memref_slice %arg8[%dma_start3A_71, %dma_start3A_72] : memref<64x128xf32, #tpu.memory_space<vmem>> -> memref<48x128xf32, #tpu.memory_space<vmem>>
    tpu.enqueue_dma source(%dma_start3A_73 : memref<48x128xf32, #tpu.memory_space<vmem>>) target(%dma_start3A_70 : memref<48x128xf32, #tpu.memory_space<vmem_shared>>) target_semaphore(%arg21 : memref<!tpu.dma_semaphore, #tpu.memory_space<semaphore_mem>>)
    %mul3A_74 = arith.constant 624 : i32
    %mul3A_75 = arith.muli %arg1, %mul3A_74 : i32
    %add3A_76 = arith.constant 192 : i32
    %add3A_77 = arith.addi %mul3A_75, %add3A_76 : i32
    %dma_start3A_78 = arith.constant 0 : i32
    %dma_start3A_79 = arith.constant 0 : i32
    %dma_start3A_80 = tpu.memref_slice %arg8[%dma_start3A_78, %dma_start3A_79] : memref<64x128xf32, #tpu.memory_space<vmem>> -> memref<48x128xf32, #tpu.memory_space<vmem>>
    %dma_start3A_81 = arith.constant 0 : i32
    %dma_start3A_82 = tpu.memref_slice %arg20[%add3A_77, %dma_start3A_81] : memref<10064x128xf32, #tpu.memory_space<vmem_shared>> -> memref<48x128xf32, #tpu.memory_space<vmem_shared>>
    %dma_start3A_83 = arith.constant 0 : i32
    %dma_start3A_84 = tpu.memref_slice %arg20[%add3A_77, %dma_start3A_83] : memref<10064x128xf32, #tpu.memory_space<vmem_shared>> -> memref<48x128xf32, #tpu.memory_space<vmem_shared>>
    %dma_start3A_85 = arith.constant 0 : i32
    %dma_start3A_86 = arith.constant 0 : i32
    %dma_start3A_87 = tpu.memref_slice %arg8[%dma_start3A_85, %dma_start3A_86] : memref<64x128xf32, #tpu.memory_space<vmem>> -> memref<48x128xf32, #tpu.memory_space<vmem>>
    tpu.enqueue_dma source(%dma_start3A_87 : memref<48x128xf32, #tpu.memory_space<vmem>>) target(%dma_start3A_84 : memref<48x128xf32, #tpu.memory_space<vmem_shared>>) target_semaphore(%arg21 : memref<!tpu.dma_semaphore, #tpu.memory_space<semaphore_mem>>)
    %mul3A_88 = arith.constant 624 : i32
    %mul3A_89 = arith.muli %arg1, %mul3A_88 : i32
    %add3A_90 = arith.constant 240 : i32
    %add3A_91 = arith.addi %mul3A_89, %add3A_90 : i32
    %dma_start3A_92 = arith.constant 0 : i32
    %dma_start3A_93 = arith.constant 0 : i32
    %dma_start3A_94 = tpu.memref_slice %arg8[%dma_start3A_92, %dma_start3A_93] : memref<64x128xf32, #tpu.memory_space<vmem>> -> memref<48x128xf32, #tpu.memory_space<vmem>>
    %dma_start3A_95 = arith.constant 0 : i32
    %dma_start3A_96 = tpu.memref_slice %arg20[%add3A_91, %dma_start3A_95] : memref<10064x128xf32, #tpu.memory_space<vmem_shared>> -> memref<48x128xf32, #tpu.memory_space<vmem_shared>>
    %dma_start3A_97 = arith.constant 0 : i32
    %dma_start3A_98 = tpu.memref_slice %arg20[%add3A_91, %dma_start3A_97] : memref<10064x128xf32, #tpu.memory_space<vmem_shared>> -> memref<48x128xf32, #tpu.memory_space<vmem_shared>>
    %dma_start3A_99 = arith.constant 0 : i32
    %dma_start3A_100 = arith.constant 0 : i32
    %dma_start3A_101 = tpu.memref_slice %arg8[%dma_start3A_99, %dma_start3A_100] : memref<64x128xf32, #tpu.memory_space<vmem>> -> memref<48x128xf32, #tpu.memory_space<vmem>>
    tpu.enqueue_dma source(%dma_start3A_101 : memref<48x128xf32, #tpu.memory_space<vmem>>) target(%dma_start3A_98 : memref<48x128xf32, #tpu.memory_space<vmem_shared>>) target_semaphore(%arg21 : memref<!tpu.dma_semaphore, #tpu.memory_space<semaphore_mem>>)
    %mul3A_102 = arith.constant 624 : i32
    %mul3A_103 = arith.muli %arg1, %mul3A_102 : i32
    %add3A_104 = arith.constant 288 : i32
    %add3A_105 = arith.addi %mul3A_103, %add3A_104 : i32
    %dma_start3A_106 = arith.constant 0 : i32
    %dma_start3A_107 = arith.constant 0 : i32
    %dma_start3A_108 = tpu.memref_slice %arg8[%dma_start3A_106, %dma_start3A_107] : memref<64x128xf32, #tpu.memory_space<vmem>> -> memref<48x128xf32, #tpu.memory_space<vmem>>
    %dma_start3A_109 = arith.constant 0 : i32
    %dma_start3A_110 = tpu.memref_slice %arg20[%add3A_105, %dma_start3A_109] : memref<10064x128xf32, #tpu.memory_space<vmem_shared>> -> memref<48x128xf32, #tpu.memory_space<vmem_shared>>
    %dma_start3A_111 = arith.constant 0 : i32
    %dma_start3A_112 = tpu.memref_slice %arg20[%add3A_105, %dma_start3A_111] : memref<10064x128xf32, #tpu.memory_space<vmem_shared>> -> memref<48x128xf32, #tpu.memory_space<vmem_shared>>
    %dma_start3A_113 = arith.constant 0 : i32
    %dma_start3A_114 = arith.constant 0 : i32
    %dma_start3A_115 = tpu.memref_slice %arg8[%dma_start3A_113, %dma_start3A_114] : memref<64x128xf32, #tpu.memory_space<vmem>> -> memref<48x128xf32, #tpu.memory_space<vmem>>
    tpu.enqueue_dma source(%dma_start3A_115 : memref<48x128xf32, #tpu.memory_space<vmem>>) target(%dma_start3A_112 : memref<48x128xf32, #tpu.memory_space<vmem_shared>>) target_semaphore(%arg21 : memref<!tpu.dma_semaphore, #tpu.memory_space<semaphore_mem>>)
    %mul3A_116 = arith.constant 624 : i32
    %mul3A_117 = arith.muli %arg1, %mul3A_116 : i32
    %add3A_118 = arith.constant 336 : i32
    %add3A_119 = arith.addi %mul3A_117, %add3A_118 : i32
    %dma_start3A_120 = arith.constant 0 : i32
    %dma_start3A_121 = arith.constant 0 : i32
    %dma_start3A_122 = tpu.memref_slice %arg8[%dma_start3A_120, %dma_start3A_121] : memref<64x128xf32, #tpu.memory_space<vmem>> -> memref<48x128xf32, #tpu.memory_space<vmem>>
    %dma_start3A_123 = arith.constant 0 : i32
    %dma_start3A_124 = tpu.memref_slice %arg20[%add3A_119, %dma_start3A_123] : memref<10064x128xf32, #tpu.memory_space<vmem_shared>> -> memref<48x128xf32, #tpu.memory_space<vmem_shared>>
    %dma_start3A_125 = arith.constant 0 : i32
    %dma_start3A_126 = tpu.memref_slice %arg20[%add3A_119, %dma_start3A_125] : memref<10064x128xf32, #tpu.memory_space<vmem_shared>> -> memref<48x128xf32, #tpu.memory_space<vmem_shared>>
    %dma_start3A_127 = arith.constant 0 : i32
    %dma_start3A_128 = arith.constant 0 : i32
    %dma_start3A_129 = tpu.memref_slice %arg8[%dma_start3A_127, %dma_start3A_128] : memref<64x128xf32, #tpu.memory_space<vmem>> -> memref<48x128xf32, #tpu.memory_space<vmem>>
    tpu.enqueue_dma source(%dma_start3A_129 : memref<48x128xf32, #tpu.memory_space<vmem>>) target(%dma_start3A_126 : memref<48x128xf32, #tpu.memory_space<vmem_shared>>) target_semaphore(%arg21 : memref<!tpu.dma_semaphore, #tpu.memory_space<semaphore_mem>>)
    %mul3A_130 = arith.constant 624 : i32
    %mul3A_131 = arith.muli %arg1, %mul3A_130 : i32
    %add3A_132 = arith.constant 384 : i32
    %add3A_133 = arith.addi %mul3A_131, %add3A_132 : i32
    %dma_start3A_134 = arith.constant 0 : i32
    %dma_start3A_135 = arith.constant 0 : i32
    %dma_start3A_136 = tpu.memref_slice %arg8[%dma_start3A_134, %dma_start3A_135] : memref<64x128xf32, #tpu.memory_space<vmem>> -> memref<48x128xf32, #tpu.memory_space<vmem>>
    %dma_start3A_137 = arith.constant 0 : i32
    %dma_start3A_138 = tpu.memref_slice %arg20[%add3A_133, %dma_start3A_137] : memref<10064x128xf32, #tpu.memory_space<vmem_shared>> -> memref<48x128xf32, #tpu.memory_space<vmem_shared>>
    %dma_start3A_139 = arith.constant 0 : i32
    %dma_start3A_140 = tpu.memref_slice %arg20[%add3A_133, %dma_start3A_139] : memref<10064x128xf32, #tpu.memory_space<vmem_shared>> -> memref<48x128xf32, #tpu.memory_space<vmem_shared>>
    %dma_start3A_141 = arith.constant 0 : i32
    %dma_start3A_142 = arith.constant 0 : i32
    %dma_start3A_143 = tpu.memref_slice %arg8[%dma_start3A_141, %dma_start3A_142] : memref<64x128xf32, #tpu.memory_space<vmem>> -> memref<48x128xf32, #tpu.memory_space<vmem>>
    tpu.enqueue_dma source(%dma_start3A_143 : memref<48x128xf32, #tpu.memory_space<vmem>>) target(%dma_start3A_140 : memref<48x128xf32, #tpu.memory_space<vmem_shared>>) target_semaphore(%arg21 : memref<!tpu.dma_semaphore, #tpu.memory_space<semaphore_mem>>)
    %mul3A_144 = arith.constant 624 : i32
    %mul3A_145 = arith.muli %arg1, %mul3A_144 : i32
    %add3A_146 = arith.constant 432 : i32
    %add3A_147 = arith.addi %mul3A_145, %add3A_146 : i32
    %dma_start3A_148 = arith.constant 0 : i32
    %dma_start3A_149 = arith.constant 0 : i32
    %dma_start3A_150 = tpu.memref_slice %arg8[%dma_start3A_148, %dma_start3A_149] : memref<64x128xf32, #tpu.memory_space<vmem>> -> memref<48x128xf32, #tpu.memory_space<vmem>>
    %dma_start3A_151 = arith.constant 0 : i32
    %dma_start3A_152 = tpu.memref_slice %arg20[%add3A_147, %dma_start3A_151] : memref<10064x128xf32, #tpu.memory_space<vmem_shared>> -> memref<48x128xf32, #tpu.memory_space<vmem_shared>>
    %dma_start3A_153 = arith.constant 0 : i32
    %dma_start3A_154 = tpu.memref_slice %arg20[%add3A_147, %dma_start3A_153] : memref<10064x128xf32, #tpu.memory_space<vmem_shared>> -> memref<48x128xf32, #tpu.memory_space<vmem_shared>>
    %dma_start3A_155 = arith.constant 0 : i32
    %dma_start3A_156 = arith.constant 0 : i32
    %dma_start3A_157 = tpu.memref_slice %arg8[%dma_start3A_155, %dma_start3A_156] : memref<64x128xf32, #tpu.memory_space<vmem>> -> memref<48x128xf32, #tpu.memory_space<vmem>>
    tpu.enqueue_dma source(%dma_start3A_157 : memref<48x128xf32, #tpu.memory_space<vmem>>) target(%dma_start3A_154 : memref<48x128xf32, #tpu.memory_space<vmem_shared>>) target_semaphore(%arg21 : memref<!tpu.dma_semaphore, #tpu.memory_space<semaphore_mem>>)
    %mul3A_158 = arith.constant 624 : i32
    %mul3A_159 = arith.muli %arg1, %mul3A_158 : i32
    %add3A_160 = arith.constant 480 : i32
    %add3A_161 = arith.addi %mul3A_159, %add3A_160 : i32
    %dma_start3A_162 = arith.constant 0 : i32
    %dma_start3A_163 = arith.constant 0 : i32
    %dma_start3A_164 = tpu.memref_slice %arg8[%dma_start3A_162, %dma_start3A_163] : memref<64x128xf32, #tpu.memory_space<vmem>> -> memref<48x128xf32, #tpu.memory_space<vmem>>
    %dma_start3A_165 = arith.constant 0 : i32
    %dma_start3A_166 = tpu.memref_slice %arg20[%add3A_161, %dma_start3A_165] : memref<10064x128xf32, #tpu.memory_space<vmem_shared>> -> memref<48x128xf32, #tpu.memory_space<vmem_shared>>
    %dma_start3A_167 = arith.constant 0 : i32
    %dma_start3A_168 = tpu.memref_slice %arg20[%add3A_161, %dma_start3A_167] : memref<10064x128xf32, #tpu.memory_space<vmem_shared>> -> memref<48x128xf32, #tpu.memory_space<vmem_shared>>
    %dma_start3A_169 = arith.constant 0 : i32
    %dma_start3A_170 = arith.constant 0 : i32
    %dma_start3A_171 = tpu.memref_slice %arg8[%dma_start3A_169, %dma_start3A_170] : memref<64x128xf32, #tpu.memory_space<vmem>> -> memref<48x128xf32, #tpu.memory_space<vmem>>
    tpu.enqueue_dma source(%dma_start3A_171 : memref<48x128xf32, #tpu.memory_space<vmem>>) target(%dma_start3A_168 : memref<48x128xf32, #tpu.memory_space<vmem_shared>>) target_semaphore(%arg21 : memref<!tpu.dma_semaphore, #tpu.memory_space<semaphore_mem>>)
    %mul3A_172 = arith.constant 624 : i32
    %mul3A_173 = arith.muli %arg1, %mul3A_172 : i32
    %add3A_174 = arith.constant 528 : i32
    %add3A_175 = arith.addi %mul3A_173, %add3A_174 : i32
    %dma_start3A_176 = arith.constant 0 : i32
    %dma_start3A_177 = arith.constant 0 : i32
    %dma_start3A_178 = tpu.memref_slice %arg8[%dma_start3A_176, %dma_start3A_177] : memref<64x128xf32, #tpu.memory_space<vmem>> -> memref<48x128xf32, #tpu.memory_space<vmem>>
    %dma_start3A_179 = arith.constant 0 : i32
    %dma_start3A_180 = tpu.memref_slice %arg20[%add3A_175, %dma_start3A_179] : memref<10064x128xf32, #tpu.memory_space<vmem_shared>> -> memref<48x128xf32, #tpu.memory_space<vmem_shared>>
    %dma_start3A_181 = arith.constant 0 : i32
    %dma_start3A_182 = tpu.memref_slice %arg20[%add3A_175, %dma_start3A_181] : memref<10064x128xf32, #tpu.memory_space<vmem_shared>> -> memref<48x128xf32, #tpu.memory_space<vmem_shared>>
    %dma_start3A_183 = arith.constant 0 : i32
    %dma_start3A_184 = arith.constant 0 : i32
    %dma_start3A_185 = tpu.memref_slice %arg8[%dma_start3A_183, %dma_start3A_184] : memref<64x128xf32, #tpu.memory_space<vmem>> -> memref<48x128xf32, #tpu.memory_space<vmem>>
    tpu.enqueue_dma source(%dma_start3A_185 : memref<48x128xf32, #tpu.memory_space<vmem>>) target(%dma_start3A_182 : memref<48x128xf32, #tpu.memory_space<vmem_shared>>) target_semaphore(%arg21 : memref<!tpu.dma_semaphore, #tpu.memory_space<semaphore_mem>>)
    %mul3A_186 = arith.constant 624 : i32
    %mul3A_187 = arith.muli %arg1, %mul3A_186 : i32
    %add3A_188 = arith.constant 576 : i32
    %add3A_189 = arith.addi %mul3A_187, %add3A_188 : i32
    %dma_start3A_190 = arith.constant 0 : i32
    %dma_start3A_191 = arith.constant 0 : i32
    %dma_start3A_192 = tpu.memref_slice %arg8[%dma_start3A_190, %dma_start3A_191] : memref<64x128xf32, #tpu.memory_space<vmem>> -> memref<48x128xf32, #tpu.memory_space<vmem>>
    %dma_start3A_193 = arith.constant 0 : i32
    %dma_start3A_194 = tpu.memref_slice %arg20[%add3A_189, %dma_start3A_193] : memref<10064x128xf32, #tpu.memory_space<vmem_shared>> -> memref<48x128xf32, #tpu.memory_space<vmem_shared>>
    %dma_start3A_195 = arith.constant 0 : i32
    %dma_start3A_196 = tpu.memref_slice %arg20[%add3A_189, %dma_start3A_195] : memref<10064x128xf32, #tpu.memory_space<vmem_shared>> -> memref<48x128xf32, #tpu.memory_space<vmem_shared>>
    %dma_start3A_197 = arith.constant 0 : i32
    %dma_start3A_198 = arith.constant 0 : i32
    %dma_start3A_199 = tpu.memref_slice %arg8[%dma_start3A_197, %dma_start3A_198] : memref<64x128xf32, #tpu.memory_space<vmem>> -> memref<48x128xf32, #tpu.memory_space<vmem>>
    tpu.enqueue_dma source(%dma_start3A_199 : memref<48x128xf32, #tpu.memory_space<vmem>>) target(%dma_start3A_196 : memref<48x128xf32, #tpu.memory_space<vmem_shared>>) target_semaphore(%arg21 : memref<!tpu.dma_semaphore, #tpu.memory_space<semaphore_mem>>)
    %mul3A_200 = arith.constant 624 : i32
    %mul3A_201 = arith.muli %arg1, %mul3A_200 : i32
    %add3A_202 = arith.constant 0 : i32
    %add3A_203 = arith.addi %mul3A_201, %add3A_202 : i32
    %dma_wait3A_204 = arith.constant 0 : i32
    %dma_wait3A_205 = arith.constant 0 : i32
    %dma_wait3A_206 = tpu.memref_slice %arg8[%dma_wait3A_204, %dma_wait3A_205] : memref<64x128xf32, #tpu.memory_space<vmem>> -> memref<48x128xf32, #tpu.memory_space<vmem>>
    %dma_wait3A_207 = arith.constant 0 : i32
    %dma_wait3A_208 = tpu.memref_slice %arg20[%add3A_203, %dma_wait3A_207] : memref<10064x128xf32, #tpu.memory_space<vmem_shared>> -> memref<48x128xf32, #tpu.memory_space<vmem_shared>>
    %dma_wait3A_209 = arith.constant 0 : i32
    %dma_wait3A_210 = tpu.memref_slice %arg20[%add3A_203, %dma_wait3A_209] : memref<10064x128xf32, #tpu.memory_space<vmem_shared>> -> memref<48x128xf32, #tpu.memory_space<vmem_shared>>
    %dma_wait3A_211 = arith.constant 0 : i32
    %dma_wait3A_212 = arith.constant 0 : i32
    %dma_wait3A_213 = tpu.memref_slice %arg8[%dma_wait3A_211, %dma_wait3A_212] : memref<64x128xf32, #tpu.memory_space<vmem>> -> memref<48x128xf32, #tpu.memory_space<vmem>>
    tpu.wait_dma2 semaphore(%arg21 : memref<!tpu.dma_semaphore, #tpu.memory_space<semaphore_mem>>) src(%dma_wait3A_213 : memref<48x128xf32, #tpu.memory_space<vmem>>) dst(%dma_wait3A_210 : memref<48x128xf32, #tpu.memory_space<vmem_shared>>)
    %mul3A_214 = arith.constant 624 : i32
    %mul3A_215 = arith.muli %arg1, %mul3A_214 : i32
    %add3A_216 = arith.constant 48 : i32
    %add3A_217 = arith.addi %mul3A_215, %add3A_216 : i32
    %dma_wait3A_218 = arith.constant 0 : i32
    %dma_wait3A_219 = arith.constant 0 : i32
    %dma_wait3A_220 = tpu.memref_slice %arg8[%dma_wait3A_218, %dma_wait3A_219] : memref<64x128xf32, #tpu.memory_space<vmem>> -> memref<48x128xf32, #tpu.memory_space<vmem>>
    %dma_wait3A_221 = arith.constant 0 : i32
    %dma_wait3A_222 = tpu.memref_slice %arg20[%add3A_217, %dma_wait3A_221] : memref<10064x128xf32, #tpu.memory_space<vmem_shared>> -> memref<48x128xf32, #tpu.memory_space<vmem_shared>>
    %dma_wait3A_223 = arith.constant 0 : i32
    %dma_wait3A_224 = tpu.memref_slice %arg20[%add3A_217, %dma_wait3A_223] : memref<10064x128xf32, #tpu.memory_space<vmem_shared>> -> memref<48x128xf32, #tpu.memory_space<vmem_shared>>
    %dma_wait3A_225 = arith.constant 0 : i32
    %dma_wait3A_226 = arith.constant 0 : i32
    %dma_wait3A_227 = tpu.memref_slice %arg8[%dma_wait3A_225, %dma_wait3A_226] : memref<64x128xf32, #tpu.memory_space<vmem>> -> memref<48x128xf32, #tpu.memory_space<vmem>>
    tpu.wait_dma2 semaphore(%arg21 : memref<!tpu.dma_semaphore, #tpu.memory_space<semaphore_mem>>) src(%dma_wait3A_227 : memref<48x128xf32, #tpu.memory_space<vmem>>) dst(%dma_wait3A_224 : memref<48x128xf32, #tpu.memory_space<vmem_shared>>)
    %mul3A_228 = arith.constant 624 : i32
    %mul3A_229 = arith.muli %arg1, %mul3A_228 : i32
    %add3A_230 = arith.constant 96 : i32
    %add3A_231 = arith.addi %mul3A_229, %add3A_230 : i32
    %dma_wait3A_232 = arith.constant 0 : i32
    %dma_wait3A_233 = arith.constant 0 : i32
    %dma_wait3A_234 = tpu.memref_slice %arg8[%dma_wait3A_232, %dma_wait3A_233] : memref<64x128xf32, #tpu.memory_space<vmem>> -> memref<48x128xf32, #tpu.memory_space<vmem>>
    %dma_wait3A_235 = arith.constant 0 : i32
    %dma_wait3A_236 = tpu.memref_slice %arg20[%add3A_231, %dma_wait3A_235] : memref<10064x128xf32, #tpu.memory_space<vmem_shared>> -> memref<48x128xf32, #tpu.memory_space<vmem_shared>>
    %dma_wait3A_237 = arith.constant 0 : i32
    %dma_wait3A_238 = tpu.memref_slice %arg20[%add3A_231, %dma_wait3A_237] : memref<10064x128xf32, #tpu.memory_space<vmem_shared>> -> memref<48x128xf32, #tpu.memory_space<vmem_shared>>
    %dma_wait3A_239 = arith.constant 0 : i32
    %dma_wait3A_240 = arith.constant 0 : i32
    %dma_wait3A_241 = tpu.memref_slice %arg8[%dma_wait3A_239, %dma_wait3A_240] : memref<64x128xf32, #tpu.memory_space<vmem>> -> memref<48x128xf32, #tpu.memory_space<vmem>>
    tpu.wait_dma2 semaphore(%arg21 : memref<!tpu.dma_semaphore, #tpu.memory_space<semaphore_mem>>) src(%dma_wait3A_241 : memref<48x128xf32, #tpu.memory_space<vmem>>) dst(%dma_wait3A_238 : memref<48x128xf32, #tpu.memory_space<vmem_shared>>)
    %mul3A_242 = arith.constant 624 : i32
    %mul3A_243 = arith.muli %arg1, %mul3A_242 : i32
    %add3A_244 = arith.constant 144 : i32
    %add3A_245 = arith.addi %mul3A_243, %add3A_244 : i32
    %dma_wait3A_246 = arith.constant 0 : i32
    %dma_wait3A_247 = arith.constant 0 : i32
    %dma_wait3A_248 = tpu.memref_slice %arg8[%dma_wait3A_246, %dma_wait3A_247] : memref<64x128xf32, #tpu.memory_space<vmem>> -> memref<48x128xf32, #tpu.memory_space<vmem>>
    %dma_wait3A_249 = arith.constant 0 : i32
    %dma_wait3A_250 = tpu.memref_slice %arg20[%add3A_245, %dma_wait3A_249] : memref<10064x128xf32, #tpu.memory_space<vmem_shared>> -> memref<48x128xf32, #tpu.memory_space<vmem_shared>>
    %dma_wait3A_251 = arith.constant 0 : i32
    %dma_wait3A_252 = tpu.memref_slice %arg20[%add3A_245, %dma_wait3A_251] : memref<10064x128xf32, #tpu.memory_space<vmem_shared>> -> memref<48x128xf32, #tpu.memory_space<vmem_shared>>
    %dma_wait3A_253 = arith.constant 0 : i32
    %dma_wait3A_254 = arith.constant 0 : i32
    %dma_wait3A_255 = tpu.memref_slice %arg8[%dma_wait3A_253, %dma_wait3A_254] : memref<64x128xf32, #tpu.memory_space<vmem>> -> memref<48x128xf32, #tpu.memory_space<vmem>>
    tpu.wait_dma2 semaphore(%arg21 : memref<!tpu.dma_semaphore, #tpu.memory_space<semaphore_mem>>) src(%dma_wait3A_255 : memref<48x128xf32, #tpu.memory_space<vmem>>) dst(%dma_wait3A_252 : memref<48x128xf32, #tpu.memory_space<vmem_shared>>)
    %mul3A_256 = arith.constant 624 : i32
    %mul3A_257 = arith.muli %arg1, %mul3A_256 : i32
    %add3A_258 = arith.constant 192 : i32
    %add3A_259 = arith.addi %mul3A_257, %add3A_258 : i32
    %dma_wait3A_260 = arith.constant 0 : i32
    %dma_wait3A_261 = arith.constant 0 : i32
    %dma_wait3A_262 = tpu.memref_slice %arg8[%dma_wait3A_260, %dma_wait3A_261] : memref<64x128xf32, #tpu.memory_space<vmem>> -> memref<48x128xf32, #tpu.memory_space<vmem>>
    %dma_wait3A_263 = arith.constant 0 : i32
    %dma_wait3A_264 = tpu.memref_slice %arg20[%add3A_259, %dma_wait3A_263] : memref<10064x128xf32, #tpu.memory_space<vmem_shared>> -> memref<48x128xf32, #tpu.memory_space<vmem_shared>>
    %dma_wait3A_265 = arith.constant 0 : i32
    %dma_wait3A_266 = tpu.memref_slice %arg20[%add3A_259, %dma_wait3A_265] : memref<10064x128xf32, #tpu.memory_space<vmem_shared>> -> memref<48x128xf32, #tpu.memory_space<vmem_shared>>
    %dma_wait3A_267 = arith.constant 0 : i32
    %dma_wait3A_268 = arith.constant 0 : i32
    %dma_wait3A_269 = tpu.memref_slice %arg8[%dma_wait3A_267, %dma_wait3A_268] : memref<64x128xf32, #tpu.memory_space<vmem>> -> memref<48x128xf32, #tpu.memory_space<vmem>>
    tpu.wait_dma2 semaphore(%arg21 : memref<!tpu.dma_semaphore, #tpu.memory_space<semaphore_mem>>) src(%dma_wait3A_269 : memref<48x128xf32, #tpu.memory_space<vmem>>) dst(%dma_wait3A_266 : memref<48x128xf32, #tpu.memory_space<vmem_shared>>)
    %mul3A_270 = arith.constant 624 : i32
    %mul3A_271 = arith.muli %arg1, %mul3A_270 : i32
    %add3A_272 = arith.constant 240 : i32
    %add3A_273 = arith.addi %mul3A_271, %add3A_272 : i32
    %dma_wait3A_274 = arith.constant 0 : i32
    %dma_wait3A_275 = arith.constant 0 : i32
    %dma_wait3A_276 = tpu.memref_slice %arg8[%dma_wait3A_274, %dma_wait3A_275] : memref<64x128xf32, #tpu.memory_space<vmem>> -> memref<48x128xf32, #tpu.memory_space<vmem>>
    %dma_wait3A_277 = arith.constant 0 : i32
    %dma_wait3A_278 = tpu.memref_slice %arg20[%add3A_273, %dma_wait3A_277] : memref<10064x128xf32, #tpu.memory_space<vmem_shared>> -> memref<48x128xf32, #tpu.memory_space<vmem_shared>>
    %dma_wait3A_279 = arith.constant 0 : i32
    %dma_wait3A_280 = tpu.memref_slice %arg20[%add3A_273, %dma_wait3A_279] : memref<10064x128xf32, #tpu.memory_space<vmem_shared>> -> memref<48x128xf32, #tpu.memory_space<vmem_shared>>
    %dma_wait3A_281 = arith.constant 0 : i32
    %dma_wait3A_282 = arith.constant 0 : i32
    %dma_wait3A_283 = tpu.memref_slice %arg8[%dma_wait3A_281, %dma_wait3A_282] : memref<64x128xf32, #tpu.memory_space<vmem>> -> memref<48x128xf32, #tpu.memory_space<vmem>>
    tpu.wait_dma2 semaphore(%arg21 : memref<!tpu.dma_semaphore, #tpu.memory_space<semaphore_mem>>) src(%dma_wait3A_283 : memref<48x128xf32, #tpu.memory_space<vmem>>) dst(%dma_wait3A_280 : memref<48x128xf32, #tpu.memory_space<vmem_shared>>)
    %mul3A_284 = arith.constant 624 : i32
    %mul3A_285 = arith.muli %arg1, %mul3A_284 : i32
    %add3A_286 = arith.constant 288 : i32
    %add3A_287 = arith.addi %mul3A_285, %add3A_286 : i32
    %dma_wait3A_288 = arith.constant 0 : i32
    %dma_wait3A_289 = arith.constant 0 : i32
    %dma_wait3A_290 = tpu.memref_slice %arg8[%dma_wait3A_288, %dma_wait3A_289] : memref<64x128xf32, #tpu.memory_space<vmem>> -> memref<48x128xf32, #tpu.memory_space<vmem>>
    %dma_wait3A_291 = arith.constant 0 : i32
    %dma_wait3A_292 = tpu.memref_slice %arg20[%add3A_287, %dma_wait3A_291] : memref<10064x128xf32, #tpu.memory_space<vmem_shared>> -> memref<48x128xf32, #tpu.memory_space<vmem_shared>>
    %dma_wait3A_293 = arith.constant 0 : i32
    %dma_wait3A_294 = tpu.memref_slice %arg20[%add3A_287, %dma_wait3A_293] : memref<10064x128xf32, #tpu.memory_space<vmem_shared>> -> memref<48x128xf32, #tpu.memory_space<vmem_shared>>
    %dma_wait3A_295 = arith.constant 0 : i32
    %dma_wait3A_296 = arith.constant 0 : i32
    %dma_wait3A_297 = tpu.memref_slice %arg8[%dma_wait3A_295, %dma_wait3A_296] : memref<64x128xf32, #tpu.memory_space<vmem>> -> memref<48x128xf32, #tpu.memory_space<vmem>>
    tpu.wait_dma2 semaphore(%arg21 : memref<!tpu.dma_semaphore, #tpu.memory_space<semaphore_mem>>) src(%dma_wait3A_297 : memref<48x128xf32, #tpu.memory_space<vmem>>) dst(%dma_wait3A_294 : memref<48x128xf32, #tpu.memory_space<vmem_shared>>)
    %mul3A_298 = arith.constant 624 : i32
    %mul3A_299 = arith.muli %arg1, %mul3A_298 : i32
    %add3A_300 = arith.constant 336 : i32
    %add3A_301 = arith.addi %mul3A_299, %add3A_300 : i32
    %dma_wait3A_302 = arith.constant 0 : i32
    %dma_wait3A_303 = arith.constant 0 : i32
    %dma_wait3A_304 = tpu.memref_slice %arg8[%dma_wait3A_302, %dma_wait3A_303] : memref<64x128xf32, #tpu.memory_space<vmem>> -> memref<48x128xf32, #tpu.memory_space<vmem>>
    %dma_wait3A_305 = arith.constant 0 : i32
    %dma_wait3A_306 = tpu.memref_slice %arg20[%add3A_301, %dma_wait3A_305] : memref<10064x128xf32, #tpu.memory_space<vmem_shared>> -> memref<48x128xf32, #tpu.memory_space<vmem_shared>>
    %dma_wait3A_307 = arith.constant 0 : i32
    %dma_wait3A_308 = tpu.memref_slice %arg20[%add3A_301, %dma_wait3A_307] : memref<10064x128xf32, #tpu.memory_space<vmem_shared>> -> memref<48x128xf32, #tpu.memory_space<vmem_shared>>
    %dma_wait3A_309 = arith.constant 0 : i32
    %dma_wait3A_310 = arith.constant 0 : i32
    %dma_wait3A_311 = tpu.memref_slice %arg8[%dma_wait3A_309, %dma_wait3A_310] : memref<64x128xf32, #tpu.memory_space<vmem>> -> memref<48x128xf32, #tpu.memory_space<vmem>>
    tpu.wait_dma2 semaphore(%arg21 : memref<!tpu.dma_semaphore, #tpu.memory_space<semaphore_mem>>) src(%dma_wait3A_311 : memref<48x128xf32, #tpu.memory_space<vmem>>) dst(%dma_wait3A_308 : memref<48x128xf32, #tpu.memory_space<vmem_shared>>)
    %mul3A_312 = arith.constant 624 : i32
    %mul3A_313 = arith.muli %arg1, %mul3A_312 : i32
    %add3A_314 = arith.constant 384 : i32
    %add3A_315 = arith.addi %mul3A_313, %add3A_314 : i32
    %dma_wait3A_316 = arith.constant 0 : i32
    %dma_wait3A_317 = arith.constant 0 : i32
    %dma_wait3A_318 = tpu.memref_slice %arg8[%dma_wait3A_316, %dma_wait3A_317] : memref<64x128xf32, #tpu.memory_space<vmem>> -> memref<48x128xf32, #tpu.memory_space<vmem>>
    %dma_wait3A_319 = arith.constant 0 : i32
    %dma_wait3A_320 = tpu.memref_slice %arg20[%add3A_315, %dma_wait3A_319] : memref<10064x128xf32, #tpu.memory_space<vmem_shared>> -> memref<48x128xf32, #tpu.memory_space<vmem_shared>>
    %dma_wait3A_321 = arith.constant 0 : i32
    %dma_wait3A_322 = tpu.memref_slice %arg20[%add3A_315, %dma_wait3A_321] : memref<10064x128xf32, #tpu.memory_space<vmem_shared>> -> memref<48x128xf32, #tpu.memory_space<vmem_shared>>
    %dma_wait3A_323 = arith.constant 0 : i32
    %dma_wait3A_324 = arith.constant 0 : i32
    %dma_wait3A_325 = tpu.memref_slice %arg8[%dma_wait3A_323, %dma_wait3A_324] : memref<64x128xf32, #tpu.memory_space<vmem>> -> memref<48x128xf32, #tpu.memory_space<vmem>>
    tpu.wait_dma2 semaphore(%arg21 : memref<!tpu.dma_semaphore, #tpu.memory_space<semaphore_mem>>) src(%dma_wait3A_325 : memref<48x128xf32, #tpu.memory_space<vmem>>) dst(%dma_wait3A_322 : memref<48x128xf32, #tpu.memory_space<vmem_shared>>)
    %mul3A_326 = arith.constant 624 : i32
    %mul3A_327 = arith.muli %arg1, %mul3A_326 : i32
    %add3A_328 = arith.constant 432 : i32
    %add3A_329 = arith.addi %mul3A_327, %add3A_328 : i32
    %dma_wait3A_330 = arith.constant 0 : i32
    %dma_wait3A_331 = arith.constant 0 : i32
    %dma_wait3A_332 = tpu.memref_slice %arg8[%dma_wait3A_330, %dma_wait3A_331] : memref<64x128xf32, #tpu.memory_space<vmem>> -> memref<48x128xf32, #tpu.memory_space<vmem>>
    %dma_wait3A_333 = arith.constant 0 : i32
    %dma_wait3A_334 = tpu.memref_slice %arg20[%add3A_329, %dma_wait3A_333] : memref<10064x128xf32, #tpu.memory_space<vmem_shared>> -> memref<48x128xf32, #tpu.memory_space<vmem_shared>>
    %dma_wait3A_335 = arith.constant 0 : i32
    %dma_wait3A_336 = tpu.memref_slice %arg20[%add3A_329, %dma_wait3A_335] : memref<10064x128xf32, #tpu.memory_space<vmem_shared>> -> memref<48x128xf32, #tpu.memory_space<vmem_shared>>
    %dma_wait3A_337 = arith.constant 0 : i32
    %dma_wait3A_338 = arith.constant 0 : i32
    %dma_wait3A_339 = tpu.memref_slice %arg8[%dma_wait3A_337, %dma_wait3A_338] : memref<64x128xf32, #tpu.memory_space<vmem>> -> memref<48x128xf32, #tpu.memory_space<vmem>>
    tpu.wait_dma2 semaphore(%arg21 : memref<!tpu.dma_semaphore, #tpu.memory_space<semaphore_mem>>) src(%dma_wait3A_339 : memref<48x128xf32, #tpu.memory_space<vmem>>) dst(%dma_wait3A_336 : memref<48x128xf32, #tpu.memory_space<vmem_shared>>)
    %mul3A_340 = arith.constant 624 : i32
    %mul3A_341 = arith.muli %arg1, %mul3A_340 : i32
    %add3A_342 = arith.constant 480 : i32
    %add3A_343 = arith.addi %mul3A_341, %add3A_342 : i32
    %dma_wait3A_344 = arith.constant 0 : i32
    %dma_wait3A_345 = arith.constant 0 : i32
    %dma_wait3A_346 = tpu.memref_slice %arg8[%dma_wait3A_344, %dma_wait3A_345] : memref<64x128xf32, #tpu.memory_space<vmem>> -> memref<48x128xf32, #tpu.memory_space<vmem>>
    %dma_wait3A_347 = arith.constant 0 : i32
    %dma_wait3A_348 = tpu.memref_slice %arg20[%add3A_343, %dma_wait3A_347] : memref<10064x128xf32, #tpu.memory_space<vmem_shared>> -> memref<48x128xf32, #tpu.memory_space<vmem_shared>>
    %dma_wait3A_349 = arith.constant 0 : i32
    %dma_wait3A_350 = tpu.memref_slice %arg20[%add3A_343, %dma_wait3A_349] : memref<10064x128xf32, #tpu.memory_space<vmem_shared>> -> memref<48x128xf32, #tpu.memory_space<vmem_shared>>
    %dma_wait3A_351 = arith.constant 0 : i32
    %dma_wait3A_352 = arith.constant 0 : i32
    %dma_wait3A_353 = tpu.memref_slice %arg8[%dma_wait3A_351, %dma_wait3A_352] : memref<64x128xf32, #tpu.memory_space<vmem>> -> memref<48x128xf32, #tpu.memory_space<vmem>>
    tpu.wait_dma2 semaphore(%arg21 : memref<!tpu.dma_semaphore, #tpu.memory_space<semaphore_mem>>) src(%dma_wait3A_353 : memref<48x128xf32, #tpu.memory_space<vmem>>) dst(%dma_wait3A_350 : memref<48x128xf32, #tpu.memory_space<vmem_shared>>)
    %mul3A_354 = arith.constant 624 : i32
    %mul3A_355 = arith.muli %arg1, %mul3A_354 : i32
    %add3A_356 = arith.constant 528 : i32
    %add3A_357 = arith.addi %mul3A_355, %add3A_356 : i32
    %dma_wait3A_358 = arith.constant 0 : i32
    %dma_wait3A_359 = arith.constant 0 : i32
    %dma_wait3A_360 = tpu.memref_slice %arg8[%dma_wait3A_358, %dma_wait3A_359] : memref<64x128xf32, #tpu.memory_space<vmem>> -> memref<48x128xf32, #tpu.memory_space<vmem>>
    %dma_wait3A_361 = arith.constant 0 : i32
    %dma_wait3A_362 = tpu.memref_slice %arg20[%add3A_357, %dma_wait3A_361] : memref<10064x128xf32, #tpu.memory_space<vmem_shared>> -> memref<48x128xf32, #tpu.memory_space<vmem_shared>>
    %dma_wait3A_363 = arith.constant 0 : i32
    %dma_wait3A_364 = tpu.memref_slice %arg20[%add3A_357, %dma_wait3A_363] : memref<10064x128xf32, #tpu.memory_space<vmem_shared>> -> memref<48x128xf32, #tpu.memory_space<vmem_shared>>
    %dma_wait3A_365 = arith.constant 0 : i32
    %dma_wait3A_366 = arith.constant 0 : i32
    %dma_wait3A_367 = tpu.memref_slice %arg8[%dma_wait3A_365, %dma_wait3A_366] : memref<64x128xf32, #tpu.memory_space<vmem>> -> memref<48x128xf32, #tpu.memory_space<vmem>>
    tpu.wait_dma2 semaphore(%arg21 : memref<!tpu.dma_semaphore, #tpu.memory_space<semaphore_mem>>) src(%dma_wait3A_367 : memref<48x128xf32, #tpu.memory_space<vmem>>) dst(%dma_wait3A_364 : memref<48x128xf32, #tpu.memory_space<vmem_shared>>)
    %mul3A_368 = arith.constant 624 : i32
    %mul3A_369 = arith.muli %arg1, %mul3A_368 : i32
    %add3A_370 = arith.constant 576 : i32
    %add3A_371 = arith.addi %mul3A_369, %add3A_370 : i32
    %dma_wait3A_372 = arith.constant 0 : i32
    %dma_wait3A_373 = arith.constant 0 : i32
    %dma_wait3A_374 = tpu.memref_slice %arg8[%dma_wait3A_372, %dma_wait3A_373] : memref<64x128xf32, #tpu.memory_space<vmem>> -> memref<48x128xf32, #tpu.memory_space<vmem>>
    %dma_wait3A_375 = arith.constant 0 : i32
    %dma_wait3A_376 = tpu.memref_slice %arg20[%add3A_371, %dma_wait3A_375] : memref<10064x128xf32, #tpu.memory_space<vmem_shared>> -> memref<48x128xf32, #tpu.memory_space<vmem_shared>>
    %dma_wait3A_377 = arith.constant 0 : i32
    %dma_wait3A_378 = tpu.memref_slice %arg20[%add3A_371, %dma_wait3A_377] : memref<10064x128xf32, #tpu.memory_space<vmem_shared>> -> memref<48x128xf32, #tpu.memory_space<vmem_shared>>
    %dma_wait3A_379 = arith.constant 0 : i32
    %dma_wait3A_380 = arith.constant 0 : i32
    %dma_wait3A_381 = tpu.memref_slice %arg8[%dma_wait3A_379, %dma_wait3A_380] : memref<64x128xf32, #tpu.memory_space<vmem>> -> memref<48x128xf32, #tpu.memory_space<vmem>>
    tpu.wait_dma2 semaphore(%arg21 : memref<!tpu.dma_semaphore, #tpu.memory_space<semaphore_mem>>) src(%dma_wait3A_381 : memref<48x128xf32, #tpu.memory_space<vmem>>) dst(%dma_wait3A_378 : memref<48x128xf32, #tpu.memory_space<vmem_shared>>)
    %eq3A = arith.constant 0 : i32
    %eq3A_382 = arith.cmpi eq, %arg1, %eq3A : i32
    %convert_element_type3A = arith.extui %eq3A_382 : i1 to i32
    %cond3A = arith.constant 0 : i32
    %cond3A_383 = arith.cmpi ne, %convert_element_type3A, %cond3A : i32
    scf.if %cond3A_383 {
      "tpu.region"() ({
        %run_scoped3A = tpu.sem_alloc : memref<!tpu.dma_semaphore, #tpu.memory_space<semaphore_mem>>
        %dma_start3A_427 = arith.constant 0 : i32
        %dma_start3A_428 = arith.constant 0 : i32
        %dma_start3A_429 = tpu.memref_slice %arg8[%dma_start3A_427, %dma_start3A_428] : memref<64x128xf32, #tpu.memory_space<vmem>> -> memref<24x128xf32, #tpu.memory_space<vmem>>
        %dma_start3A_430 = arith.constant 9984 : i32
        %dma_start3A_431 = arith.constant 0 : i32
        %dma_start3A_432 = tpu.memref_slice %arg20[%dma_start3A_430, %dma_start3A_431] : memref<10064x128xf32, #tpu.memory_space<vmem_shared>> -> memref<24x128xf32, #tpu.memory_space<vmem_shared>>
        %dma_start3A_433 = arith.constant 9984 : i32
        %dma_start3A_434 = arith.constant 0 : i32
        %dma_start3A_435 = tpu.memref_slice %arg20[%dma_start3A_433, %dma_start3A_434] : memref<10064x128xf32, #tpu.memory_space<vmem_shared>> -> memref<24x128xf32, #tpu.memory_space<vmem_shared>>
        %dma_start3A_436 = arith.constant 0 : i32
        %dma_start3A_437 = arith.constant 0 : i32
        %dma_start3A_438 = tpu.memref_slice %arg8[%dma_start3A_436, %dma_start3A_437] : memref<64x128xf32, #tpu.memory_space<vmem>> -> memref<24x128xf32, #tpu.memory_space<vmem>>
        tpu.enqueue_dma source(%dma_start3A_438 : memref<24x128xf32, #tpu.memory_space<vmem>>) target(%dma_start3A_435 : memref<24x128xf32, #tpu.memory_space<vmem_shared>>) target_semaphore(%run_scoped3A : memref<!tpu.dma_semaphore, #tpu.memory_space<semaphore_mem>>)
        %dma_wait3A_439 = arith.constant 0 : i32
        %dma_wait3A_440 = arith.constant 0 : i32
        %dma_wait3A_441 = tpu.memref_slice %arg8[%dma_wait3A_439, %dma_wait3A_440] : memref<64x128xf32, #tpu.memory_space<vmem>> -> memref<24x128xf32, #tpu.memory_space<vmem>>
        %dma_wait3A_442 = arith.constant 9984 : i32
        %dma_wait3A_443 = arith.constant 0 : i32
        %dma_wait3A_444 = tpu.memref_slice %arg20[%dma_wait3A_442, %dma_wait3A_443] : memref<10064x128xf32, #tpu.memory_space<vmem_shared>> -> memref<24x128xf32, #tpu.memory_space<vmem_shared>>
        %dma_wait3A_445 = arith.constant 9984 : i32
        %dma_wait3A_446 = arith.constant 0 : i32
        %dma_wait3A_447 = tpu.memref_slice %arg20[%dma_wait3A_445, %dma_wait3A_446] : memref<10064x128xf32, #tpu.memory_space<vmem_shared>> -> memref<24x128xf32, #tpu.memory_space<vmem_shared>>
        %dma_wait3A_448 = arith.constant 0 : i32
        %dma_wait3A_449 = arith.constant 0 : i32
        %dma_wait3A_450 = tpu.memref_slice %arg8[%dma_wait3A_448, %dma_wait3A_449] : memref<64x128xf32, #tpu.memory_space<vmem>> -> memref<24x128xf32, #tpu.memory_space<vmem>>
        tpu.wait_dma2 semaphore(%run_scoped3A : memref<!tpu.dma_semaphore, #tpu.memory_space<semaphore_mem>>) src(%dma_wait3A_450 : memref<24x128xf32, #tpu.memory_space<vmem>>) dst(%dma_wait3A_447 : memref<24x128xf32, #tpu.memory_space<vmem_shared>>)
        tpu.yield
      }) : () -> ()
    } else {
    }
    %barrier3A = arith.constant 0 : index
    tpu.barrier barrier_id(%barrier3A)
    %dma_start3A_384 = arith.constant 0 : i32
    %dma_start3A_385 = arith.constant 0 : i32
    %dma_start3A_386 = tpu.memref_slice %arg6[%dma_start3A_384, %dma_start3A_385] : memref<80x64xi32, #tpu.memory_space<vmem>> -> memref<1x64xi32, #tpu.memory_space<vmem>>
    %dma_start3A_387 = tpu.memref_squeeze %dma_start3A_386 : memref<1x64xi32, #tpu.memory_space<vmem>> -> memref<64xi32, #tpu.memory_space<vmem>>
    %dma_start3A_388 = arith.constant 0 : i32
    %dma_start3A_389 = arith.constant 0 : i32
    %dma_start3A_390 = tpu.memref_slice %arg2[%dma_start3A_388, %dma_start3A_389] : memref<10000x128xf32, #tpu.memory_space<hbm>> -> memref<10000x128xf32, #tpu.memory_space<hbm>>
    tpu.enqueue_indirect_dma source(%dma_start3A_390 : memref<10000x128xf32, #tpu.memory_space<hbm>>) target(%arg8 : memref<64x128xf32, #tpu.memory_space<vmem>>) offsets(%dma_start3A_387 : memref<64xi32, #tpu.memory_space<vmem>>) semaphore(%arg12 : memref<!tpu.dma_semaphore, #tpu.memory_space<semaphore_mem>>)
    %dma_start3A_391 = arith.constant 1 : i32
    %dma_start3A_392 = arith.constant 0 : i32
    %dma_start3A_393 = tpu.memref_slice %arg6[%dma_start3A_391, %dma_start3A_392] : memref<80x64xi32, #tpu.memory_space<vmem>> -> memref<1x64xi32, #tpu.memory_space<vmem>>
    %dma_start3A_394 = tpu.memref_squeeze %dma_start3A_393 : memref<1x64xi32, #tpu.memory_space<vmem>> -> memref<64xi32, #tpu.memory_space<vmem>>
    %dma_start3A_395 = arith.constant 0 : i32
    %dma_start3A_396 = arith.constant 0 : i32
    %dma_start3A_397 = tpu.memref_slice %arg2[%dma_start3A_395, %dma_start3A_396] : memref<10000x128xf32, #tpu.memory_space<hbm>> -> memref<10000x128xf32, #tpu.memory_space<hbm>>
    tpu.enqueue_indirect_dma source(%dma_start3A_397 : memref<10000x128xf32, #tpu.memory_space<hbm>>) target(%arg9 : memref<64x128xf32, #tpu.memory_space<vmem>>) offsets(%dma_start3A_394 : memref<64xi32, #tpu.memory_space<vmem>>) semaphore(%arg13 : memref<!tpu.dma_semaphore, #tpu.memory_space<semaphore_mem>>)
    %scan3A_398 = arith.constant 0 : i32
    %scan3A_399 = arith.constant 20 : i32
    %scan3A_400 = arith.addi %scan3A_398, %scan3A_399 : i32
    %scan3A_401 = arith.constant 1 : i32
    scf.for %scan3A_427 = %scan3A_398 to %scan3A_400 step %scan3A_401  : i32 {
      %mul3A_428 = arith.constant 4 : i32
      %mul3A_429 = arith.muli %mul3A_428, %scan3A_427 : i32
      %add3A_430 = arith.constant 0 : i32
      %add3A_431 = arith.addi %mul3A_429, %add3A_430 : i32
      %ge3A = arith.constant 2 : i32
      %ge3A_432 = arith.cmpi sge, %add3A_431, %ge3A : i32
      %convert_element_type3A_433 = arith.extui %ge3A_432 : i1 to i32
      %cond3A_434 = arith.constant 0 : i32
      %cond3A_435 = arith.cmpi ne, %convert_element_type3A_433, %cond3A_434 : i32
      scf.if %cond3A_435 {
        %sub3A = arith.constant 2 : i32
        %sub3A_538 = arith.subi %add3A_431, %sub3A : i32
        %dma_wait3A_539 = arith.constant 0 : i32
        %dma_wait3A_540 = tpu.memref_slice %arg7[%sub3A_538, %dma_wait3A_539] : memref<80x64xi32, #tpu.memory_space<vmem>> -> memref<1x64xi32, #tpu.memory_space<vmem>>
        %dma_wait3A_541 = tpu.memref_squeeze %dma_wait3A_540 : memref<1x64xi32, #tpu.memory_space<vmem>> -> memref<64xi32, #tpu.memory_space<vmem>>
        %dma_wait3A_542 = arith.constant 0 : i32
        %dma_wait3A_543 = arith.constant 0 : i32
        %dma_wait3A_544 = tpu.memref_slice %arg20[%dma_wait3A_542, %dma_wait3A_543] : memref<10064x128xf32, #tpu.memory_space<vmem_shared>> -> memref<10064x128xf32, #tpu.memory_space<vmem_shared>>
        tpu.wait_indirect_dma semaphore(%arg18 : memref<!tpu.dma_semaphore, #tpu.memory_space<semaphore_mem>>) src(%arg10 : memref<64x128xf32, #tpu.memory_space<vmem>>) dst(%dma_wait3A_544 : memref<10064x128xf32, #tpu.memory_space<vmem_shared>>)
      } else {
      }
      %add3A_436 = arith.constant 2 : i32
      %add3A_437 = arith.addi %add3A_431, %add3A_436 : i32
      %lt3A = arith.constant 80 : i32
      %lt3A_438 = arith.cmpi slt, %add3A_437, %lt3A : i32
      %convert_element_type3A_439 = arith.extui %lt3A_438 : i1 to i32
      %cond3A_440 = arith.constant 0 : i32
      %cond3A_441 = arith.cmpi ne, %convert_element_type3A_439, %cond3A_440 : i32
      scf.if %cond3A_441 {
        %add3A_538 = arith.constant 2 : i32
        %add3A_539 = arith.addi %add3A_431, %add3A_538 : i32
        %dma_start3A_540 = arith.constant 0 : i32
        %dma_start3A_541 = tpu.memref_slice %arg6[%add3A_539, %dma_start3A_540] : memref<80x64xi32, #tpu.memory_space<vmem>> -> memref<1x64xi32, #tpu.memory_space<vmem>>
        %dma_start3A_542 = tpu.memref_squeeze %dma_start3A_541 : memref<1x64xi32, #tpu.memory_space<vmem>> -> memref<64xi32, #tpu.memory_space<vmem>>
        %dma_start3A_543 = arith.constant 0 : i32
        %dma_start3A_544 = arith.constant 0 : i32
        %dma_start3A_545 = tpu.memref_slice %arg2[%dma_start3A_543, %dma_start3A_544] : memref<10000x128xf32, #tpu.memory_space<hbm>> -> memref<10000x128xf32, #tpu.memory_space<hbm>>
        tpu.enqueue_indirect_dma source(%dma_start3A_545 : memref<10000x128xf32, #tpu.memory_space<hbm>>) target(%arg10 : memref<64x128xf32, #tpu.memory_space<vmem>>) offsets(%dma_start3A_542 : memref<64xi32, #tpu.memory_space<vmem>>) semaphore(%arg14 : memref<!tpu.dma_semaphore, #tpu.memory_space<semaphore_mem>>)
      } else {
      }
      %dma_wait3A_442 = arith.constant 0 : i32
      %dma_wait3A_443 = tpu.memref_slice %arg6[%add3A_431, %dma_wait3A_442] : memref<80x64xi32, #tpu.memory_space<vmem>> -> memref<1x64xi32, #tpu.memory_space<vmem>>
      %dma_wait3A_444 = tpu.memref_squeeze %dma_wait3A_443 : memref<1x64xi32, #tpu.memory_space<vmem>> -> memref<64xi32, #tpu.memory_space<vmem>>
      %dma_wait3A_445 = arith.constant 0 : i32
      %dma_wait3A_446 = arith.constant 0 : i32
      %dma_wait3A_447 = tpu.memref_slice %arg2[%dma_wait3A_445, %dma_wait3A_446] : memref<10000x128xf32, #tpu.memory_space<hbm>> -> memref<10000x128xf32, #tpu.memory_space<hbm>>
      tpu.wait_indirect_dma semaphore(%arg12 : memref<!tpu.dma_semaphore, #tpu.memory_space<semaphore_mem>>) src(%dma_wait3A_447 : memref<10000x128xf32, #tpu.memory_space<hbm>>) dst(%arg8 : memref<64x128xf32, #tpu.memory_space<vmem>>)
      %dma_start3A_448 = arith.constant 0 : i32
      %dma_start3A_449 = tpu.memref_slice %arg7[%add3A_431, %dma_start3A_448] : memref<80x64xi32, #tpu.memory_space<vmem>> -> memref<1x64xi32, #tpu.memory_space<vmem>>
      %dma_start3A_450 = tpu.memref_squeeze %dma_start3A_449 : memref<1x64xi32, #tpu.memory_space<vmem>> -> memref<64xi32, #tpu.memory_space<vmem>>
      %dma_start3A_451 = arith.constant 0 : i32
      %dma_start3A_452 = arith.constant 0 : i32
      %dma_start3A_453 = tpu.memref_slice %arg20[%dma_start3A_451, %dma_start3A_452] : memref<10064x128xf32, #tpu.memory_space<vmem_shared>> -> memref<10064x128xf32, #tpu.memory_space<vmem_shared>>
      tpu.enqueue_indirect_dma source(%arg8 : memref<64x128xf32, #tpu.memory_space<vmem>>) target(%dma_start3A_453 : memref<10064x128xf32, #tpu.memory_space<vmem_shared>>) offsets(%dma_start3A_450 : memref<64xi32, #tpu.memory_space<vmem>>) semaphore(%arg16 : memref<!tpu.dma_semaphore, #tpu.memory_space<semaphore_mem>>) {add = true}
      %mul3A_454 = arith.constant 4 : i32
      %mul3A_455 = arith.muli %mul3A_454, %scan3A_427 : i32
      %add3A_456 = arith.constant 1 : i32
      %add3A_457 = arith.addi %mul3A_455, %add3A_456 : i32
      %ge3A_458 = arith.constant 2 : i32
      %ge3A_459 = arith.cmpi sge, %add3A_457, %ge3A_458 : i32
      %convert_element_type3A_460 = arith.extui %ge3A_459 : i1 to i32
      %cond3A_461 = arith.constant 0 : i32
      %cond3A_462 = arith.cmpi ne, %convert_element_type3A_460, %cond3A_461 : i32
      scf.if %cond3A_462 {
        %sub3A = arith.constant 2 : i32
        %sub3A_538 = arith.subi %add3A_457, %sub3A : i32
        %dma_wait3A_539 = arith.constant 0 : i32
        %dma_wait3A_540 = tpu.memref_slice %arg7[%sub3A_538, %dma_wait3A_539] : memref<80x64xi32, #tpu.memory_space<vmem>> -> memref<1x64xi32, #tpu.memory_space<vmem>>
        %dma_wait3A_541 = tpu.memref_squeeze %dma_wait3A_540 : memref<1x64xi32, #tpu.memory_space<vmem>> -> memref<64xi32, #tpu.memory_space<vmem>>
        %dma_wait3A_542 = arith.constant 0 : i32
        %dma_wait3A_543 = arith.constant 0 : i32
        %dma_wait3A_544 = tpu.memref_slice %arg20[%dma_wait3A_542, %dma_wait3A_543] : memref<10064x128xf32, #tpu.memory_space<vmem_shared>> -> memref<10064x128xf32, #tpu.memory_space<vmem_shared>>
        tpu.wait_indirect_dma semaphore(%arg19 : memref<!tpu.dma_semaphore, #tpu.memory_space<semaphore_mem>>) src(%arg11 : memref<64x128xf32, #tpu.memory_space<vmem>>) dst(%dma_wait3A_544 : memref<10064x128xf32, #tpu.memory_space<vmem_shared>>)
      } else {
      }
      %add3A_463 = arith.constant 2 : i32
      %add3A_464 = arith.addi %add3A_457, %add3A_463 : i32
      %lt3A_465 = arith.constant 80 : i32
      %lt3A_466 = arith.cmpi slt, %add3A_464, %lt3A_465 : i32
      %convert_element_type3A_467 = arith.extui %lt3A_466 : i1 to i32
      %cond3A_468 = arith.constant 0 : i32
      %cond3A_469 = arith.cmpi ne, %convert_element_type3A_467, %cond3A_468 : i32
      scf.if %cond3A_469 {
        %add3A_538 = arith.constant 2 : i32
        %add3A_539 = arith.addi %add3A_457, %add3A_538 : i32
        %dma_start3A_540 = arith.constant 0 : i32
        %dma_start3A_541 = tpu.memref_slice %arg6[%add3A_539, %dma_start3A_540] : memref<80x64xi32, #tpu.memory_space<vmem>> -> memref<1x64xi32, #tpu.memory_space<vmem>>
        %dma_start3A_542 = tpu.memref_squeeze %dma_start3A_541 : memref<1x64xi32, #tpu.memory_space<vmem>> -> memref<64xi32, #tpu.memory_space<vmem>>
        %dma_start3A_543 = arith.constant 0 : i32
        %dma_start3A_544 = arith.constant 0 : i32
        %dma_start3A_545 = tpu.memref_slice %arg2[%dma_start3A_543, %dma_start3A_544] : memref<10000x128xf32, #tpu.memory_space<hbm>> -> memref<10000x128xf32, #tpu.memory_space<hbm>>
        tpu.enqueue_indirect_dma source(%dma_start3A_545 : memref<10000x128xf32, #tpu.memory_space<hbm>>) target(%arg11 : memref<64x128xf32, #tpu.memory_space<vmem>>) offsets(%dma_start3A_542 : memref<64xi32, #tpu.memory_space<vmem>>) semaphore(%arg15 : memref<!tpu.dma_semaphore, #tpu.memory_space<semaphore_mem>>)
      } else {
      }
      %dma_wait3A_470 = arith.constant 0 : i32
      %dma_wait3A_471 = tpu.memref_slice %arg6[%add3A_457, %dma_wait3A_470] : memref<80x64xi32, #tpu.memory_space<vmem>> -> memref<1x64xi32, #tpu.memory_space<vmem>>
      %dma_wait3A_472 = tpu.memref_squeeze %dma_wait3A_471 : memref<1x64xi32, #tpu.memory_space<vmem>> -> memref<64xi32, #tpu.memory_space<vmem>>
      %dma_wait3A_473 = arith.constant 0 : i32
      %dma_wait3A_474 = arith.constant 0 : i32
      %dma_wait3A_475 = tpu.memref_slice %arg2[%dma_wait3A_473, %dma_wait3A_474] : memref<10000x128xf32, #tpu.memory_space<hbm>> -> memref<10000x128xf32, #tpu.memory_space<hbm>>
      tpu.wait_indirect_dma semaphore(%arg13 : memref<!tpu.dma_semaphore, #tpu.memory_space<semaphore_mem>>) src(%dma_wait3A_475 : memref<10000x128xf32, #tpu.memory_space<hbm>>) dst(%arg9 : memref<64x128xf32, #tpu.memory_space<vmem>>)
      %dma_start3A_476 = arith.constant 0 : i32
      %dma_start3A_477 = tpu.memref_slice %arg7[%add3A_457, %dma_start3A_476] : memref<80x64xi32, #tpu.memory_space<vmem>> -> memref<1x64xi32, #tpu.memory_space<vmem>>
      %dma_start3A_478 = tpu.memref_squeeze %dma_start3A_477 : memref<1x64xi32, #tpu.memory_space<vmem>> -> memref<64xi32, #tpu.memory_space<vmem>>
      %dma_start3A_479 = arith.constant 0 : i32
      %dma_start3A_480 = arith.constant 0 : i32
      %dma_start3A_481 = tpu.memref_slice %arg20[%dma_start3A_479, %dma_start3A_480] : memref<10064x128xf32, #tpu.memory_space<vmem_shared>> -> memref<10064x128xf32, #tpu.memory_space<vmem_shared>>
      tpu.enqueue_indirect_dma source(%arg9 : memref<64x128xf32, #tpu.memory_space<vmem>>) target(%dma_start3A_481 : memref<10064x128xf32, #tpu.memory_space<vmem_shared>>) offsets(%dma_start3A_478 : memref<64xi32, #tpu.memory_space<vmem>>) semaphore(%arg17 : memref<!tpu.dma_semaphore, #tpu.memory_space<semaphore_mem>>) {add = true}
      %mul3A_482 = arith.constant 4 : i32
      %mul3A_483 = arith.muli %mul3A_482, %scan3A_427 : i32
      %add3A_484 = arith.constant 2 : i32
      %add3A_485 = arith.addi %mul3A_483, %add3A_484 : i32
      %ge3A_486 = arith.constant 2 : i32
      %ge3A_487 = arith.cmpi sge, %add3A_485, %ge3A_486 : i32
      %convert_element_type3A_488 = arith.extui %ge3A_487 : i1 to i32
      %cond3A_489 = arith.constant 0 : i32
      %cond3A_490 = arith.cmpi ne, %convert_element_type3A_488, %cond3A_489 : i32
      scf.if %cond3A_490 {
        %sub3A = arith.constant 2 : i32
        %sub3A_538 = arith.subi %add3A_485, %sub3A : i32
        %dma_wait3A_539 = arith.constant 0 : i32
        %dma_wait3A_540 = tpu.memref_slice %arg7[%sub3A_538, %dma_wait3A_539] : memref<80x64xi32, #tpu.memory_space<vmem>> -> memref<1x64xi32, #tpu.memory_space<vmem>>
        %dma_wait3A_541 = tpu.memref_squeeze %dma_wait3A_540 : memref<1x64xi32, #tpu.memory_space<vmem>> -> memref<64xi32, #tpu.memory_space<vmem>>
        %dma_wait3A_542 = arith.constant 0 : i32
        %dma_wait3A_543 = arith.constant 0 : i32
        %dma_wait3A_544 = tpu.memref_slice %arg20[%dma_wait3A_542, %dma_wait3A_543] : memref<10064x128xf32, #tpu.memory_space<vmem_shared>> -> memref<10064x128xf32, #tpu.memory_space<vmem_shared>>
        tpu.wait_indirect_dma semaphore(%arg16 : memref<!tpu.dma_semaphore, #tpu.memory_space<semaphore_mem>>) src(%arg8 : memref<64x128xf32, #tpu.memory_space<vmem>>) dst(%dma_wait3A_544 : memref<10064x128xf32, #tpu.memory_space<vmem_shared>>)
      } else {
      }
      %add3A_491 = arith.constant 2 : i32
      %add3A_492 = arith.addi %add3A_485, %add3A_491 : i32
      %lt3A_493 = arith.constant 80 : i32
      %lt3A_494 = arith.cmpi slt, %add3A_492, %lt3A_493 : i32
      %convert_element_type3A_495 = arith.extui %lt3A_494 : i1 to i32
      %cond3A_496 = arith.constant 0 : i32
      %cond3A_497 = arith.cmpi ne, %convert_element_type3A_495, %cond3A_496 : i32
      scf.if %cond3A_497 {
        %add3A_538 = arith.constant 2 : i32
        %add3A_539 = arith.addi %add3A_485, %add3A_538 : i32
        %dma_start3A_540 = arith.constant 0 : i32
        %dma_start3A_541 = tpu.memref_slice %arg6[%add3A_539, %dma_start3A_540] : memref<80x64xi32, #tpu.memory_space<vmem>> -> memref<1x64xi32, #tpu.memory_space<vmem>>
        %dma_start3A_542 = tpu.memref_squeeze %dma_start3A_541 : memref<1x64xi32, #tpu.memory_space<vmem>> -> memref<64xi32, #tpu.memory_space<vmem>>
        %dma_start3A_543 = arith.constant 0 : i32
        %dma_start3A_544 = arith.constant 0 : i32
        %dma_start3A_545 = tpu.memref_slice %arg2[%dma_start3A_543, %dma_start3A_544] : memref<10000x128xf32, #tpu.memory_space<hbm>> -> memref<10000x128xf32, #tpu.memory_space<hbm>>
        tpu.enqueue_indirect_dma source(%dma_start3A_545 : memref<10000x128xf32, #tpu.memory_space<hbm>>) target(%arg8 : memref<64x128xf32, #tpu.memory_space<vmem>>) offsets(%dma_start3A_542 : memref<64xi32, #tpu.memory_space<vmem>>) semaphore(%arg12 : memref<!tpu.dma_semaphore, #tpu.memory_space<semaphore_mem>>)
      } else {
      }
      %dma_wait3A_498 = arith.constant 0 : i32
      %dma_wait3A_499 = tpu.memref_slice %arg6[%add3A_485, %dma_wait3A_498] : memref<80x64xi32, #tpu.memory_space<vmem>> -> memref<1x64xi32, #tpu.memory_space<vmem>>
      %dma_wait3A_500 = tpu.memref_squeeze %dma_wait3A_499 : memref<1x64xi32, #tpu.memory_space<vmem>> -> memref<64xi32, #tpu.memory_space<vmem>>
      %dma_wait3A_501 = arith.constant 0 : i32
      %dma_wait3A_502 = arith.constant 0 : i32
      %dma_wait3A_503 = tpu.memref_slice %arg2[%dma_wait3A_501, %dma_wait3A_502] : memref<10000x128xf32, #tpu.memory_space<hbm>> -> memref<10000x128xf32, #tpu.memory_space<hbm>>
      tpu.wait_indirect_dma semaphore(%arg14 : memref<!tpu.dma_semaphore, #tpu.memory_space<semaphore_mem>>) src(%dma_wait3A_503 : memref<10000x128xf32, #tpu.memory_space<hbm>>) dst(%arg10 : memref<64x128xf32, #tpu.memory_space<vmem>>)
      %dma_start3A_504 = arith.constant 0 : i32
      %dma_start3A_505 = tpu.memref_slice %arg7[%add3A_485, %dma_start3A_504] : memref<80x64xi32, #tpu.memory_space<vmem>> -> memref<1x64xi32, #tpu.memory_space<vmem>>
      %dma_start3A_506 = tpu.memref_squeeze %dma_start3A_505 : memref<1x64xi32, #tpu.memory_space<vmem>> -> memref<64xi32, #tpu.memory_space<vmem>>
      %dma_start3A_507 = arith.constant 0 : i32
      %dma_start3A_508 = arith.constant 0 : i32
      %dma_start3A_509 = tpu.memref_slice %arg20[%dma_start3A_507, %dma_start3A_508] : memref<10064x128xf32, #tpu.memory_space<vmem_shared>> -> memref<10064x128xf32, #tpu.memory_space<vmem_shared>>
      tpu.enqueue_indirect_dma source(%arg10 : memref<64x128xf32, #tpu.memory_space<vmem>>) target(%dma_start3A_509 : memref<10064x128xf32, #tpu.memory_space<vmem_shared>>) offsets(%dma_start3A_506 : memref<64xi32, #tpu.memory_space<vmem>>) semaphore(%arg18 : memref<!tpu.dma_semaphore, #tpu.memory_space<semaphore_mem>>) {add = true}
      %mul3A_510 = arith.constant 4 : i32
      %mul3A_511 = arith.muli %mul3A_510, %scan3A_427 : i32
      %add3A_512 = arith.constant 3 : i32
      %add3A_513 = arith.addi %mul3A_511, %add3A_512 : i32
      %ge3A_514 = arith.constant 2 : i32
      %ge3A_515 = arith.cmpi sge, %add3A_513, %ge3A_514 : i32
      %convert_element_type3A_516 = arith.extui %ge3A_515 : i1 to i32
      %cond3A_517 = arith.constant 0 : i32
      %cond3A_518 = arith.cmpi ne, %convert_element_type3A_516, %cond3A_517 : i32
      scf.if %cond3A_518 {
        %sub3A = arith.constant 2 : i32
        %sub3A_538 = arith.subi %add3A_513, %sub3A : i32
        %dma_wait3A_539 = arith.constant 0 : i32
        %dma_wait3A_540 = tpu.memref_slice %arg7[%sub3A_538, %dma_wait3A_539] : memref<80x64xi32, #tpu.memory_space<vmem>> -> memref<1x64xi32, #tpu.memory_space<vmem>>
        %dma_wait3A_541 = tpu.memref_squeeze %dma_wait3A_540 : memref<1x64xi32, #tpu.memory_space<vmem>> -> memref<64xi32, #tpu.memory_space<vmem>>
        %dma_wait3A_542 = arith.constant 0 : i32
        %dma_wait3A_543 = arith.constant 0 : i32
        %dma_wait3A_544 = tpu.memref_slice %arg20[%dma_wait3A_542, %dma_wait3A_543] : memref<10064x128xf32, #tpu.memory_space<vmem_shared>> -> memref<10064x128xf32, #tpu.memory_space<vmem_shared>>
        tpu.wait_indirect_dma semaphore(%arg17 : memref<!tpu.dma_semaphore, #tpu.memory_space<semaphore_mem>>) src(%arg9 : memref<64x128xf32, #tpu.memory_space<vmem>>) dst(%dma_wait3A_544 : memref<10064x128xf32, #tpu.memory_space<vmem_shared>>)
      } else {
      }
      %add3A_519 = arith.constant 2 : i32
      %add3A_520 = arith.addi %add3A_513, %add3A_519 : i32
      %lt3A_521 = arith.constant 80 : i32
      %lt3A_522 = arith.cmpi slt, %add3A_520, %lt3A_521 : i32
      %convert_element_type3A_523 = arith.extui %lt3A_522 : i1 to i32
      %cond3A_524 = arith.constant 0 : i32
      %cond3A_525 = arith.cmpi ne, %convert_element_type3A_523, %cond3A_524 : i32
      scf.if %cond3A_525 {
        %add3A_538 = arith.constant 2 : i32
        %add3A_539 = arith.addi %add3A_513, %add3A_538 : i32
        %dma_start3A_540 = arith.constant 0 : i32
        %dma_start3A_541 = tpu.memref_slice %arg6[%add3A_539, %dma_start3A_540] : memref<80x64xi32, #tpu.memory_space<vmem>> -> memref<1x64xi32, #tpu.memory_space<vmem>>
        %dma_start3A_542 = tpu.memref_squeeze %dma_start3A_541 : memref<1x64xi32, #tpu.memory_space<vmem>> -> memref<64xi32, #tpu.memory_space<vmem>>
        %dma_start3A_543 = arith.constant 0 : i32
        %dma_start3A_544 = arith.constant 0 : i32
        %dma_start3A_545 = tpu.memref_slice %arg2[%dma_start3A_543, %dma_start3A_544] : memref<10000x128xf32, #tpu.memory_space<hbm>> -> memref<10000x128xf32, #tpu.memory_space<hbm>>
        tpu.enqueue_indirect_dma source(%dma_start3A_545 : memref<10000x128xf32, #tpu.memory_space<hbm>>) target(%arg9 : memref<64x128xf32, #tpu.memory_space<vmem>>) offsets(%dma_start3A_542 : memref<64xi32, #tpu.memory_space<vmem>>) semaphore(%arg13 : memref<!tpu.dma_semaphore, #tpu.memory_space<semaphore_mem>>)
      } else {
      }
      %dma_wait3A_526 = arith.constant 0 : i32
      %dma_wait3A_527 = tpu.memref_slice %arg6[%add3A_513, %dma_wait3A_526] : memref<80x64xi32, #tpu.memory_space<vmem>> -> memref<1x64xi32, #tpu.memory_space<vmem>>
      %dma_wait3A_528 = tpu.memref_squeeze %dma_wait3A_527 : memref<1x64xi32, #tpu.memory_space<vmem>> -> memref<64xi32, #tpu.memory_space<vmem>>
      %dma_wait3A_529 = arith.constant 0 : i32
      %dma_wait3A_530 = arith.constant 0 : i32
      %dma_wait3A_531 = tpu.memref_slice %arg2[%dma_wait3A_529, %dma_wait3A_530] : memref<10000x128xf32, #tpu.memory_space<hbm>> -> memref<10000x128xf32, #tpu.memory_space<hbm>>
      tpu.wait_indirect_dma semaphore(%arg15 : memref<!tpu.dma_semaphore, #tpu.memory_space<semaphore_mem>>) src(%dma_wait3A_531 : memref<10000x128xf32, #tpu.memory_space<hbm>>) dst(%arg11 : memref<64x128xf32, #tpu.memory_space<vmem>>)
      %dma_start3A_532 = arith.constant 0 : i32
      %dma_start3A_533 = tpu.memref_slice %arg7[%add3A_513, %dma_start3A_532] : memref<80x64xi32, #tpu.memory_space<vmem>> -> memref<1x64xi32, #tpu.memory_space<vmem>>
      %dma_start3A_534 = tpu.memref_squeeze %dma_start3A_533 : memref<1x64xi32, #tpu.memory_space<vmem>> -> memref<64xi32, #tpu.memory_space<vmem>>
      %dma_start3A_535 = arith.constant 0 : i32
      %dma_start3A_536 = arith.constant 0 : i32
      %dma_start3A_537 = tpu.memref_slice %arg20[%dma_start3A_535, %dma_start3A_536] : memref<10064x128xf32, #tpu.memory_space<vmem_shared>> -> memref<10064x128xf32, #tpu.memory_space<vmem_shared>>
      tpu.enqueue_indirect_dma source(%arg11 : memref<64x128xf32, #tpu.memory_space<vmem>>) target(%dma_start3A_537 : memref<10064x128xf32, #tpu.memory_space<vmem_shared>>) offsets(%dma_start3A_534 : memref<64xi32, #tpu.memory_space<vmem>>) semaphore(%arg19 : memref<!tpu.dma_semaphore, #tpu.memory_space<semaphore_mem>>) {add = true}
    }
    %scan3A_402 = arith.constant 20 : i32
    %dma_wait3A_403 = arith.constant 78 : i32
    %dma_wait3A_404 = arith.constant 0 : i32
    %dma_wait3A_405 = tpu.memref_slice %arg7[%dma_wait3A_403, %dma_wait3A_404] : memref<80x64xi32, #tpu.memory_space<vmem>> -> memref<1x64xi32, #tpu.memory_space<vmem>>
    %dma_wait3A_406 = tpu.memref_squeeze %dma_wait3A_405 : memref<1x64xi32, #tpu.memory_space<vmem>> -> memref<64xi32, #tpu.memory_space<vmem>>
    %dma_wait3A_407 = arith.constant 0 : i32
    %dma_wait3A_408 = arith.constant 0 : i32
    %dma_wait3A_409 = tpu.memref_slice %arg20[%dma_wait3A_407, %dma_wait3A_408] : memref<10064x128xf32, #tpu.memory_space<vmem_shared>> -> memref<10064x128xf32, #tpu.memory_space<vmem_shared>>
    tpu.wait_indirect_dma semaphore(%arg18 : memref<!tpu.dma_semaphore, #tpu.memory_space<semaphore_mem>>) src(%arg10 : memref<64x128xf32, #tpu.memory_space<vmem>>) dst(%dma_wait3A_409 : memref<10064x128xf32, #tpu.memory_space<vmem_shared>>)
    %dma_wait3A_410 = arith.constant 79 : i32
    %dma_wait3A_411 = arith.constant 0 : i32
    %dma_wait3A_412 = tpu.memref_slice %arg7[%dma_wait3A_410, %dma_wait3A_411] : memref<80x64xi32, #tpu.memory_space<vmem>> -> memref<1x64xi32, #tpu.memory_space<vmem>>
    %dma_wait3A_413 = tpu.memref_squeeze %dma_wait3A_412 : memref<1x64xi32, #tpu.memory_space<vmem>> -> memref<64xi32, #tpu.memory_space<vmem>>
    %dma_wait3A_414 = arith.constant 0 : i32
    %dma_wait3A_415 = arith.constant 0 : i32
    %dma_wait3A_416 = tpu.memref_slice %arg20[%dma_wait3A_414, %dma_wait3A_415] : memref<10064x128xf32, #tpu.memory_space<vmem_shared>> -> memref<10064x128xf32, #tpu.memory_space<vmem_shared>>
    tpu.wait_indirect_dma semaphore(%arg19 : memref<!tpu.dma_semaphore, #tpu.memory_space<semaphore_mem>>) src(%arg11 : memref<64x128xf32, #tpu.memory_space<vmem>>) dst(%dma_wait3A_416 : memref<10064x128xf32, #tpu.memory_space<vmem_shared>>)
    %barrier3A_417 = arith.constant 0 : index
    tpu.barrier barrier_id(%barrier3A_417)
    %mul3A_418 = arith.constant 624 : i32
    %mul3A_419 = arith.muli %arg1, %mul3A_418 : i32
    %mul3A_420 = arith.constant 624 : i32
    %mul3A_421 = arith.muli %arg1, %mul3A_420 : i32
    "tpu.region"() ({
      %run_scoped3A = tpu.sem_alloc : memref<!tpu.dma_semaphore, #tpu.memory_space<semaphore_mem>>
      %dma_start3A_427 = arith.constant 0 : i32
      %dma_start3A_428 = tpu.memref_slice %arg5[%arg0, %mul3A_421, %dma_start3A_427] : memref<2x10000x128xf32, #tpu.memory_space<hbm>> -> memref<1x624x128xf32, #tpu.memory_space<hbm>>
      %dma_start3A_429 = tpu.memref_squeeze %dma_start3A_428 : memref<1x624x128xf32, #tpu.memory_space<hbm>> -> memref<624x128xf32, #tpu.memory_space<hbm>>
      %dma_start3A_430 = arith.constant 0 : i32
      %dma_start3A_431 = tpu.memref_slice %arg20[%mul3A_419, %dma_start3A_430] : memref<10064x128xf32, #tpu.memory_space<vmem_shared>> -> memref<624x128xf32, #tpu.memory_space<vmem_shared>>
      tpu.enqueue_dma source(%dma_start3A_431 : memref<624x128xf32, #tpu.memory_space<vmem_shared>>) target(%dma_start3A_429 : memref<624x128xf32, #tpu.memory_space<hbm>>) target_semaphore(%run_scoped3A : memref<!tpu.dma_semaphore, #tpu.memory_space<semaphore_mem>>)
      %dma_wait3A_432 = arith.constant 0 : i32
      %dma_wait3A_433 = tpu.memref_slice %arg5[%arg0, %mul3A_421, %dma_wait3A_432] : memref<2x10000x128xf32, #tpu.memory_space<hbm>> -> memref<1x624x128xf32, #tpu.memory_space<hbm>>
      %dma_wait3A_434 = tpu.memref_squeeze %dma_wait3A_433 : memref<1x624x128xf32, #tpu.memory_space<hbm>> -> memref<624x128xf32, #tpu.memory_space<hbm>>
      %dma_wait3A_435 = arith.constant 0 : i32
      %dma_wait3A_436 = tpu.memref_slice %arg20[%mul3A_419, %dma_wait3A_435] : memref<10064x128xf32, #tpu.memory_space<vmem_shared>> -> memref<624x128xf32, #tpu.memory_space<vmem_shared>>
      tpu.wait_dma2 semaphore(%run_scoped3A : memref<!tpu.dma_semaphore, #tpu.memory_space<semaphore_mem>>) src(%dma_wait3A_436 : memref<624x128xf32, #tpu.memory_space<vmem_shared>>) dst(%dma_wait3A_434 : memref<624x128xf32, #tpu.memory_space<hbm>>)
      tpu.yield
    }) : () -> ()
    %eq3A_422 = arith.constant 0 : i32
    %eq3A_423 = arith.cmpi eq, %arg1, %eq3A_422 : i32
    %convert_element_type3A_424 = arith.extui %eq3A_423 : i1 to i32
    %cond3A_425 = arith.constant 0 : i32
    %cond3A_426 = arith.cmpi ne, %convert_element_type3A_424, %cond3A_425 : i32
    scf.if %cond3A_426 {
      "tpu.region"() ({
        %run_scoped3A = tpu.sem_alloc : memref<!tpu.dma_semaphore, #tpu.memory_space<semaphore_mem>>
        %dma_start3A_427 = arith.constant 9984 : i32
        %dma_start3A_428 = arith.constant 0 : i32
        %dma_start3A_429 = tpu.memref_slice %arg5[%arg0, %dma_start3A_427, %dma_start3A_428] : memref<2x10000x128xf32, #tpu.memory_space<hbm>> -> memref<1x16x128xf32, #tpu.memory_space<hbm>>
        %dma_start3A_430 = tpu.memref_squeeze %dma_start3A_429 : memref<1x16x128xf32, #tpu.memory_space<hbm>> -> memref<16x128xf32, #tpu.memory_space<hbm>>
        %dma_start3A_431 = arith.constant 9984 : i32
        %dma_start3A_432 = arith.constant 0 : i32
        %dma_start3A_433 = tpu.memref_slice %arg20[%dma_start3A_431, %dma_start3A_432] : memref<10064x128xf32, #tpu.memory_space<vmem_shared>> -> memref<16x128xf32, #tpu.memory_space<vmem_shared>>
        tpu.enqueue_dma source(%dma_start3A_433 : memref<16x128xf32, #tpu.memory_space<vmem_shared>>) target(%dma_start3A_430 : memref<16x128xf32, #tpu.memory_space<hbm>>) target_semaphore(%run_scoped3A : memref<!tpu.dma_semaphore, #tpu.memory_space<semaphore_mem>>)
        %dma_wait3A_434 = arith.constant 9984 : i32
        %dma_wait3A_435 = arith.constant 0 : i32
        %dma_wait3A_436 = tpu.memref_slice %arg5[%arg0, %dma_wait3A_434, %dma_wait3A_435] : memref<2x10000x128xf32, #tpu.memory_space<hbm>> -> memref<1x16x128xf32, #tpu.memory_space<hbm>>
        %dma_wait3A_437 = tpu.memref_squeeze %dma_wait3A_436 : memref<1x16x128xf32, #tpu.memory_space<hbm>> -> memref<16x128xf32, #tpu.memory_space<hbm>>
        %dma_wait3A_438 = arith.constant 9984 : i32
        %dma_wait3A_439 = arith.constant 0 : i32
        %dma_wait3A_440 = tpu.memref_slice %arg20[%dma_wait3A_438, %dma_wait3A_439] : memref<10064x128xf32, #tpu.memory_space<vmem_shared>> -> memref<16x128xf32, #tpu.memory_space<vmem_shared>>
        tpu.wait_dma2 semaphore(%run_scoped3A : memref<!tpu.dma_semaphore, #tpu.memory_space<semaphore_mem>>) src(%dma_wait3A_440 : memref<16x128xf32, #tpu.memory_space<vmem_shared>>) dst(%dma_wait3A_437 : memref<16x128xf32, #tpu.memory_space<hbm>>)
        tpu.yield
      }) : () -> ()
    } else {
    }
    return
  }
}

#map = affine_map<(d0, d1) -> (0, 0)>
#map1 = affine_map<(d0, d1) -> (0, 0, 0)>
module attributes {stable_mosaic.version = 14 : i64} {
  func.func @prop_kernel(%arg0: i32, %arg1: i32, %arg2: memref<10000x64xf32, #tpu.memory_space<hbm>>, %arg3: memref<2560x64xi32, #tpu.memory_space<hbm>>, %arg4: memref<2560x64xi32, #tpu.memory_space<hbm>>, %arg5: memref<2x10000x64xf32, #tpu.memory_space<hbm>>, %arg6: memref<80x64xi32, #tpu.memory_space<vmem>>, %arg7: memref<80x64xi32, #tpu.memory_space<vmem>>, %arg8: memref<64x64xf32, #tpu.memory_space<vmem>>, %arg9: memref<64x64xf32, #tpu.memory_space<vmem>>, %arg10: memref<64x64xf32, #tpu.memory_space<vmem>>, %arg11: memref<64x64xf32, #tpu.memory_space<vmem>>, %arg12: memref<!tpu.dma_semaphore, #tpu.memory_space<semaphore_mem>>, %arg13: memref<!tpu.dma_semaphore, #tpu.memory_space<semaphore_mem>>, %arg14: memref<!tpu.dma_semaphore, #tpu.memory_space<semaphore_mem>>, %arg15: memref<!tpu.dma_semaphore, #tpu.memory_space<semaphore_mem>>, %arg16: memref<!tpu.dma_semaphore, #tpu.memory_space<semaphore_mem>>, %arg17: memref<!tpu.dma_semaphore, #tpu.memory_space<semaphore_mem>>, %arg18: memref<!tpu.dma_semaphore, #tpu.memory_space<semaphore_mem>>, %arg19: memref<!tpu.dma_semaphore, #tpu.memory_space<semaphore_mem>>, %arg20: memref<10064x64xf32, #tpu.memory_space<vmem_shared>>, %arg21: memref<!tpu.dma_semaphore, #tpu.memory_space<semaphore_mem>>) attributes {dimension_semantics = [#tpu.dimension_semantics<core_parallel>, #tpu.dimension_semantics<subcore_parallel>], iteration_bounds = array<i64: 2, 16>, scalar_prefetch = 0 : i64, scratch_operands = 16 : i64, tpu.core_type = #tpu.core_type<sc_vector_subcore>, window_params = [{transform_indices = #map}, {transform_indices = #map}, {transform_indices = #map}, {transform_indices = #map1}]} {
    %mul3A = arith.constant 2 : i32
    %mul3A_0 = arith.muli %arg1, %mul3A : i32
    %add3A = arith.addi %mul3A_0, %arg0 : i32
    %mul3A_1 = arith.constant 80 : i32
    %mul3A_2 = arith.muli %add3A, %mul3A_1 : i32
    %dma_start3A = arith.constant 0 : i32
    %dma_start3A_3 = tpu.memref_slice %arg3[%mul3A_2, %dma_start3A] : memref<2560x64xi32, #tpu.memory_space<hbm>> -> memref<80x64xi32, #tpu.memory_space<hbm>>
    %dma_start3A_4 = arith.constant 0 : i32
    %dma_start3A_5 = tpu.memref_slice %arg3[%mul3A_2, %dma_start3A_4] : memref<2560x64xi32, #tpu.memory_space<hbm>> -> memref<80x64xi32, #tpu.memory_space<hbm>>
    tpu.enqueue_dma source(%dma_start3A_5 : memref<80x64xi32, #tpu.memory_space<hbm>>) target(%arg6 : memref<80x64xi32, #tpu.memory_space<vmem>>) target_semaphore(%arg21 : memref<!tpu.dma_semaphore, #tpu.memory_space<semaphore_mem>>)
    %mul3A_6 = arith.constant 80 : i32
    %mul3A_7 = arith.muli %add3A, %mul3A_6 : i32
    "tpu.region"() ({
      %run_scoped3A = tpu.sem_alloc : memref<!tpu.dma_semaphore, #tpu.memory_space<semaphore_mem>>
      %dma_start3A_427 = arith.constant 0 : i32
      %dma_start3A_428 = tpu.memref_slice %arg4[%mul3A_7, %dma_start3A_427] : memref<2560x64xi32, #tpu.memory_space<hbm>> -> memref<80x64xi32, #tpu.memory_space<hbm>>
      %dma_start3A_429 = arith.constant 0 : i32
      %dma_start3A_430 = tpu.memref_slice %arg4[%mul3A_7, %dma_start3A_429] : memref<2560x64xi32, #tpu.memory_space<hbm>> -> memref<80x64xi32, #tpu.memory_space<hbm>>
      tpu.enqueue_dma source(%dma_start3A_430 : memref<80x64xi32, #tpu.memory_space<hbm>>) target(%arg7 : memref<80x64xi32, #tpu.memory_space<vmem>>) target_semaphore(%run_scoped3A : memref<!tpu.dma_semaphore, #tpu.memory_space<semaphore_mem>>)
      %dma_wait3A_431 = arith.constant 0 : i32
      %dma_wait3A_432 = tpu.memref_slice %arg4[%mul3A_7, %dma_wait3A_431] : memref<2560x64xi32, #tpu.memory_space<hbm>> -> memref<80x64xi32, #tpu.memory_space<hbm>>
      %dma_wait3A_433 = arith.constant 0 : i32
      %dma_wait3A_434 = tpu.memref_slice %arg4[%mul3A_7, %dma_wait3A_433] : memref<2560x64xi32, #tpu.memory_space<hbm>> -> memref<80x64xi32, #tpu.memory_space<hbm>>
      tpu.wait_dma2 semaphore(%run_scoped3A : memref<!tpu.dma_semaphore, #tpu.memory_space<semaphore_mem>>) src(%dma_wait3A_434 : memref<80x64xi32, #tpu.memory_space<hbm>>) dst(%arg7 : memref<80x64xi32, #tpu.memory_space<vmem>>)
      tpu.yield
    }) : () -> ()
    %mul3A_8 = arith.constant 80 : i32
    %mul3A_9 = arith.muli %add3A, %mul3A_8 : i32
    %dma_wait3A = arith.constant 0 : i32
    %dma_wait3A_10 = tpu.memref_slice %arg3[%mul3A_9, %dma_wait3A] : memref<2560x64xi32, #tpu.memory_space<hbm>> -> memref<80x64xi32, #tpu.memory_space<hbm>>
    %dma_wait3A_11 = arith.constant 0 : i32
    %dma_wait3A_12 = tpu.memref_slice %arg3[%mul3A_9, %dma_wait3A_11] : memref<2560x64xi32, #tpu.memory_space<hbm>> -> memref<80x64xi32, #tpu.memory_space<hbm>>
    tpu.wait_dma2 semaphore(%arg21 : memref<!tpu.dma_semaphore, #tpu.memory_space<semaphore_mem>>) src(%dma_wait3A_12 : memref<80x64xi32, #tpu.memory_space<hbm>>) dst(%arg6 : memref<80x64xi32, #tpu.memory_space<vmem>>)
    %broadcast_in_dim3A = arith.constant 0.000000e+00 : f32
    %broadcast_in_dim3A_13 = vector.broadcast %broadcast_in_dim3A : f32 to vector<16xf32>
    %scan3A = arith.constant 0 : i32
    %scan3A_14 = arith.constant 48 : i32
    %scan3A_15 = arith.addi %scan3A, %scan3A_14 : i32
    %scan3A_16 = arith.constant 1 : i32
    scf.for %scan3A_427 = %scan3A to %scan3A_15 step %scan3A_16  : i32 {
      %swap3A = arith.index_cast %scan3A_427 : i32 to index
      %swap3A_428 = arith.constant 0 : index
      %swap3A_429 = tpu.vector_load %arg8[%swap3A, %swap3A_428] {strides = array<i32>} : memref<64x64xf32, #tpu.memory_space<vmem>>, vector<1x16xf32>,
      %swap3A_430 = vector.shape_cast %swap3A_429 : vector<1x16xf32> to vector<16xf32>
      %swap3A_431 = vector.shape_cast %broadcast_in_dim3A_13 : vector<16xf32> to vector<1x16xf32>
      tpu.vector_store %arg8[%swap3A, %swap3A_428], %swap3A_431 {strides = array<i32>} : memref<64x64xf32, #tpu.memory_space<vmem>>, vector<1x16xf32>,
      %swap3A_432 = arith.index_cast %scan3A_427 : i32 to index
      %swap3A_433 = arith.constant 16 : index
      %swap3A_434 = tpu.vector_load %arg8[%swap3A_432, %swap3A_433] {strides = array<i32>} : memref<64x64xf32, #tpu.memory_space<vmem>>, vector<1x16xf32>,
      %swap3A_435 = vector.shape_cast %swap3A_434 : vector<1x16xf32> to vector<16xf32>
      %swap3A_436 = vector.shape_cast %broadcast_in_dim3A_13 : vector<16xf32> to vector<1x16xf32>
      tpu.vector_store %arg8[%swap3A_432, %swap3A_433], %swap3A_436 {strides = array<i32>} : memref<64x64xf32, #tpu.memory_space<vmem>>, vector<1x16xf32>,
      %swap3A_437 = arith.index_cast %scan3A_427 : i32 to index
      %swap3A_438 = arith.constant 32 : index
      %swap3A_439 = tpu.vector_load %arg8[%swap3A_437, %swap3A_438] {strides = array<i32>} : memref<64x64xf32, #tpu.memory_space<vmem>>, vector<1x16xf32>,
      %swap3A_440 = vector.shape_cast %swap3A_439 : vector<1x16xf32> to vector<16xf32>
      %swap3A_441 = vector.shape_cast %broadcast_in_dim3A_13 : vector<16xf32> to vector<1x16xf32>
      tpu.vector_store %arg8[%swap3A_437, %swap3A_438], %swap3A_441 {strides = array<i32>} : memref<64x64xf32, #tpu.memory_space<vmem>>, vector<1x16xf32>,
      %swap3A_442 = arith.index_cast %scan3A_427 : i32 to index
      %swap3A_443 = arith.constant 48 : index
      %swap3A_444 = tpu.vector_load %arg8[%swap3A_442, %swap3A_443] {strides = array<i32>} : memref<64x64xf32, #tpu.memory_space<vmem>>, vector<1x16xf32>,
      %swap3A_445 = vector.shape_cast %swap3A_444 : vector<1x16xf32> to vector<16xf32>
      %swap3A_446 = vector.shape_cast %broadcast_in_dim3A_13 : vector<16xf32> to vector<1x16xf32>
      tpu.vector_store %arg8[%swap3A_442, %swap3A_443], %swap3A_446 {strides = array<i32>} : memref<64x64xf32, #tpu.memory_space<vmem>>, vector<1x16xf32>,
    }
    %scan3A_17 = arith.constant 48 : i32
    %mul3A_18 = arith.constant 624 : i32
    %mul3A_19 = arith.muli %arg1, %mul3A_18 : i32
    %add3A_20 = arith.constant 0 : i32
    %add3A_21 = arith.addi %mul3A_19, %add3A_20 : i32
    %dma_start3A_22 = arith.constant 0 : i32
    %dma_start3A_23 = arith.constant 0 : i32
    %dma_start3A_24 = tpu.memref_slice %arg8[%dma_start3A_22, %dma_start3A_23] : memref<64x64xf32, #tpu.memory_space<vmem>> -> memref<48x64xf32, #tpu.memory_space<vmem>>
    %dma_start3A_25 = arith.constant 0 : i32
    %dma_start3A_26 = tpu.memref_slice %arg20[%add3A_21, %dma_start3A_25] : memref<10064x64xf32, #tpu.memory_space<vmem_shared>> -> memref<48x64xf32, #tpu.memory_space<vmem_shared>>
    %dma_start3A_27 = arith.constant 0 : i32
    %dma_start3A_28 = tpu.memref_slice %arg20[%add3A_21, %dma_start3A_27] : memref<10064x64xf32, #tpu.memory_space<vmem_shared>> -> memref<48x64xf32, #tpu.memory_space<vmem_shared>>
    %dma_start3A_29 = arith.constant 0 : i32
    %dma_start3A_30 = arith.constant 0 : i32
    %dma_start3A_31 = tpu.memref_slice %arg8[%dma_start3A_29, %dma_start3A_30] : memref<64x64xf32, #tpu.memory_space<vmem>> -> memref<48x64xf32, #tpu.memory_space<vmem>>
    tpu.enqueue_dma source(%dma_start3A_31 : memref<48x64xf32, #tpu.memory_space<vmem>>) target(%dma_start3A_28 : memref<48x64xf32, #tpu.memory_space<vmem_shared>>) target_semaphore(%arg21 : memref<!tpu.dma_semaphore, #tpu.memory_space<semaphore_mem>>)
    %mul3A_32 = arith.constant 624 : i32
    %mul3A_33 = arith.muli %arg1, %mul3A_32 : i32
    %add3A_34 = arith.constant 48 : i32
    %add3A_35 = arith.addi %mul3A_33, %add3A_34 : i32
    %dma_start3A_36 = arith.constant 0 : i32
    %dma_start3A_37 = arith.constant 0 : i32
    %dma_start3A_38 = tpu.memref_slice %arg8[%dma_start3A_36, %dma_start3A_37] : memref<64x64xf32, #tpu.memory_space<vmem>> -> memref<48x64xf32, #tpu.memory_space<vmem>>
    %dma_start3A_39 = arith.constant 0 : i32
    %dma_start3A_40 = tpu.memref_slice %arg20[%add3A_35, %dma_start3A_39] : memref<10064x64xf32, #tpu.memory_space<vmem_shared>> -> memref<48x64xf32, #tpu.memory_space<vmem_shared>>
    %dma_start3A_41 = arith.constant 0 : i32
    %dma_start3A_42 = tpu.memref_slice %arg20[%add3A_35, %dma_start3A_41] : memref<10064x64xf32, #tpu.memory_space<vmem_shared>> -> memref<48x64xf32, #tpu.memory_space<vmem_shared>>
    %dma_start3A_43 = arith.constant 0 : i32
    %dma_start3A_44 = arith.constant 0 : i32
    %dma_start3A_45 = tpu.memref_slice %arg8[%dma_start3A_43, %dma_start3A_44] : memref<64x64xf32, #tpu.memory_space<vmem>> -> memref<48x64xf32, #tpu.memory_space<vmem>>
    tpu.enqueue_dma source(%dma_start3A_45 : memref<48x64xf32, #tpu.memory_space<vmem>>) target(%dma_start3A_42 : memref<48x64xf32, #tpu.memory_space<vmem_shared>>) target_semaphore(%arg21 : memref<!tpu.dma_semaphore, #tpu.memory_space<semaphore_mem>>)
    %mul3A_46 = arith.constant 624 : i32
    %mul3A_47 = arith.muli %arg1, %mul3A_46 : i32
    %add3A_48 = arith.constant 96 : i32
    %add3A_49 = arith.addi %mul3A_47, %add3A_48 : i32
    %dma_start3A_50 = arith.constant 0 : i32
    %dma_start3A_51 = arith.constant 0 : i32
    %dma_start3A_52 = tpu.memref_slice %arg8[%dma_start3A_50, %dma_start3A_51] : memref<64x64xf32, #tpu.memory_space<vmem>> -> memref<48x64xf32, #tpu.memory_space<vmem>>
    %dma_start3A_53 = arith.constant 0 : i32
    %dma_start3A_54 = tpu.memref_slice %arg20[%add3A_49, %dma_start3A_53] : memref<10064x64xf32, #tpu.memory_space<vmem_shared>> -> memref<48x64xf32, #tpu.memory_space<vmem_shared>>
    %dma_start3A_55 = arith.constant 0 : i32
    %dma_start3A_56 = tpu.memref_slice %arg20[%add3A_49, %dma_start3A_55] : memref<10064x64xf32, #tpu.memory_space<vmem_shared>> -> memref<48x64xf32, #tpu.memory_space<vmem_shared>>
    %dma_start3A_57 = arith.constant 0 : i32
    %dma_start3A_58 = arith.constant 0 : i32
    %dma_start3A_59 = tpu.memref_slice %arg8[%dma_start3A_57, %dma_start3A_58] : memref<64x64xf32, #tpu.memory_space<vmem>> -> memref<48x64xf32, #tpu.memory_space<vmem>>
    tpu.enqueue_dma source(%dma_start3A_59 : memref<48x64xf32, #tpu.memory_space<vmem>>) target(%dma_start3A_56 : memref<48x64xf32, #tpu.memory_space<vmem_shared>>) target_semaphore(%arg21 : memref<!tpu.dma_semaphore, #tpu.memory_space<semaphore_mem>>)
    %mul3A_60 = arith.constant 624 : i32
    %mul3A_61 = arith.muli %arg1, %mul3A_60 : i32
    %add3A_62 = arith.constant 144 : i32
    %add3A_63 = arith.addi %mul3A_61, %add3A_62 : i32
    %dma_start3A_64 = arith.constant 0 : i32
    %dma_start3A_65 = arith.constant 0 : i32
    %dma_start3A_66 = tpu.memref_slice %arg8[%dma_start3A_64, %dma_start3A_65] : memref<64x64xf32, #tpu.memory_space<vmem>> -> memref<48x64xf32, #tpu.memory_space<vmem>>
    %dma_start3A_67 = arith.constant 0 : i32
    %dma_start3A_68 = tpu.memref_slice %arg20[%add3A_63, %dma_start3A_67] : memref<10064x64xf32, #tpu.memory_space<vmem_shared>> -> memref<48x64xf32, #tpu.memory_space<vmem_shared>>
    %dma_start3A_69 = arith.constant 0 : i32
    %dma_start3A_70 = tpu.memref_slice %arg20[%add3A_63, %dma_start3A_69] : memref<10064x64xf32, #tpu.memory_space<vmem_shared>> -> memref<48x64xf32, #tpu.memory_space<vmem_shared>>
    %dma_start3A_71 = arith.constant 0 : i32
    %dma_start3A_72 = arith.constant 0 : i32
    %dma_start3A_73 = tpu.memref_slice %arg8[%dma_start3A_71, %dma_start3A_72] : memref<64x64xf32, #tpu.memory_space<vmem>> -> memref<48x64xf32, #tpu.memory_space<vmem>>
    tpu.enqueue_dma source(%dma_start3A_73 : memref<48x64xf32, #tpu.memory_space<vmem>>) target(%dma_start3A_70 : memref<48x64xf32, #tpu.memory_space<vmem_shared>>) target_semaphore(%arg21 : memref<!tpu.dma_semaphore, #tpu.memory_space<semaphore_mem>>)
    %mul3A_74 = arith.constant 624 : i32
    %mul3A_75 = arith.muli %arg1, %mul3A_74 : i32
    %add3A_76 = arith.constant 192 : i32
    %add3A_77 = arith.addi %mul3A_75, %add3A_76 : i32
    %dma_start3A_78 = arith.constant 0 : i32
    %dma_start3A_79 = arith.constant 0 : i32
    %dma_start3A_80 = tpu.memref_slice %arg8[%dma_start3A_78, %dma_start3A_79] : memref<64x64xf32, #tpu.memory_space<vmem>> -> memref<48x64xf32, #tpu.memory_space<vmem>>
    %dma_start3A_81 = arith.constant 0 : i32
    %dma_start3A_82 = tpu.memref_slice %arg20[%add3A_77, %dma_start3A_81] : memref<10064x64xf32, #tpu.memory_space<vmem_shared>> -> memref<48x64xf32, #tpu.memory_space<vmem_shared>>
    %dma_start3A_83 = arith.constant 0 : i32
    %dma_start3A_84 = tpu.memref_slice %arg20[%add3A_77, %dma_start3A_83] : memref<10064x64xf32, #tpu.memory_space<vmem_shared>> -> memref<48x64xf32, #tpu.memory_space<vmem_shared>>
    %dma_start3A_85 = arith.constant 0 : i32
    %dma_start3A_86 = arith.constant 0 : i32
    %dma_start3A_87 = tpu.memref_slice %arg8[%dma_start3A_85, %dma_start3A_86] : memref<64x64xf32, #tpu.memory_space<vmem>> -> memref<48x64xf32, #tpu.memory_space<vmem>>
    tpu.enqueue_dma source(%dma_start3A_87 : memref<48x64xf32, #tpu.memory_space<vmem>>) target(%dma_start3A_84 : memref<48x64xf32, #tpu.memory_space<vmem_shared>>) target_semaphore(%arg21 : memref<!tpu.dma_semaphore, #tpu.memory_space<semaphore_mem>>)
    %mul3A_88 = arith.constant 624 : i32
    %mul3A_89 = arith.muli %arg1, %mul3A_88 : i32
    %add3A_90 = arith.constant 240 : i32
    %add3A_91 = arith.addi %mul3A_89, %add3A_90 : i32
    %dma_start3A_92 = arith.constant 0 : i32
    %dma_start3A_93 = arith.constant 0 : i32
    %dma_start3A_94 = tpu.memref_slice %arg8[%dma_start3A_92, %dma_start3A_93] : memref<64x64xf32, #tpu.memory_space<vmem>> -> memref<48x64xf32, #tpu.memory_space<vmem>>
    %dma_start3A_95 = arith.constant 0 : i32
    %dma_start3A_96 = tpu.memref_slice %arg20[%add3A_91, %dma_start3A_95] : memref<10064x64xf32, #tpu.memory_space<vmem_shared>> -> memref<48x64xf32, #tpu.memory_space<vmem_shared>>
    %dma_start3A_97 = arith.constant 0 : i32
    %dma_start3A_98 = tpu.memref_slice %arg20[%add3A_91, %dma_start3A_97] : memref<10064x64xf32, #tpu.memory_space<vmem_shared>> -> memref<48x64xf32, #tpu.memory_space<vmem_shared>>
    %dma_start3A_99 = arith.constant 0 : i32
    %dma_start3A_100 = arith.constant 0 : i32
    %dma_start3A_101 = tpu.memref_slice %arg8[%dma_start3A_99, %dma_start3A_100] : memref<64x64xf32, #tpu.memory_space<vmem>> -> memref<48x64xf32, #tpu.memory_space<vmem>>
    tpu.enqueue_dma source(%dma_start3A_101 : memref<48x64xf32, #tpu.memory_space<vmem>>) target(%dma_start3A_98 : memref<48x64xf32, #tpu.memory_space<vmem_shared>>) target_semaphore(%arg21 : memref<!tpu.dma_semaphore, #tpu.memory_space<semaphore_mem>>)
    %mul3A_102 = arith.constant 624 : i32
    %mul3A_103 = arith.muli %arg1, %mul3A_102 : i32
    %add3A_104 = arith.constant 288 : i32
    %add3A_105 = arith.addi %mul3A_103, %add3A_104 : i32
    %dma_start3A_106 = arith.constant 0 : i32
    %dma_start3A_107 = arith.constant 0 : i32
    %dma_start3A_108 = tpu.memref_slice %arg8[%dma_start3A_106, %dma_start3A_107] : memref<64x64xf32, #tpu.memory_space<vmem>> -> memref<48x64xf32, #tpu.memory_space<vmem>>
    %dma_start3A_109 = arith.constant 0 : i32
    %dma_start3A_110 = tpu.memref_slice %arg20[%add3A_105, %dma_start3A_109] : memref<10064x64xf32, #tpu.memory_space<vmem_shared>> -> memref<48x64xf32, #tpu.memory_space<vmem_shared>>
    %dma_start3A_111 = arith.constant 0 : i32
    %dma_start3A_112 = tpu.memref_slice %arg20[%add3A_105, %dma_start3A_111] : memref<10064x64xf32, #tpu.memory_space<vmem_shared>> -> memref<48x64xf32, #tpu.memory_space<vmem_shared>>
    %dma_start3A_113 = arith.constant 0 : i32
    %dma_start3A_114 = arith.constant 0 : i32
    %dma_start3A_115 = tpu.memref_slice %arg8[%dma_start3A_113, %dma_start3A_114] : memref<64x64xf32, #tpu.memory_space<vmem>> -> memref<48x64xf32, #tpu.memory_space<vmem>>
    tpu.enqueue_dma source(%dma_start3A_115 : memref<48x64xf32, #tpu.memory_space<vmem>>) target(%dma_start3A_112 : memref<48x64xf32, #tpu.memory_space<vmem_shared>>) target_semaphore(%arg21 : memref<!tpu.dma_semaphore, #tpu.memory_space<semaphore_mem>>)
    %mul3A_116 = arith.constant 624 : i32
    %mul3A_117 = arith.muli %arg1, %mul3A_116 : i32
    %add3A_118 = arith.constant 336 : i32
    %add3A_119 = arith.addi %mul3A_117, %add3A_118 : i32
    %dma_start3A_120 = arith.constant 0 : i32
    %dma_start3A_121 = arith.constant 0 : i32
    %dma_start3A_122 = tpu.memref_slice %arg8[%dma_start3A_120, %dma_start3A_121] : memref<64x64xf32, #tpu.memory_space<vmem>> -> memref<48x64xf32, #tpu.memory_space<vmem>>
    %dma_start3A_123 = arith.constant 0 : i32
    %dma_start3A_124 = tpu.memref_slice %arg20[%add3A_119, %dma_start3A_123] : memref<10064x64xf32, #tpu.memory_space<vmem_shared>> -> memref<48x64xf32, #tpu.memory_space<vmem_shared>>
    %dma_start3A_125 = arith.constant 0 : i32
    %dma_start3A_126 = tpu.memref_slice %arg20[%add3A_119, %dma_start3A_125] : memref<10064x64xf32, #tpu.memory_space<vmem_shared>> -> memref<48x64xf32, #tpu.memory_space<vmem_shared>>
    %dma_start3A_127 = arith.constant 0 : i32
    %dma_start3A_128 = arith.constant 0 : i32
    %dma_start3A_129 = tpu.memref_slice %arg8[%dma_start3A_127, %dma_start3A_128] : memref<64x64xf32, #tpu.memory_space<vmem>> -> memref<48x64xf32, #tpu.memory_space<vmem>>
    tpu.enqueue_dma source(%dma_start3A_129 : memref<48x64xf32, #tpu.memory_space<vmem>>) target(%dma_start3A_126 : memref<48x64xf32, #tpu.memory_space<vmem_shared>>) target_semaphore(%arg21 : memref<!tpu.dma_semaphore, #tpu.memory_space<semaphore_mem>>)
    %mul3A_130 = arith.constant 624 : i32
    %mul3A_131 = arith.muli %arg1, %mul3A_130 : i32
    %add3A_132 = arith.constant 384 : i32
    %add3A_133 = arith.addi %mul3A_131, %add3A_132 : i32
    %dma_start3A_134 = arith.constant 0 : i32
    %dma_start3A_135 = arith.constant 0 : i32
    %dma_start3A_136 = tpu.memref_slice %arg8[%dma_start3A_134, %dma_start3A_135] : memref<64x64xf32, #tpu.memory_space<vmem>> -> memref<48x64xf32, #tpu.memory_space<vmem>>
    %dma_start3A_137 = arith.constant 0 : i32
    %dma_start3A_138 = tpu.memref_slice %arg20[%add3A_133, %dma_start3A_137] : memref<10064x64xf32, #tpu.memory_space<vmem_shared>> -> memref<48x64xf32, #tpu.memory_space<vmem_shared>>
    %dma_start3A_139 = arith.constant 0 : i32
    %dma_start3A_140 = tpu.memref_slice %arg20[%add3A_133, %dma_start3A_139] : memref<10064x64xf32, #tpu.memory_space<vmem_shared>> -> memref<48x64xf32, #tpu.memory_space<vmem_shared>>
    %dma_start3A_141 = arith.constant 0 : i32
    %dma_start3A_142 = arith.constant 0 : i32
    %dma_start3A_143 = tpu.memref_slice %arg8[%dma_start3A_141, %dma_start3A_142] : memref<64x64xf32, #tpu.memory_space<vmem>> -> memref<48x64xf32, #tpu.memory_space<vmem>>
    tpu.enqueue_dma source(%dma_start3A_143 : memref<48x64xf32, #tpu.memory_space<vmem>>) target(%dma_start3A_140 : memref<48x64xf32, #tpu.memory_space<vmem_shared>>) target_semaphore(%arg21 : memref<!tpu.dma_semaphore, #tpu.memory_space<semaphore_mem>>)
    %mul3A_144 = arith.constant 624 : i32
    %mul3A_145 = arith.muli %arg1, %mul3A_144 : i32
    %add3A_146 = arith.constant 432 : i32
    %add3A_147 = arith.addi %mul3A_145, %add3A_146 : i32
    %dma_start3A_148 = arith.constant 0 : i32
    %dma_start3A_149 = arith.constant 0 : i32
    %dma_start3A_150 = tpu.memref_slice %arg8[%dma_start3A_148, %dma_start3A_149] : memref<64x64xf32, #tpu.memory_space<vmem>> -> memref<48x64xf32, #tpu.memory_space<vmem>>
    %dma_start3A_151 = arith.constant 0 : i32
    %dma_start3A_152 = tpu.memref_slice %arg20[%add3A_147, %dma_start3A_151] : memref<10064x64xf32, #tpu.memory_space<vmem_shared>> -> memref<48x64xf32, #tpu.memory_space<vmem_shared>>
    %dma_start3A_153 = arith.constant 0 : i32
    %dma_start3A_154 = tpu.memref_slice %arg20[%add3A_147, %dma_start3A_153] : memref<10064x64xf32, #tpu.memory_space<vmem_shared>> -> memref<48x64xf32, #tpu.memory_space<vmem_shared>>
    %dma_start3A_155 = arith.constant 0 : i32
    %dma_start3A_156 = arith.constant 0 : i32
    %dma_start3A_157 = tpu.memref_slice %arg8[%dma_start3A_155, %dma_start3A_156] : memref<64x64xf32, #tpu.memory_space<vmem>> -> memref<48x64xf32, #tpu.memory_space<vmem>>
    tpu.enqueue_dma source(%dma_start3A_157 : memref<48x64xf32, #tpu.memory_space<vmem>>) target(%dma_start3A_154 : memref<48x64xf32, #tpu.memory_space<vmem_shared>>) target_semaphore(%arg21 : memref<!tpu.dma_semaphore, #tpu.memory_space<semaphore_mem>>)
    %mul3A_158 = arith.constant 624 : i32
    %mul3A_159 = arith.muli %arg1, %mul3A_158 : i32
    %add3A_160 = arith.constant 480 : i32
    %add3A_161 = arith.addi %mul3A_159, %add3A_160 : i32
    %dma_start3A_162 = arith.constant 0 : i32
    %dma_start3A_163 = arith.constant 0 : i32
    %dma_start3A_164 = tpu.memref_slice %arg8[%dma_start3A_162, %dma_start3A_163] : memref<64x64xf32, #tpu.memory_space<vmem>> -> memref<48x64xf32, #tpu.memory_space<vmem>>
    %dma_start3A_165 = arith.constant 0 : i32
    %dma_start3A_166 = tpu.memref_slice %arg20[%add3A_161, %dma_start3A_165] : memref<10064x64xf32, #tpu.memory_space<vmem_shared>> -> memref<48x64xf32, #tpu.memory_space<vmem_shared>>
    %dma_start3A_167 = arith.constant 0 : i32
    %dma_start3A_168 = tpu.memref_slice %arg20[%add3A_161, %dma_start3A_167] : memref<10064x64xf32, #tpu.memory_space<vmem_shared>> -> memref<48x64xf32, #tpu.memory_space<vmem_shared>>
    %dma_start3A_169 = arith.constant 0 : i32
    %dma_start3A_170 = arith.constant 0 : i32
    %dma_start3A_171 = tpu.memref_slice %arg8[%dma_start3A_169, %dma_start3A_170] : memref<64x64xf32, #tpu.memory_space<vmem>> -> memref<48x64xf32, #tpu.memory_space<vmem>>
    tpu.enqueue_dma source(%dma_start3A_171 : memref<48x64xf32, #tpu.memory_space<vmem>>) target(%dma_start3A_168 : memref<48x64xf32, #tpu.memory_space<vmem_shared>>) target_semaphore(%arg21 : memref<!tpu.dma_semaphore, #tpu.memory_space<semaphore_mem>>)
    %mul3A_172 = arith.constant 624 : i32
    %mul3A_173 = arith.muli %arg1, %mul3A_172 : i32
    %add3A_174 = arith.constant 528 : i32
    %add3A_175 = arith.addi %mul3A_173, %add3A_174 : i32
    %dma_start3A_176 = arith.constant 0 : i32
    %dma_start3A_177 = arith.constant 0 : i32
    %dma_start3A_178 = tpu.memref_slice %arg8[%dma_start3A_176, %dma_start3A_177] : memref<64x64xf32, #tpu.memory_space<vmem>> -> memref<48x64xf32, #tpu.memory_space<vmem>>
    %dma_start3A_179 = arith.constant 0 : i32
    %dma_start3A_180 = tpu.memref_slice %arg20[%add3A_175, %dma_start3A_179] : memref<10064x64xf32, #tpu.memory_space<vmem_shared>> -> memref<48x64xf32, #tpu.memory_space<vmem_shared>>
    %dma_start3A_181 = arith.constant 0 : i32
    %dma_start3A_182 = tpu.memref_slice %arg20[%add3A_175, %dma_start3A_181] : memref<10064x64xf32, #tpu.memory_space<vmem_shared>> -> memref<48x64xf32, #tpu.memory_space<vmem_shared>>
    %dma_start3A_183 = arith.constant 0 : i32
    %dma_start3A_184 = arith.constant 0 : i32
    %dma_start3A_185 = tpu.memref_slice %arg8[%dma_start3A_183, %dma_start3A_184] : memref<64x64xf32, #tpu.memory_space<vmem>> -> memref<48x64xf32, #tpu.memory_space<vmem>>
    tpu.enqueue_dma source(%dma_start3A_185 : memref<48x64xf32, #tpu.memory_space<vmem>>) target(%dma_start3A_182 : memref<48x64xf32, #tpu.memory_space<vmem_shared>>) target_semaphore(%arg21 : memref<!tpu.dma_semaphore, #tpu.memory_space<semaphore_mem>>)
    %mul3A_186 = arith.constant 624 : i32
    %mul3A_187 = arith.muli %arg1, %mul3A_186 : i32
    %add3A_188 = arith.constant 576 : i32
    %add3A_189 = arith.addi %mul3A_187, %add3A_188 : i32
    %dma_start3A_190 = arith.constant 0 : i32
    %dma_start3A_191 = arith.constant 0 : i32
    %dma_start3A_192 = tpu.memref_slice %arg8[%dma_start3A_190, %dma_start3A_191] : memref<64x64xf32, #tpu.memory_space<vmem>> -> memref<48x64xf32, #tpu.memory_space<vmem>>
    %dma_start3A_193 = arith.constant 0 : i32
    %dma_start3A_194 = tpu.memref_slice %arg20[%add3A_189, %dma_start3A_193] : memref<10064x64xf32, #tpu.memory_space<vmem_shared>> -> memref<48x64xf32, #tpu.memory_space<vmem_shared>>
    %dma_start3A_195 = arith.constant 0 : i32
    %dma_start3A_196 = tpu.memref_slice %arg20[%add3A_189, %dma_start3A_195] : memref<10064x64xf32, #tpu.memory_space<vmem_shared>> -> memref<48x64xf32, #tpu.memory_space<vmem_shared>>
    %dma_start3A_197 = arith.constant 0 : i32
    %dma_start3A_198 = arith.constant 0 : i32
    %dma_start3A_199 = tpu.memref_slice %arg8[%dma_start3A_197, %dma_start3A_198] : memref<64x64xf32, #tpu.memory_space<vmem>> -> memref<48x64xf32, #tpu.memory_space<vmem>>
    tpu.enqueue_dma source(%dma_start3A_199 : memref<48x64xf32, #tpu.memory_space<vmem>>) target(%dma_start3A_196 : memref<48x64xf32, #tpu.memory_space<vmem_shared>>) target_semaphore(%arg21 : memref<!tpu.dma_semaphore, #tpu.memory_space<semaphore_mem>>)
    %mul3A_200 = arith.constant 624 : i32
    %mul3A_201 = arith.muli %arg1, %mul3A_200 : i32
    %add3A_202 = arith.constant 0 : i32
    %add3A_203 = arith.addi %mul3A_201, %add3A_202 : i32
    %dma_wait3A_204 = arith.constant 0 : i32
    %dma_wait3A_205 = arith.constant 0 : i32
    %dma_wait3A_206 = tpu.memref_slice %arg8[%dma_wait3A_204, %dma_wait3A_205] : memref<64x64xf32, #tpu.memory_space<vmem>> -> memref<48x64xf32, #tpu.memory_space<vmem>>
    %dma_wait3A_207 = arith.constant 0 : i32
    %dma_wait3A_208 = tpu.memref_slice %arg20[%add3A_203, %dma_wait3A_207] : memref<10064x64xf32, #tpu.memory_space<vmem_shared>> -> memref<48x64xf32, #tpu.memory_space<vmem_shared>>
    %dma_wait3A_209 = arith.constant 0 : i32
    %dma_wait3A_210 = tpu.memref_slice %arg20[%add3A_203, %dma_wait3A_209] : memref<10064x64xf32, #tpu.memory_space<vmem_shared>> -> memref<48x64xf32, #tpu.memory_space<vmem_shared>>
    %dma_wait3A_211 = arith.constant 0 : i32
    %dma_wait3A_212 = arith.constant 0 : i32
    %dma_wait3A_213 = tpu.memref_slice %arg8[%dma_wait3A_211, %dma_wait3A_212] : memref<64x64xf32, #tpu.memory_space<vmem>> -> memref<48x64xf32, #tpu.memory_space<vmem>>
    tpu.wait_dma2 semaphore(%arg21 : memref<!tpu.dma_semaphore, #tpu.memory_space<semaphore_mem>>) src(%dma_wait3A_213 : memref<48x64xf32, #tpu.memory_space<vmem>>) dst(%dma_wait3A_210 : memref<48x64xf32, #tpu.memory_space<vmem_shared>>)
    %mul3A_214 = arith.constant 624 : i32
    %mul3A_215 = arith.muli %arg1, %mul3A_214 : i32
    %add3A_216 = arith.constant 48 : i32
    %add3A_217 = arith.addi %mul3A_215, %add3A_216 : i32
    %dma_wait3A_218 = arith.constant 0 : i32
    %dma_wait3A_219 = arith.constant 0 : i32
    %dma_wait3A_220 = tpu.memref_slice %arg8[%dma_wait3A_218, %dma_wait3A_219] : memref<64x64xf32, #tpu.memory_space<vmem>> -> memref<48x64xf32, #tpu.memory_space<vmem>>
    %dma_wait3A_221 = arith.constant 0 : i32
    %dma_wait3A_222 = tpu.memref_slice %arg20[%add3A_217, %dma_wait3A_221] : memref<10064x64xf32, #tpu.memory_space<vmem_shared>> -> memref<48x64xf32, #tpu.memory_space<vmem_shared>>
    %dma_wait3A_223 = arith.constant 0 : i32
    %dma_wait3A_224 = tpu.memref_slice %arg20[%add3A_217, %dma_wait3A_223] : memref<10064x64xf32, #tpu.memory_space<vmem_shared>> -> memref<48x64xf32, #tpu.memory_space<vmem_shared>>
    %dma_wait3A_225 = arith.constant 0 : i32
    %dma_wait3A_226 = arith.constant 0 : i32
    %dma_wait3A_227 = tpu.memref_slice %arg8[%dma_wait3A_225, %dma_wait3A_226] : memref<64x64xf32, #tpu.memory_space<vmem>> -> memref<48x64xf32, #tpu.memory_space<vmem>>
    tpu.wait_dma2 semaphore(%arg21 : memref<!tpu.dma_semaphore, #tpu.memory_space<semaphore_mem>>) src(%dma_wait3A_227 : memref<48x64xf32, #tpu.memory_space<vmem>>) dst(%dma_wait3A_224 : memref<48x64xf32, #tpu.memory_space<vmem_shared>>)
    %mul3A_228 = arith.constant 624 : i32
    %mul3A_229 = arith.muli %arg1, %mul3A_228 : i32
    %add3A_230 = arith.constant 96 : i32
    %add3A_231 = arith.addi %mul3A_229, %add3A_230 : i32
    %dma_wait3A_232 = arith.constant 0 : i32
    %dma_wait3A_233 = arith.constant 0 : i32
    %dma_wait3A_234 = tpu.memref_slice %arg8[%dma_wait3A_232, %dma_wait3A_233] : memref<64x64xf32, #tpu.memory_space<vmem>> -> memref<48x64xf32, #tpu.memory_space<vmem>>
    %dma_wait3A_235 = arith.constant 0 : i32
    %dma_wait3A_236 = tpu.memref_slice %arg20[%add3A_231, %dma_wait3A_235] : memref<10064x64xf32, #tpu.memory_space<vmem_shared>> -> memref<48x64xf32, #tpu.memory_space<vmem_shared>>
    %dma_wait3A_237 = arith.constant 0 : i32
    %dma_wait3A_238 = tpu.memref_slice %arg20[%add3A_231, %dma_wait3A_237] : memref<10064x64xf32, #tpu.memory_space<vmem_shared>> -> memref<48x64xf32, #tpu.memory_space<vmem_shared>>
    %dma_wait3A_239 = arith.constant 0 : i32
    %dma_wait3A_240 = arith.constant 0 : i32
    %dma_wait3A_241 = tpu.memref_slice %arg8[%dma_wait3A_239, %dma_wait3A_240] : memref<64x64xf32, #tpu.memory_space<vmem>> -> memref<48x64xf32, #tpu.memory_space<vmem>>
    tpu.wait_dma2 semaphore(%arg21 : memref<!tpu.dma_semaphore, #tpu.memory_space<semaphore_mem>>) src(%dma_wait3A_241 : memref<48x64xf32, #tpu.memory_space<vmem>>) dst(%dma_wait3A_238 : memref<48x64xf32, #tpu.memory_space<vmem_shared>>)
    %mul3A_242 = arith.constant 624 : i32
    %mul3A_243 = arith.muli %arg1, %mul3A_242 : i32
    %add3A_244 = arith.constant 144 : i32
    %add3A_245 = arith.addi %mul3A_243, %add3A_244 : i32
    %dma_wait3A_246 = arith.constant 0 : i32
    %dma_wait3A_247 = arith.constant 0 : i32
    %dma_wait3A_248 = tpu.memref_slice %arg8[%dma_wait3A_246, %dma_wait3A_247] : memref<64x64xf32, #tpu.memory_space<vmem>> -> memref<48x64xf32, #tpu.memory_space<vmem>>
    %dma_wait3A_249 = arith.constant 0 : i32
    %dma_wait3A_250 = tpu.memref_slice %arg20[%add3A_245, %dma_wait3A_249] : memref<10064x64xf32, #tpu.memory_space<vmem_shared>> -> memref<48x64xf32, #tpu.memory_space<vmem_shared>>
    %dma_wait3A_251 = arith.constant 0 : i32
    %dma_wait3A_252 = tpu.memref_slice %arg20[%add3A_245, %dma_wait3A_251] : memref<10064x64xf32, #tpu.memory_space<vmem_shared>> -> memref<48x64xf32, #tpu.memory_space<vmem_shared>>
    %dma_wait3A_253 = arith.constant 0 : i32
    %dma_wait3A_254 = arith.constant 0 : i32
    %dma_wait3A_255 = tpu.memref_slice %arg8[%dma_wait3A_253, %dma_wait3A_254] : memref<64x64xf32, #tpu.memory_space<vmem>> -> memref<48x64xf32, #tpu.memory_space<vmem>>
    tpu.wait_dma2 semaphore(%arg21 : memref<!tpu.dma_semaphore, #tpu.memory_space<semaphore_mem>>) src(%dma_wait3A_255 : memref<48x64xf32, #tpu.memory_space<vmem>>) dst(%dma_wait3A_252 : memref<48x64xf32, #tpu.memory_space<vmem_shared>>)
    %mul3A_256 = arith.constant 624 : i32
    %mul3A_257 = arith.muli %arg1, %mul3A_256 : i32
    %add3A_258 = arith.constant 192 : i32
    %add3A_259 = arith.addi %mul3A_257, %add3A_258 : i32
    %dma_wait3A_260 = arith.constant 0 : i32
    %dma_wait3A_261 = arith.constant 0 : i32
    %dma_wait3A_262 = tpu.memref_slice %arg8[%dma_wait3A_260, %dma_wait3A_261] : memref<64x64xf32, #tpu.memory_space<vmem>> -> memref<48x64xf32, #tpu.memory_space<vmem>>
    %dma_wait3A_263 = arith.constant 0 : i32
    %dma_wait3A_264 = tpu.memref_slice %arg20[%add3A_259, %dma_wait3A_263] : memref<10064x64xf32, #tpu.memory_space<vmem_shared>> -> memref<48x64xf32, #tpu.memory_space<vmem_shared>>
    %dma_wait3A_265 = arith.constant 0 : i32
    %dma_wait3A_266 = tpu.memref_slice %arg20[%add3A_259, %dma_wait3A_265] : memref<10064x64xf32, #tpu.memory_space<vmem_shared>> -> memref<48x64xf32, #tpu.memory_space<vmem_shared>>
    %dma_wait3A_267 = arith.constant 0 : i32
    %dma_wait3A_268 = arith.constant 0 : i32
    %dma_wait3A_269 = tpu.memref_slice %arg8[%dma_wait3A_267, %dma_wait3A_268] : memref<64x64xf32, #tpu.memory_space<vmem>> -> memref<48x64xf32, #tpu.memory_space<vmem>>
    tpu.wait_dma2 semaphore(%arg21 : memref<!tpu.dma_semaphore, #tpu.memory_space<semaphore_mem>>) src(%dma_wait3A_269 : memref<48x64xf32, #tpu.memory_space<vmem>>) dst(%dma_wait3A_266 : memref<48x64xf32, #tpu.memory_space<vmem_shared>>)
    %mul3A_270 = arith.constant 624 : i32
    %mul3A_271 = arith.muli %arg1, %mul3A_270 : i32
    %add3A_272 = arith.constant 240 : i32
    %add3A_273 = arith.addi %mul3A_271, %add3A_272 : i32
    %dma_wait3A_274 = arith.constant 0 : i32
    %dma_wait3A_275 = arith.constant 0 : i32
    %dma_wait3A_276 = tpu.memref_slice %arg8[%dma_wait3A_274, %dma_wait3A_275] : memref<64x64xf32, #tpu.memory_space<vmem>> -> memref<48x64xf32, #tpu.memory_space<vmem>>
    %dma_wait3A_277 = arith.constant 0 : i32
    %dma_wait3A_278 = tpu.memref_slice %arg20[%add3A_273, %dma_wait3A_277] : memref<10064x64xf32, #tpu.memory_space<vmem_shared>> -> memref<48x64xf32, #tpu.memory_space<vmem_shared>>
    %dma_wait3A_279 = arith.constant 0 : i32
    %dma_wait3A_280 = tpu.memref_slice %arg20[%add3A_273, %dma_wait3A_279] : memref<10064x64xf32, #tpu.memory_space<vmem_shared>> -> memref<48x64xf32, #tpu.memory_space<vmem_shared>>
    %dma_wait3A_281 = arith.constant 0 : i32
    %dma_wait3A_282 = arith.constant 0 : i32
    %dma_wait3A_283 = tpu.memref_slice %arg8[%dma_wait3A_281, %dma_wait3A_282] : memref<64x64xf32, #tpu.memory_space<vmem>> -> memref<48x64xf32, #tpu.memory_space<vmem>>
    tpu.wait_dma2 semaphore(%arg21 : memref<!tpu.dma_semaphore, #tpu.memory_space<semaphore_mem>>) src(%dma_wait3A_283 : memref<48x64xf32, #tpu.memory_space<vmem>>) dst(%dma_wait3A_280 : memref<48x64xf32, #tpu.memory_space<vmem_shared>>)
    %mul3A_284 = arith.constant 624 : i32
    %mul3A_285 = arith.muli %arg1, %mul3A_284 : i32
    %add3A_286 = arith.constant 288 : i32
    %add3A_287 = arith.addi %mul3A_285, %add3A_286 : i32
    %dma_wait3A_288 = arith.constant 0 : i32
    %dma_wait3A_289 = arith.constant 0 : i32
    %dma_wait3A_290 = tpu.memref_slice %arg8[%dma_wait3A_288, %dma_wait3A_289] : memref<64x64xf32, #tpu.memory_space<vmem>> -> memref<48x64xf32, #tpu.memory_space<vmem>>
    %dma_wait3A_291 = arith.constant 0 : i32
    %dma_wait3A_292 = tpu.memref_slice %arg20[%add3A_287, %dma_wait3A_291] : memref<10064x64xf32, #tpu.memory_space<vmem_shared>> -> memref<48x64xf32, #tpu.memory_space<vmem_shared>>
    %dma_wait3A_293 = arith.constant 0 : i32
    %dma_wait3A_294 = tpu.memref_slice %arg20[%add3A_287, %dma_wait3A_293] : memref<10064x64xf32, #tpu.memory_space<vmem_shared>> -> memref<48x64xf32, #tpu.memory_space<vmem_shared>>
    %dma_wait3A_295 = arith.constant 0 : i32
    %dma_wait3A_296 = arith.constant 0 : i32
    %dma_wait3A_297 = tpu.memref_slice %arg8[%dma_wait3A_295, %dma_wait3A_296] : memref<64x64xf32, #tpu.memory_space<vmem>> -> memref<48x64xf32, #tpu.memory_space<vmem>>
    tpu.wait_dma2 semaphore(%arg21 : memref<!tpu.dma_semaphore, #tpu.memory_space<semaphore_mem>>) src(%dma_wait3A_297 : memref<48x64xf32, #tpu.memory_space<vmem>>) dst(%dma_wait3A_294 : memref<48x64xf32, #tpu.memory_space<vmem_shared>>)
    %mul3A_298 = arith.constant 624 : i32
    %mul3A_299 = arith.muli %arg1, %mul3A_298 : i32
    %add3A_300 = arith.constant 336 : i32
    %add3A_301 = arith.addi %mul3A_299, %add3A_300 : i32
    %dma_wait3A_302 = arith.constant 0 : i32
    %dma_wait3A_303 = arith.constant 0 : i32
    %dma_wait3A_304 = tpu.memref_slice %arg8[%dma_wait3A_302, %dma_wait3A_303] : memref<64x64xf32, #tpu.memory_space<vmem>> -> memref<48x64xf32, #tpu.memory_space<vmem>>
    %dma_wait3A_305 = arith.constant 0 : i32
    %dma_wait3A_306 = tpu.memref_slice %arg20[%add3A_301, %dma_wait3A_305] : memref<10064x64xf32, #tpu.memory_space<vmem_shared>> -> memref<48x64xf32, #tpu.memory_space<vmem_shared>>
    %dma_wait3A_307 = arith.constant 0 : i32
    %dma_wait3A_308 = tpu.memref_slice %arg20[%add3A_301, %dma_wait3A_307] : memref<10064x64xf32, #tpu.memory_space<vmem_shared>> -> memref<48x64xf32, #tpu.memory_space<vmem_shared>>
    %dma_wait3A_309 = arith.constant 0 : i32
    %dma_wait3A_310 = arith.constant 0 : i32
    %dma_wait3A_311 = tpu.memref_slice %arg8[%dma_wait3A_309, %dma_wait3A_310] : memref<64x64xf32, #tpu.memory_space<vmem>> -> memref<48x64xf32, #tpu.memory_space<vmem>>
    tpu.wait_dma2 semaphore(%arg21 : memref<!tpu.dma_semaphore, #tpu.memory_space<semaphore_mem>>) src(%dma_wait3A_311 : memref<48x64xf32, #tpu.memory_space<vmem>>) dst(%dma_wait3A_308 : memref<48x64xf32, #tpu.memory_space<vmem_shared>>)
    %mul3A_312 = arith.constant 624 : i32
    %mul3A_313 = arith.muli %arg1, %mul3A_312 : i32
    %add3A_314 = arith.constant 384 : i32
    %add3A_315 = arith.addi %mul3A_313, %add3A_314 : i32
    %dma_wait3A_316 = arith.constant 0 : i32
    %dma_wait3A_317 = arith.constant 0 : i32
    %dma_wait3A_318 = tpu.memref_slice %arg8[%dma_wait3A_316, %dma_wait3A_317] : memref<64x64xf32, #tpu.memory_space<vmem>> -> memref<48x64xf32, #tpu.memory_space<vmem>>
    %dma_wait3A_319 = arith.constant 0 : i32
    %dma_wait3A_320 = tpu.memref_slice %arg20[%add3A_315, %dma_wait3A_319] : memref<10064x64xf32, #tpu.memory_space<vmem_shared>> -> memref<48x64xf32, #tpu.memory_space<vmem_shared>>
    %dma_wait3A_321 = arith.constant 0 : i32
    %dma_wait3A_322 = tpu.memref_slice %arg20[%add3A_315, %dma_wait3A_321] : memref<10064x64xf32, #tpu.memory_space<vmem_shared>> -> memref<48x64xf32, #tpu.memory_space<vmem_shared>>
    %dma_wait3A_323 = arith.constant 0 : i32
    %dma_wait3A_324 = arith.constant 0 : i32
    %dma_wait3A_325 = tpu.memref_slice %arg8[%dma_wait3A_323, %dma_wait3A_324] : memref<64x64xf32, #tpu.memory_space<vmem>> -> memref<48x64xf32, #tpu.memory_space<vmem>>
    tpu.wait_dma2 semaphore(%arg21 : memref<!tpu.dma_semaphore, #tpu.memory_space<semaphore_mem>>) src(%dma_wait3A_325 : memref<48x64xf32, #tpu.memory_space<vmem>>) dst(%dma_wait3A_322 : memref<48x64xf32, #tpu.memory_space<vmem_shared>>)
    %mul3A_326 = arith.constant 624 : i32
    %mul3A_327 = arith.muli %arg1, %mul3A_326 : i32
    %add3A_328 = arith.constant 432 : i32
    %add3A_329 = arith.addi %mul3A_327, %add3A_328 : i32
    %dma_wait3A_330 = arith.constant 0 : i32
    %dma_wait3A_331 = arith.constant 0 : i32
    %dma_wait3A_332 = tpu.memref_slice %arg8[%dma_wait3A_330, %dma_wait3A_331] : memref<64x64xf32, #tpu.memory_space<vmem>> -> memref<48x64xf32, #tpu.memory_space<vmem>>
    %dma_wait3A_333 = arith.constant 0 : i32
    %dma_wait3A_334 = tpu.memref_slice %arg20[%add3A_329, %dma_wait3A_333] : memref<10064x64xf32, #tpu.memory_space<vmem_shared>> -> memref<48x64xf32, #tpu.memory_space<vmem_shared>>
    %dma_wait3A_335 = arith.constant 0 : i32
    %dma_wait3A_336 = tpu.memref_slice %arg20[%add3A_329, %dma_wait3A_335] : memref<10064x64xf32, #tpu.memory_space<vmem_shared>> -> memref<48x64xf32, #tpu.memory_space<vmem_shared>>
    %dma_wait3A_337 = arith.constant 0 : i32
    %dma_wait3A_338 = arith.constant 0 : i32
    %dma_wait3A_339 = tpu.memref_slice %arg8[%dma_wait3A_337, %dma_wait3A_338] : memref<64x64xf32, #tpu.memory_space<vmem>> -> memref<48x64xf32, #tpu.memory_space<vmem>>
    tpu.wait_dma2 semaphore(%arg21 : memref<!tpu.dma_semaphore, #tpu.memory_space<semaphore_mem>>) src(%dma_wait3A_339 : memref<48x64xf32, #tpu.memory_space<vmem>>) dst(%dma_wait3A_336 : memref<48x64xf32, #tpu.memory_space<vmem_shared>>)
    %mul3A_340 = arith.constant 624 : i32
    %mul3A_341 = arith.muli %arg1, %mul3A_340 : i32
    %add3A_342 = arith.constant 480 : i32
    %add3A_343 = arith.addi %mul3A_341, %add3A_342 : i32
    %dma_wait3A_344 = arith.constant 0 : i32
    %dma_wait3A_345 = arith.constant 0 : i32
    %dma_wait3A_346 = tpu.memref_slice %arg8[%dma_wait3A_344, %dma_wait3A_345] : memref<64x64xf32, #tpu.memory_space<vmem>> -> memref<48x64xf32, #tpu.memory_space<vmem>>
    %dma_wait3A_347 = arith.constant 0 : i32
    %dma_wait3A_348 = tpu.memref_slice %arg20[%add3A_343, %dma_wait3A_347] : memref<10064x64xf32, #tpu.memory_space<vmem_shared>> -> memref<48x64xf32, #tpu.memory_space<vmem_shared>>
    %dma_wait3A_349 = arith.constant 0 : i32
    %dma_wait3A_350 = tpu.memref_slice %arg20[%add3A_343, %dma_wait3A_349] : memref<10064x64xf32, #tpu.memory_space<vmem_shared>> -> memref<48x64xf32, #tpu.memory_space<vmem_shared>>
    %dma_wait3A_351 = arith.constant 0 : i32
    %dma_wait3A_352 = arith.constant 0 : i32
    %dma_wait3A_353 = tpu.memref_slice %arg8[%dma_wait3A_351, %dma_wait3A_352] : memref<64x64xf32, #tpu.memory_space<vmem>> -> memref<48x64xf32, #tpu.memory_space<vmem>>
    tpu.wait_dma2 semaphore(%arg21 : memref<!tpu.dma_semaphore, #tpu.memory_space<semaphore_mem>>) src(%dma_wait3A_353 : memref<48x64xf32, #tpu.memory_space<vmem>>) dst(%dma_wait3A_350 : memref<48x64xf32, #tpu.memory_space<vmem_shared>>)
    %mul3A_354 = arith.constant 624 : i32
    %mul3A_355 = arith.muli %arg1, %mul3A_354 : i32
    %add3A_356 = arith.constant 528 : i32
    %add3A_357 = arith.addi %mul3A_355, %add3A_356 : i32
    %dma_wait3A_358 = arith.constant 0 : i32
    %dma_wait3A_359 = arith.constant 0 : i32
    %dma_wait3A_360 = tpu.memref_slice %arg8[%dma_wait3A_358, %dma_wait3A_359] : memref<64x64xf32, #tpu.memory_space<vmem>> -> memref<48x64xf32, #tpu.memory_space<vmem>>
    %dma_wait3A_361 = arith.constant 0 : i32
    %dma_wait3A_362 = tpu.memref_slice %arg20[%add3A_357, %dma_wait3A_361] : memref<10064x64xf32, #tpu.memory_space<vmem_shared>> -> memref<48x64xf32, #tpu.memory_space<vmem_shared>>
    %dma_wait3A_363 = arith.constant 0 : i32
    %dma_wait3A_364 = tpu.memref_slice %arg20[%add3A_357, %dma_wait3A_363] : memref<10064x64xf32, #tpu.memory_space<vmem_shared>> -> memref<48x64xf32, #tpu.memory_space<vmem_shared>>
    %dma_wait3A_365 = arith.constant 0 : i32
    %dma_wait3A_366 = arith.constant 0 : i32
    %dma_wait3A_367 = tpu.memref_slice %arg8[%dma_wait3A_365, %dma_wait3A_366] : memref<64x64xf32, #tpu.memory_space<vmem>> -> memref<48x64xf32, #tpu.memory_space<vmem>>
    tpu.wait_dma2 semaphore(%arg21 : memref<!tpu.dma_semaphore, #tpu.memory_space<semaphore_mem>>) src(%dma_wait3A_367 : memref<48x64xf32, #tpu.memory_space<vmem>>) dst(%dma_wait3A_364 : memref<48x64xf32, #tpu.memory_space<vmem_shared>>)
    %mul3A_368 = arith.constant 624 : i32
    %mul3A_369 = arith.muli %arg1, %mul3A_368 : i32
    %add3A_370 = arith.constant 576 : i32
    %add3A_371 = arith.addi %mul3A_369, %add3A_370 : i32
    %dma_wait3A_372 = arith.constant 0 : i32
    %dma_wait3A_373 = arith.constant 0 : i32
    %dma_wait3A_374 = tpu.memref_slice %arg8[%dma_wait3A_372, %dma_wait3A_373] : memref<64x64xf32, #tpu.memory_space<vmem>> -> memref<48x64xf32, #tpu.memory_space<vmem>>
    %dma_wait3A_375 = arith.constant 0 : i32
    %dma_wait3A_376 = tpu.memref_slice %arg20[%add3A_371, %dma_wait3A_375] : memref<10064x64xf32, #tpu.memory_space<vmem_shared>> -> memref<48x64xf32, #tpu.memory_space<vmem_shared>>
    %dma_wait3A_377 = arith.constant 0 : i32
    %dma_wait3A_378 = tpu.memref_slice %arg20[%add3A_371, %dma_wait3A_377] : memref<10064x64xf32, #tpu.memory_space<vmem_shared>> -> memref<48x64xf32, #tpu.memory_space<vmem_shared>>
    %dma_wait3A_379 = arith.constant 0 : i32
    %dma_wait3A_380 = arith.constant 0 : i32
    %dma_wait3A_381 = tpu.memref_slice %arg8[%dma_wait3A_379, %dma_wait3A_380] : memref<64x64xf32, #tpu.memory_space<vmem>> -> memref<48x64xf32, #tpu.memory_space<vmem>>
    tpu.wait_dma2 semaphore(%arg21 : memref<!tpu.dma_semaphore, #tpu.memory_space<semaphore_mem>>) src(%dma_wait3A_381 : memref<48x64xf32, #tpu.memory_space<vmem>>) dst(%dma_wait3A_378 : memref<48x64xf32, #tpu.memory_space<vmem_shared>>)
    %eq3A = arith.constant 0 : i32
    %eq3A_382 = arith.cmpi eq, %arg1, %eq3A : i32
    %convert_element_type3A = arith.extui %eq3A_382 : i1 to i32
    %cond3A = arith.constant 0 : i32
    %cond3A_383 = arith.cmpi ne, %convert_element_type3A, %cond3A : i32
    scf.if %cond3A_383 {
      "tpu.region"() ({
        %run_scoped3A = tpu.sem_alloc : memref<!tpu.dma_semaphore, #tpu.memory_space<semaphore_mem>>
        %dma_start3A_427 = arith.constant 0 : i32
        %dma_start3A_428 = arith.constant 0 : i32
        %dma_start3A_429 = tpu.memref_slice %arg8[%dma_start3A_427, %dma_start3A_428] : memref<64x64xf32, #tpu.memory_space<vmem>> -> memref<24x64xf32, #tpu.memory_space<vmem>>
        %dma_start3A_430 = arith.constant 9984 : i32
        %dma_start3A_431 = arith.constant 0 : i32
        %dma_start3A_432 = tpu.memref_slice %arg20[%dma_start3A_430, %dma_start3A_431] : memref<10064x64xf32, #tpu.memory_space<vmem_shared>> -> memref<24x64xf32, #tpu.memory_space<vmem_shared>>
        %dma_start3A_433 = arith.constant 9984 : i32
        %dma_start3A_434 = arith.constant 0 : i32
        %dma_start3A_435 = tpu.memref_slice %arg20[%dma_start3A_433, %dma_start3A_434] : memref<10064x64xf32, #tpu.memory_space<vmem_shared>> -> memref<24x64xf32, #tpu.memory_space<vmem_shared>>
        %dma_start3A_436 = arith.constant 0 : i32
        %dma_start3A_437 = arith.constant 0 : i32
        %dma_start3A_438 = tpu.memref_slice %arg8[%dma_start3A_436, %dma_start3A_437] : memref<64x64xf32, #tpu.memory_space<vmem>> -> memref<24x64xf32, #tpu.memory_space<vmem>>
        tpu.enqueue_dma source(%dma_start3A_438 : memref<24x64xf32, #tpu.memory_space<vmem>>) target(%dma_start3A_435 : memref<24x64xf32, #tpu.memory_space<vmem_shared>>) target_semaphore(%run_scoped3A : memref<!tpu.dma_semaphore, #tpu.memory_space<semaphore_mem>>)
        %dma_wait3A_439 = arith.constant 0 : i32
        %dma_wait3A_440 = arith.constant 0 : i32
        %dma_wait3A_441 = tpu.memref_slice %arg8[%dma_wait3A_439, %dma_wait3A_440] : memref<64x64xf32, #tpu.memory_space<vmem>> -> memref<24x64xf32, #tpu.memory_space<vmem>>
        %dma_wait3A_442 = arith.constant 9984 : i32
        %dma_wait3A_443 = arith.constant 0 : i32
        %dma_wait3A_444 = tpu.memref_slice %arg20[%dma_wait3A_442, %dma_wait3A_443] : memref<10064x64xf32, #tpu.memory_space<vmem_shared>> -> memref<24x64xf32, #tpu.memory_space<vmem_shared>>
        %dma_wait3A_445 = arith.constant 9984 : i32
        %dma_wait3A_446 = arith.constant 0 : i32
        %dma_wait3A_447 = tpu.memref_slice %arg20[%dma_wait3A_445, %dma_wait3A_446] : memref<10064x64xf32, #tpu.memory_space<vmem_shared>> -> memref<24x64xf32, #tpu.memory_space<vmem_shared>>
        %dma_wait3A_448 = arith.constant 0 : i32
        %dma_wait3A_449 = arith.constant 0 : i32
        %dma_wait3A_450 = tpu.memref_slice %arg8[%dma_wait3A_448, %dma_wait3A_449] : memref<64x64xf32, #tpu.memory_space<vmem>> -> memref<24x64xf32, #tpu.memory_space<vmem>>
        tpu.wait_dma2 semaphore(%run_scoped3A : memref<!tpu.dma_semaphore, #tpu.memory_space<semaphore_mem>>) src(%dma_wait3A_450 : memref<24x64xf32, #tpu.memory_space<vmem>>) dst(%dma_wait3A_447 : memref<24x64xf32, #tpu.memory_space<vmem_shared>>)
        tpu.yield
      }) : () -> ()
    } else {
    }
    %barrier3A = arith.constant 0 : index
    tpu.barrier barrier_id(%barrier3A)
    %dma_start3A_384 = arith.constant 0 : i32
    %dma_start3A_385 = arith.constant 0 : i32
    %dma_start3A_386 = tpu.memref_slice %arg6[%dma_start3A_384, %dma_start3A_385] : memref<80x64xi32, #tpu.memory_space<vmem>> -> memref<1x64xi32, #tpu.memory_space<vmem>>
    %dma_start3A_387 = tpu.memref_squeeze %dma_start3A_386 : memref<1x64xi32, #tpu.memory_space<vmem>> -> memref<64xi32, #tpu.memory_space<vmem>>
    %dma_start3A_388 = arith.constant 0 : i32
    %dma_start3A_389 = arith.constant 0 : i32
    %dma_start3A_390 = tpu.memref_slice %arg2[%dma_start3A_388, %dma_start3A_389] : memref<10000x64xf32, #tpu.memory_space<hbm>> -> memref<10000x64xf32, #tpu.memory_space<hbm>>
    tpu.enqueue_indirect_dma source(%dma_start3A_390 : memref<10000x64xf32, #tpu.memory_space<hbm>>) target(%arg8 : memref<64x64xf32, #tpu.memory_space<vmem>>) offsets(%dma_start3A_387 : memref<64xi32, #tpu.memory_space<vmem>>) semaphore(%arg12 : memref<!tpu.dma_semaphore, #tpu.memory_space<semaphore_mem>>)
    %dma_start3A_391 = arith.constant 1 : i32
    %dma_start3A_392 = arith.constant 0 : i32
    %dma_start3A_393 = tpu.memref_slice %arg6[%dma_start3A_391, %dma_start3A_392] : memref<80x64xi32, #tpu.memory_space<vmem>> -> memref<1x64xi32, #tpu.memory_space<vmem>>
    %dma_start3A_394 = tpu.memref_squeeze %dma_start3A_393 : memref<1x64xi32, #tpu.memory_space<vmem>> -> memref<64xi32, #tpu.memory_space<vmem>>
    %dma_start3A_395 = arith.constant 0 : i32
    %dma_start3A_396 = arith.constant 0 : i32
    %dma_start3A_397 = tpu.memref_slice %arg2[%dma_start3A_395, %dma_start3A_396] : memref<10000x64xf32, #tpu.memory_space<hbm>> -> memref<10000x64xf32, #tpu.memory_space<hbm>>
    tpu.enqueue_indirect_dma source(%dma_start3A_397 : memref<10000x64xf32, #tpu.memory_space<hbm>>) target(%arg9 : memref<64x64xf32, #tpu.memory_space<vmem>>) offsets(%dma_start3A_394 : memref<64xi32, #tpu.memory_space<vmem>>) semaphore(%arg13 : memref<!tpu.dma_semaphore, #tpu.memory_space<semaphore_mem>>)
    %scan3A_398 = arith.constant 0 : i32
    %scan3A_399 = arith.constant 20 : i32
    %scan3A_400 = arith.addi %scan3A_398, %scan3A_399 : i32
    %scan3A_401 = arith.constant 1 : i32
    scf.for %scan3A_427 = %scan3A_398 to %scan3A_400 step %scan3A_401  : i32 {
      %mul3A_428 = arith.constant 4 : i32
      %mul3A_429 = arith.muli %mul3A_428, %scan3A_427 : i32
      %add3A_430 = arith.constant 0 : i32
      %add3A_431 = arith.addi %mul3A_429, %add3A_430 : i32
      %ge3A = arith.constant 2 : i32
      %ge3A_432 = arith.cmpi sge, %add3A_431, %ge3A : i32
      %convert_element_type3A_433 = arith.extui %ge3A_432 : i1 to i32
      %cond3A_434 = arith.constant 0 : i32
      %cond3A_435 = arith.cmpi ne, %convert_element_type3A_433, %cond3A_434 : i32
      scf.if %cond3A_435 {
        %sub3A = arith.constant 2 : i32
        %sub3A_538 = arith.subi %add3A_431, %sub3A : i32
        %dma_wait3A_539 = arith.constant 0 : i32
        %dma_wait3A_540 = tpu.memref_slice %arg7[%sub3A_538, %dma_wait3A_539] : memref<80x64xi32, #tpu.memory_space<vmem>> -> memref<1x64xi32, #tpu.memory_space<vmem>>
        %dma_wait3A_541 = tpu.memref_squeeze %dma_wait3A_540 : memref<1x64xi32, #tpu.memory_space<vmem>> -> memref<64xi32, #tpu.memory_space<vmem>>
        %dma_wait3A_542 = arith.constant 0 : i32
        %dma_wait3A_543 = arith.constant 0 : i32
        %dma_wait3A_544 = tpu.memref_slice %arg20[%dma_wait3A_542, %dma_wait3A_543] : memref<10064x64xf32, #tpu.memory_space<vmem_shared>> -> memref<10064x64xf32, #tpu.memory_space<vmem_shared>>
        tpu.wait_indirect_dma semaphore(%arg18 : memref<!tpu.dma_semaphore, #tpu.memory_space<semaphore_mem>>) src(%arg10 : memref<64x64xf32, #tpu.memory_space<vmem>>) dst(%dma_wait3A_544 : memref<10064x64xf32, #tpu.memory_space<vmem_shared>>)
      } else {
      }
      %add3A_436 = arith.constant 2 : i32
      %add3A_437 = arith.addi %add3A_431, %add3A_436 : i32
      %lt3A = arith.constant 80 : i32
      %lt3A_438 = arith.cmpi slt, %add3A_437, %lt3A : i32
      %convert_element_type3A_439 = arith.extui %lt3A_438 : i1 to i32
      %cond3A_440 = arith.constant 0 : i32
      %cond3A_441 = arith.cmpi ne, %convert_element_type3A_439, %cond3A_440 : i32
      scf.if %cond3A_441 {
        %add3A_538 = arith.constant 2 : i32
        %add3A_539 = arith.addi %add3A_431, %add3A_538 : i32
        %dma_start3A_540 = arith.constant 0 : i32
        %dma_start3A_541 = tpu.memref_slice %arg6[%add3A_539, %dma_start3A_540] : memref<80x64xi32, #tpu.memory_space<vmem>> -> memref<1x64xi32, #tpu.memory_space<vmem>>
        %dma_start3A_542 = tpu.memref_squeeze %dma_start3A_541 : memref<1x64xi32, #tpu.memory_space<vmem>> -> memref<64xi32, #tpu.memory_space<vmem>>
        %dma_start3A_543 = arith.constant 0 : i32
        %dma_start3A_544 = arith.constant 0 : i32
        %dma_start3A_545 = tpu.memref_slice %arg2[%dma_start3A_543, %dma_start3A_544] : memref<10000x64xf32, #tpu.memory_space<hbm>> -> memref<10000x64xf32, #tpu.memory_space<hbm>>
        tpu.enqueue_indirect_dma source(%dma_start3A_545 : memref<10000x64xf32, #tpu.memory_space<hbm>>) target(%arg10 : memref<64x64xf32, #tpu.memory_space<vmem>>) offsets(%dma_start3A_542 : memref<64xi32, #tpu.memory_space<vmem>>) semaphore(%arg14 : memref<!tpu.dma_semaphore, #tpu.memory_space<semaphore_mem>>)
      } else {
      }
      %dma_wait3A_442 = arith.constant 0 : i32
      %dma_wait3A_443 = tpu.memref_slice %arg6[%add3A_431, %dma_wait3A_442] : memref<80x64xi32, #tpu.memory_space<vmem>> -> memref<1x64xi32, #tpu.memory_space<vmem>>
      %dma_wait3A_444 = tpu.memref_squeeze %dma_wait3A_443 : memref<1x64xi32, #tpu.memory_space<vmem>> -> memref<64xi32, #tpu.memory_space<vmem>>
      %dma_wait3A_445 = arith.constant 0 : i32
      %dma_wait3A_446 = arith.constant 0 : i32
      %dma_wait3A_447 = tpu.memref_slice %arg2[%dma_wait3A_445, %dma_wait3A_446] : memref<10000x64xf32, #tpu.memory_space<hbm>> -> memref<10000x64xf32, #tpu.memory_space<hbm>>
      tpu.wait_indirect_dma semaphore(%arg12 : memref<!tpu.dma_semaphore, #tpu.memory_space<semaphore_mem>>) src(%dma_wait3A_447 : memref<10000x64xf32, #tpu.memory_space<hbm>>) dst(%arg8 : memref<64x64xf32, #tpu.memory_space<vmem>>)
      %dma_start3A_448 = arith.constant 0 : i32
      %dma_start3A_449 = tpu.memref_slice %arg7[%add3A_431, %dma_start3A_448] : memref<80x64xi32, #tpu.memory_space<vmem>> -> memref<1x64xi32, #tpu.memory_space<vmem>>
      %dma_start3A_450 = tpu.memref_squeeze %dma_start3A_449 : memref<1x64xi32, #tpu.memory_space<vmem>> -> memref<64xi32, #tpu.memory_space<vmem>>
      %dma_start3A_451 = arith.constant 0 : i32
      %dma_start3A_452 = arith.constant 0 : i32
      %dma_start3A_453 = tpu.memref_slice %arg20[%dma_start3A_451, %dma_start3A_452] : memref<10064x64xf32, #tpu.memory_space<vmem_shared>> -> memref<10064x64xf32, #tpu.memory_space<vmem_shared>>
      tpu.enqueue_indirect_dma source(%arg8 : memref<64x64xf32, #tpu.memory_space<vmem>>) target(%dma_start3A_453 : memref<10064x64xf32, #tpu.memory_space<vmem_shared>>) offsets(%dma_start3A_450 : memref<64xi32, #tpu.memory_space<vmem>>) semaphore(%arg16 : memref<!tpu.dma_semaphore, #tpu.memory_space<semaphore_mem>>) {add = true}
      %mul3A_454 = arith.constant 4 : i32
      %mul3A_455 = arith.muli %mul3A_454, %scan3A_427 : i32
      %add3A_456 = arith.constant 1 : i32
      %add3A_457 = arith.addi %mul3A_455, %add3A_456 : i32
      %ge3A_458 = arith.constant 2 : i32
      %ge3A_459 = arith.cmpi sge, %add3A_457, %ge3A_458 : i32
      %convert_element_type3A_460 = arith.extui %ge3A_459 : i1 to i32
      %cond3A_461 = arith.constant 0 : i32
      %cond3A_462 = arith.cmpi ne, %convert_element_type3A_460, %cond3A_461 : i32
      scf.if %cond3A_462 {
        %sub3A = arith.constant 2 : i32
        %sub3A_538 = arith.subi %add3A_457, %sub3A : i32
        %dma_wait3A_539 = arith.constant 0 : i32
        %dma_wait3A_540 = tpu.memref_slice %arg7[%sub3A_538, %dma_wait3A_539] : memref<80x64xi32, #tpu.memory_space<vmem>> -> memref<1x64xi32, #tpu.memory_space<vmem>>
        %dma_wait3A_541 = tpu.memref_squeeze %dma_wait3A_540 : memref<1x64xi32, #tpu.memory_space<vmem>> -> memref<64xi32, #tpu.memory_space<vmem>>
        %dma_wait3A_542 = arith.constant 0 : i32
        %dma_wait3A_543 = arith.constant 0 : i32
        %dma_wait3A_544 = tpu.memref_slice %arg20[%dma_wait3A_542, %dma_wait3A_543] : memref<10064x64xf32, #tpu.memory_space<vmem_shared>> -> memref<10064x64xf32, #tpu.memory_space<vmem_shared>>
        tpu.wait_indirect_dma semaphore(%arg19 : memref<!tpu.dma_semaphore, #tpu.memory_space<semaphore_mem>>) src(%arg11 : memref<64x64xf32, #tpu.memory_space<vmem>>) dst(%dma_wait3A_544 : memref<10064x64xf32, #tpu.memory_space<vmem_shared>>)
      } else {
      }
      %add3A_463 = arith.constant 2 : i32
      %add3A_464 = arith.addi %add3A_457, %add3A_463 : i32
      %lt3A_465 = arith.constant 80 : i32
      %lt3A_466 = arith.cmpi slt, %add3A_464, %lt3A_465 : i32
      %convert_element_type3A_467 = arith.extui %lt3A_466 : i1 to i32
      %cond3A_468 = arith.constant 0 : i32
      %cond3A_469 = arith.cmpi ne, %convert_element_type3A_467, %cond3A_468 : i32
      scf.if %cond3A_469 {
        %add3A_538 = arith.constant 2 : i32
        %add3A_539 = arith.addi %add3A_457, %add3A_538 : i32
        %dma_start3A_540 = arith.constant 0 : i32
        %dma_start3A_541 = tpu.memref_slice %arg6[%add3A_539, %dma_start3A_540] : memref<80x64xi32, #tpu.memory_space<vmem>> -> memref<1x64xi32, #tpu.memory_space<vmem>>
        %dma_start3A_542 = tpu.memref_squeeze %dma_start3A_541 : memref<1x64xi32, #tpu.memory_space<vmem>> -> memref<64xi32, #tpu.memory_space<vmem>>
        %dma_start3A_543 = arith.constant 0 : i32
        %dma_start3A_544 = arith.constant 0 : i32
        %dma_start3A_545 = tpu.memref_slice %arg2[%dma_start3A_543, %dma_start3A_544] : memref<10000x64xf32, #tpu.memory_space<hbm>> -> memref<10000x64xf32, #tpu.memory_space<hbm>>
        tpu.enqueue_indirect_dma source(%dma_start3A_545 : memref<10000x64xf32, #tpu.memory_space<hbm>>) target(%arg11 : memref<64x64xf32, #tpu.memory_space<vmem>>) offsets(%dma_start3A_542 : memref<64xi32, #tpu.memory_space<vmem>>) semaphore(%arg15 : memref<!tpu.dma_semaphore, #tpu.memory_space<semaphore_mem>>)
      } else {
      }
      %dma_wait3A_470 = arith.constant 0 : i32
      %dma_wait3A_471 = tpu.memref_slice %arg6[%add3A_457, %dma_wait3A_470] : memref<80x64xi32, #tpu.memory_space<vmem>> -> memref<1x64xi32, #tpu.memory_space<vmem>>
      %dma_wait3A_472 = tpu.memref_squeeze %dma_wait3A_471 : memref<1x64xi32, #tpu.memory_space<vmem>> -> memref<64xi32, #tpu.memory_space<vmem>>
      %dma_wait3A_473 = arith.constant 0 : i32
      %dma_wait3A_474 = arith.constant 0 : i32
      %dma_wait3A_475 = tpu.memref_slice %arg2[%dma_wait3A_473, %dma_wait3A_474] : memref<10000x64xf32, #tpu.memory_space<hbm>> -> memref<10000x64xf32, #tpu.memory_space<hbm>>
      tpu.wait_indirect_dma semaphore(%arg13 : memref<!tpu.dma_semaphore, #tpu.memory_space<semaphore_mem>>) src(%dma_wait3A_475 : memref<10000x64xf32, #tpu.memory_space<hbm>>) dst(%arg9 : memref<64x64xf32, #tpu.memory_space<vmem>>)
      %dma_start3A_476 = arith.constant 0 : i32
      %dma_start3A_477 = tpu.memref_slice %arg7[%add3A_457, %dma_start3A_476] : memref<80x64xi32, #tpu.memory_space<vmem>> -> memref<1x64xi32, #tpu.memory_space<vmem>>
      %dma_start3A_478 = tpu.memref_squeeze %dma_start3A_477 : memref<1x64xi32, #tpu.memory_space<vmem>> -> memref<64xi32, #tpu.memory_space<vmem>>
      %dma_start3A_479 = arith.constant 0 : i32
      %dma_start3A_480 = arith.constant 0 : i32
      %dma_start3A_481 = tpu.memref_slice %arg20[%dma_start3A_479, %dma_start3A_480] : memref<10064x64xf32, #tpu.memory_space<vmem_shared>> -> memref<10064x64xf32, #tpu.memory_space<vmem_shared>>
      tpu.enqueue_indirect_dma source(%arg9 : memref<64x64xf32, #tpu.memory_space<vmem>>) target(%dma_start3A_481 : memref<10064x64xf32, #tpu.memory_space<vmem_shared>>) offsets(%dma_start3A_478 : memref<64xi32, #tpu.memory_space<vmem>>) semaphore(%arg17 : memref<!tpu.dma_semaphore, #tpu.memory_space<semaphore_mem>>) {add = true}
      %mul3A_482 = arith.constant 4 : i32
      %mul3A_483 = arith.muli %mul3A_482, %scan3A_427 : i32
      %add3A_484 = arith.constant 2 : i32
      %add3A_485 = arith.addi %mul3A_483, %add3A_484 : i32
      %ge3A_486 = arith.constant 2 : i32
      %ge3A_487 = arith.cmpi sge, %add3A_485, %ge3A_486 : i32
      %convert_element_type3A_488 = arith.extui %ge3A_487 : i1 to i32
      %cond3A_489 = arith.constant 0 : i32
      %cond3A_490 = arith.cmpi ne, %convert_element_type3A_488, %cond3A_489 : i32
      scf.if %cond3A_490 {
        %sub3A = arith.constant 2 : i32
        %sub3A_538 = arith.subi %add3A_485, %sub3A : i32
        %dma_wait3A_539 = arith.constant 0 : i32
        %dma_wait3A_540 = tpu.memref_slice %arg7[%sub3A_538, %dma_wait3A_539] : memref<80x64xi32, #tpu.memory_space<vmem>> -> memref<1x64xi32, #tpu.memory_space<vmem>>
        %dma_wait3A_541 = tpu.memref_squeeze %dma_wait3A_540 : memref<1x64xi32, #tpu.memory_space<vmem>> -> memref<64xi32, #tpu.memory_space<vmem>>
        %dma_wait3A_542 = arith.constant 0 : i32
        %dma_wait3A_543 = arith.constant 0 : i32
        %dma_wait3A_544 = tpu.memref_slice %arg20[%dma_wait3A_542, %dma_wait3A_543] : memref<10064x64xf32, #tpu.memory_space<vmem_shared>> -> memref<10064x64xf32, #tpu.memory_space<vmem_shared>>
        tpu.wait_indirect_dma semaphore(%arg16 : memref<!tpu.dma_semaphore, #tpu.memory_space<semaphore_mem>>) src(%arg8 : memref<64x64xf32, #tpu.memory_space<vmem>>) dst(%dma_wait3A_544 : memref<10064x64xf32, #tpu.memory_space<vmem_shared>>)
      } else {
      }
      %add3A_491 = arith.constant 2 : i32
      %add3A_492 = arith.addi %add3A_485, %add3A_491 : i32
      %lt3A_493 = arith.constant 80 : i32
      %lt3A_494 = arith.cmpi slt, %add3A_492, %lt3A_493 : i32
      %convert_element_type3A_495 = arith.extui %lt3A_494 : i1 to i32
      %cond3A_496 = arith.constant 0 : i32
      %cond3A_497 = arith.cmpi ne, %convert_element_type3A_495, %cond3A_496 : i32
      scf.if %cond3A_497 {
        %add3A_538 = arith.constant 2 : i32
        %add3A_539 = arith.addi %add3A_485, %add3A_538 : i32
        %dma_start3A_540 = arith.constant 0 : i32
        %dma_start3A_541 = tpu.memref_slice %arg6[%add3A_539, %dma_start3A_540] : memref<80x64xi32, #tpu.memory_space<vmem>> -> memref<1x64xi32, #tpu.memory_space<vmem>>
        %dma_start3A_542 = tpu.memref_squeeze %dma_start3A_541 : memref<1x64xi32, #tpu.memory_space<vmem>> -> memref<64xi32, #tpu.memory_space<vmem>>
        %dma_start3A_543 = arith.constant 0 : i32
        %dma_start3A_544 = arith.constant 0 : i32
        %dma_start3A_545 = tpu.memref_slice %arg2[%dma_start3A_543, %dma_start3A_544] : memref<10000x64xf32, #tpu.memory_space<hbm>> -> memref<10000x64xf32, #tpu.memory_space<hbm>>
        tpu.enqueue_indirect_dma source(%dma_start3A_545 : memref<10000x64xf32, #tpu.memory_space<hbm>>) target(%arg8 : memref<64x64xf32, #tpu.memory_space<vmem>>) offsets(%dma_start3A_542 : memref<64xi32, #tpu.memory_space<vmem>>) semaphore(%arg12 : memref<!tpu.dma_semaphore, #tpu.memory_space<semaphore_mem>>)
      } else {
      }
      %dma_wait3A_498 = arith.constant 0 : i32
      %dma_wait3A_499 = tpu.memref_slice %arg6[%add3A_485, %dma_wait3A_498] : memref<80x64xi32, #tpu.memory_space<vmem>> -> memref<1x64xi32, #tpu.memory_space<vmem>>
      %dma_wait3A_500 = tpu.memref_squeeze %dma_wait3A_499 : memref<1x64xi32, #tpu.memory_space<vmem>> -> memref<64xi32, #tpu.memory_space<vmem>>
      %dma_wait3A_501 = arith.constant 0 : i32
      %dma_wait3A_502 = arith.constant 0 : i32
      %dma_wait3A_503 = tpu.memref_slice %arg2[%dma_wait3A_501, %dma_wait3A_502] : memref<10000x64xf32, #tpu.memory_space<hbm>> -> memref<10000x64xf32, #tpu.memory_space<hbm>>
      tpu.wait_indirect_dma semaphore(%arg14 : memref<!tpu.dma_semaphore, #tpu.memory_space<semaphore_mem>>) src(%dma_wait3A_503 : memref<10000x64xf32, #tpu.memory_space<hbm>>) dst(%arg10 : memref<64x64xf32, #tpu.memory_space<vmem>>)
      %dma_start3A_504 = arith.constant 0 : i32
      %dma_start3A_505 = tpu.memref_slice %arg7[%add3A_485, %dma_start3A_504] : memref<80x64xi32, #tpu.memory_space<vmem>> -> memref<1x64xi32, #tpu.memory_space<vmem>>
      %dma_start3A_506 = tpu.memref_squeeze %dma_start3A_505 : memref<1x64xi32, #tpu.memory_space<vmem>> -> memref<64xi32, #tpu.memory_space<vmem>>
      %dma_start3A_507 = arith.constant 0 : i32
      %dma_start3A_508 = arith.constant 0 : i32
      %dma_start3A_509 = tpu.memref_slice %arg20[%dma_start3A_507, %dma_start3A_508] : memref<10064x64xf32, #tpu.memory_space<vmem_shared>> -> memref<10064x64xf32, #tpu.memory_space<vmem_shared>>
      tpu.enqueue_indirect_dma source(%arg10 : memref<64x64xf32, #tpu.memory_space<vmem>>) target(%dma_start3A_509 : memref<10064x64xf32, #tpu.memory_space<vmem_shared>>) offsets(%dma_start3A_506 : memref<64xi32, #tpu.memory_space<vmem>>) semaphore(%arg18 : memref<!tpu.dma_semaphore, #tpu.memory_space<semaphore_mem>>) {add = true}
      %mul3A_510 = arith.constant 4 : i32
      %mul3A_511 = arith.muli %mul3A_510, %scan3A_427 : i32
      %add3A_512 = arith.constant 3 : i32
      %add3A_513 = arith.addi %mul3A_511, %add3A_512 : i32
      %ge3A_514 = arith.constant 2 : i32
      %ge3A_515 = arith.cmpi sge, %add3A_513, %ge3A_514 : i32
      %convert_element_type3A_516 = arith.extui %ge3A_515 : i1 to i32
      %cond3A_517 = arith.constant 0 : i32
      %cond3A_518 = arith.cmpi ne, %convert_element_type3A_516, %cond3A_517 : i32
      scf.if %cond3A_518 {
        %sub3A = arith.constant 2 : i32
        %sub3A_538 = arith.subi %add3A_513, %sub3A : i32
        %dma_wait3A_539 = arith.constant 0 : i32
        %dma_wait3A_540 = tpu.memref_slice %arg7[%sub3A_538, %dma_wait3A_539] : memref<80x64xi32, #tpu.memory_space<vmem>> -> memref<1x64xi32, #tpu.memory_space<vmem>>
        %dma_wait3A_541 = tpu.memref_squeeze %dma_wait3A_540 : memref<1x64xi32, #tpu.memory_space<vmem>> -> memref<64xi32, #tpu.memory_space<vmem>>
        %dma_wait3A_542 = arith.constant 0 : i32
        %dma_wait3A_543 = arith.constant 0 : i32
        %dma_wait3A_544 = tpu.memref_slice %arg20[%dma_wait3A_542, %dma_wait3A_543] : memref<10064x64xf32, #tpu.memory_space<vmem_shared>> -> memref<10064x64xf32, #tpu.memory_space<vmem_shared>>
        tpu.wait_indirect_dma semaphore(%arg17 : memref<!tpu.dma_semaphore, #tpu.memory_space<semaphore_mem>>) src(%arg9 : memref<64x64xf32, #tpu.memory_space<vmem>>) dst(%dma_wait3A_544 : memref<10064x64xf32, #tpu.memory_space<vmem_shared>>)
      } else {
      }
      %add3A_519 = arith.constant 2 : i32
      %add3A_520 = arith.addi %add3A_513, %add3A_519 : i32
      %lt3A_521 = arith.constant 80 : i32
      %lt3A_522 = arith.cmpi slt, %add3A_520, %lt3A_521 : i32
      %convert_element_type3A_523 = arith.extui %lt3A_522 : i1 to i32
      %cond3A_524 = arith.constant 0 : i32
      %cond3A_525 = arith.cmpi ne, %convert_element_type3A_523, %cond3A_524 : i32
      scf.if %cond3A_525 {
        %add3A_538 = arith.constant 2 : i32
        %add3A_539 = arith.addi %add3A_513, %add3A_538 : i32
        %dma_start3A_540 = arith.constant 0 : i32
        %dma_start3A_541 = tpu.memref_slice %arg6[%add3A_539, %dma_start3A_540] : memref<80x64xi32, #tpu.memory_space<vmem>> -> memref<1x64xi32, #tpu.memory_space<vmem>>
        %dma_start3A_542 = tpu.memref_squeeze %dma_start3A_541 : memref<1x64xi32, #tpu.memory_space<vmem>> -> memref<64xi32, #tpu.memory_space<vmem>>
        %dma_start3A_543 = arith.constant 0 : i32
        %dma_start3A_544 = arith.constant 0 : i32
        %dma_start3A_545 = tpu.memref_slice %arg2[%dma_start3A_543, %dma_start3A_544] : memref<10000x64xf32, #tpu.memory_space<hbm>> -> memref<10000x64xf32, #tpu.memory_space<hbm>>
        tpu.enqueue_indirect_dma source(%dma_start3A_545 : memref<10000x64xf32, #tpu.memory_space<hbm>>) target(%arg9 : memref<64x64xf32, #tpu.memory_space<vmem>>) offsets(%dma_start3A_542 : memref<64xi32, #tpu.memory_space<vmem>>) semaphore(%arg13 : memref<!tpu.dma_semaphore, #tpu.memory_space<semaphore_mem>>)
      } else {
      }
      %dma_wait3A_526 = arith.constant 0 : i32
      %dma_wait3A_527 = tpu.memref_slice %arg6[%add3A_513, %dma_wait3A_526] : memref<80x64xi32, #tpu.memory_space<vmem>> -> memref<1x64xi32, #tpu.memory_space<vmem>>
      %dma_wait3A_528 = tpu.memref_squeeze %dma_wait3A_527 : memref<1x64xi32, #tpu.memory_space<vmem>> -> memref<64xi32, #tpu.memory_space<vmem>>
      %dma_wait3A_529 = arith.constant 0 : i32
      %dma_wait3A_530 = arith.constant 0 : i32
      %dma_wait3A_531 = tpu.memref_slice %arg2[%dma_wait3A_529, %dma_wait3A_530] : memref<10000x64xf32, #tpu.memory_space<hbm>> -> memref<10000x64xf32, #tpu.memory_space<hbm>>
      tpu.wait_indirect_dma semaphore(%arg15 : memref<!tpu.dma_semaphore, #tpu.memory_space<semaphore_mem>>) src(%dma_wait3A_531 : memref<10000x64xf32, #tpu.memory_space<hbm>>) dst(%arg11 : memref<64x64xf32, #tpu.memory_space<vmem>>)
      %dma_start3A_532 = arith.constant 0 : i32
      %dma_start3A_533 = tpu.memref_slice %arg7[%add3A_513, %dma_start3A_532] : memref<80x64xi32, #tpu.memory_space<vmem>> -> memref<1x64xi32, #tpu.memory_space<vmem>>
      %dma_start3A_534 = tpu.memref_squeeze %dma_start3A_533 : memref<1x64xi32, #tpu.memory_space<vmem>> -> memref<64xi32, #tpu.memory_space<vmem>>
      %dma_start3A_535 = arith.constant 0 : i32
      %dma_start3A_536 = arith.constant 0 : i32
      %dma_start3A_537 = tpu.memref_slice %arg20[%dma_start3A_535, %dma_start3A_536] : memref<10064x64xf32, #tpu.memory_space<vmem_shared>> -> memref<10064x64xf32, #tpu.memory_space<vmem_shared>>
      tpu.enqueue_indirect_dma source(%arg11 : memref<64x64xf32, #tpu.memory_space<vmem>>) target(%dma_start3A_537 : memref<10064x64xf32, #tpu.memory_space<vmem_shared>>) offsets(%dma_start3A_534 : memref<64xi32, #tpu.memory_space<vmem>>) semaphore(%arg19 : memref<!tpu.dma_semaphore, #tpu.memory_space<semaphore_mem>>) {add = true}
    }
    %scan3A_402 = arith.constant 20 : i32
    %dma_wait3A_403 = arith.constant 78 : i32
    %dma_wait3A_404 = arith.constant 0 : i32
    %dma_wait3A_405 = tpu.memref_slice %arg7[%dma_wait3A_403, %dma_wait3A_404] : memref<80x64xi32, #tpu.memory_space<vmem>> -> memref<1x64xi32, #tpu.memory_space<vmem>>
    %dma_wait3A_406 = tpu.memref_squeeze %dma_wait3A_405 : memref<1x64xi32, #tpu.memory_space<vmem>> -> memref<64xi32, #tpu.memory_space<vmem>>
    %dma_wait3A_407 = arith.constant 0 : i32
    %dma_wait3A_408 = arith.constant 0 : i32
    %dma_wait3A_409 = tpu.memref_slice %arg20[%dma_wait3A_407, %dma_wait3A_408] : memref<10064x64xf32, #tpu.memory_space<vmem_shared>> -> memref<10064x64xf32, #tpu.memory_space<vmem_shared>>
    tpu.wait_indirect_dma semaphore(%arg18 : memref<!tpu.dma_semaphore, #tpu.memory_space<semaphore_mem>>) src(%arg10 : memref<64x64xf32, #tpu.memory_space<vmem>>) dst(%dma_wait3A_409 : memref<10064x64xf32, #tpu.memory_space<vmem_shared>>)
    %dma_wait3A_410 = arith.constant 79 : i32
    %dma_wait3A_411 = arith.constant 0 : i32
    %dma_wait3A_412 = tpu.memref_slice %arg7[%dma_wait3A_410, %dma_wait3A_411] : memref<80x64xi32, #tpu.memory_space<vmem>> -> memref<1x64xi32, #tpu.memory_space<vmem>>
    %dma_wait3A_413 = tpu.memref_squeeze %dma_wait3A_412 : memref<1x64xi32, #tpu.memory_space<vmem>> -> memref<64xi32, #tpu.memory_space<vmem>>
    %dma_wait3A_414 = arith.constant 0 : i32
    %dma_wait3A_415 = arith.constant 0 : i32
    %dma_wait3A_416 = tpu.memref_slice %arg20[%dma_wait3A_414, %dma_wait3A_415] : memref<10064x64xf32, #tpu.memory_space<vmem_shared>> -> memref<10064x64xf32, #tpu.memory_space<vmem_shared>>
    tpu.wait_indirect_dma semaphore(%arg19 : memref<!tpu.dma_semaphore, #tpu.memory_space<semaphore_mem>>) src(%arg11 : memref<64x64xf32, #tpu.memory_space<vmem>>) dst(%dma_wait3A_416 : memref<10064x64xf32, #tpu.memory_space<vmem_shared>>)
    %barrier3A_417 = arith.constant 0 : index
    tpu.barrier barrier_id(%barrier3A_417)
    %mul3A_418 = arith.constant 624 : i32
    %mul3A_419 = arith.muli %arg1, %mul3A_418 : i32
    %mul3A_420 = arith.constant 624 : i32
    %mul3A_421 = arith.muli %arg1, %mul3A_420 : i32
    "tpu.region"() ({
      %run_scoped3A = tpu.sem_alloc : memref<!tpu.dma_semaphore, #tpu.memory_space<semaphore_mem>>
      %dma_start3A_427 = arith.constant 0 : i32
      %dma_start3A_428 = tpu.memref_slice %arg5[%arg0, %mul3A_421, %dma_start3A_427] : memref<2x10000x64xf32, #tpu.memory_space<hbm>> -> memref<1x624x64xf32, #tpu.memory_space<hbm>>
      %dma_start3A_429 = tpu.memref_squeeze %dma_start3A_428 : memref<1x624x64xf32, #tpu.memory_space<hbm>> -> memref<624x64xf32, #tpu.memory_space<hbm>>
      %dma_start3A_430 = arith.constant 0 : i32
      %dma_start3A_431 = tpu.memref_slice %arg20[%mul3A_419, %dma_start3A_430] : memref<10064x64xf32, #tpu.memory_space<vmem_shared>> -> memref<624x64xf32, #tpu.memory_space<vmem_shared>>
      tpu.enqueue_dma source(%dma_start3A_431 : memref<624x64xf32, #tpu.memory_space<vmem_shared>>) target(%dma_start3A_429 : memref<624x64xf32, #tpu.memory_space<hbm>>) target_semaphore(%run_scoped3A : memref<!tpu.dma_semaphore, #tpu.memory_space<semaphore_mem>>)
      %dma_wait3A_432 = arith.constant 0 : i32
      %dma_wait3A_433 = tpu.memref_slice %arg5[%arg0, %mul3A_421, %dma_wait3A_432] : memref<2x10000x64xf32, #tpu.memory_space<hbm>> -> memref<1x624x64xf32, #tpu.memory_space<hbm>>
      %dma_wait3A_434 = tpu.memref_squeeze %dma_wait3A_433 : memref<1x624x64xf32, #tpu.memory_space<hbm>> -> memref<624x64xf32, #tpu.memory_space<hbm>>
      %dma_wait3A_435 = arith.constant 0 : i32
      %dma_wait3A_436 = tpu.memref_slice %arg20[%mul3A_419, %dma_wait3A_435] : memref<10064x64xf32, #tpu.memory_space<vmem_shared>> -> memref<624x64xf32, #tpu.memory_space<vmem_shared>>
      tpu.wait_dma2 semaphore(%run_scoped3A : memref<!tpu.dma_semaphore, #tpu.memory_space<semaphore_mem>>) src(%dma_wait3A_436 : memref<624x64xf32, #tpu.memory_space<vmem_shared>>) dst(%dma_wait3A_434 : memref<624x64xf32, #tpu.memory_space<hbm>>)
      tpu.yield
    }) : () -> ()
    %eq3A_422 = arith.constant 0 : i32
    %eq3A_423 = arith.cmpi eq, %arg1, %eq3A_422 : i32
    %convert_element_type3A_424 = arith.extui %eq3A_423 : i1 to i32
    %cond3A_425 = arith.constant 0 : i32
    %cond3A_426 = arith.cmpi ne, %convert_element_type3A_424, %cond3A_425 : i32
    scf.if %cond3A_426 {
      "tpu.region"() ({
        %run_scoped3A = tpu.sem_alloc : memref<!tpu.dma_semaphore, #tpu.memory_space<semaphore_mem>>
        %dma_start3A_427 = arith.constant 9984 : i32
        %dma_start3A_428 = arith.constant 0 : i32
        %dma_start3A_429 = tpu.memref_slice %arg5[%arg0, %dma_start3A_427, %dma_start3A_428] : memref<2x10000x64xf32, #tpu.memory_space<hbm>> -> memref<1x16x64xf32, #tpu.memory_space<hbm>>
        %dma_start3A_430 = tpu.memref_squeeze %dma_start3A_429 : memref<1x16x64xf32, #tpu.memory_space<hbm>> -> memref<16x64xf32, #tpu.memory_space<hbm>>
        %dma_start3A_431 = arith.constant 9984 : i32
        %dma_start3A_432 = arith.constant 0 : i32
        %dma_start3A_433 = tpu.memref_slice %arg20[%dma_start3A_431, %dma_start3A_432] : memref<10064x64xf32, #tpu.memory_space<vmem_shared>> -> memref<16x64xf32, #tpu.memory_space<vmem_shared>>
        tpu.enqueue_dma source(%dma_start3A_433 : memref<16x64xf32, #tpu.memory_space<vmem_shared>>) target(%dma_start3A_430 : memref<16x64xf32, #tpu.memory_space<hbm>>) target_semaphore(%run_scoped3A : memref<!tpu.dma_semaphore, #tpu.memory_space<semaphore_mem>>)
        %dma_wait3A_434 = arith.constant 9984 : i32
        %dma_wait3A_435 = arith.constant 0 : i32
        %dma_wait3A_436 = tpu.memref_slice %arg5[%arg0, %dma_wait3A_434, %dma_wait3A_435] : memref<2x10000x64xf32, #tpu.memory_space<hbm>> -> memref<1x16x64xf32, #tpu.memory_space<hbm>>
        %dma_wait3A_437 = tpu.memref_squeeze %dma_wait3A_436 : memref<1x16x64xf32, #tpu.memory_space<hbm>> -> memref<16x64xf32, #tpu.memory_space<hbm>>
        %dma_wait3A_438 = arith.constant 9984 : i32
        %dma_wait3A_439 = arith.constant 0 : i32
        %dma_wait3A_440 = tpu.memref_slice %arg20[%dma_wait3A_438, %dma_wait3A_439] : memref<10064x64xf32, #tpu.memory_space<vmem_shared>> -> memref<16x64xf32, #tpu.memory_space<vmem_shared>>
        tpu.wait_dma2 semaphore(%run_scoped3A : memref<!tpu.dma_semaphore, #tpu.memory_space<semaphore_mem>>) src(%dma_wait3A_440 : memref<16x64xf32, #tpu.memory_space<vmem_shared>>) dst(%dma_wait3A_437 : memref<16x64xf32, #tpu.memory_space<hbm>>)
        tpu.yield
      }) : () -> ()
    } else {
    }
    return
  }
}

module attributes {stable_mosaic.version = 14 : i64} {
  func.func @_mm1_body(%arg0: i32, %arg1: memref<1000x256xf32, #tpu.memory_space<vmem>>, %arg2: memref<2x1000x16xf32, #tpu.memory_space<vmem>>, %arg3: memref<256x128xf32, #tpu.memory_space<vmem>>, %arg4: memref<1000x128xf32, #tpu.memory_space<vmem>>, %arg5: memref<1000x1xf32, #tpu.memory_space<vmem>>) attributes {dimension_semantics = [#tpu.dimension_semantics<arbitrary>], iteration_bounds = array<i64: 10>, scalar_prefetch = 0 : i64, scratch_operands = 0 : i64, tpu.core_type = #tpu.core_type<tc>, window_params = [{transform_indices = @transform_0, window_bounds = array<i64: 1000, 256>}, {transform_indices = @transform_1, window_bounds = array<i64: 2, 1000, 16>}, {pipeline_mode = #tpu.pipeline_mode<synchronous>, transform_indices = @transform_2, window_bounds = array<i64: 256, 128>}, {transform_indices = @transform_3, window_bounds = array<i64: 1000, 128>}, {transform_indices = @transform_4, window_bounds = array<i64: 1000, 1>}]} {
    %get3A = arith.constant 0 : index
    %get3A_0 = arith.constant 0 : index
    %get3A_1 = arith.constant 0 : index
    %get3A_2 = vector.load %arg2[%get3A, %get3A_0, %get3A_1] : memref<2x1000x16xf32, #tpu.memory_space<vmem>>, vector<1x1000x16xf32>
    %get3A_3 = vector.shape_cast %get3A_2 : vector<1x1000x16xf32> to vector<1000x16xf32>
    %reduce_sum3A = arith.constant dense<0.000000e+00> : vector<1000xf32>
    %reduce_sum3A_4 = vector.multi_reduction <add>, %get3A_3, %reduce_sum3A [1] : vector<1000x16xf32> to vector<1000xf32>
    %broadcast_in_dim3A = vector.shape_cast %reduce_sum3A_4 : vector<1000xf32> to vector<1000x1xf32>
    %get3A_5 = arith.constant 1 : index
    %get3A_6 = arith.constant 0 : index
    %get3A_7 = arith.constant 0 : index
    %get3A_8 = vector.load %arg2[%get3A_5, %get3A_6, %get3A_7] : memref<2x1000x16xf32, #tpu.memory_space<vmem>>, vector<1x1000x16xf32>
    %get3A_9 = vector.shape_cast %get3A_8 : vector<1x1000x16xf32> to vector<1000x16xf32>
    %reduce_sum3A_10 = arith.constant dense<0.000000e+00> : vector<1000xf32>
    %reduce_sum3A_11 = vector.multi_reduction <add>, %get3A_9, %reduce_sum3A_10 [1] : vector<1000x16xf32> to vector<1000xf32>
    %broadcast_in_dim3A_12 = vector.shape_cast %reduce_sum3A_11 : vector<1000xf32> to vector<1000x1xf32>
    %add3A = arith.addf %broadcast_in_dim3A, %broadcast_in_dim3A_12 : vector<1000x1xf32>
    %div3A = arith.constant 1.600000e+01 : f32
    %div3A_13 = vector.broadcast %div3A : f32 to vector<1000x1xf32>
    %div3A_14 = arith.divf %add3A, %div3A_13 : vector<1000x1xf32>
    %add3A_15 = arith.constant 1.000000e+00 : f32
    %add3A_16 = vector.broadcast %add3A_15 : f32 to vector<1000x1xf32>
    %add3A_17 = arith.addf %add3A_16, %div3A_14 : vector<1000x1xf32>
    %rsqrt3A = math.rsqrt %add3A_17 : vector<1000x1xf32>
    %get3A_18 = arith.constant 0 : index
    %get3A_19 = arith.constant 0 : index
    %get3A_20 = vector.load %arg1[%get3A_18, %get3A_19] : memref<1000x256xf32, #tpu.memory_space<vmem>>, vector<1000x256xf32>
    %get3A_21 = arith.constant 0 : index
    %get3A_22 = arith.constant 0 : index
    %get3A_23 = vector.load %arg3[%get3A_21, %get3A_22] : memref<256x128xf32, #tpu.memory_space<vmem>>, vector<256x128xf32>
    %dot_general3A = arith.constant dense<0.000000e+00> : vector<1000x128xf32>
    %dot_general3A_24 = tpu.matmul %get3A_20, %get3A_23, %dot_general3A {dimension_numbers = #tpu.dot_dimension_numbers<[1], [0], [0], [1], [0, 0, 1, 1], [], []>, precision = #tpu.contract_precision<fp32>, transpose_lhs_hint = false} : vector<1000x256xf32>, vector<256x128xf32>, vector<1000x128xf32> -> vector<1000x128xf32>
    %mul3A = vector.broadcast %rsqrt3A : vector<1000x1xf32> to vector<1000x128xf32>
    %mul3A_25 = arith.mulf %dot_general3A_24, %mul3A : vector<1000x128xf32>
    %swap3A = arith.constant 0 : index
    %swap3A_26 = arith.constant 0 : index
    %swap3A_27 = vector.load %arg4[%swap3A, %swap3A_26] : memref<1000x128xf32, #tpu.memory_space<vmem>>, vector<1000x128xf32>
    tpu.vector_store %arg4[%swap3A, %swap3A_26], %mul3A_25 {strides = array<i32>} : memref<1000x128xf32, #tpu.memory_space<vmem>>, vector<1000x128xf32>,
    %swap3A_28 = arith.constant 0 : index
    %swap3A_29 = arith.constant 0 : index
    %swap3A_30 = vector.load %arg5[%swap3A_28, %swap3A_29] : memref<1000x1xf32, #tpu.memory_space<vmem>>, vector<1000x1xf32>
    tpu.vector_store %arg5[%swap3A_28, %swap3A_29], %rsqrt3A {strides = array<i32>} : memref<1000x1xf32, #tpu.memory_space<vmem>>, vector<1000x1xf32>,
    return
  }
  func.func @transform_0(%arg0: i32) -> (i32, i32) {
    %c0_i32 = arith.constant 0 : i32
    %c0_i32_0 = arith.constant 0 : i32
    return %arg0, %c0_i32 : i32, i32
  }
  func.func @transform_1(%arg0: i32) -> (i32, i32, i32) {
    %c0_i32 = arith.constant 0 : i32
    %c0_i32_0 = arith.constant 0 : i32
    %c0_i32_1 = arith.constant 0 : i32
    return %c0_i32, %arg0, %c0_i32_0 : i32, i32, i32
  }
  func.func @transform_2(%arg0: i32) -> (i32, i32) {
    %c0_i32 = arith.constant 0 : i32
    %c0_i32_0 = arith.constant 0 : i32
    %c0_i32_1 = arith.constant 0 : i32
    return %c0_i32, %c0_i32_0 : i32, i32
  }
  func.func @transform_3(%arg0: i32) -> (i32, i32) {
    %c0_i32 = arith.constant 0 : i32
    %c0_i32_0 = arith.constant 0 : i32
    return %arg0, %c0_i32 : i32, i32
  }
  func.func @transform_4(%arg0: i32) -> (i32, i32) {
    %c0_i32 = arith.constant 0 : i32
    %c0_i32_0 = arith.constant 0 : i32
    return %arg0, %c0_i32 : i32, i32
  }
}

module attributes {stable_mosaic.version = 14 : i64} {
  func.func @_lm1_body(%arg0: i32, %arg1: memref<2x1000x128xf32, #tpu.memory_space<vmem>>, %arg2: memref<1000x128xf32, #tpu.memory_space<vmem>>, %arg3: memref<1000x1xf32, #tpu.memory_space<vmem>>, %arg4: memref<128xf32, #tpu.memory_space<vmem>>, %arg5: memref<128xf32, #tpu.memory_space<vmem>>, %arg6: memref<128xf32, #tpu.memory_space<vmem>>, %arg7: memref<128x64xf32, #tpu.memory_space<vmem>>, %arg8: memref<1000x64xf32, #tpu.memory_space<vmem>>, %arg9: memref<10000x128xf32, #tpu.memory_space<vmem>>, %arg10: memref<2x128xf32, #tpu.memory_space<vmem>>) attributes {dimension_semantics = [#tpu.dimension_semantics<arbitrary>], iteration_bounds = array<i64: 20>, scalar_prefetch = 0 : i64, scratch_operands = 2 : i64, tpu.core_type = #tpu.core_type<tc>, window_params = [{transform_indices = @transform_0, window_bounds = array<i64: 2, 1000, 128>}, {transform_indices = @transform_1, window_bounds = array<i64: 1000, 128>}, {transform_indices = @transform_2, window_bounds = array<i64: 1000, 1>}, {pipeline_mode = #tpu.pipeline_mode<synchronous>, transform_indices = @transform_3, window_bounds = array<i64: 128>}, {pipeline_mode = #tpu.pipeline_mode<synchronous>, transform_indices = @transform_4, window_bounds = array<i64: 128>}, {pipeline_mode = #tpu.pipeline_mode<synchronous>, transform_indices = @transform_5, window_bounds = array<i64: 128>}, {pipeline_mode = #tpu.pipeline_mode<synchronous>, transform_indices = @transform_6, window_bounds = array<i64: 128, 64>}, {transform_indices = @transform_7, window_bounds = array<i64: 1000, 64>}]} {
    %lt3A = arith.constant 10 : i32
    %lt3A_0 = arith.cmpi slt, %arg0, %lt3A : i32
    %convert_element_type3A = arith.extui %lt3A_0 : i1 to i32
    %cond3A = arith.constant 0 : i32
    %cond3A_1 = arith.cmpi ne, %convert_element_type3A, %cond3A : i32
    scf.if %cond3A_1 {
      %get3A = arith.constant 0 : index
      %get3A_6 = arith.constant 0 : index
      %get3A_7 = arith.constant 0 : index
      %get3A_8 = vector.load %arg1[%get3A, %get3A_6, %get3A_7] : memref<2x1000x128xf32, #tpu.memory_space<vmem>>, vector<1x1000x128xf32>
      %get3A_9 = vector.shape_cast %get3A_8 : vector<1x1000x128xf32> to vector<1000x128xf32>
      %get3A_10 = arith.constant 1 : index
      %get3A_11 = arith.constant 0 : index
      %get3A_12 = arith.constant 0 : index
      %get3A_13 = vector.load %arg1[%get3A_10, %get3A_11, %get3A_12] : memref<2x1000x128xf32, #tpu.memory_space<vmem>>, vector<1x1000x128xf32>
      %get3A_14 = vector.shape_cast %get3A_13 : vector<1x1000x128xf32> to vector<1000x128xf32>
      %add3A = arith.addf %get3A_9, %get3A_14 : vector<1000x128xf32>
      %get3A_15 = arith.constant 0 : index
      %get3A_16 = arith.constant 0 : index
      %get3A_17 = vector.load %arg2[%get3A_15, %get3A_16] : memref<1000x128xf32, #tpu.memory_space<vmem>>, vector<1000x128xf32>
      %add3A_18 = arith.addf %add3A, %get3A_17 : vector<1000x128xf32>
      %get3A_19 = arith.constant 0 : index
      %get3A_20 = arith.constant 0 : index
      %get3A_21 = vector.load %arg3[%get3A_19, %get3A_20] : memref<1000x1xf32, #tpu.memory_space<vmem>>, vector<1000x1xf32>
      %mul3A = vector.broadcast %get3A_21 : vector<1000x1xf32> to vector<1000x128xf32>
      %mul3A_22 = arith.mulf %add3A_18, %mul3A : vector<1000x128xf32>
      %get3A_23 = arith.constant 0 : index
      %get3A_24 = vector.load %arg4[%get3A_23] : memref<128xf32, #tpu.memory_space<vmem>>, vector<128xf32>
      %broadcast_in_dim3A = vector.shape_cast %get3A_24 : vector<128xf32> to vector<1x128xf32>
      %add3A_25 = vector.broadcast %broadcast_in_dim3A : vector<1x128xf32> to vector<1000x128xf32>
      %add3A_26 = arith.addf %mul3A_22, %add3A_25 : vector<1000x128xf32>
      %max3A = arith.constant 0.000000e+00 : f32
      %max3A_27 = vector.broadcast %max3A : f32 to vector<1000x128xf32>
      %max3A_28 = arith.maximumf %add3A_26, %max3A_27 : vector<1000x128xf32>
      %mul3A_29 = arith.constant 1000 : i32
      %mul3A_30 = arith.muli %arg0, %mul3A_29 : i32
      %swap3A = arith.index_cast %mul3A_30 : i32 to index
      %swap3A_31 = arith.constant 0 : index
      %swap3A_32 = vector.load %arg9[%swap3A, %swap3A_31] : memref<10000x128xf32, #tpu.memory_space<vmem>>, vector<1000x128xf32>
      tpu.vector_store %arg9[%swap3A, %swap3A_31], %max3A_28 {strides = array<i32>} : memref<10000x128xf32, #tpu.memory_space<vmem>>, vector<1000x128xf32>,
      %reduce_sum3A = arith.constant dense<0.000000e+00> : vector<128xf32>
      %reduce_sum3A_33 = vector.multi_reduction <add>, %max3A_28, %reduce_sum3A [0] : vector<1000x128xf32> to vector<128xf32>
      %mul3A_34 = arith.mulf %max3A_28, %max3A_28 : vector<1000x128xf32>
      %reduce_sum3A_35 = arith.constant dense<0.000000e+00> : vector<128xf32>
      %reduce_sum3A_36 = vector.multi_reduction <add>, %mul3A_34, %reduce_sum3A_35 [0] : vector<1000x128xf32> to vector<128xf32>
      %stack3A = vector.shape_cast %reduce_sum3A_33 : vector<128xf32> to vector<1x128xf32>
      %stack3A_37 = vector.shape_cast %reduce_sum3A_36 : vector<128xf32> to vector<1x128xf32>
      %stack3A_38 = tpu.concatenate %stack3A, %stack3A_37 in 0 : vector<1x128xf32>, vector<1x128xf32> -> vector<2x128xf32>
      %eq3A = arith.constant 0 : i32
      %eq3A_39 = arith.cmpi eq, %arg0, %eq3A : i32
      %convert_element_type3A_40 = arith.extui %eq3A_39 : i1 to i32
      %cond3A_41 = arith.constant 0 : i32
      %cond3A_42 = arith.cmpi ne, %convert_element_type3A_40, %cond3A_41 : i32
      scf.if %cond3A_42 {
        %swap3A_47 = arith.constant 0 : index
        %swap3A_48 = arith.constant 0 : index
        %swap3A_49 = vector.load %arg10[%swap3A_47, %swap3A_48] : memref<2x128xf32, #tpu.memory_space<vmem>>, vector<2x128xf32>
        tpu.vector_store %arg10[%swap3A_47, %swap3A_48], %stack3A_38 {strides = array<i32>} : memref<2x128xf32, #tpu.memory_space<vmem>>, vector<2x128xf32>,
      } else {
      }
      %ne3A = arith.constant 0 : i32
      %ne3A_43 = arith.cmpi ne, %arg0, %ne3A : i32
      %convert_element_type3A_44 = arith.extui %ne3A_43 : i1 to i32
      %cond3A_45 = arith.constant 0 : i32
      %cond3A_46 = arith.cmpi ne, %convert_element_type3A_44, %cond3A_45 : i32
      scf.if %cond3A_46 {
        %get3A_47 = arith.constant 0 : index
        %get3A_48 = arith.constant 0 : index
        %get3A_49 = vector.load %arg10[%get3A_47, %get3A_48] : memref<2x128xf32, #tpu.memory_space<vmem>>, vector<2x128xf32>
        %add3A_50 = arith.addf %get3A_49, %stack3A_38 : vector<2x128xf32>
        %swap3A_51 = arith.constant 0 : index
        %swap3A_52 = arith.constant 0 : index
        %swap3A_53 = vector.load %arg10[%swap3A_51, %swap3A_52] : memref<2x128xf32, #tpu.memory_space<vmem>>, vector<2x128xf32>
        tpu.vector_store %arg10[%swap3A_51, %swap3A_52], %add3A_50 {strides = array<i32>} : memref<2x128xf32, #tpu.memory_space<vmem>>, vector<2x128xf32>,
      } else {
      }
    } else {
    }
    %ge3A = arith.constant 10 : i32
    %ge3A_2 = arith.cmpi sge, %arg0, %ge3A : i32
    %convert_element_type3A_3 = arith.extui %ge3A_2 : i1 to i32
    %cond3A_4 = arith.constant 0 : i32
    %cond3A_5 = arith.cmpi ne, %convert_element_type3A_3, %cond3A_4 : i32
    scf.if %cond3A_5 {
      %sub3A = arith.constant 10 : i32
      %sub3A_6 = arith.subi %arg0, %sub3A : i32
      %get3A = arith.constant 0 : index
      %get3A_7 = arith.constant 0 : index
      %get3A_8 = vector.load %arg10[%get3A, %get3A_7] : memref<2x128xf32, #tpu.memory_space<vmem>>, vector<1x128xf32>
      %get3A_9 = vector.shape_cast %get3A_8 : vector<1x128xf32> to vector<128xf32>
      %div3A = arith.constant 1.000000e+04 : f32
      %div3A_10 = vector.broadcast %div3A : f32 to vector<128xf32>
      %div3A_11 = arith.divf %get3A_9, %div3A_10 : vector<128xf32>
      %get3A_12 = arith.constant 1 : index
      %get3A_13 = arith.constant 0 : index
      %get3A_14 = vector.load %arg10[%get3A_12, %get3A_13] : memref<2x128xf32, #tpu.memory_space<vmem>>, vector<1x128xf32>
      %get3A_15 = vector.shape_cast %get3A_14 : vector<1x128xf32> to vector<128xf32>
      %div3A_16 = arith.constant 1.000000e+04 : f32
      %div3A_17 = vector.broadcast %div3A_16 : f32 to vector<128xf32>
      %div3A_18 = arith.divf %get3A_15, %div3A_17 : vector<128xf32>
      %mul3A = arith.mulf %div3A_11, %div3A_11 : vector<128xf32>
      %sub3A_19 = arith.subf %div3A_18, %mul3A : vector<128xf32>
      %get3A_20 = arith.constant 0 : index
      %get3A_21 = vector.load %arg5[%get3A_20] : memref<128xf32, #tpu.memory_space<vmem>>, vector<128xf32>
      %add3A = arith.constant 9.99999974E-6 : f32
      %add3A_22 = vector.broadcast %add3A : f32 to vector<128xf32>
      %add3A_23 = arith.addf %sub3A_19, %add3A_22 : vector<128xf32>
      %rsqrt3A = math.rsqrt %add3A_23 : vector<128xf32>
      %mul3A_24 = arith.mulf %get3A_21, %rsqrt3A : vector<128xf32>
      %get3A_25 = arith.constant 0 : index
      %get3A_26 = vector.load %arg6[%get3A_25] : memref<128xf32, #tpu.memory_space<vmem>>, vector<128xf32>
      %mul3A_27 = arith.mulf %div3A_11, %mul3A_24 : vector<128xf32>
      %sub3A_28 = arith.subf %get3A_26, %mul3A_27 : vector<128xf32>
      %mul3A_29 = arith.constant 1000 : i32
      %mul3A_30 = arith.muli %sub3A_6, %mul3A_29 : i32
      %get3A_31 = arith.index_cast %mul3A_30 : i32 to index
      %get3A_32 = arith.constant 0 : index
      %get3A_33 = vector.load %arg9[%get3A_31, %get3A_32] : memref<10000x128xf32, #tpu.memory_space<vmem>>, vector<1000x128xf32>
      %broadcast_in_dim3A = vector.shape_cast %mul3A_24 : vector<128xf32> to vector<1x128xf32>
      %mul3A_34 = vector.broadcast %broadcast_in_dim3A : vector<1x128xf32> to vector<1000x128xf32>
      %mul3A_35 = arith.mulf %get3A_33, %mul3A_34 : vector<1000x128xf32>
      %broadcast_in_dim3A_36 = vector.shape_cast %sub3A_28 : vector<128xf32> to vector<1x128xf32>
      %add3A_37 = vector.broadcast %broadcast_in_dim3A_36 : vector<1x128xf32> to vector<1000x128xf32>
      %add3A_38 = arith.addf %mul3A_35, %add3A_37 : vector<1000x128xf32>
      %get3A_39 = arith.constant 0 : index
      %get3A_40 = arith.constant 0 : index
      %get3A_41 = vector.load %arg7[%get3A_39, %get3A_40] : memref<128x64xf32, #tpu.memory_space<vmem>>, vector<128x64xf32>
      %dot_general3A = arith.constant dense<0.000000e+00> : vector<1000x64xf32>
      %dot_general3A_42 = tpu.matmul %add3A_38, %get3A_41, %dot_general3A {dimension_numbers = #tpu.dot_dimension_numbers<[1], [0], [0], [1], [0, 0, 1, 1], [], []>, precision = #tpu.contract_precision<fp32>, transpose_lhs_hint = false} : vector<1000x128xf32>, vector<128x64xf32>, vector<1000x64xf32> -> vector<1000x64xf32>
      %get3A_43 = arith.constant 0 : index
      %get3A_44 = arith.constant 0 : index
      %get3A_45 = vector.load %arg3[%get3A_43, %get3A_44] : memref<1000x1xf32, #tpu.memory_space<vmem>>, vector<1000x1xf32>
      %mul3A_46 = vector.broadcast %get3A_45 : vector<1000x1xf32> to vector<1000x64xf32>
      %mul3A_47 = arith.mulf %dot_general3A_42, %mul3A_46 : vector<1000x64xf32>
      %swap3A = arith.constant 0 : index
      %swap3A_48 = arith.constant 0 : index
      %swap3A_49 = vector.load %arg8[%swap3A, %swap3A_48] : memref<1000x64xf32, #tpu.memory_space<vmem>>, vector<1000x64xf32>
      tpu.vector_store %arg8[%swap3A, %swap3A_48], %mul3A_47 {strides = array<i32>} : memref<1000x64xf32, #tpu.memory_space<vmem>>, vector<1000x64xf32>,
    } else {
    }
    return
  }
  func.func @transform_0(%arg0: i32) -> (i32, i32, i32) {
    %lt3A = arith.constant 10 : i32
    %lt3A_0 = arith.cmpi slt, %arg0, %lt3A : i32
    %jit3A = arith.constant 9 : i32
    %select_n3A = arith.select %lt3A_0, %arg0, %jit3A : i32
    %c0_i32 = arith.constant 0 : i32
    %c0_i32_1 = arith.constant 0 : i32
    %c0_i32_2 = arith.constant 0 : i32
    return %c0_i32, %select_n3A, %c0_i32_1 : i32, i32, i32
  }
  func.func @transform_1(%arg0: i32) -> (i32, i32) {
    %lt3A = arith.constant 10 : i32
    %lt3A_0 = arith.cmpi slt, %arg0, %lt3A : i32
    %jit3A = arith.constant 9 : i32
    %select_n3A = arith.select %lt3A_0, %arg0, %jit3A : i32
    %c0_i32 = arith.constant 0 : i32
    %c0_i32_1 = arith.constant 0 : i32
    return %select_n3A, %c0_i32 : i32, i32
  }
  func.func @transform_2(%arg0: i32) -> (i32, i32) {
    %jit3A = arith.constant 10 : i32
    %eq3A = arith.constant 0 : i32
    %eq3A_0 = arith.cmpi eq, %jit3A, %eq3A : i32
    %jit3A_1 = arith.constant 1 : i32
    %select_n3A = arith.select %eq3A_0, %jit3A_1, %jit3A : i32
    %rem3A = arith.remsi %arg0, %select_n3A : i32
    %ne3A = arith.constant 0 : i32
    %ne3A_2 = arith.cmpi ne, %rem3A, %ne3A : i32
    %lt3A = arith.constant 0 : i32
    %lt3A_3 = arith.cmpi slt, %rem3A, %lt3A : i32
    %lt3A_4 = arith.constant 0 : i32
    %lt3A_5 = arith.cmpi slt, %select_n3A, %lt3A_4 : i32
    %ne3A_6 = arith.xori %lt3A_3, %lt3A_5 : i1
    %and3A = arith.andi %ne3A_6, %ne3A_2 : i1
    %add3A = arith.addi %rem3A, %select_n3A : i32
    %select_n3A_7 = arith.select %and3A, %add3A, %rem3A : i32
    %c0_i32 = arith.constant 0 : i32
    %c0_i32_8 = arith.constant 0 : i32
    return %select_n3A_7, %c0_i32 : i32, i32
  }
  func.func @transform_3(%arg0: i32) -> i32 {
    %c0_i32 = arith.constant 0 : i32
    %c0_i32_0 = arith.constant 0 : i32
    return %c0_i32 : i32
  }
  func.func @transform_4(%arg0: i32) -> i32 {
    %c0_i32 = arith.constant 0 : i32
    %c0_i32_0 = arith.constant 0 : i32
    return %c0_i32 : i32
  }
  func.func @transform_5(%arg0: i32) -> i32 {
    %c0_i32 = arith.constant 0 : i32
    %c0_i32_0 = arith.constant 0 : i32
    return %c0_i32 : i32
  }
  func.func @transform_6(%arg0: i32) -> (i32, i32) {
    %c0_i32 = arith.constant 0 : i32
    %c0_i32_0 = arith.constant 0 : i32
    %c0_i32_1 = arith.constant 0 : i32
    return %c0_i32, %c0_i32_0 : i32, i32
  }
  func.func @transform_7(%arg0: i32) -> (i32, i32) {
    %jit3A = arith.constant 10 : i32
    %eq3A = arith.constant 0 : i32
    %eq3A_0 = arith.cmpi eq, %jit3A, %eq3A : i32
    %jit3A_1 = arith.constant 1 : i32
    %select_n3A = arith.select %eq3A_0, %jit3A_1, %jit3A : i32
    %rem3A = arith.remsi %arg0, %select_n3A : i32
    %ne3A = arith.constant 0 : i32
    %ne3A_2 = arith.cmpi ne, %rem3A, %ne3A : i32
    %lt3A = arith.constant 0 : i32
    %lt3A_3 = arith.cmpi slt, %rem3A, %lt3A : i32
    %lt3A_4 = arith.constant 0 : i32
    %lt3A_5 = arith.cmpi slt, %select_n3A, %lt3A_4 : i32
    %ne3A_6 = arith.xori %lt3A_3, %lt3A_5 : i1
    %and3A = arith.andi %ne3A_6, %ne3A_2 : i1
    %add3A = arith.addi %rem3A, %select_n3A : i32
    %select_n3A_7 = arith.select %and3A, %add3A, %rem3A : i32
    %c0_i32 = arith.constant 0 : i32
    %c0_i32_8 = arith.constant 0 : i32
    return %select_n3A_7, %c0_i32 : i32, i32
  }
}

module attributes {stable_mosaic.version = 14 : i64} {
  func.func @_lh_body(%arg0: i32, %arg1: memref<2x1000x64xf32, #tpu.memory_space<vmem>>, %arg2: memref<1000x64xf32, #tpu.memory_space<vmem>>, %arg3: memref<1000x1xf32, #tpu.memory_space<vmem>>, %arg4: memref<64xf32, #tpu.memory_space<vmem>>, %arg5: memref<1000x1xi32, #tpu.memory_space<vmem>>, %arg6: memref<64xf32, #tpu.memory_space<vmem>>, %arg7: memref<64xf32, #tpu.memory_space<vmem>>, %arg8: memref<64x64xf32, #tpu.memory_space<vmem>>, %arg9: memref<64xf32, #tpu.memory_space<vmem>>, %arg10: memref<64xf32, #tpu.memory_space<vmem>>, %arg11: memref<64xf32, #tpu.memory_space<vmem>>, %arg12: memref<64x64xf32, #tpu.memory_space<vmem>>, %arg13: memref<64xf32, #tpu.memory_space<vmem>>, %arg14: memref<64x2xf32, #tpu.memory_space<vmem>>, %arg15: memref<2xf32, #tpu.memory_space<vmem>>, %arg16: memref<64x2xf32, #tpu.memory_space<vmem>>, %arg17: memref<2x64xf32, #tpu.memory_space<vmem>>, %arg18: memref<64x64xf32, #tpu.memory_space<vmem>>, %arg19: memref<1x64xf32, #tpu.memory_space<vmem>>) attributes {dimension_semantics = [#tpu.dimension_semantics<arbitrary>], iteration_bounds = array<i64: 11>, scalar_prefetch = 0 : i64, scratch_operands = 3 : i64, tpu.core_type = #tpu.core_type<tc>, window_params = [{transform_indices = @transform_0, window_bounds = array<i64: 2, 1000, 64>}, {transform_indices = @transform_1, window_bounds = array<i64: 1000, 64>}, {transform_indices = @transform_2, window_bounds = array<i64: 1000, 1>}, {pipeline_mode = #tpu.pipeline_mode<synchronous>, transform_indices = @transform_3, window_bounds = array<i64: 64>}, {transform_indices = @transform_4, window_bounds = array<i64: 1000, 1>}, {pipeline_mode = #tpu.pipeline_mode<synchronous>, transform_indices = @transform_5, window_bounds = array<i64: 64>}, {pipeline_mode = #tpu.pipeline_mode<synchronous>, transform_indices = @transform_6, window_bounds = array<i64: 64>}, {pipeline_mode = #tpu.pipeline_mode<synchronous>, transform_indices = @transform_7, window_bounds = array<i64: 64, 64>}, {pipeline_mode = #tpu.pipeline_mode<synchronous>, transform_indices = @transform_8, window_bounds = array<i64: 64>}, {pipeline_mode = #tpu.pipeline_mode<synchronous>, transform_indices = @transform_9, window_bounds = array<i64: 64>}, {pipeline_mode = #tpu.pipeline_mode<synchronous>, transform_indices = @transform_10, window_bounds = array<i64: 64>}, {pipeline_mode = #tpu.pipeline_mode<synchronous>, transform_indices = @transform_11, window_bounds = array<i64: 64, 64>}, {pipeline_mode = #tpu.pipeline_mode<synchronous>, transform_indices = @transform_12, window_bounds = array<i64: 64>}, {pipeline_mode = #tpu.pipeline_mode<synchronous>, transform_indices = @transform_13, window_bounds = array<i64: 64, 2>}, {pipeline_mode = #tpu.pipeline_mode<synchronous>, transform_indices = @transform_14, window_bounds = array<i64: 2>}, {pipeline_mode = #tpu.pipeline_mode<synchronous>, transform_indices = @transform_15, window_bounds = array<i64: 64, 2>}]} {
    %lt3A = arith.constant 10 : i32
    %lt3A_0 = arith.cmpi slt, %arg0, %lt3A : i32
    %convert_element_type3A = arith.extui %lt3A_0 : i1 to i32
    %cond3A = arith.constant 0 : i32
    %cond3A_1 = arith.cmpi ne, %convert_element_type3A, %cond3A : i32
    scf.if %cond3A_1 {
      %get3A = arith.constant 0 : index
      %get3A_6 = arith.constant 0 : index
      %get3A_7 = arith.constant 0 : index
      %get3A_8 = vector.load %arg1[%get3A, %get3A_6, %get3A_7] : memref<2x1000x64xf32, #tpu.memory_space<vmem>>, vector<1x1000x64xf32>
      %get3A_9 = vector.shape_cast %get3A_8 : vector<1x1000x64xf32> to vector<1000x64xf32>
      %get3A_10 = arith.constant 1 : index
      %get3A_11 = arith.constant 0 : index
      %get3A_12 = arith.constant 0 : index
      %get3A_13 = vector.load %arg1[%get3A_10, %get3A_11, %get3A_12] : memref<2x1000x64xf32, #tpu.memory_space<vmem>>, vector<1x1000x64xf32>
      %get3A_14 = vector.shape_cast %get3A_13 : vector<1x1000x64xf32> to vector<1000x64xf32>
      %add3A = arith.addf %get3A_9, %get3A_14 : vector<1000x64xf32>
      %get3A_15 = arith.constant 0 : index
      %get3A_16 = arith.constant 0 : index
      %get3A_17 = vector.load %arg2[%get3A_15, %get3A_16] : memref<1000x64xf32, #tpu.memory_space<vmem>>, vector<1000x64xf32>
      %add3A_18 = arith.addf %add3A, %get3A_17 : vector<1000x64xf32>
      %get3A_19 = arith.constant 0 : index
      %get3A_20 = arith.constant 0 : index
      %get3A_21 = vector.load %arg3[%get3A_19, %get3A_20] : memref<1000x1xf32, #tpu.memory_space<vmem>>, vector<1000x1xf32>
      %mul3A = vector.broadcast %get3A_21 : vector<1000x1xf32> to vector<1000x64xf32>
      %mul3A_22 = arith.mulf %add3A_18, %mul3A : vector<1000x64xf32>
      %get3A_23 = arith.constant 0 : index
      %get3A_24 = vector.load %arg4[%get3A_23] : memref<64xf32, #tpu.memory_space<vmem>>, vector<64xf32>
      %broadcast_in_dim3A = vector.shape_cast %get3A_24 : vector<64xf32> to vector<1x64xf32>
      %add3A_25 = vector.broadcast %broadcast_in_dim3A : vector<1x64xf32> to vector<1000x64xf32>
      %add3A_26 = arith.addf %mul3A_22, %add3A_25 : vector<1000x64xf32>
      %max3A = arith.constant 0.000000e+00 : f32
      %max3A_27 = vector.broadcast %max3A : f32 to vector<1000x64xf32>
      %max3A_28 = arith.maximumf %add3A_26, %max3A_27 : vector<1000x64xf32>
      %reduce_sum3A = arith.constant dense<0.000000e+00> : vector<64xf32>
      %reduce_sum3A_29 = vector.multi_reduction <add>, %max3A_28, %reduce_sum3A [0] : vector<1000x64xf32> to vector<64xf32>
      %mul3A_30 = arith.mulf %max3A_28, %max3A_28 : vector<1000x64xf32>
      %reduce_sum3A_31 = arith.constant dense<0.000000e+00> : vector<64xf32>
      %reduce_sum3A_32 = vector.multi_reduction <add>, %mul3A_30, %reduce_sum3A_31 [0] : vector<1000x64xf32> to vector<64xf32>
      %stack3A = vector.shape_cast %reduce_sum3A_29 : vector<64xf32> to vector<1x64xf32>
      %stack3A_33 = vector.shape_cast %reduce_sum3A_32 : vector<64xf32> to vector<1x64xf32>
      %stack3A_34 = tpu.concatenate %stack3A, %stack3A_33 in 0 : vector<1x64xf32>, vector<1x64xf32> -> vector<2x64xf32>
      %iota3A = tpu.iota {dimensions = array<i32: 1>} : vector<1000x64xi32>
      %get3A_35 = arith.constant 0 : index
      %get3A_36 = arith.constant 0 : index
      %get3A_37 = vector.load %arg5[%get3A_35, %get3A_36] : memref<1000x1xi32, #tpu.memory_space<vmem>>, vector<1000x1xi32>
      %eq3A_38 = vector.broadcast %get3A_37 : vector<1000x1xi32> to vector<1000x64xi32>
      %eq3A_39 = arith.cmpi eq, %eq3A_38, %iota3A : vector<1000x64xi32>
      %convert_element_type3A_40 = arith.extui %eq3A_39 : vector<1000x64xi1> to vector<1000x64xi32>
      %convert_element_type3A_41 = arith.sitofp %convert_element_type3A_40 : vector<1000x64xi32> to vector<1000x64xf32>
      %dot_general3A = arith.constant dense<0.000000e+00> : vector<64x64xf32>
      %dot_general3A_42 = tpu.matmul %convert_element_type3A_41, %max3A_28, %dot_general3A {dimension_numbers = #tpu.dot_dimension_numbers<[0], [0], [1], [1], [0, 1, 1, 1], [], []>, precision = #tpu.contract_precision<fp32>, transpose_lhs_hint = false} : vector<1000x64xf32>, vector<1000x64xf32>, vector<64x64xf32> -> vector<64x64xf32>
      %reduce_sum3A_43 = arith.constant dense<0.000000e+00> : vector<64xf32>
      %reduce_sum3A_44 = vector.multi_reduction <add>, %convert_element_type3A_41, %reduce_sum3A_43 [0] : vector<1000x64xf32> to vector<64xf32>
      %broadcast_in_dim3A_45 = vector.shape_cast %reduce_sum3A_44 : vector<64xf32> to vector<1x64xf32>
      %eq3A_46 = arith.constant 0 : i32
      %eq3A_47 = arith.cmpi eq, %arg0, %eq3A_46 : i32
      %convert_element_type3A_48 = arith.extui %eq3A_47 : i1 to i32
      %cond3A_49 = arith.constant 0 : i32
      %cond3A_50 = arith.cmpi ne, %convert_element_type3A_48, %cond3A_49 : i32
      scf.if %cond3A_50 {
        %swap3A = arith.constant 0 : index
        %swap3A_55 = arith.constant 0 : index
        %swap3A_56 = vector.load %arg17[%swap3A, %swap3A_55] : memref<2x64xf32, #tpu.memory_space<vmem>>, vector<2x64xf32>
        tpu.vector_store %arg17[%swap3A, %swap3A_55], %stack3A_34 {strides = array<i32>} : memref<2x64xf32, #tpu.memory_space<vmem>>, vector<2x64xf32>,
        %swap3A_57 = arith.constant 0 : index
        %swap3A_58 = arith.constant 0 : index
        %swap3A_59 = vector.load %arg18[%swap3A_57, %swap3A_58] : memref<64x64xf32, #tpu.memory_space<vmem>>, vector<64x64xf32>
        tpu.vector_store %arg18[%swap3A_57, %swap3A_58], %dot_general3A_42 {strides = array<i32>} : memref<64x64xf32, #tpu.memory_space<vmem>>, vector<64x64xf32>,
        %swap3A_60 = arith.constant 0 : index
        %swap3A_61 = arith.constant 0 : index
        %swap3A_62 = vector.load %arg19[%swap3A_60, %swap3A_61] : memref<1x64xf32, #tpu.memory_space<vmem>>, vector<1x64xf32>
        tpu.vector_store %arg19[%swap3A_60, %swap3A_61], %broadcast_in_dim3A_45 {strides = array<i32>} : memref<1x64xf32, #tpu.memory_space<vmem>>, vector<1x64xf32>,
      } else {
      }
      %ne3A = arith.constant 0 : i32
      %ne3A_51 = arith.cmpi ne, %arg0, %ne3A : i32
      %convert_element_type3A_52 = arith.extui %ne3A_51 : i1 to i32
      %cond3A_53 = arith.constant 0 : i32
      %cond3A_54 = arith.cmpi ne, %convert_element_type3A_52, %cond3A_53 : i32
      scf.if %cond3A_54 {
        %get3A_55 = arith.constant 0 : index
        %get3A_56 = arith.constant 0 : index
        %get3A_57 = vector.load %arg17[%get3A_55, %get3A_56] : memref<2x64xf32, #tpu.memory_space<vmem>>, vector<2x64xf32>
        %add3A_58 = arith.addf %get3A_57, %stack3A_34 : vector<2x64xf32>
        %swap3A = arith.constant 0 : index
        %swap3A_59 = arith.constant 0 : index
        %swap3A_60 = vector.load %arg17[%swap3A, %swap3A_59] : memref<2x64xf32, #tpu.memory_space<vmem>>, vector<2x64xf32>
        tpu.vector_store %arg17[%swap3A, %swap3A_59], %add3A_58 {strides = array<i32>} : memref<2x64xf32, #tpu.memory_space<vmem>>, vector<2x64xf32>,
        %get3A_61 = arith.constant 0 : index
        %get3A_62 = arith.constant 0 : index
        %get3A_63 = vector.load %arg18[%get3A_61, %get3A_62] : memref<64x64xf32, #tpu.memory_space<vmem>>, vector<64x64xf32>
        %add3A_64 = arith.addf %get3A_63, %dot_general3A_42 : vector<64x64xf32>
        %swap3A_65 = arith.constant 0 : index
        %swap3A_66 = arith.constant 0 : index
        %swap3A_67 = vector.load %arg18[%swap3A_65, %swap3A_66] : memref<64x64xf32, #tpu.memory_space<vmem>>, vector<64x64xf32>
        tpu.vector_store %arg18[%swap3A_65, %swap3A_66], %add3A_64 {strides = array<i32>} : memref<64x64xf32, #tpu.memory_space<vmem>>, vector<64x64xf32>,
        %get3A_68 = arith.constant 0 : index
        %get3A_69 = arith.constant 0 : index
        %get3A_70 = vector.load %arg19[%get3A_68, %get3A_69] : memref<1x64xf32, #tpu.memory_space<vmem>>, vector<1x64xf32>
        %add3A_71 = arith.addf %get3A_70, %broadcast_in_dim3A_45 : vector<1x64xf32>
        %swap3A_72 = arith.constant 0 : index
        %swap3A_73 = arith.constant 0 : index
        %swap3A_74 = vector.load %arg19[%swap3A_72, %swap3A_73] : memref<1x64xf32, #tpu.memory_space<vmem>>, vector<1x64xf32>
        tpu.vector_store %arg19[%swap3A_72, %swap3A_73], %add3A_71 {strides = array<i32>} : memref<1x64xf32, #tpu.memory_space<vmem>>, vector<1x64xf32>,
      } else {
      }
    } else {
    }
    %eq3A = arith.constant 10 : i32
    %eq3A_2 = arith.cmpi eq, %arg0, %eq3A : i32
    %convert_element_type3A_3 = arith.extui %eq3A_2 : i1 to i32
    %cond3A_4 = arith.constant 0 : i32
    %cond3A_5 = arith.cmpi ne, %convert_element_type3A_3, %cond3A_4 : i32
    scf.if %cond3A_5 {
      %get3A = arith.constant 0 : index
      %get3A_6 = arith.constant 0 : index
      %get3A_7 = vector.load %arg17[%get3A, %get3A_6] : memref<2x64xf32, #tpu.memory_space<vmem>>, vector<1x64xf32>
      %get3A_8 = vector.shape_cast %get3A_7 : vector<1x64xf32> to vector<64xf32>
      %div3A = arith.constant 1.000000e+04 : f32
      %div3A_9 = vector.broadcast %div3A : f32 to vector<64xf32>
      %div3A_10 = arith.divf %get3A_8, %div3A_9 : vector<64xf32>
      %get3A_11 = arith.constant 1 : index
      %get3A_12 = arith.constant 0 : index
      %get3A_13 = vector.load %arg17[%get3A_11, %get3A_12] : memref<2x64xf32, #tpu.memory_space<vmem>>, vector<1x64xf32>
      %get3A_14 = vector.shape_cast %get3A_13 : vector<1x64xf32> to vector<64xf32>
      %div3A_15 = arith.constant 1.000000e+04 : f32
      %div3A_16 = vector.broadcast %div3A_15 : f32 to vector<64xf32>
      %div3A_17 = arith.divf %get3A_14, %div3A_16 : vector<64xf32>
      %mul3A = arith.mulf %div3A_10, %div3A_10 : vector<64xf32>
      %sub3A = arith.subf %div3A_17, %mul3A : vector<64xf32>
      %get3A_18 = arith.constant 0 : index
      %get3A_19 = vector.load %arg6[%get3A_18] : memref<64xf32, #tpu.memory_space<vmem>>, vector<64xf32>
      %add3A = arith.constant 9.99999974E-6 : f32
      %add3A_20 = vector.broadcast %add3A : f32 to vector<64xf32>
      %add3A_21 = arith.addf %sub3A, %add3A_20 : vector<64xf32>
      %rsqrt3A = math.rsqrt %add3A_21 : vector<64xf32>
      %mul3A_22 = arith.mulf %get3A_19, %rsqrt3A : vector<64xf32>
      %get3A_23 = arith.constant 0 : index
      %get3A_24 = vector.load %arg7[%get3A_23] : memref<64xf32, #tpu.memory_space<vmem>>, vector<64xf32>
      %mul3A_25 = arith.mulf %div3A_10, %mul3A_22 : vector<64xf32>
      %sub3A_26 = arith.subf %get3A_24, %mul3A_25 : vector<64xf32>
      %get3A_27 = arith.constant 0 : index
      %get3A_28 = arith.constant 0 : index
      %get3A_29 = vector.load %arg18[%get3A_27, %get3A_28] : memref<64x64xf32, #tpu.memory_space<vmem>>, vector<64x64xf32>
      %broadcast_in_dim3A = vector.shape_cast %mul3A_22 : vector<64xf32> to vector<1x64xf32>
      %mul3A_30 = vector.broadcast %broadcast_in_dim3A : vector<1x64xf32> to vector<64x64xf32>
      %mul3A_31 = arith.mulf %get3A_29, %mul3A_30 : vector<64x64xf32>
      %get3A_32 = arith.constant 0 : index
      %get3A_33 = arith.constant 0 : index
      %get3A_34 = vector.load %arg19[%get3A_32, %get3A_33] : memref<1x64xf32, #tpu.memory_space<vmem>>, vector<1x64xf32>
      %get3A_35 = vector.shape_cast %get3A_34 : vector<1x64xf32> to vector<64xf32>
      %broadcast_in_dim3A_36 = vector.shape_cast %get3A_35 : vector<64xf32> to vector<64x1xf32>
      %broadcast_in_dim3A_37 = vector.shape_cast %sub3A_26 : vector<64xf32> to vector<1x64xf32>
      %mul3A_38 = vector.broadcast %broadcast_in_dim3A_36 : vector<64x1xf32> to vector<64x64xf32>
      %mul3A_39 = vector.broadcast %broadcast_in_dim3A_37 : vector<1x64xf32> to vector<64x64xf32>
      %mul3A_40 = arith.mulf %mul3A_38, %mul3A_39 : vector<64x64xf32>
      %add3A_41 = arith.addf %mul3A_31, %mul3A_40 : vector<64x64xf32>
      %get3A_42 = arith.constant 0 : index
      %get3A_43 = arith.constant 0 : index
      %get3A_44 = vector.load %arg8[%get3A_42, %get3A_43] : memref<64x64xf32, #tpu.memory_space<vmem>>, vector<64x64xf32>
      %dot_general3A = arith.constant dense<0.000000e+00> : vector<64x64xf32>
      %dot_general3A_45 = tpu.matmul %add3A_41, %get3A_44, %dot_general3A {dimension_numbers = #tpu.dot_dimension_numbers<[1], [0], [0], [1], [0, 0, 1, 1], [], []>, precision = #tpu.contract_precision<fp32>, transpose_lhs_hint = false} : vector<64x64xf32>, vector<64x64xf32>, vector<64x64xf32> -> vector<64x64xf32>
      %get3A_46 = arith.constant 0 : index
      %get3A_47 = vector.load %arg9[%get3A_46] : memref<64xf32, #tpu.memory_space<vmem>>, vector<64xf32>
      %broadcast_in_dim3A_48 = vector.shape_cast %get3A_47 : vector<64xf32> to vector<1x64xf32>
      %add3A_49 = vector.broadcast %broadcast_in_dim3A_48 : vector<1x64xf32> to vector<64x64xf32>
      %add3A_50 = arith.addf %dot_general3A_45, %add3A_49 : vector<64x64xf32>
      %max3A = arith.constant 0.000000e+00 : f32
      %max3A_51 = vector.broadcast %max3A : f32 to vector<64x64xf32>
      %max3A_52 = arith.maximumf %add3A_50, %max3A_51 : vector<64x64xf32>
      %reduce_sum3A = arith.constant dense<0.000000e+00> : vector<64xf32>
      %reduce_sum3A_53 = vector.multi_reduction <add>, %max3A_52, %reduce_sum3A [0] : vector<64x64xf32> to vector<64xf32>
      %div3A_54 = arith.constant 6.400000e+01 : f32
      %div3A_55 = vector.broadcast %div3A_54 : f32 to vector<64xf32>
      %div3A_56 = arith.divf %reduce_sum3A_53, %div3A_55 : vector<64xf32>
      %broadcast_in_dim3A_57 = vector.shape_cast %div3A_56 : vector<64xf32> to vector<1x64xf32>
      %sub3A_58 = vector.broadcast %broadcast_in_dim3A_57 : vector<1x64xf32> to vector<64x64xf32>
      %sub3A_59 = arith.subf %max3A_52, %sub3A_58 : vector<64x64xf32>
      %integer_pow3A = arith.mulf %sub3A_59, %sub3A_59 : vector<64x64xf32>
      %reduce_sum3A_60 = arith.constant dense<0.000000e+00> : vector<64xf32>
      %reduce_sum3A_61 = vector.multi_reduction <add>, %integer_pow3A, %reduce_sum3A_60 [0] : vector<64x64xf32> to vector<64xf32>
      %div3A_62 = arith.constant 6.400000e+01 : f32
      %div3A_63 = vector.broadcast %div3A_62 : f32 to vector<64xf32>
      %div3A_64 = arith.divf %reduce_sum3A_61, %div3A_63 : vector<64xf32>
      %get3A_65 = arith.constant 0 : index
      %get3A_66 = vector.load %arg10[%get3A_65] : memref<64xf32, #tpu.memory_space<vmem>>, vector<64xf32>
      %broadcast_in_dim3A_67 = vector.shape_cast %get3A_66 : vector<64xf32> to vector<1x64xf32>
      %broadcast_in_dim3A_68 = vector.shape_cast %div3A_56 : vector<64xf32> to vector<1x64xf32>
      %sub3A_69 = vector.broadcast %broadcast_in_dim3A_68 : vector<1x64xf32> to vector<64x64xf32>
      %sub3A_70 = arith.subf %max3A_52, %sub3A_69 : vector<64x64xf32>
      %mul3A_71 = vector.broadcast %broadcast_in_dim3A_67 : vector<1x64xf32> to vector<64x64xf32>
      %mul3A_72 = arith.mulf %mul3A_71, %sub3A_70 : vector<64x64xf32>
      %add3A_73 = arith.constant 9.99999974E-6 : f32
      %add3A_74 = vector.broadcast %add3A_73 : f32 to vector<64xf32>
      %add3A_75 = arith.addf %div3A_64, %add3A_74 : vector<64xf32>
      %rsqrt3A_76 = math.rsqrt %add3A_75 : vector<64xf32>
      %broadcast_in_dim3A_77 = vector.shape_cast %rsqrt3A_76 : vector<64xf32> to vector<1x64xf32>
      %mul3A_78 = vector.broadcast %broadcast_in_dim3A_77 : vector<1x64xf32> to vector<64x64xf32>
      %mul3A_79 = arith.mulf %mul3A_72, %mul3A_78 : vector<64x64xf32>
      %get3A_80 = arith.constant 0 : index
      %get3A_81 = vector.load %arg11[%get3A_80] : memref<64xf32, #tpu.memory_space<vmem>>, vector<64xf32>
      %broadcast_in_dim3A_82 = vector.shape_cast %get3A_81 : vector<64xf32> to vector<1x64xf32>
      %add3A_83 = vector.broadcast %broadcast_in_dim3A_82 : vector<1x64xf32> to vector<64x64xf32>
      %add3A_84 = arith.addf %mul3A_79, %add3A_83 : vector<64x64xf32>
      %get3A_85 = arith.constant 0 : index
      %get3A_86 = arith.constant 0 : index
      %get3A_87 = vector.load %arg12[%get3A_85, %get3A_86] : memref<64x64xf32, #tpu.memory_space<vmem>>, vector<64x64xf32>
      %dot_general3A_88 = arith.constant dense<0.000000e+00> : vector<64x64xf32>
      %dot_general3A_89 = tpu.matmul %add3A_84, %get3A_87, %dot_general3A_88 {dimension_numbers = #tpu.dot_dimension_numbers<[1], [0], [0], [1], [0, 0, 1, 1], [], []>, precision = #tpu.contract_precision<fp32>, transpose_lhs_hint = false} : vector<64x64xf32>, vector<64x64xf32>, vector<64x64xf32> -> vector<64x64xf32>
      %get3A_90 = arith.constant 0 : index
      %get3A_91 = vector.load %arg13[%get3A_90] : memref<64xf32, #tpu.memory_space<vmem>>, vector<64xf32>
      %broadcast_in_dim3A_92 = vector.shape_cast %get3A_91 : vector<64xf32> to vector<1x64xf32>
      %add3A_93 = vector.broadcast %broadcast_in_dim3A_92 : vector<1x64xf32> to vector<64x64xf32>
      %add3A_94 = arith.addf %dot_general3A_89, %add3A_93 : vector<64x64xf32>
      %max3A_95 = arith.constant 0.000000e+00 : f32
      %max3A_96 = vector.broadcast %max3A_95 : f32 to vector<64x64xf32>
      %max3A_97 = arith.maximumf %add3A_94, %max3A_96 : vector<64x64xf32>
      %get3A_98 = arith.constant 0 : index
      %get3A_99 = arith.constant 0 : index
      %get3A_100 = vector.load %arg14[%get3A_98, %get3A_99] : memref<64x2xf32, #tpu.memory_space<vmem>>, vector<64x2xf32>
      %dot_general3A_101 = arith.constant dense<0.000000e+00> : vector<64x2xf32>
      %dot_general3A_102 = tpu.matmul %max3A_97, %get3A_100, %dot_general3A_101 {dimension_numbers = #tpu.dot_dimension_numbers<[1], [0], [0], [1], [0, 0, 1, 1], [], []>, precision = #tpu.contract_precision<fp32>, transpose_lhs_hint = false} : vector<64x64xf32>, vector<64x2xf32>, vector<64x2xf32> -> vector<64x2xf32>
      %get3A_103 = arith.constant 0 : index
      %get3A_104 = vector.load %arg15[%get3A_103] : memref<2xf32, #tpu.memory_space<vmem>>, vector<2xf32>
      %broadcast_in_dim3A_105 = vector.shape_cast %get3A_104 : vector<2xf32> to vector<1x2xf32>
      %add3A_106 = vector.broadcast %broadcast_in_dim3A_105 : vector<1x2xf32> to vector<64x2xf32>
      %add3A_107 = arith.addf %dot_general3A_102, %add3A_106 : vector<64x2xf32>
      %reduce_max3A = arith.constant dense<0xFF800000> : vector<64xf32>
      %reduce_max3A_108 = vector.multi_reduction <maximumf>, %add3A_107, %reduce_max3A [1] : vector<64x2xf32> to vector<64xf32>
      %broadcast_in_dim3A_109 = vector.shape_cast %reduce_max3A_108 : vector<64xf32> to vector<64x1xf32>
      %sub3A_110 = vector.broadcast %broadcast_in_dim3A_109 : vector<64x1xf32> to vector<64x2xf32>
      %sub3A_111 = arith.subf %add3A_107, %sub3A_110 : vector<64x2xf32>
      %sub3A_112 = vector.broadcast %broadcast_in_dim3A_109 : vector<64x1xf32> to vector<64x2xf32>
      %sub3A_113 = arith.subf %add3A_107, %sub3A_112 : vector<64x2xf32>
      %exp3A = math.exp %sub3A_113 : vector<64x2xf32>
      %reduce_sum3A_114 = arith.constant dense<0.000000e+00> : vector<64xf32>
      %reduce_sum3A_115 = vector.multi_reduction <add>, %exp3A, %reduce_sum3A_114 [1] : vector<64x2xf32> to vector<64xf32>
      %broadcast_in_dim3A_116 = vector.shape_cast %reduce_sum3A_115 : vector<64xf32> to vector<64x1xf32>
      %log3A = math.log %broadcast_in_dim3A_116 : vector<64x1xf32>
      %sub3A_117 = vector.broadcast %log3A : vector<64x1xf32> to vector<64x2xf32>
      %sub3A_118 = arith.subf %sub3A_111, %sub3A_117 : vector<64x2xf32>
      %swap3A = arith.constant 0 : index
      %swap3A_119 = arith.constant 0 : index
      %swap3A_120 = vector.load %arg16[%swap3A, %swap3A_119] : memref<64x2xf32, #tpu.memory_space<vmem>>, vector<64x2xf32>
      tpu.vector_store %arg16[%swap3A, %swap3A_119], %sub3A_118 {strides = array<i32>} : memref<64x2xf32, #tpu.memory_space<vmem>>, vector<64x2xf32>,
    } else {
    }
    return
  }
  func.func @transform_0(%arg0: i32) -> (i32, i32, i32) {
    %lt3A = arith.constant 10 : i32
    %lt3A_0 = arith.cmpi slt, %arg0, %lt3A : i32
    %jit3A = arith.constant 9 : i32
    %select_n3A = arith.select %lt3A_0, %arg0, %jit3A : i32
    %c0_i32 = arith.constant 0 : i32
    %c0_i32_1 = arith.constant 0 : i32
    %c0_i32_2 = arith.constant 0 : i32
    return %c0_i32, %select_n3A, %c0_i32_1 : i32, i32, i32
  }
  func.func @transform_1(%arg0: i32) -> (i32, i32) {
    %lt3A = arith.constant 10 : i32
    %lt3A_0 = arith.cmpi slt, %arg0, %lt3A : i32
    %jit3A = arith.constant 9 : i32
    %select_n3A = arith.select %lt3A_0, %arg0, %jit3A : i32
    %c0_i32 = arith.constant 0 : i32
    %c0_i32_1 = arith.constant 0 : i32
    return %select_n3A, %c0_i32 : i32, i32
  }
  func.func @transform_2(%arg0: i32) -> (i32, i32) {
    %lt3A = arith.constant 10 : i32
    %lt3A_0 = arith.cmpi slt, %arg0, %lt3A : i32
    %jit3A = arith.constant 9 : i32
    %select_n3A = arith.select %lt3A_0, %arg0, %jit3A : i32
    %c0_i32 = arith.constant 0 : i32
    %c0_i32_1 = arith.constant 0 : i32
    return %select_n3A, %c0_i32 : i32, i32
  }
  func.func @transform_3(%arg0: i32) -> i32 {
    %c0_i32 = arith.constant 0 : i32
    %c0_i32_0 = arith.constant 0 : i32
    return %c0_i32 : i32
  }
  func.func @transform_4(%arg0: i32) -> (i32, i32) {
    %lt3A = arith.constant 10 : i32
    %lt3A_0 = arith.cmpi slt, %arg0, %lt3A : i32
    %jit3A = arith.constant 9 : i32
    %select_n3A = arith.select %lt3A_0, %arg0, %jit3A : i32
    %c0_i32 = arith.constant 0 : i32
    %c0_i32_1 = arith.constant 0 : i32
    return %select_n3A, %c0_i32 : i32, i32
  }
  func.func @transform_5(%arg0: i32) -> i32 {
    %c0_i32 = arith.constant 0 : i32
    %c0_i32_0 = arith.constant 0 : i32
    return %c0_i32 : i32
  }
  func.func @transform_6(%arg0: i32) -> i32 {
    %c0_i32 = arith.constant 0 : i32
    %c0_i32_0 = arith.constant 0 : i32
    return %c0_i32 : i32
  }
  func.func @transform_7(%arg0: i32) -> (i32, i32) {
    %c0_i32 = arith.constant 0 : i32
    %c0_i32_0 = arith.constant 0 : i32
    %c0_i32_1 = arith.constant 0 : i32
    return %c0_i32, %c0_i32_0 : i32, i32
  }
  func.func @transform_8(%arg0: i32) -> i32 {
    %c0_i32 = arith.constant 0 : i32
    %c0_i32_0 = arith.constant 0 : i32
    return %c0_i32 : i32
  }
  func.func @transform_9(%arg0: i32) -> i32 {
    %c0_i32 = arith.constant 0 : i32
    %c0_i32_0 = arith.constant 0 : i32
    return %c0_i32 : i32
  }
  func.func @transform_10(%arg0: i32) -> i32 {
    %c0_i32 = arith.constant 0 : i32
    %c0_i32_0 = arith.constant 0 : i32
    return %c0_i32 : i32
  }
  func.func @transform_11(%arg0: i32) -> (i32, i32) {
    %c0_i32 = arith.constant 0 : i32
    %c0_i32_0 = arith.constant 0 : i32
    %c0_i32_1 = arith.constant 0 : i32
    return %c0_i32, %c0_i32_0 : i32, i32
  }
  func.func @transform_12(%arg0: i32) -> i32 {
    %c0_i32 = arith.constant 0 : i32
    %c0_i32_0 = arith.constant 0 : i32
    return %c0_i32 : i32
  }
  func.func @transform_13(%arg0: i32) -> (i32, i32) {
    %c0_i32 = arith.constant 0 : i32
    %c0_i32_0 = arith.constant 0 : i32
    %c0_i32_1 = arith.constant 0 : i32
    return %c0_i32, %c0_i32_0 : i32, i32
  }
  func.func @transform_14(%arg0: i32) -> i32 {
    %c0_i32 = arith.constant 0 : i32
    %c0_i32_0 = arith.constant 0 : i32
    return %c0_i32 : i32
  }
  func.func @transform_15(%arg0: i32) -> (i32, i32) {
    %c0_i32 = arith.constant 0 : i32
    %c0_i32_0 = arith.constant 0 : i32
    %c0_i32_1 = arith.constant 0 : i32
    return %c0_i32, %c0_i32_0 : i32, i32
  }
}

</mosaic_0001>

<sc_bundles>
// kernel: kernel.11.cloned.1.call-start
scs
__scs_entry_jumppad:
0x0: {  	(pc) =	sbr.rel $0x88, $3  }
0x1: {  	(tag) =	ssettag $0x0;
	lr =	simm.s32 $0x1  }
0x2: {  	[smem:$0x3F8E] =	sst lr;
	_ =	strace $0xD0000000  }
0x3: {  	_ = 	snop  }
0x4: {  	_ = 	snop  }
0x5: {  	_ = 	snop  }
0x6: {  	_ = 	snop  }
0x7: {  	_ = 	snop  }
__scs_overlays_trampoline_lowered:
0x8: {  	[smem:$0x3F9D] =	sst s0  }
0x9: {  	[smem:$0x3F9E] =	sst s1  }
0xa: {  	[smem:$0x3F9F] =	sst s2  }
0xb: {  	[smem:$0x3FA0] =	sst s3  }
0xc: {  	[smem:$0x3FA1] =	sst s4  }
0xd: {  	[smem:$0x3FA2] =	sst s5  }
0xe: {  	[smem:$0x3FA3] =	sst s6  }
0xf: {  	[smem:$0x3FA4] =	sst s7  }
0x10: {  	[smem:$0x3FA5] =	sst s8  }
0x11: {  	[smem:$0x3FA6] =	sst s9;
	s0 =	simm.s32 @!p0 $0x0  }
0x12: {  	s1 =	sld [smem:$0x3F8C];
	s0 =	simm.s32 @p0 $0x1  }
0x13: {  	[smem:$0x3FA7] =	sst s0;
	s0 =	simm.s32 @!p1 $0x0  }
0x14: {  	s2 =	sld [smem:$0x3F8B];
	s0 =	simm.s32 @p1 $0x1  }
0x15: {  	[smem:$0x3FA8] =	sst s0;
	s0 =	simm.s32 @!p2 $0x0  }
0x16: {  	s3 =	sld [smem:$0x3FDB];
	s0 =	simm.s32 @p2 $0x1  }
0x17: {  	s4 =	simm.s32 $0x1BF5;
	[smem:$0x3FAA] =	sst s0  }
0x18: {  	s0 =	sld [smem:$0x3F8D];
	_ =	swait.ge [sflag:s4], $0x0  }
0x19: {  	s7 =	sld [smem:$0x3F8E]  }
0x1a: {  	s8 =	sadd.s32 $0xFFFFE003, lr  }
0x1b: {  	s9 =	sadd.s32 $0xFFFFFEF7, lr;
	s5 =	simm.s32 $0xFFFFFFFF;
	p2 =	slt.u32 s8, $0xFFFFF086  }
0x1c: {  	p1 =	slt.u32 s9, $0xF7A;
	s5 =	simm.s32 @!p2 $0x0  }
0x1d: {  	s5 =	simm.s32 @p1 $0x1;
	p0 =	seq.s32 s7, s2  }
0x1e: {  	s7 =	smul.u32 @!p0 $0xF7A, s2;
	p2 =	seq.s32 @!p0 s5, $0x0  }
0x1f: {  	s9 =	smul.u32 $0xF7A, s1;
	s8 =	simm.s32 @!p0 $0x1BF5;
	p2 =	por !p2, p0  }
0x20: {  	[sflag:s8] =	ssyncset.s32 @!p0 $0xFFFFF086;
	s6 =	sadd.s32 @!p0 s3, s7;
	s7 =	simm.s32 @!p0 $0x108  }
0x21: {  	s3 =	sadd.s32 s3, s9;
	s6 =	sadd.s32 @!p0 $0x88, s6;
	s7 =	simm.s32 @p2 $0x1082  }
0x22: {  	[simem:s7], [sflag:s8] =	dma.local @!p0 [hbm:s6], $0xF7A  }
0x23: {  	s9 =	sor.u32 $0xD0000000, s2;
	s6 =	simm.s32 $0x108;
	_ =	swait.ge @!p0 [sflag:s8], $0x0  }
0x24: {  	s3 =	sadd.s32 $0x88, s3;
	s6 =	simm.s32 @!p1 $0x1082;
	[sflag:s4] =	ssyncset.s32 $0xFFFFF086  }
0x25: {  	[simem:s6], [sflag:s4] =	dma.local [hbm:s3], $0xF7A  }
0x26: {  	[smem:$0x3F8E] =	sst s1;
	(tag) =	ssettag s2;
	_ =	strace s9  }
0x27: {  	s1 =	sld [smem:$0x3F9E]  }
0x28: {  	s2 =	sld [smem:$0x3F9F]  }
0x29: {  	s4 =	sld [smem:$0x3FA1]  }
0x2a: {  	p0 =	seq.s32 s5, $0x0;
	s5 =	sld [smem:$0x3FA2]  }
0x2b: {  	s6 =	sld [smem:$0x3FA3]  }
0x2c: {  	s7 =	sld [smem:$0x3FA4]  }
0x2d: {  	s3 =	simm.s32 $0x108;
	s8 =	sld [smem:$0x3FA5]  }
0x2e: {  	s3 =	simm.s32 @!p0 $0x1082;
	s9 =	sld [smem:$0x3FA6]  }
0x2f: {  	lr =	sadd.s32 s0, s3;
	s0 =	sld [smem:$0x3F9D]  }
0x30: {  	s3 =	sld [smem:$0x3FA0]  }
0x31: {  	[smem:$0x3FA9] =	sst s10  }
0x32: {  	s10 =	sld [smem:$0x3FA7];
	_ =	sdelay $0x3  }
0x33: {  	p0 =	seq.s32 s10, $0x1;
	s10 =	sld [smem:$0x3FA9];
	_ =	sdelay $0x3  }
0x34: {  	[smem:$0x3FA9] =	sst s10  }
0x35: {  	s10 =	sld [smem:$0x3FA8];
	_ =	sdelay $0x3  }
0x36: {  	p1 =	seq.s32 s10, $0x1;
	s10 =	sld [smem:$0x3FA9];
	_ =	sdelay $0x3  }
0x37: {  	[smem:$0x3FA9] =	sst s10  }
0x38: {  	s10 =	sld [smem:$0x3FAA]  }
0x39: {  	_ = 	snop;
	(pc) =	sbr.ind lr, $3  }
0x3a: {  	_ = 	snop  }
0x3b: {  	_ = 	snop  }
0x3c: {  	p2 =	seq.s32 s10, $0x1;
	s10 =	sld [smem:$0x3FA9]  }
0x3d: {  	_ =	shalt  }
0x3e: {  	_ =	shalt  }
0x3f: {  	_ =	shalt  }
0x40: {  	_ =	shalt  }
0x41: {  	_ =	shalt  }
0x42: {  	_ =	shalt  }
0x43: {  	_ =	shalt  }
0x44: {  	_ =	shalt  }
0x45: {  	_ =	shalt  }
0x46: {  	_ =	shalt  }
0x47: {  	_ =	shalt  }
0x48: {  	_ =	shalt  }
0x49: {  	_ =	shalt  }
0x4a: {  	_ =	shalt  }
0x4b: {  	_ =	shalt  }
0x4c: {  	_ =	shalt  }
0x4d: {  	_ =	shalt  }
0x4e: {  	_ =	shalt  }
0x4f: {  	_ =	shalt  }
0x50: {  	_ =	shalt  }
0x51: {  	_ =	shalt  }
0x52: {  	_ =	shalt  }
0x53: {  	_ =	shalt  }
0x54: {  	_ =	shalt  }
0x55: {  	_ =	shalt  }
0x56: {  	_ =	shalt  }
0x57: {  	_ =	shalt  }
0x58: {  	_ =	shalt  }
0x59: {  	_ =	shalt  }
0x5a: {  	_ =	shalt  }
0x5b: {  	_ =	shalt  }
0x5c: {  	_ =	shalt  }
0x5d: {  	_ =	shalt  }
0x5e: {  	_ =	shalt  }
0x5f: {  	_ =	shalt  }
0x60: {  	_ =	shalt  }
0x61: {  	_ =	shalt  }
0x62: {  	_ =	shalt  }
0x63: {  	_ =	shalt  }
0x64: {  	_ =	shalt  }
0x65: {  	_ =	shalt  }
0x66: {  	_ =	shalt  }
0x67: {  	_ =	shalt  }
0x68: {  	_ =	shalt  }
0x69: {  	_ =	shalt  }
0x6a: {  	_ =	shalt  }
0x6b: {  	_ =	shalt  }
0x6c: {  	_ =	shalt  }
0x6d: {  	_ =	shalt  }
0x6e: {  	_ =	shalt  }
0x6f: {  	_ =	shalt  }
0x70: {  	_ =	shalt  }
0x71: {  	_ =	shalt  }
0x72: {  	_ =	shalt  }
0x73: {  	_ =	shalt  }
0x74: {  	_ =	shalt  }
0x75: {  	_ =	shalt  }
0x76: {  	_ =	shalt  }
0x77: {  	_ =	shalt  }
0x78: {  	_ =	shalt  }
0x79: {  	_ =	shalt  }
0x7a: {  	_ =	shalt  }
0x7b: {  	_ =	shalt  }
0x7c: {  	_ =	shalt  }
0x7d: {  	_ =	shalt  }
0x7e: {  	_ =	shalt  }
0x7f: {  	_ =	shalt  }
0x80: {  	_ =	shalt  }
0x81: {  	_ =	shalt  }
0x82: {  	_ =	shalt  }
0x83: {  	_ =	shalt  }
0x84: {  	_ =	shalt  }
0x85: {  	_ =	shalt  }
0x86: {  	_ =	shalt  }
0x87: {  	_ =	shalt  }
.Lfunc_end0:
.L_simem_size_0:
called_computation.1_lowered:
.L_overlay_start_0:
0x88: {  	s2 =	sld [smem:$0x3FD9]  }
0x89: {  	s3 =	sld [smem:$0x3FFE];
	_ =	sdelay $0x1  }
0x8a: {  	s1 =	srdreg.scid  }
0x8b: {  	s0 =	sand.u32 $0x1, s1  }
0x8c: {  	s16 =	sshll.u32 s0, $0xA;
	s2 =	sadd.s32 s3, s2  }
0x8d: {  	s2 =	sadd.s32 s2, s16  }
0x8e: {  	[smem:$0x3FB5] =	sst s2  }
0x8f: {  	_ = 	snop  }
0x90: {  	(tm) =	ssettm $0x1  }
0x91: {  	s17 =	sld [smem:$0x3FFB];
	_ =	sdelay $0x3  }
0x92: {  	_ =	strace s17  }
0x93: {  	s2 =	sld [smem:$0x3FFC];
	_ =	sdelay $0x3  }
0x94: {  	_ =	strace s2  }
0x95: {  	s2 =	sld [smem:$0x3FFD];
	_ =	sdelay $0x3  }
0x96: {  	_ =	strace s2  }
0x97: {  	_ =	strace $0x8FFFFFFF  }
0x98: {  	s18 =	sld [smem:$0x3FDB];
	_ =	sdelay $0x1  }
0x99: {  	s19 =	simm.s32 $_scs_section_size  }
0x9a: {  	s4 =	simm.s32 $_size__tile_overlayer_lowered;
	s5 =	simm.s32 $_tile_overlayer_lowered  }
0x9b: {  	s22 =	simm.s32 $0x1BFF;
	s21 =	sshll.u32 s5, $0x1;
	s2 =	sadd.s32 s19, s18  }
0x9c: {  	s6 =	simm.s32 $0x0;
	s20 =	sshll.u32 s4, $0x1;
	s4 =	sadd.s32 s21, s2  }
0x9d: {  	[timem:s6], [sflag:s22] =	dma.local [hbm:s4], s20  }
0x9e: {  	_ =	swait.ge [sflag:s22], s20  }
0x9f: {  	s3 =	ssub.s32 $0x0, s20;
	[sflag:s22] =	ssyncset.done $0x0  }
0xa0: {  	[sflag:s22] =	ssyncadd.s32 s3;
	_ =	sdelay $0x1  }
0xa1: {  	s23 =	simm.s32 $0x1B8B  }
0xa2: {  	_ =	swait.ge [sflag:s23], $0x1  }
0xa3: {  	[sflag:s23] =	ssyncset.done $0x0  }
0xa4: {  	s25 =	simm.s32 $0x1B8E;
	s24 =	sld [smem:$0x3FFE];
	[sflag:s23] =	ssyncadd.s32 $0xFFFFFFFF  }
0xa5: {  	s26 =	simm.s32 $execute0_lowered;
	[smem:$0x3FD2] =	sst s25  }
0xa6: {  	s4 =	sshll.u32 s26, $0x1;
	_ =	strace $0x80000049;
	[dreg:$0x1] =	wrdreg $0xFFFFFFFF  }
0xa7: {  	s28 =	simm.s32 $_size_execute0_lowered;
	s2 =	sadd.s32 s2, s4;
	[dreg:$0x0] =	wrdreg $0x0  }
0xa8: {  	s4 =	sshll.u32 s28, $0x1;
	[dreg:$0x2] =	wrdreg s2  }
0xa9: {  	[dreg:$0x3] =	wrdreg s4  }
0xaa: {  	[dreg:$0x4] =	wrdreg $0xC0  }
0xab: {  	_ =	task [dreg:s6], $0x5FFFF  }
0xac: {  	[dreg:$0x1] =	wrdreg $0xFFFFFFFF  }
0xad: {  	[dreg:$0x0] =	wrdreg $0x60  }
0xae: {  	[dreg:$0x2] =	wrdreg s24  }
0xaf: {  	[dreg:$0x3] =	wrdreg $0xA8000  }
0xb0: {  	[dreg:$0x4] =	wrdreg $0x9  }
0xb1: {  	_ =	task.clear_ibuf [dreg:s6], $0x5FFFF;
	_ =	strace $0x90000049  }
0xb2: {  	s29 =	simm.s32 $0x9;
	_ =	strace $0x8000004B  }
0xb3: {  	_ =	swait.ge [sflag:s29], $0x1  }
0xb4: {  	[sflag:s29] =	ssyncadd.s32 $0xFFFFFFFF  }
0xb5: {  	_ =	strace $0x9000004B  }
0xb6: {  	_ =	sfence  }
0xb7: {  	s30 =	sld [smem:$0x0];
	_ =	sdelay $0x2  }
0xb8: {  	s31 =	sshll.u32 s1, $0xD;
	s1 =	sshrl.u32 s1, $0x2  }
0xb9: {  	s3 =	sand.u32 $0x4000, s31;
	s1 =	sadd.s32 s1, s30  }
0xba: {  	s0 =	sor.u32 s3, s0;
	s1 =	sshll.u32 s1, $0x11  }
0xbb: {  	s0 =	sor.u32 s1, s0  }
0xbc: {  	s0 =	sadd.s32 $0x8F2B, s0  }
0xbd: {  	[sflag:s0] =	ssyncadd.remote.s32 $0x1  }
0xbe: {  	_ =	sfence.sel $0xFFFF  }
0xbf: {  	[dreg:$0x0] =	wrdreg $0xFFFFFFFF;
	(pc) =	sbr.abs _section_cstart, $3  }
0xc0: {  	[dreg:$0x1] =	wrdreg $0xFFFFFFFF  }
0xc1: {  	_ =	task.clear_ibuf [dreg:s6], $0x2FFFF;
	_ =	strace $0x9FFFFFFF  }
0xc2: {  	(tm) =	ssettm $0x7FFFFFFF  }
0xc3: {  	_ =	shalt  }
tec
execute0_lowered:
.L_overlay_start_1:
0x0: {  	(tag) =	ssettag $0x1  }
0x1: {  	s0 =	rddreg [dreg:$0x0];
	s1 =	srdreg.scid  }
0x2: {  	s9 =	stileid.u32;
	s2 =	rddreg [dreg:$0x1]  }
0x3: {  	s4 =	simm.s32 $0x0;
	s28 =	simm.s32 $0x2800;
	s29 =	simm.s32 $0x40  }
0x4: {  	s30 =	simm.s32 $0x4800;
	s31 =	simm.s32 $0x8800;
	s10 =	simm.s32 $0x7  }
0x5: {  	s11 =	simm.s32 $0x8;
	s12 =	simm.s32 $0x0;
	s1 =	sand.u32 $0x1, s1  }
0x6: {  	s3 =	sshll.u32 s9, $0x1;
	[smem:$0x7FF] =	sst s4;
	s5 =	smul.u32 $0x4E000, s9  }
0x7: {  	s4 =	sadd.s32 $0x17600, s0;
	s8 =	smul.u32 $0x13800, s9;
	p0 =	sne.s32 s9, $0x0  }
0x8: {  	s9 =	simm.s32 $0x4;
	s3 =	sor.u32 s1, s3;
	_ =	strace $0x8000004A  }
0x9: {  	s6 =	ssub.s32 $0x2, s1;
	s1 =	smul.u32 $0x138800, s1;
	s5 =	sshrl.u32 s5, $0x2  }
0xa: {  	s3 =	smul.u32 $0x280, s3;
	s7 =	sshrl.u32 s6, $0x1;
	s5 =	sadd.s32 s5, s2  }
0xb: {  	s6 =	ssub.s32 s6, s7;
	s7 =	sadd.s32 s8, s2;
	s18 =	sadd.s32 $0x1800, s5  }
0xc: {  	s26 =	sadd.s32 s8, s1;
	s19 =	sadd.s32 $0x3000, s5;
	[dreg:$0x5] =	wrdreg s18  }
0xd: {  	s1 =	sshrl.u32 s1, $0x3;
	s20 =	sadd.s32 $0x4800, s5;
	[dreg:$0x6] =	wrdreg s19  }
0xe: {  	s8 =	simm.s32 $0x6;
	s21 =	sadd.s32 $0x6000, s5;
	[dreg:$0x7] =	wrdreg s20  }
0xf: {  	s3 =	sadd.s32 s3, s0;
	s22 =	sadd.s32 $0x7800, s5;
	[dreg:$0x8] =	wrdreg s21  }
0x10: {  	s0 =	sadd.s32 $0x3E800, s0;
	s23 =	sadd.s32 $0x9000, s5;
	[dreg:$0x9] =	wrdreg s22  }
0x11: {  	s24 =	sadd.s32 $0xA800, s5;
	s25 =	sadd.s32 $0xC000, s5;
	[dreg:$0xa] =	wrdreg s23  }
0x12: {  	s16 =	sadd.s32 $0xD800, s5;
	s17 =	sadd.s32 $0x12600, s3;
	[dreg:$0xb] =	wrdreg s24  }
0x13: {  	s3 =	sadd.s32 $0x3800, s3;
	[dreg:$0xc] =	wrdreg s25;
	s18 =	sadd.s32 $0x10800, s5  }
0x14: {  	s19 =	sadd.s32 $0x12000, s5;
	s20 =	sadd.s32 $0x138000, s2;
	s23 =	smax.u32 s6, $0x1  }
0x15: {  	s24 =	simm.s32 $0x1400;
	s25 =	simm.s32 $0xA;
	[dreg:$0x3] =	wrdreg s17  }
0x16: {  	s6 =	simm.s32 $0x3;
	[dreg:$0x4] =	wrdreg s3;
	s17 =	sadd.s32 $0xF000, s5  }
0x17: {  	s3 =	sshrl.u32 s26, $0x3;
	s26 =	simm.s32 $0x9;
	s5 =	simm.s32 $0x5  }
0x18: {  	s21 =	sadd.s32 s0, s3;
	s0 =	sadd.s32 s0, s1;
	s1 =	simm.s32 $0x1  }
0x19: {  	v0 =	vimm.f32 $0.0e+00;
	s3 =	simm.s32 $0x2;
	s22 =	sadd.s32 $0x27000, s0;
	s0 =	simm.s32 $0x6800  }
.LBB2_1:
0x1a: {  	s13 =	simm.s32 $0x0;
	s14 =	rddreg [dreg:$0x3]  }
0x1b: {  	[tilespmem:s13], [sflag:$0x9] =	stream.linear.gather [hbm4b:s14+s13], $0x1400, $0x38;
	[tilespmem:$0x1E280] =	vst v63  }
0x1c: {  	s15 =	rddreg [dreg:$0x4]  }
0x1d: {  	[tilespmem:s24], [sflag:$0xA] =	stream.linear.gather [hbm4b:s15+s13], $0x1400, $0x38;
	[tilespmem:$0x1E280] =	vst v63  }
0x1e: {  	_ =	swait.ge [sflag:s25], $0x1400  }
0x1f: {  	[sflag:s25] =	ssyncset.done $0x0  }
0x20: {  	[sflag:s25] =	ssyncadd.s32 $0xFFFFEC00  }
0x21: {  	_ =	swait.ge [sflag:s26], $0x1400  }
0x22: {  	[sflag:s26] =	ssyncset.done $0x0  }
0x23: {  	s14 =	simm.s32 $0x200;
	s13 =	simm.s32 $0x0;
	[sflag:s26] =	ssyncadd.s32 $0xFFFFEC00  }
.LBB2_2:
0x24: {  	p1 =	sne.s32 s14, $0x5E00;
	[tilespmem:s13+$0x2870] =	vst v0  }
0x25: {  	[tilespmem:s13+$0x2800] =	vst v0  }
0x26: {  	[tilespmem:s13+$0x2810] =	vst v0  }
.Ltmp0:
0x27: {  	[tilespmem:s13+$0x2820] =	vst v0;
	(pc) =	sbr.rel @p1 .LBB2_2-.Ltmp0, $4  }
0x28: {  	[tilespmem:s13+$0x2830] =	vst v0  }
0x29: {  	[tilespmem:s13+$0x2840] =	vst v0  }
0x2a: {  	[tilespmem:s13+$0x2850] =	vst v0  }
0x2b: {  	[tilespmem:s13+$0x2860] =	vst v0;
	s13 =	sshra.s32 s14, $0x2;
	s14 =	sadd.s32 $0x200, s14  }
0x2c: {  	[tilespmem:s13+$0x2870] =	vst v0  }
0x2d: {  	[tilespmem:s13+$0x2800] =	vst v0  }
0x2e: {  	[tilespmem:s13+$0x2810] =	vst v0  }
0x2f: {  	[tilespmem:s13+$0x2820] =	vst v0  }
0x30: {  	[tilespmem:s13+$0x2830] =	vst v0  }
0x31: {  	[tilespmem:s13+$0x2840] =	vst v0  }
0x32: {  	[tilespmem:s13+$0x2850] =	vst v0  }
0x33: {  	[tilespmem:s13+$0x2860] =	vst v0  }
0x34: {  	[spmem:s7] =	stream.linear.scatter [tilespmem:s28], [sflag:$0x9], $0x1800, $0x38;
	[tilespmem:$0x1E280] =	vst v63  }
0x35: {  	s15 =	rddreg [dreg:$0x5]  }
0x36: {  	[spmem:s15] =	stream.linear.scatter [tilespmem:s28], [sflag:$0x9], $0x1800, $0x38;
	[tilespmem:$0x1E280] =	vst v63  }
0x37: {  	s14 =	rddreg [dreg:$0x6]  }
0x38: {  	[spmem:s14] =	stream.linear.scatter [tilespmem:s28], [sflag:$0x9], $0x1800, $0x38;
	[tilespmem:$0x1E280] =	vst v63  }
0x39: {  	s15 =	rddreg [dreg:$0x7]  }
0x3a: {  	[spmem:s15] =	stream.linear.scatter [tilespmem:s28], [sflag:$0x9], $0x1800, $0x38;
	[tilespmem:$0x1E280] =	vst v63  }
0x3b: {  	s14 =	rddreg [dreg:$0x8]  }
0x3c: {  	[spmem:s14] =	stream.linear.scatter [tilespmem:s28], [sflag:$0x9], $0x1800, $0x38;
	[tilespmem:$0x1E280] =	vst v63  }
0x3d: {  	s15 =	rddreg [dreg:$0x9]  }
0x3e: {  	[spmem:s15] =	stream.linear.scatter [tilespmem:s28], [sflag:$0x9], $0x1800, $0x38;
	[tilespmem:$0x1E280] =	vst v63  }
0x3f: {  	s14 =	rddreg [dreg:$0xa]  }
0x40: {  	[spmem:s14] =	stream.linear.scatter [tilespmem:s28], [sflag:$0x9], $0x1800, $0x38;
	[tilespmem:$0x1E280] =	vst v63  }
0x41: {  	s15 =	rddreg [dreg:$0xb]  }
0x42: {  	[spmem:s15] =	stream.linear.scatter [tilespmem:s28], [sflag:$0x9], $0x1800, $0x38;
	[tilespmem:$0x1E280] =	vst v63  }
0x43: {  	s14 =	rddreg [dreg:$0xc]  }
0x44: {  	[spmem:s14] =	stream.linear.scatter [tilespmem:s28], [sflag:$0x9], $0x1800, $0x38;
	[tilespmem:$0x1E280] =	vst v63  }
0x45: {  	_ = 	snop  }
0x46: {  	[spmem:s16] =	stream.linear.scatter [tilespmem:s28], [sflag:$0x9], $0x1800, $0x38;
	[tilespmem:$0x1E280] =	vst v63  }
0x47: {  	_ = 	snop  }
0x48: {  	[spmem:s17] =	stream.linear.scatter [tilespmem:s28], [sflag:$0x9], $0x1800, $0x38;
	[tilespmem:$0x1E280] =	vst v63  }
0x49: {  	_ = 	snop  }
0x4a: {  	[spmem:s18] =	stream.linear.scatter [tilespmem:s28], [sflag:$0x9], $0x1800, $0x38;
	[tilespmem:$0x1E280] =	vst v63  }
0x4b: {  	_ = 	snop  }
0x4c: {  	[spmem:s19] =	stream.linear.scatter [tilespmem:s28], [sflag:$0x9], $0x1800, $0x38;
	[tilespmem:$0x1E280] =	vst v63  }
0x4d: {  	_ =	swait.ge [sflag:s26], $0x1800  }
0x4e: {  	[sflag:s26] =	ssyncset.done $0x0  }
0x4f: {  	[sflag:s26] =	ssyncadd.s32 $0xFFFFE800  }
0x50: {  	_ =	swait.ge [sflag:s26], $0x1800  }
0x51: {  	[sflag:s26] =	ssyncset.done $0x0  }
0x52: {  	[sflag:s26] =	ssyncadd.s32 $0xFFFFE800  }
0x53: {  	_ =	swait.ge [sflag:s26], $0x1800  }
0x54: {  	[sflag:s26] =	ssyncset.done $0x0  }
0x55: {  	[sflag:s26] =	ssyncadd.s32 $0xFFFFE800  }
0x56: {  	_ =	swait.ge [sflag:s26], $0x1800  }
0x57: {  	[sflag:s26] =	ssyncset.done $0x0  }
0x58: {  	[sflag:s26] =	ssyncadd.s32 $0xFFFFE800  }
0x59: {  	_ =	swait.ge [sflag:s26], $0x1800  }
0x5a: {  	[sflag:s26] =	ssyncset.done $0x0  }
0x5b: {  	[sflag:s26] =	ssyncadd.s32 $0xFFFFE800  }
0x5c: {  	_ =	swait.ge [sflag:s26], $0x1800  }
0x5d: {  	[sflag:s26] =	ssyncset.done $0x0  }
0x5e: {  	[sflag:s26] =	ssyncadd.s32 $0xFFFFE800  }
0x5f: {  	_ =	swait.ge [sflag:s26], $0x1800  }
0x60: {  	[sflag:s26] =	ssyncset.done $0x0  }
0x61: {  	[sflag:s26] =	ssyncadd.s32 $0xFFFFE800  }
0x62: {  	_ =	swait.ge [sflag:s26], $0x1800  }
0x63: {  	[sflag:s26] =	ssyncset.done $0x0  }
0x64: {  	[sflag:s26] =	ssyncadd.s32 $0xFFFFE800  }
0x65: {  	_ =	swait.ge [sflag:s26], $0x1800  }
0x66: {  	[sflag:s26] =	ssyncset.done $0x0  }
0x67: {  	[sflag:s26] =	ssyncadd.s32 $0xFFFFE800  }
0x68: {  	_ =	swait.ge [sflag:s26], $0x1800  }
0x69: {  	[sflag:s26] =	ssyncset.done $0x0  }
0x6a: {  	[sflag:s26] =	ssyncadd.s32 $0xFFFFE800  }
0x6b: {  	_ =	swait.ge [sflag:s26], $0x1800  }
0x6c: {  	[sflag:s26] =	ssyncset.done $0x0  }
0x6d: {  	[sflag:s26] =	ssyncadd.s32 $0xFFFFE800  }
0x6e: {  	_ =	swait.ge [sflag:s26], $0x1800  }
0x6f: {  	[sflag:s26] =	ssyncset.done $0x0  }
0x70: {  	[sflag:s26] =	ssyncadd.s32 $0xFFFFE800  }
0x71: {  	_ =	swait.ge [sflag:s26], $0x1800  }
0x72: {  	[sflag:s26] =	ssyncset.done $0x0  }
0x73: {  	s13 =	simm.s32 @!p0 $0x2800;
	[sflag:s26] =	ssyncadd.s32 $0xFFFFE800  }
0x74: {  	[spmem:s20] =	stream.linear.scatter @!p0 [tilespmem:s13], [sflag:$0xA], $0xC00, $0x38;
	[tilespmem:$0x1E280] =	vst v63  }
0x75: {  	s13 =	simm.s32 @!p0 $0xA  }
0x76: {  	_ =	swait.ge @!p0 [sflag:s13], $0xC00  }
0x77: {  	[sflag:s13] =	ssyncset.done @!p0 $0x0  }
0x78: {  	[sflag:s13] =	ssyncadd.s32 @!p0 $0xFFFFF400  }
0x79: {  	s15 =	simm.s32 $0x0;
	[bflag:$0x0] =	sbarrier.arrive $0xFFFF  }
0x7a: {  	[tilespmem:s28], [sflag:$0x1] =	stream.indirect.gather [hbm4b:s4+s29], $0x80, s15, s29, $0xb8;
	[tilespmem:$0x1E280] =	vst v63  }
0x7b: {  	_ = 	snop  }
0x7c: {  	[tilespmem:s30], [sflag:$0x2] =	stream.indirect.gather [hbm4b:s4+s29], $0x80, s29, s29, $0xb8;
	[tilespmem:$0x1E280] =	vst v63  }
0x7d: {  	s14 =	simm.s32 $0x80  }
0x7e: {  	[tilespmem:s0], [sflag:$0x3] =	stream.indirect.gather [hbm4b:s4+s29], $0x80, s14, s29, $0xb8;
	[tilespmem:$0x1E280] =	vst v63  }
0x7f: {  	_ =	swait.ge [sflag:s1], $0x2000  }
0x80: {  	[sflag:s1] =	ssyncset.done $0x0  }
0x81: {  	[sflag:s1] =	ssyncadd.s32 $0xFFFFE000  }
0x82: {  	[spmem:s2] =	stream.indirect.scatter.add.f32 [tilespmem:s28], [sflag:$0x5], $0x80, s24, s29, $0xb8;
	[tilespmem:$0x1E280] =	vst v63  }
0x83: {  	s15 =	simm.s32 $0xC0  }
0x84: {  	[tilespmem:s31], [sflag:$0x4] =	stream.indirect.gather [hbm4b:s4+s29], $0x80, s15, s29, $0xb8;
	[tilespmem:$0x1E280] =	vst v63  }
0x85: {  	_ =	swait.ge [sflag:s3], $0x2000  }
0x86: {  	[sflag:s3] =	ssyncset.done $0x0  }
0x87: {  	s14 =	simm.s32 $0x1440;
	[sflag:s3] =	ssyncadd.s32 $0xFFFFE000  }
0x88: {  	[spmem:s2] =	stream.indirect.scatter.add.f32 [tilespmem:s30], [sflag:$0x6], $0x80, s14, s29, $0xb8;
	[tilespmem:$0x1E280] =	vst v63  }
0x89: {  	_ =	swait.ge [sflag:s5], $0x2000  }
0x8a: {  	[sflag:s5] =	ssyncset.done $0x0  }
0x8b: {  	s15 =	simm.s32 $0x100;
	[sflag:s5] =	ssyncadd.s32 $0xFFFFE000  }
0x8c: {  	[tilespmem:s28], [sflag:$0x1] =	stream.indirect.gather [hbm4b:s4+s29], $0x80, s15, s29, $0xb8;
	[tilespmem:$0x1E280] =	vst v63  }
0x8d: {  	_ =	swait.ge [sflag:s6], $0x2000  }
0x8e: {  	[sflag:s6] =	ssyncset.done $0x0  }
0x8f: {  	s14 =	simm.s32 $0x1480;
	[sflag:s6] =	ssyncadd.s32 $0xFFFFE000  }
0x90: {  	[spmem:s2] =	stream.indirect.scatter.add.f32 [tilespmem:s0], [sflag:$0x7], $0x80, s14, s29, $0xb8;
	[tilespmem:$0x1E280] =	vst v63  }
0x91: {  	_ =	swait.ge [sflag:s8], $0x2000  }
0x92: {  	[sflag:s8] =	ssyncset.done $0x0  }
0x93: {  	s15 =	simm.s32 $0x140;
	[sflag:s8] =	ssyncadd.s32 $0xFFFFE000  }
0x94: {  	[tilespmem:s30], [sflag:$0x2] =	stream.indirect.gather [hbm4b:s4+s29], $0x80, s15, s29, $0xb8;
	[tilespmem:$0x1E280] =	vst v63  }
0x95: {  	_ =	swait.ge [sflag:s9], $0x2000  }
0x96: {  	[sflag:s9] =	ssyncset.done $0x0  }
0x97: {  	s14 =	simm.s32 $0x14C0;
	[sflag:s9] =	ssyncadd.s32 $0xFFFFE000  }
0x98: {  	[spmem:s2] =	stream.indirect.scatter.add.f32 [tilespmem:s31], [sflag:$0x8], $0x80, s14, s29, $0xb8;
	[tilespmem:$0x1E280] =	vst v63  }
0x99: {  	_ =	swait.ge [sflag:s10], $0x2000  }
0x9a: {  	[sflag:s10] =	ssyncset.done $0x0  }
0x9b: {  	s15 =	simm.s32 $0x180;
	[sflag:s10] =	ssyncadd.s32 $0xFFFFE000  }
0x9c: {  	[tilespmem:s0], [sflag:$0x3] =	stream.indirect.gather [hbm4b:s4+s29], $0x80, s15, s29, $0xb8;
	[tilespmem:$0x1E280] =	vst v63  }
0x9d: {  	_ =	swait.ge [sflag:s1], $0x2000  }
0x9e: {  	[sflag:s1] =	ssyncset.done $0x0  }
0x9f: {  	s14 =	simm.s32 $0x1500;
	[sflag:s1] =	ssyncadd.s32 $0xFFFFE000  }
0xa0: {  	[spmem:s2] =	stream.indirect.scatter.add.f32 [tilespmem:s28], [sflag:$0x5], $0x80, s14, s29, $0xb8;
	[tilespmem:$0x1E280] =	vst v63  }
0xa1: {  	_ =	swait.ge [sflag:s11], $0x2000  }
0xa2: {  	[sflag:s11] =	ssyncset.done $0x0  }
0xa3: {  	s15 =	simm.s32 $0x1C0;
	[sflag:s11] =	ssyncadd.s32 $0xFFFFE000  }
0xa4: {  	[tilespmem:s31], [sflag:$0x4] =	stream.indirect.gather [hbm4b:s4+s29], $0x80, s15, s29, $0xb8;
	[tilespmem:$0x1E280] =	vst v63  }
0xa5: {  	_ =	swait.ge [sflag:s3], $0x2000  }
0xa6: {  	[sflag:s3] =	ssyncset.done $0x0  }
0xa7: {  	s14 =	simm.s32 $0x1540;
	[sflag:s3] =	ssyncadd.s32 $0xFFFFE000  }
0xa8: {  	[spmem:s2] =	stream.indirect.scatter.add.f32 [tilespmem:s30], [sflag:$0x6], $0x80, s14, s29, $0xb8;
	[tilespmem:$0x1E280] =	vst v63  }
0xa9: {  	_ =	swait.ge [sflag:s5], $0x2000  }
0xaa: {  	[sflag:s5] =	ssyncset.done $0x0  }
0xab: {  	s15 =	simm.s32 $0x200;
	[sflag:s5] =	ssyncadd.s32 $0xFFFFE000  }
0xac: {  	[tilespmem:s28], [sflag:$0x1] =	stream.indirect.gather [hbm4b:s4+s29], $0x80, s15, s29, $0xb8;
	[tilespmem:$0x1E280] =	vst v63  }
0xad: {  	_ =	swait.ge [sflag:s6], $0x2000  }
0xae: {  	[sflag:s6] =	ssyncset.done $0x0  }
0xaf: {  	s14 =	simm.s32 $0x1580;
	[sflag:s6] =	ssyncadd.s32 $0xFFFFE000  }
0xb0: {  	[spmem:s2] =	stream.indirect.scatter.add.f32 [tilespmem:s0], [sflag:$0x7], $0x80, s14, s29, $0xb8;
	[tilespmem:$0x1E280] =	vst v63  }
0xb1: {  	_ =	swait.ge [sflag:s8], $0x2000  }
0xb2: {  	[sflag:s8] =	ssyncset.done $0x0  }
0xb3: {  	s15 =	simm.s32 $0x240;
	[sflag:s8] =	ssyncadd.s32 $0xFFFFE000  }
0xb4: {  	[tilespmem:s30], [sflag:$0x2] =	stream.indirect.gather [hbm4b:s4+s29], $0x80, s15, s29, $0xb8;
	[tilespmem:$0x1E280] =	vst v63  }
0xb5: {  	_ =	swait.ge [sflag:s9], $0x2000  }
0xb6: {  	[sflag:s9] =	ssyncset.done $0x0  }
0xb7: {  	s13 =	simm.s32 $0x400;
	s14 =	simm.s32 $0x15C0;
	[sflag:s9] =	ssyncadd.s32 $0xFFFFE000  }
.LBB2_4:
0xb8: {  	[spmem:s2] =	stream.indirect.scatter.add.f32 [tilespmem:s31], [sflag:$0x8], $0x80, s14, s29, $0xb8;
	[tilespmem:$0x1E280] =	vst v63  }
0xb9: {  	s14 =	smov.u32 s13  }
0xba: {  	p1 =	sne.s32 s13, $0x4400;
	s13 =	sadd.s32 $0x400, s13;
	_ =	swait.ge [sflag:s10], $0x2000  }
0xbb: {  	s14 =	sshra.s32 s14, $0x2;
	[sflag:s10] =	ssyncset.done $0x0  }
0xbc: {  	s15 =	sadd.s32 $0x180, s14;
	[sflag:s10] =	ssyncadd.s32 $0xFFFFE000  }
0xbd: {  	[tilespmem:s0], [sflag:$0x3] =	stream.indirect.gather [hbm4b:s4+s29], $0x80, s15, s29, $0xb8;
	[tilespmem:$0x1E280] =	vst v63  }
0xbe: {  	_ =	swait.ge [sflag:s1], $0x2000  }
0xbf: {  	[sflag:s1] =	ssyncset.done $0x0  }
0xc0: {  	s15 =	sadd.s32 $0x1500, s14;
	[sflag:s1] =	ssyncadd.s32 $0xFFFFE000  }
0xc1: {  	[spmem:s2] =	stream.indirect.scatter.add.f32 [tilespmem:s28], [sflag:$0x5], $0x80, s15, s29, $0xb8;
	[tilespmem:$0x1E280] =	vst v63  }
0xc2: {  	_ =	swait.ge [sflag:s11], $0x2000  }
0xc3: {  	[sflag:s11] =	ssyncset.done $0x0  }
0xc4: {  	s15 =	sadd.s32 $0x1C0, s14;
	[sflag:s11] =	ssyncadd.s32 $0xFFFFE000  }
0xc5: {  	[tilespmem:s31], [sflag:$0x4] =	stream.indirect.gather [hbm4b:s4+s29], $0x80, s15, s29, $0xb8;
	[tilespmem:$0x1E280] =	vst v63  }
0xc6: {  	_ =	swait.ge [sflag:s3], $0x2000  }
0xc7: {  	[sflag:s3] =	ssyncset.done $0x0  }
0xc8: {  	s15 =	sadd.s32 $0x1540, s14;
	[sflag:s3] =	ssyncadd.s32 $0xFFFFE000  }
0xc9: {  	[spmem:s2] =	stream.indirect.scatter.add.f32 [tilespmem:s30], [sflag:$0x6], $0x80, s15, s29, $0xb8;
	[tilespmem:$0x1E280] =	vst v63  }
0xca: {  	_ =	swait.ge [sflag:s5], $0x2000  }
0xcb: {  	[sflag:s5] =	ssyncset.done $0x0  }
0xcc: {  	s15 =	sadd.s32 $0x200, s14;
	[sflag:s5] =	ssyncadd.s32 $0xFFFFE000  }
0xcd: {  	[tilespmem:s28], [sflag:$0x1] =	stream.indirect.gather [hbm4b:s4+s29], $0x80, s15, s29, $0xb8;
	[tilespmem:$0x1E280] =	vst v63  }
0xce: {  	_ =	swait.ge [sflag:s6], $0x2000  }
0xcf: {  	[sflag:s6] =	ssyncset.done $0x0  }
0xd0: {  	s15 =	sadd.s32 $0x1580, s14;
	[sflag:s6] =	ssyncadd.s32 $0xFFFFE000  }
0xd1: {  	[spmem:s2] =	stream.indirect.scatter.add.f32 [tilespmem:s0], [sflag:$0x7], $0x80, s15, s29, $0xb8;
	[tilespmem:$0x1E280] =	vst v63  }
0xd2: {  	_ =	swait.ge [sflag:s8], $0x2000  }
0xd3: {  	[sflag:s8] =	ssyncset.done $0x0  }
.Ltmp1:
0xd4: {  	s15 =	sadd.s32 $0x240, s14;
	[sflag:s8] =	ssyncadd.s32 $0xFFFFE000;
	(pc) =	sbr.rel @p1 .LBB2_4-.Ltmp1, $4  }
0xd5: {  	[tilespmem:s30], [sflag:$0x2] =	stream.indirect.gather [hbm4b:s4+s29], $0x80, s15, s29, $0xb8;
	[tilespmem:$0x1E280] =	vst v63  }
0xd6: {  	_ =	swait.ge [sflag:s9], $0x2000  }
0xd7: {  	[sflag:s9] =	ssyncset.done $0x0  }
0xd8: {  	s14 =	sadd.s32 $0x15C0, s14;
	[sflag:s9] =	ssyncadd.s32 $0xFFFFE000  }
0xd9: {  	[spmem:s2] =	stream.indirect.scatter.add.f32 [tilespmem:s31], [sflag:$0x8], $0x80, s14, s29, $0xb8;
	[tilespmem:$0x1E280] =	vst v63  }
0xda: {  	_ =	swait.ge [sflag:s10], $0x2000  }
0xdb: {  	[sflag:s10] =	ssyncset.done $0x0  }
0xdc: {  	s13 =	simm.s32 $0x1380;
	[sflag:s10] =	ssyncadd.s32 $0xFFFFE000  }
0xdd: {  	[tilespmem:s0], [sflag:$0x3] =	stream.indirect.gather [hbm4b:s4+s29], $0x80, s13, s29, $0xb8;
	[tilespmem:$0x1E280] =	vst v63  }
0xde: {  	_ =	swait.ge [sflag:s1], $0x2000  }
0xdf: {  	[sflag:s1] =	ssyncset.done $0x0  }
0xe0: {  	s15 =	simm.s32 $0x2700;
	[sflag:s1] =	ssyncadd.s32 $0xFFFFE000  }
0xe1: {  	[spmem:s2] =	stream.indirect.scatter.add.f32 [tilespmem:s28], [sflag:$0x5], $0x80, s15, s29, $0xb8;
	[tilespmem:$0x1E280] =	vst v63  }
0xe2: {  	_ =	swait.ge [sflag:s11], $0x2000  }
0xe3: {  	[sflag:s11] =	ssyncset.done $0x0  }
0xe4: {  	s14 =	simm.s32 $0x13C0;
	[sflag:s11] =	ssyncadd.s32 $0xFFFFE000  }
0xe5: {  	[tilespmem:s31], [sflag:$0x4] =	stream.indirect.gather [hbm4b:s4+s29], $0x80, s14, s29, $0xb8;
	[tilespmem:$0x1E280] =	vst v63  }
0xe6: {  	_ =	swait.ge [sflag:s3], $0x2000  }
0xe7: {  	[sflag:s3] =	ssyncset.done $0x0  }
0xe8: {  	s15 =	simm.s32 $0x2740;
	[sflag:s3] =	ssyncadd.s32 $0xFFFFE000  }
0xe9: {  	[spmem:s2] =	stream.indirect.scatter.add.f32 [tilespmem:s30], [sflag:$0x6], $0x80, s15, s29, $0xb8;
	[tilespmem:$0x1E280] =	vst v63  }
0xea: {  	_ =	swait.ge [sflag:s5], $0x2000  }
0xeb: {  	[sflag:s5] =	ssyncset.done $0x0  }
0xec: {  	[sflag:s5] =	ssyncadd.s32 $0xFFFFE000  }
0xed: {  	_ =	swait.ge [sflag:s6], $0x2000  }
0xee: {  	[sflag:s6] =	ssyncset.done $0x0  }
0xef: {  	s14 =	simm.s32 $0x2780;
	[sflag:s6] =	ssyncadd.s32 $0xFFFFE000  }
0xf0: {  	[spmem:s2] =	stream.indirect.scatter.add.f32 [tilespmem:s0], [sflag:$0x7], $0x80, s14, s29, $0xb8;
	[tilespmem:$0x1E280] =	vst v63  }
0xf1: {  	_ =	swait.ge [sflag:s8], $0x2000  }
0xf2: {  	[sflag:s8] =	ssyncset.done $0x0  }
0xf3: {  	[sflag:s8] =	ssyncadd.s32 $0xFFFFE000  }
0xf4: {  	_ =	swait.ge [sflag:s9], $0x2000  }
0xf5: {  	[sflag:s9] =	ssyncset.done $0x0  }
0xf6: {  	s15 =	simm.s32 $0x27C0;
	[sflag:s9] =	ssyncadd.s32 $0xFFFFE000  }
0xf7: {  	[spmem:s2] =	stream.indirect.scatter.add.f32 [tilespmem:s31], [sflag:$0x8], $0x80, s15, s29, $0xb8;
	[tilespmem:$0x1E280] =	vst v63  }
0xf8: {  	_ =	swait.ge [sflag:s10], $0x2000  }
0xf9: {  	[sflag:s10] =	ssyncset.done $0x0  }
0xfa: {  	[sflag:s10] =	ssyncadd.s32 $0xFFFFE000  }
0xfb: {  	_ =	swait.ge [sflag:s11], $0x2000  }
0xfc: {  	s14 =	stileid.u32;
	[sflag:s11] =	ssyncset.done $0x0  }
0xfd: {  	s13 =	sshll.u32 s14, $0x6;
	[sflag:s11] =	ssyncadd.s32 $0xFFFFE000  }
0xfe: {  	s13 =	sor.u32 $0x1C0A, s13;
	s15 =	sshrl.u32 s7, $0x3;
	[bflag:$0x0] =	sbarrier.arrive $0xFFFF  }
0xff: {  	[hbm:s21], [sflag:s13] =	dma.local [spmem:s15], $0x2700  }
0x100: {  	_ =	swait.ge [sflag:s25], $0x2700  }
0x101: {  	s12 =	sadd.s32 $0x1, s12;
	[sflag:s25] =	ssyncset.done $0x0  }
0x102: {  	p1 =	sne.s32 s12, s23;
	s14 =	sshrl.u32 @!p0 s20, $0x3;
	[sflag:s25] =	ssyncadd.s32 $0xFFFFD900  }
0x103: {  	[hbm:s22], [sflag:s13] =	dma.local @!p0 [spmem:s14], $0x100  }
.Ltmp2:
0x104: {  	_ = 	snop;
	(pc) =	sbr.rel @p1 .LBB2_1-.Ltmp2, $4  }
0x105: {  	s13 =	simm.s32 @!p0 $0xA  }
0x106: {  	_ =	swait.ge @!p0 [sflag:s13], $0x100  }
0x107: {  	[sflag:s13] =	ssyncset.done @!p0 $0x0  }
0x108: {  	[sflag:s13] =	ssyncadd.s32 @!p0 $0xFFFFFF00  }
0x109: {  	_ =	sfence.sel $0x180000  }
0x10a: {  	[bflag:$0x0] =	sbarrier.arrive $0xFFFF  }
0x10b: {  	_ =	strace $0x9000004A  }
0x10c: {  	[bflag:$0x2] =	sbarrier.arrive $0xFFFF  }
0x10d: {  	s0 =	rddreg [dreg:$0x2]  }
0x10e: {  	s0 =	sadd.s32 @!p0 $0x100000, s0  }
0x10f: {  	[sflag:s0] =	ssyncadd.tile.s32 @!p0 $0x1;
	_ =	shalt  }
.Lfunc_end2:
_tile_overlayer_lowered:
.L_overlay_start_2:
0x110: {  	(tag) =	ssettag $0x2  }
0x111: {  	s0 =	rddreg [dreg:$0x0];
	s2 =	stileid.u32  }
0x112: {  	s1 =	rddreg [dreg:$0x1];
	p0 =	sne.s32 s2, $0x0  }
0x113: {  	s3 =	rddreg [dreg:$0x2];
	[bflag:$0x3] =	sbarrier.arrive $0xFFFF;
	s2 =	simm.s32 @!p0 $0x1C0A  }
0x114: {  	[timem:s3], [sflag:s2] =	dma.local @!p0 [hbm:s0], s1  }
0x115: {  	s0 =	simm.s32 @!p0 $0xA  }
0x116: {  	_ =	swait.ge @!p0 [sflag:s0], s1  }
0x117: {  	s1 =	ssub.s32 @!p0 $0x0, s1;
	[sflag:s0] =	ssyncset.done @!p0 $0x0  }
0x118: {  	[sflag:s0] =	ssyncadd.s32 @!p0 s1  }
0x119: {  	[bflag:$0x3] =	sbarrier.arrive $0xFFFF  }
0x11a: {  	_ =	shalt  }

// kernel: kernel.14.cloned.1.call-start
scs
__scs_entry_jumppad:
0x0: {  	(pc) =	sbr.rel $0x88, $3  }
0x1: {  	(tag) =	ssettag $0x0;
	lr =	simm.s32 $0x1  }
0x2: {  	[smem:$0x3F8E] =	sst lr;
	_ =	strace $0xD0000000  }
0x3: {  	_ = 	snop  }
0x4: {  	_ = 	snop  }
0x5: {  	_ = 	snop  }
0x6: {  	_ = 	snop  }
0x7: {  	_ = 	snop  }
__scs_overlays_trampoline_lowered:
0x8: {  	[smem:$0x3F9D] =	sst s0  }
0x9: {  	[smem:$0x3F9E] =	sst s1  }
0xa: {  	[smem:$0x3F9F] =	sst s2  }
0xb: {  	[smem:$0x3FA0] =	sst s3  }
0xc: {  	[smem:$0x3FA1] =	sst s4  }
0xd: {  	[smem:$0x3FA2] =	sst s5  }
0xe: {  	[smem:$0x3FA3] =	sst s6  }
0xf: {  	[smem:$0x3FA4] =	sst s7  }
0x10: {  	[smem:$0x3FA5] =	sst s8  }
0x11: {  	[smem:$0x3FA6] =	sst s9;
	s0 =	simm.s32 @!p0 $0x0  }
0x12: {  	s1 =	sld [smem:$0x3F8C];
	s0 =	simm.s32 @p0 $0x1  }
0x13: {  	[smem:$0x3FA7] =	sst s0;
	s0 =	simm.s32 @!p1 $0x0  }
0x14: {  	s2 =	sld [smem:$0x3F8B];
	s0 =	simm.s32 @p1 $0x1  }
0x15: {  	[smem:$0x3FA8] =	sst s0;
	s0 =	simm.s32 @!p2 $0x0  }
0x16: {  	s3 =	sld [smem:$0x3FDB];
	s0 =	simm.s32 @p2 $0x1  }
0x17: {  	s4 =	simm.s32 $0x1BF5;
	[smem:$0x3FAA] =	sst s0  }
0x18: {  	s0 =	sld [smem:$0x3F8D];
	_ =	swait.ge [sflag:s4], $0x0  }
0x19: {  	s7 =	sld [smem:$0x3F8E]  }
0x1a: {  	s8 =	sadd.s32 $0xFFFFE003, lr  }
0x1b: {  	s9 =	sadd.s32 $0xFFFFFEF7, lr;
	s5 =	simm.s32 $0xFFFFFFFF;
	p2 =	slt.u32 s8, $0xFFFFF086  }
0x1c: {  	p1 =	slt.u32 s9, $0xF7A;
	s5 =	simm.s32 @!p2 $0x0  }
0x1d: {  	s5 =	simm.s32 @p1 $0x1;
	p0 =	seq.s32 s7, s2  }
0x1e: {  	s7 =	smul.u32 @!p0 $0xF7A, s2;
	p2 =	seq.s32 @!p0 s5, $0x0  }
0x1f: {  	s9 =	smul.u32 $0xF7A, s1;
	s8 =	simm.s32 @!p0 $0x1BF5;
	p2 =	por !p2, p0  }
0x20: {  	[sflag:s8] =	ssyncset.s32 @!p0 $0xFFFFF086;
	s6 =	sadd.s32 @!p0 s3, s7;
	s7 =	simm.s32 @!p0 $0x108  }
0x21: {  	s3 =	sadd.s32 s3, s9;
	s6 =	sadd.s32 @!p0 $0x88, s6;
	s7 =	simm.s32 @p2 $0x1082  }
0x22: {  	[simem:s7], [sflag:s8] =	dma.local @!p0 [hbm:s6], $0xF7A  }
0x23: {  	s9 =	sor.u32 $0xD0000000, s2;
	s6 =	simm.s32 $0x108;
	_ =	swait.ge @!p0 [sflag:s8], $0x0  }
0x24: {  	s3 =	sadd.s32 $0x88, s3;
	s6 =	simm.s32 @!p1 $0x1082;
	[sflag:s4] =	ssyncset.s32 $0xFFFFF086  }
0x25: {  	[simem:s6], [sflag:s4] =	dma.local [hbm:s3], $0xF7A  }
0x26: {  	[smem:$0x3F8E] =	sst s1;
	(tag) =	ssettag s2;
	_ =	strace s9  }
0x27: {  	s1 =	sld [smem:$0x3F9E]  }
0x28: {  	s2 =	sld [smem:$0x3F9F]  }
0x29: {  	s4 =	sld [smem:$0x3FA1]  }
0x2a: {  	p0 =	seq.s32 s5, $0x0;
	s5 =	sld [smem:$0x3FA2]  }
0x2b: {  	s6 =	sld [smem:$0x3FA3]  }
0x2c: {  	s7 =	sld [smem:$0x3FA4]  }
0x2d: {  	s3 =	simm.s32 $0x108;
	s8 =	sld [smem:$0x3FA5]  }
0x2e: {  	s3 =	simm.s32 @!p0 $0x1082;
	s9 =	sld [smem:$0x3FA6]  }
0x2f: {  	lr =	sadd.s32 s0, s3;
	s0 =	sld [smem:$0x3F9D]  }
0x30: {  	s3 =	sld [smem:$0x3FA0]  }
0x31: {  	[smem:$0x3FA9] =	sst s10  }
0x32: {  	s10 =	sld [smem:$0x3FA7];
	_ =	sdelay $0x3  }
0x33: {  	p0 =	seq.s32 s10, $0x1;
	s10 =	sld [smem:$0x3FA9];
	_ =	sdelay $0x3  }
0x34: {  	[smem:$0x3FA9] =	sst s10  }
0x35: {  	s10 =	sld [smem:$0x3FA8];
	_ =	sdelay $0x3  }
0x36: {  	p1 =	seq.s32 s10, $0x1;
	s10 =	sld [smem:$0x3FA9];
	_ =	sdelay $0x3  }
0x37: {  	[smem:$0x3FA9] =	sst s10  }
0x38: {  	s10 =	sld [smem:$0x3FAA]  }
0x39: {  	_ = 	snop;
	(pc) =	sbr.ind lr, $3  }
0x3a: {  	_ = 	snop  }
0x3b: {  	_ = 	snop  }
0x3c: {  	p2 =	seq.s32 s10, $0x1;
	s10 =	sld [smem:$0x3FA9]  }
0x3d: {  	_ =	shalt  }
0x3e: {  	_ =	shalt  }
0x3f: {  	_ =	shalt  }
0x40: {  	_ =	shalt  }
0x41: {  	_ =	shalt  }
0x42: {  	_ =	shalt  }
0x43: {  	_ =	shalt  }
0x44: {  	_ =	shalt  }
0x45: {  	_ =	shalt  }
0x46: {  	_ =	shalt  }
0x47: {  	_ =	shalt  }
0x48: {  	_ =	shalt  }
0x49: {  	_ =	shalt  }
0x4a: {  	_ =	shalt  }
0x4b: {  	_ =	shalt  }
0x4c: {  	_ =	shalt  }
0x4d: {  	_ =	shalt  }
0x4e: {  	_ =	shalt  }
0x4f: {  	_ =	shalt  }
0x50: {  	_ =	shalt  }
0x51: {  	_ =	shalt  }
0x52: {  	_ =	shalt  }
0x53: {  	_ =	shalt  }
0x54: {  	_ =	shalt  }
0x55: {  	_ =	shalt  }
0x56: {  	_ =	shalt  }
0x57: {  	_ =	shalt  }
0x58: {  	_ =	shalt  }
0x59: {  	_ =	shalt  }
0x5a: {  	_ =	shalt  }
0x5b: {  	_ =	shalt  }
0x5c: {  	_ =	shalt  }
0x5d: {  	_ =	shalt  }
0x5e: {  	_ =	shalt  }
0x5f: {  	_ =	shalt  }
0x60: {  	_ =	shalt  }
0x61: {  	_ =	shalt  }
0x62: {  	_ =	shalt  }
0x63: {  	_ =	shalt  }
0x64: {  	_ =	shalt  }
0x65: {  	_ =	shalt  }
0x66: {  	_ =	shalt  }
0x67: {  	_ =	shalt  }
0x68: {  	_ =	shalt  }
0x69: {  	_ =	shalt  }
0x6a: {  	_ =	shalt  }
0x6b: {  	_ =	shalt  }
0x6c: {  	_ =	shalt  }
0x6d: {  	_ =	shalt  }
0x6e: {  	_ =	shalt  }
0x6f: {  	_ =	shalt  }
0x70: {  	_ =	shalt  }
0x71: {  	_ =	shalt  }
0x72: {  	_ =	shalt  }
0x73: {  	_ =	shalt  }
0x74: {  	_ =	shalt  }
0x75: {  	_ =	shalt  }
0x76: {  	_ =	shalt  }
0x77: {  	_ =	shalt  }
0x78: {  	_ =	shalt  }
0x79: {  	_ =	shalt  }
0x7a: {  	_ =	shalt  }
0x7b: {  	_ =	shalt  }
0x7c: {  	_ =	shalt  }
0x7d: {  	_ =	shalt  }
0x7e: {  	_ =	shalt  }
0x7f: {  	_ =	shalt  }
0x80: {  	_ =	shalt  }
0x81: {  	_ =	shalt  }
0x82: {  	_ =	shalt  }
0x83: {  	_ =	shalt  }
0x84: {  	_ =	shalt  }
0x85: {  	_ =	shalt  }
0x86: {  	_ =	shalt  }
0x87: {  	_ =	shalt  }
.Lfunc_end0:
.L_simem_size_0:
called_computation.2_lowered:
.L_overlay_start_0:
0x88: {  	s2 =	sld [smem:$0x3FD9]  }
0x89: {  	s3 =	sld [smem:$0x3FFE];
	_ =	sdelay $0x1  }
0x8a: {  	s1 =	srdreg.scid  }
0x8b: {  	s0 =	sand.u32 $0x1, s1  }
0x8c: {  	s16 =	sshll.u32 s0, $0xA;
	s2 =	sadd.s32 s3, s2  }
0x8d: {  	s2 =	sadd.s32 s2, s16  }
0x8e: {  	[smem:$0x3FB5] =	sst s2  }
0x8f: {  	_ = 	snop  }
0x90: {  	(tm) =	ssettm $0x1  }
0x91: {  	s17 =	sld [smem:$0x3FFB];
	_ =	sdelay $0x3  }
0x92: {  	_ =	strace s17  }
0x93: {  	s2 =	sld [smem:$0x3FFC];
	_ =	sdelay $0x3  }
0x94: {  	_ =	strace s2  }
0x95: {  	s2 =	sld [smem:$0x3FFD];
	_ =	sdelay $0x3  }
0x96: {  	_ =	strace s2  }
0x97: {  	_ =	strace $0x8FFFFFFF  }
0x98: {  	s18 =	sld [smem:$0x3FDB];
	_ =	sdelay $0x1  }
0x99: {  	s19 =	simm.s32 $_scs_section_size  }
0x9a: {  	s4 =	simm.s32 $_size__tile_overlayer_lowered;
	s5 =	simm.s32 $_tile_overlayer_lowered  }
0x9b: {  	s22 =	simm.s32 $0x1BFF;
	s21 =	sshll.u32 s5, $0x1;
	s2 =	sadd.s32 s19, s18  }
0x9c: {  	s6 =	simm.s32 $0x0;
	s20 =	sshll.u32 s4, $0x1;
	s4 =	sadd.s32 s21, s2  }
0x9d: {  	[timem:s6], [sflag:s22] =	dma.local [hbm:s4], s20  }
0x9e: {  	_ =	swait.ge [sflag:s22], s20  }
0x9f: {  	s3 =	ssub.s32 $0x0, s20;
	[sflag:s22] =	ssyncset.done $0x0  }
0xa0: {  	[sflag:s22] =	ssyncadd.s32 s3;
	_ =	sdelay $0x1  }
0xa1: {  	s23 =	simm.s32 $0x1B8B  }
0xa2: {  	_ =	swait.ge [sflag:s23], $0x1  }
0xa3: {  	[sflag:s23] =	ssyncset.done $0x0  }
0xa4: {  	s25 =	simm.s32 $0x1B8E;
	s24 =	sld [smem:$0x3FFE];
	[sflag:s23] =	ssyncadd.s32 $0xFFFFFFFF  }
0xa5: {  	s26 =	simm.s32 $execute0_lowered;
	[smem:$0x3FD2] =	sst s25  }
0xa6: {  	s4 =	sshll.u32 s26, $0x1;
	_ =	strace $0x8000004C;
	[dreg:$0x1] =	wrdreg $0xFFFFFFFF  }
0xa7: {  	s28 =	simm.s32 $_size_execute0_lowered;
	s2 =	sadd.s32 s2, s4;
	[dreg:$0x0] =	wrdreg $0x0  }
0xa8: {  	s4 =	sshll.u32 s28, $0x1;
	[dreg:$0x2] =	wrdreg s2  }
0xa9: {  	[dreg:$0x3] =	wrdreg s4  }
0xaa: {  	[dreg:$0x4] =	wrdreg $0xC0  }
0xab: {  	_ =	task [dreg:s6], $0x5FFFF  }
0xac: {  	[dreg:$0x1] =	wrdreg $0xFFFFFFFF  }
0xad: {  	[dreg:$0x0] =	wrdreg $0x60  }
0xae: {  	[dreg:$0x2] =	wrdreg s24  }
0xaf: {  	[dreg:$0x3] =	wrdreg $0x68000  }
0xb0: {  	[dreg:$0x4] =	wrdreg $0x9  }
0xb1: {  	_ =	task.clear_ibuf [dreg:s6], $0x5FFFF;
	_ =	strace $0x9000004C  }
0xb2: {  	s29 =	simm.s32 $0x9;
	_ =	strace $0x8000004E  }
0xb3: {  	_ =	swait.ge [sflag:s29], $0x1  }
0xb4: {  	[sflag:s29] =	ssyncadd.s32 $0xFFFFFFFF  }
0xb5: {  	_ =	strace $0x9000004E  }
0xb6: {  	_ =	sfence  }
0xb7: {  	s30 =	sld [smem:$0x0];
	_ =	sdelay $0x2  }
0xb8: {  	s31 =	sshll.u32 s1, $0xD;
	s1 =	sshrl.u32 s1, $0x2  }
0xb9: {  	s3 =	sand.u32 $0x4000, s31;
	s1 =	sadd.s32 s1, s30  }
0xba: {  	s0 =	sor.u32 s3, s0;
	s1 =	sshll.u32 s1, $0x11  }
0xbb: {  	s0 =	sor.u32 s1, s0  }
0xbc: {  	s0 =	sadd.s32 $0x8F2B, s0  }
0xbd: {  	[sflag:s0] =	ssyncadd.remote.s32 $0x1  }
0xbe: {  	_ =	sfence.sel $0xFFFF  }
0xbf: {  	[dreg:$0x0] =	wrdreg $0xFFFFFFFF;
	(pc) =	sbr.abs _section_cstart, $3  }
0xc0: {  	[dreg:$0x1] =	wrdreg $0xFFFFFFFF  }
0xc1: {  	_ =	task.clear_ibuf [dreg:s6], $0x2FFFF;
	_ =	strace $0x9FFFFFFF  }
0xc2: {  	(tm) =	ssettm $0x7FFFFFFF  }
0xc3: {  	_ =	shalt  }
tec
execute0_lowered:
.L_overlay_start_1:
0x0: {  	(tag) =	ssettag $0x1  }
0x1: {  	s0 =	rddreg [dreg:$0x0];
	s1 =	srdreg.scid  }
0x2: {  	s9 =	stileid.u32;
	s2 =	rddreg [dreg:$0x1]  }
0x3: {  	s4 =	simm.s32 $0x0;
	s28 =	simm.s32 $0x2800;
	s29 =	simm.s32 $0x40  }
0x4: {  	s30 =	simm.s32 $0x3800;
	s31 =	simm.s32 $0x5800;
	s10 =	simm.s32 $0x7  }
0x5: {  	s11 =	simm.s32 $0x8;
	s12 =	simm.s32 $0x0;
	s1 =	sand.u32 $0x1, s1  }
0x6: {  	s3 =	sshll.u32 s9, $0x1;
	[smem:$0x7FF] =	sst s4;
	s5 =	smul.u32 $0x27000, s9  }
0x7: {  	s4 =	sadd.s32 $0x17600, s0;
	s8 =	smul.u32 $0x9C00, s9;
	p0 =	sne.s32 s9, $0x0  }
0x8: {  	s9 =	simm.s32 $0x4;
	s3 =	sor.u32 s1, s3;
	_ =	strace $0x8000004D  }
0x9: {  	s6 =	ssub.s32 $0x2, s1;
	s1 =	smul.u32 $0x9C400, s1;
	s5 =	sshrl.u32 s5, $0x2  }
0xa: {  	s3 =	smul.u32 $0x280, s3;
	s7 =	sshrl.u32 s6, $0x1;
	s5 =	sadd.s32 s5, s2  }
0xb: {  	s6 =	ssub.s32 s6, s7;
	s7 =	sadd.s32 s8, s2;
	s18 =	sadd.s32 $0xC00, s5  }
0xc: {  	s26 =	sadd.s32 s8, s1;
	s19 =	sadd.s32 $0x1800, s5;
	[dreg:$0x5] =	wrdreg s18  }
0xd: {  	s1 =	sshrl.u32 s1, $0x3;
	s20 =	sadd.s32 $0x2400, s5;
	[dreg:$0x6] =	wrdreg s19  }
0xe: {  	s8 =	simm.s32 $0x6;
	s21 =	sadd.s32 $0x3000, s5;
	[dreg:$0x7] =	wrdreg s20  }
0xf: {  	s3 =	sadd.s32 s3, s0;
	s22 =	sadd.s32 $0x3C00, s5;
	[dreg:$0x8] =	wrdreg s21  }
0x10: {  	s0 =	sadd.s32 $0x2B000, s0;
	s23 =	sadd.s32 $0x4800, s5;
	[dreg:$0x9] =	wrdreg s22  }
0x11: {  	s24 =	sadd.s32 $0x5400, s5;
	s25 =	sadd.s32 $0x6000, s5;
	[dreg:$0xa] =	wrdreg s23  }
0x12: {  	s16 =	sadd.s32 $0x6C00, s5;
	s17 =	sadd.s32 $0x12600, s3;
	[dreg:$0xb] =	wrdreg s24  }
0x13: {  	s3 =	sadd.s32 $0x3800, s3;
	[dreg:$0xc] =	wrdreg s25;
	s18 =	sadd.s32 $0x8400, s5  }
0x14: {  	s19 =	sadd.s32 $0x9000, s5;
	s20 =	sadd.s32 $0x9C000, s2;
	s23 =	smax.u32 s6, $0x1  }
0x15: {  	s24 =	simm.s32 $0x1400;
	s25 =	simm.s32 $0xA;
	[dreg:$0x3] =	wrdreg s17  }
0x16: {  	s6 =	simm.s32 $0x3;
	[dreg:$0x4] =	wrdreg s3;
	s17 =	sadd.s32 $0x7800, s5  }
0x17: {  	s3 =	sshrl.u32 s26, $0x3;
	s26 =	simm.s32 $0x9;
	s5 =	simm.s32 $0x5  }
0x18: {  	s21 =	sadd.s32 s0, s3;
	s0 =	sadd.s32 s0, s1;
	s1 =	simm.s32 $0x1  }
0x19: {  	v0 =	vimm.f32 $0.0e+00;
	s3 =	simm.s32 $0x2;
	s22 =	sadd.s32 $0x13800, s0;
	s0 =	simm.s32 $0x4800  }
.LBB2_1:
0x1a: {  	s13 =	simm.s32 $0x0;
	s14 =	rddreg [dreg:$0x3]  }
0x1b: {  	[tilespmem:s13], [sflag:$0x9] =	stream.linear.gather [hbm4b:s14+s13], $0x1400, $0x38;
	[tilespmem:$0x10540] =	vst v63  }
0x1c: {  	s15 =	rddreg [dreg:$0x4]  }
0x1d: {  	[tilespmem:s24], [sflag:$0xA] =	stream.linear.gather [hbm4b:s15+s13], $0x1400, $0x38;
	[tilespmem:$0x10540] =	vst v63  }
0x1e: {  	_ =	swait.ge [sflag:s25], $0x1400  }
0x1f: {  	[sflag:s25] =	ssyncset.done $0x0  }
0x20: {  	[sflag:s25] =	ssyncadd.s32 $0xFFFFEC00  }
0x21: {  	_ =	swait.ge [sflag:s26], $0x1400  }
0x22: {  	[sflag:s26] =	ssyncset.done $0x0  }
0x23: {  	s14 =	simm.s32 $0x100;
	s13 =	simm.s32 $0x0;
	[sflag:s26] =	ssyncadd.s32 $0xFFFFEC00  }
.LBB2_2:
0x24: {  	p1 =	sne.s32 s14, $0x2F00;
	[tilespmem:s13+$0x2830] =	vst v0;
	s15 =	smov.u32 s14;
	s14 =	sadd.s32 $0x100, s14  }
.Ltmp0:
0x25: {  	[tilespmem:s13+$0x2820] =	vst v0;
	(pc) =	sbr.rel @p1 .LBB2_2-.Ltmp0, $3  }
0x26: {  	[tilespmem:s13+$0x2800] =	vst v0  }
0x27: {  	[tilespmem:s13+$0x2810] =	vst v0;
	_ =	sdelay $0x1  }
0x28: {  	s13 =	sshra.s32 s15, $0x2  }
0x29: {  	[tilespmem:s13+$0x2830] =	vst v0  }
0x2a: {  	[tilespmem:s13+$0x2820] =	vst v0  }
0x2b: {  	[tilespmem:s13+$0x2800] =	vst v0  }
0x2c: {  	[tilespmem:s13+$0x2810] =	vst v0  }
0x2d: {  	[spmem:s7] =	stream.linear.scatter [tilespmem:s28], [sflag:$0x9], $0xC00, $0x38;
	[tilespmem:$0x10540] =	vst v63  }
0x2e: {  	s15 =	rddreg [dreg:$0x5]  }
0x2f: {  	[spmem:s15] =	stream.linear.scatter [tilespmem:s28], [sflag:$0x9], $0xC00, $0x38;
	[tilespmem:$0x10540] =	vst v63  }
0x30: {  	s14 =	rddreg [dreg:$0x6]  }
0x31: {  	[spmem:s14] =	stream.linear.scatter [tilespmem:s28], [sflag:$0x9], $0xC00, $0x38;
	[tilespmem:$0x10540] =	vst v63  }
0x32: {  	s15 =	rddreg [dreg:$0x7]  }
0x33: {  	[spmem:s15] =	stream.linear.scatter [tilespmem:s28], [sflag:$0x9], $0xC00, $0x38;
	[tilespmem:$0x10540] =	vst v63  }
0x34: {  	s14 =	rddreg [dreg:$0x8]  }
0x35: {  	[spmem:s14] =	stream.linear.scatter [tilespmem:s28], [sflag:$0x9], $0xC00, $0x38;
	[tilespmem:$0x10540] =	vst v63  }
0x36: {  	s15 =	rddreg [dreg:$0x9]  }
0x37: {  	[spmem:s15] =	stream.linear.scatter [tilespmem:s28], [sflag:$0x9], $0xC00, $0x38;
	[tilespmem:$0x10540] =	vst v63  }
0x38: {  	s14 =	rddreg [dreg:$0xa]  }
0x39: {  	[spmem:s14] =	stream.linear.scatter [tilespmem:s28], [sflag:$0x9], $0xC00, $0x38;
	[tilespmem:$0x10540] =	vst v63  }
0x3a: {  	s15 =	rddreg [dreg:$0xb]  }
0x3b: {  	[spmem:s15] =	stream.linear.scatter [tilespmem:s28], [sflag:$0x9], $0xC00, $0x38;
	[tilespmem:$0x10540] =	vst v63  }
0x3c: {  	s14 =	rddreg [dreg:$0xc]  }
0x3d: {  	[spmem:s14] =	stream.linear.scatter [tilespmem:s28], [sflag:$0x9], $0xC00, $0x38;
	[tilespmem:$0x10540] =	vst v63  }
0x3e: {  	_ = 	snop  }
0x3f: {  	[spmem:s16] =	stream.linear.scatter [tilespmem:s28], [sflag:$0x9], $0xC00, $0x38;
	[tilespmem:$0x10540] =	vst v63  }
0x40: {  	_ = 	snop  }
0x41: {  	[spmem:s17] =	stream.linear.scatter [tilespmem:s28], [sflag:$0x9], $0xC00, $0x38;
	[tilespmem:$0x10540] =	vst v63  }
0x42: {  	_ = 	snop  }
0x43: {  	[spmem:s18] =	stream.linear.scatter [tilespmem:s28], [sflag:$0x9], $0xC00, $0x38;
	[tilespmem:$0x10540] =	vst v63  }
0x44: {  	_ = 	snop  }
0x45: {  	[spmem:s19] =	stream.linear.scatter [tilespmem:s28], [sflag:$0x9], $0xC00, $0x38;
	[tilespmem:$0x10540] =	vst v63  }
0x46: {  	_ =	swait.ge [sflag:s26], $0xC00  }
0x47: {  	[sflag:s26] =	ssyncset.done $0x0  }
0x48: {  	[sflag:s26] =	ssyncadd.s32 $0xFFFFF400  }
0x49: {  	_ =	swait.ge [sflag:s26], $0xC00  }
0x4a: {  	[sflag:s26] =	ssyncset.done $0x0  }
0x4b: {  	[sflag:s26] =	ssyncadd.s32 $0xFFFFF400  }
0x4c: {  	_ =	swait.ge [sflag:s26], $0xC00  }
0x4d: {  	[sflag:s26] =	ssyncset.done $0x0  }
0x4e: {  	[sflag:s26] =	ssyncadd.s32 $0xFFFFF400  }
0x4f: {  	_ =	swait.ge [sflag:s26], $0xC00  }
0x50: {  	[sflag:s26] =	ssyncset.done $0x0  }
0x51: {  	[sflag:s26] =	ssyncadd.s32 $0xFFFFF400  }
0x52: {  	_ =	swait.ge [sflag:s26], $0xC00  }
0x53: {  	[sflag:s26] =	ssyncset.done $0x0  }
0x54: {  	[sflag:s26] =	ssyncadd.s32 $0xFFFFF400  }
0x55: {  	_ =	swait.ge [sflag:s26], $0xC00  }
0x56: {  	[sflag:s26] =	ssyncset.done $0x0  }
0x57: {  	[sflag:s26] =	ssyncadd.s32 $0xFFFFF400  }
0x58: {  	_ =	swait.ge [sflag:s26], $0xC00  }
0x59: {  	[sflag:s26] =	ssyncset.done $0x0  }
0x5a: {  	[sflag:s26] =	ssyncadd.s32 $0xFFFFF400  }
0x5b: {  	_ =	swait.ge [sflag:s26], $0xC00  }
0x5c: {  	[sflag:s26] =	ssyncset.done $0x0  }
0x5d: {  	[sflag:s26] =	ssyncadd.s32 $0xFFFFF400  }
0x5e: {  	_ =	swait.ge [sflag:s26], $0xC00  }
0x5f: {  	[sflag:s26] =	ssyncset.done $0x0  }
0x60: {  	[sflag:s26] =	ssyncadd.s32 $0xFFFFF400  }
0x61: {  	_ =	swait.ge [sflag:s26], $0xC00  }
0x62: {  	[sflag:s26] =	ssyncset.done $0x0  }
0x63: {  	[sflag:s26] =	ssyncadd.s32 $0xFFFFF400  }
0x64: {  	_ =	swait.ge [sflag:s26], $0xC00  }
0x65: {  	[sflag:s26] =	ssyncset.done $0x0  }
0x66: {  	[sflag:s26] =	ssyncadd.s32 $0xFFFFF400  }
0x67: {  	_ =	swait.ge [sflag:s26], $0xC00  }
0x68: {  	[sflag:s26] =	ssyncset.done $0x0  }
0x69: {  	[sflag:s26] =	ssyncadd.s32 $0xFFFFF400  }
0x6a: {  	_ =	swait.ge [sflag:s26], $0xC00  }
0x6b: {  	[sflag:s26] =	ssyncset.done $0x0  }
0x6c: {  	s13 =	simm.s32 @!p0 $0x2800;
	[sflag:s26] =	ssyncadd.s32 $0xFFFFF400  }
0x6d: {  	[spmem:s20] =	stream.linear.scatter @!p0 [tilespmem:s13], [sflag:$0xA], $0x600, $0x38;
	[tilespmem:$0x10540] =	vst v63  }
0x6e: {  	s13 =	simm.s32 @!p0 $0xA  }
0x6f: {  	_ =	swait.ge @!p0 [sflag:s13], $0x600  }
0x70: {  	[sflag:s13] =	ssyncset.done @!p0 $0x0  }
0x71: {  	[sflag:s13] =	ssyncadd.s32 @!p0 $0xFFFFFA00  }
0x72: {  	s15 =	simm.s32 $0x0;
	[bflag:$0x0] =	sbarrier.arrive $0xFFFF  }
0x73: {  	[tilespmem:s28], [sflag:$0x1] =	stream.indirect.gather [hbm4b:s4+s29], $0x40, s15, s29, $0xb8;
	[tilespmem:$0x10540] =	vst v63  }
0x74: {  	_ = 	snop  }
0x75: {  	[tilespmem:s30], [sflag:$0x2] =	stream.indirect.gather [hbm4b:s4+s29], $0x40, s29, s29, $0xb8;
	[tilespmem:$0x10540] =	vst v63  }
0x76: {  	s14 =	simm.s32 $0x80  }
0x77: {  	[tilespmem:s0], [sflag:$0x3] =	stream.indirect.gather [hbm4b:s4+s29], $0x40, s14, s29, $0xb8;
	[tilespmem:$0x10540] =	vst v63  }
0x78: {  	_ =	swait.ge [sflag:s1], $0x1000  }
0x79: {  	[sflag:s1] =	ssyncset.done $0x0  }
0x7a: {  	[sflag:s1] =	ssyncadd.s32 $0xFFFFF000  }
0x7b: {  	[spmem:s2] =	stream.indirect.scatter.add.f32 [tilespmem:s28], [sflag:$0x5], $0x40, s24, s29, $0xb8;
	[tilespmem:$0x10540] =	vst v63  }
0x7c: {  	s15 =	simm.s32 $0xC0  }
0x7d: {  	[tilespmem:s31], [sflag:$0x4] =	stream.indirect.gather [hbm4b:s4+s29], $0x40, s15, s29, $0xb8;
	[tilespmem:$0x10540] =	vst v63  }
0x7e: {  	_ =	swait.ge [sflag:s3], $0x1000  }
0x7f: {  	[sflag:s3] =	ssyncset.done $0x0  }
0x80: {  	s14 =	simm.s32 $0x1440;
	[sflag:s3] =	ssyncadd.s32 $0xFFFFF000  }
0x81: {  	[spmem:s2] =	stream.indirect.scatter.add.f32 [tilespmem:s30], [sflag:$0x6], $0x40, s14, s29, $0xb8;
	[tilespmem:$0x10540] =	vst v63  }
0x82: {  	_ =	swait.ge [sflag:s5], $0x1000  }
0x83: {  	[sflag:s5] =	ssyncset.done $0x0  }
0x84: {  	s15 =	simm.s32 $0x100;
	[sflag:s5] =	ssyncadd.s32 $0xFFFFF000  }
0x85: {  	[tilespmem:s28], [sflag:$0x1] =	stream.indirect.gather [hbm4b:s4+s29], $0x40, s15, s29, $0xb8;
	[tilespmem:$0x10540] =	vst v63  }
0x86: {  	_ =	swait.ge [sflag:s6], $0x1000  }
0x87: {  	[sflag:s6] =	ssyncset.done $0x0  }
0x88: {  	s14 =	simm.s32 $0x1480;
	[sflag:s6] =	ssyncadd.s32 $0xFFFFF000  }
0x89: {  	[spmem:s2] =	stream.indirect.scatter.add.f32 [tilespmem:s0], [sflag:$0x7], $0x40, s14, s29, $0xb8;
	[tilespmem:$0x10540] =	vst v63  }
0x8a: {  	_ =	swait.ge [sflag:s8], $0x1000  }
0x8b: {  	[sflag:s8] =	ssyncset.done $0x0  }
0x8c: {  	s15 =	simm.s32 $0x140;
	[sflag:s8] =	ssyncadd.s32 $0xFFFFF000  }
0x8d: {  	[tilespmem:s30], [sflag:$0x2] =	stream.indirect.gather [hbm4b:s4+s29], $0x40, s15, s29, $0xb8;
	[tilespmem:$0x10540] =	vst v63  }
0x8e: {  	_ =	swait.ge [sflag:s9], $0x1000  }
0x8f: {  	[sflag:s9] =	ssyncset.done $0x0  }
0x90: {  	s14 =	simm.s32 $0x14C0;
	[sflag:s9] =	ssyncadd.s32 $0xFFFFF000  }
0x91: {  	[spmem:s2] =	stream.indirect.scatter.add.f32 [tilespmem:s31], [sflag:$0x8], $0x40, s14, s29, $0xb8;
	[tilespmem:$0x10540] =	vst v63  }
0x92: {  	_ =	swait.ge [sflag:s10], $0x1000  }
0x93: {  	[sflag:s10] =	ssyncset.done $0x0  }
0x94: {  	s15 =	simm.s32 $0x180;
	[sflag:s10] =	ssyncadd.s32 $0xFFFFF000  }
0x95: {  	[tilespmem:s0], [sflag:$0x3] =	stream.indirect.gather [hbm4b:s4+s29], $0x40, s15, s29, $0xb8;
	[tilespmem:$0x10540] =	vst v63  }
0x96: {  	_ =	swait.ge [sflag:s1], $0x1000  }
0x97: {  	[sflag:s1] =	ssyncset.done $0x0  }
0x98: {  	s14 =	simm.s32 $0x1500;
	[sflag:s1] =	ssyncadd.s32 $0xFFFFF000  }
0x99: {  	[spmem:s2] =	stream.indirect.scatter.add.f32 [tilespmem:s28], [sflag:$0x5], $0x40, s14, s29, $0xb8;
	[tilespmem:$0x10540] =	vst v63  }
0x9a: {  	_ =	swait.ge [sflag:s11], $0x1000  }
0x9b: {  	[sflag:s11] =	ssyncset.done $0x0  }
0x9c: {  	s15 =	simm.s32 $0x1C0;
	[sflag:s11] =	ssyncadd.s32 $0xFFFFF000  }
0x9d: {  	[tilespmem:s31], [sflag:$0x4] =	stream.indirect.gather [hbm4b:s4+s29], $0x40, s15, s29, $0xb8;
	[tilespmem:$0x10540] =	vst v63  }
0x9e: {  	_ =	swait.ge [sflag:s3], $0x1000  }
0x9f: {  	[sflag:s3] =	ssyncset.done $0x0  }
0xa0: {  	s14 =	simm.s32 $0x1540;
	[sflag:s3] =	ssyncadd.s32 $0xFFFFF000  }
0xa1: {  	[spmem:s2] =	stream.indirect.scatter.add.f32 [tilespmem:s30], [sflag:$0x6], $0x40, s14, s29, $0xb8;
	[tilespmem:$0x10540] =	vst v63  }
0xa2: {  	_ =	swait.ge [sflag:s5], $0x1000  }
0xa3: {  	[sflag:s5] =	ssyncset.done $0x0  }
0xa4: {  	s15 =	simm.s32 $0x200;
	[sflag:s5] =	ssyncadd.s32 $0xFFFFF000  }
0xa5: {  	[tilespmem:s28], [sflag:$0x1] =	stream.indirect.gather [hbm4b:s4+s29], $0x40, s15, s29, $0xb8;
	[tilespmem:$0x10540] =	vst v63  }
0xa6: {  	_ =	swait.ge [sflag:s6], $0x1000  }
0xa7: {  	[sflag:s6] =	ssyncset.done $0x0  }
0xa8: {  	s14 =	simm.s32 $0x1580;
	[sflag:s6] =	ssyncadd.s32 $0xFFFFF000  }
0xa9: {  	[spmem:s2] =	stream.indirect.scatter.add.f32 [tilespmem:s0], [sflag:$0x7], $0x40, s14, s29, $0xb8;
	[tilespmem:$0x10540] =	vst v63  }
0xaa: {  	_ =	swait.ge [sflag:s8], $0x1000  }
0xab: {  	[sflag:s8] =	ssyncset.done $0x0  }
0xac: {  	s15 =	simm.s32 $0x240;
	[sflag:s8] =	ssyncadd.s32 $0xFFFFF000  }
0xad: {  	[tilespmem:s30], [sflag:$0x2] =	stream.indirect.gather [hbm4b:s4+s29], $0x40, s15, s29, $0xb8;
	[tilespmem:$0x10540] =	vst v63  }
0xae: {  	_ =	swait.ge [sflag:s9], $0x1000  }
0xaf: {  	[sflag:s9] =	ssyncset.done $0x0  }
0xb0: {  	s13 =	simm.s32 $0x400;
	s14 =	simm.s32 $0x15C0;
	[sflag:s9] =	ssyncadd.s32 $0xFFFFF000  }
.LBB2_4:
0xb1: {  	[spmem:s2] =	stream.indirect.scatter.add.f32 [tilespmem:s31], [sflag:$0x8], $0x40, s14, s29, $0xb8;
	[tilespmem:$0x10540] =	vst v63  }
0xb2: {  	s14 =	smov.u32 s13  }
0xb3: {  	p1 =	sne.s32 s13, $0x4400;
	s13 =	sadd.s32 $0x400, s13;
	_ =	swait.ge [sflag:s10], $0x1000  }
0xb4: {  	s14 =	sshra.s32 s14, $0x2;
	[sflag:s10] =	ssyncset.done $0x0  }
0xb5: {  	s15 =	sadd.s32 $0x180, s14;
	[sflag:s10] =	ssyncadd.s32 $0xFFFFF000  }
0xb6: {  	[tilespmem:s0], [sflag:$0x3] =	stream.indirect.gather [hbm4b:s4+s29], $0x40, s15, s29, $0xb8;
	[tilespmem:$0x10540] =	vst v63  }
0xb7: {  	_ =	swait.ge [sflag:s1], $0x1000  }
0xb8: {  	[sflag:s1] =	ssyncset.done $0x0  }
0xb9: {  	s15 =	sadd.s32 $0x1500, s14;
	[sflag:s1] =	ssyncadd.s32 $0xFFFFF000  }
0xba: {  	[spmem:s2] =	stream.indirect.scatter.add.f32 [tilespmem:s28], [sflag:$0x5], $0x40, s15, s29, $0xb8;
	[tilespmem:$0x10540] =	vst v63  }
0xbb: {  	_ =	swait.ge [sflag:s11], $0x1000  }
0xbc: {  	[sflag:s11] =	ssyncset.done $0x0  }
0xbd: {  	s15 =	sadd.s32 $0x1C0, s14;
	[sflag:s11] =	ssyncadd.s32 $0xFFFFF000  }
0xbe: {  	[tilespmem:s31], [sflag:$0x4] =	stream.indirect.gather [hbm4b:s4+s29], $0x40, s15, s29, $0xb8;
	[tilespmem:$0x10540] =	vst v63  }
0xbf: {  	_ =	swait.ge [sflag:s3], $0x1000  }
0xc0: {  	[sflag:s3] =	ssyncset.done $0x0  }
0xc1: {  	s15 =	sadd.s32 $0x1540, s14;
	[sflag:s3] =	ssyncadd.s32 $0xFFFFF000  }
0xc2: {  	[spmem:s2] =	stream.indirect.scatter.add.f32 [tilespmem:s30], [sflag:$0x6], $0x40, s15, s29, $0xb8;
	[tilespmem:$0x10540] =	vst v63  }
0xc3: {  	_ =	swait.ge [sflag:s5], $0x1000  }
0xc4: {  	[sflag:s5] =	ssyncset.done $0x0  }
0xc5: {  	s15 =	sadd.s32 $0x200, s14;
	[sflag:s5] =	ssyncadd.s32 $0xFFFFF000  }
0xc6: {  	[tilespmem:s28], [sflag:$0x1] =	stream.indirect.gather [hbm4b:s4+s29], $0x40, s15, s29, $0xb8;
	[tilespmem:$0x10540] =	vst v63  }
0xc7: {  	_ =	swait.ge [sflag:s6], $0x1000  }
0xc8: {  	[sflag:s6] =	ssyncset.done $0x0  }
0xc9: {  	s15 =	sadd.s32 $0x1580, s14;
	[sflag:s6] =	ssyncadd.s32 $0xFFFFF000  }
0xca: {  	[spmem:s2] =	stream.indirect.scatter.add.f32 [tilespmem:s0], [sflag:$0x7], $0x40, s15, s29, $0xb8;
	[tilespmem:$0x10540] =	vst v63  }
0xcb: {  	_ =	swait.ge [sflag:s8], $0x1000  }
0xcc: {  	[sflag:s8] =	ssyncset.done $0x0  }
.Ltmp1:
0xcd: {  	s15 =	sadd.s32 $0x240, s14;
	[sflag:s8] =	ssyncadd.s32 $0xFFFFF000;
	(pc) =	sbr.rel @p1 .LBB2_4-.Ltmp1, $4  }
0xce: {  	[tilespmem:s30], [sflag:$0x2] =	stream.indirect.gather [hbm4b:s4+s29], $0x40, s15, s29, $0xb8;
	[tilespmem:$0x10540] =	vst v63  }
0xcf: {  	_ =	swait.ge [sflag:s9], $0x1000  }
0xd0: {  	[sflag:s9] =	ssyncset.done $0x0  }
0xd1: {  	s14 =	sadd.s32 $0x15C0, s14;
	[sflag:s9] =	ssyncadd.s32 $0xFFFFF000  }
0xd2: {  	[spmem:s2] =	stream.indirect.scatter.add.f32 [tilespmem:s31], [sflag:$0x8], $0x40, s14, s29, $0xb8;
	[tilespmem:$0x10540] =	vst v63  }
0xd3: {  	_ =	swait.ge [sflag:s10], $0x1000  }
0xd4: {  	[sflag:s10] =	ssyncset.done $0x0  }
0xd5: {  	s13 =	simm.s32 $0x1380;
	[sflag:s10] =	ssyncadd.s32 $0xFFFFF000  }
0xd6: {  	[tilespmem:s0], [sflag:$0x3] =	stream.indirect.gather [hbm4b:s4+s29], $0x40, s13, s29, $0xb8;
	[tilespmem:$0x10540] =	vst v63  }
0xd7: {  	_ =	swait.ge [sflag:s1], $0x1000  }
0xd8: {  	[sflag:s1] =	ssyncset.done $0x0  }
0xd9: {  	s15 =	simm.s32 $0x2700;
	[sflag:s1] =	ssyncadd.s32 $0xFFFFF000  }
0xda: {  	[spmem:s2] =	stream.indirect.scatter.add.f32 [tilespmem:s28], [sflag:$0x5], $0x40, s15, s29, $0xb8;
	[tilespmem:$0x10540] =	vst v63  }
0xdb: {  	_ =	swait.ge [sflag:s11], $0x1000  }
0xdc: {  	[sflag:s11] =	ssyncset.done $0x0  }
0xdd: {  	s14 =	simm.s32 $0x13C0;
	[sflag:s11] =	ssyncadd.s32 $0xFFFFF000  }
0xde: {  	[tilespmem:s31], [sflag:$0x4] =	stream.indirect.gather [hbm4b:s4+s29], $0x40, s14, s29, $0xb8;
	[tilespmem:$0x10540] =	vst v63  }
0xdf: {  	_ =	swait.ge [sflag:s3], $0x1000  }
0xe0: {  	[sflag:s3] =	ssyncset.done $0x0  }
0xe1: {  	s15 =	simm.s32 $0x2740;
	[sflag:s3] =	ssyncadd.s32 $0xFFFFF000  }
0xe2: {  	[spmem:s2] =	stream.indirect.scatter.add.f32 [tilespmem:s30], [sflag:$0x6], $0x40, s15, s29, $0xb8;
	[tilespmem:$0x10540] =	vst v63  }
0xe3: {  	_ =	swait.ge [sflag:s5], $0x1000  }
0xe4: {  	[sflag:s5] =	ssyncset.done $0x0  }
0xe5: {  	[sflag:s5] =	ssyncadd.s32 $0xFFFFF000  }
0xe6: {  	_ =	swait.ge [sflag:s6], $0x1000  }
0xe7: {  	[sflag:s6] =	ssyncset.done $0x0  }
0xe8: {  	s14 =	simm.s32 $0x2780;
	[sflag:s6] =	ssyncadd.s32 $0xFFFFF000  }
0xe9: {  	[spmem:s2] =	stream.indirect.scatter.add.f32 [tilespmem:s0], [sflag:$0x7], $0x40, s14, s29, $0xb8;
	[tilespmem:$0x10540] =	vst v63  }
0xea: {  	_ =	swait.ge [sflag:s8], $0x1000  }
0xeb: {  	[sflag:s8] =	ssyncset.done $0x0  }
0xec: {  	[sflag:s8] =	ssyncadd.s32 $0xFFFFF000  }
0xed: {  	_ =	swait.ge [sflag:s9], $0x1000  }
0xee: {  	[sflag:s9] =	ssyncset.done $0x0  }
0xef: {  	s15 =	simm.s32 $0x27C0;
	[sflag:s9] =	ssyncadd.s32 $0xFFFFF000  }
0xf0: {  	[spmem:s2] =	stream.indirect.scatter.add.f32 [tilespmem:s31], [sflag:$0x8], $0x40, s15, s29, $0xb8;
	[tilespmem:$0x10540] =	vst v63  }
0xf1: {  	_ =	swait.ge [sflag:s10], $0x1000  }
0xf2: {  	[sflag:s10] =	ssyncset.done $0x0  }
0xf3: {  	[sflag:s10] =	ssyncadd.s32 $0xFFFFF000  }
0xf4: {  	_ =	swait.ge [sflag:s11], $0x1000  }
0xf5: {  	s14 =	stileid.u32;
	[sflag:s11] =	ssyncset.done $0x0  }
0xf6: {  	s13 =	sshll.u32 s14, $0x6;
	[sflag:s11] =	ssyncadd.s32 $0xFFFFF000  }
0xf7: {  	s13 =	sor.u32 $0x1C0A, s13;
	s15 =	sshrl.u32 s7, $0x3;
	[bflag:$0x0] =	sbarrier.arrive $0xFFFF  }
0xf8: {  	[hbm:s21], [sflag:s13] =	dma.local [spmem:s15], $0x1380  }
0xf9: {  	_ =	swait.ge [sflag:s25], $0x1380  }
0xfa: {  	s12 =	sadd.s32 $0x1, s12;
	[sflag:s25] =	ssyncset.done $0x0  }
0xfb: {  	p1 =	sne.s32 s12, s23;
	s14 =	sshrl.u32 @!p0 s20, $0x3;
	[sflag:s25] =	ssyncadd.s32 $0xFFFFEC80  }
0xfc: {  	[hbm:s22], [sflag:s13] =	dma.local @!p0 [spmem:s14], $0x80  }
.Ltmp2:
0xfd: {  	_ = 	snop;
	(pc) =	sbr.rel @p1 .LBB2_1-.Ltmp2, $4  }
0xfe: {  	s13 =	simm.s32 @!p0 $0xA  }
0xff: {  	_ =	swait.ge @!p0 [sflag:s13], $0x80  }
0x100: {  	[sflag:s13] =	ssyncset.done @!p0 $0x0  }
0x101: {  	[sflag:s13] =	ssyncadd.s32 @!p0 $0xFFFFFF80  }
0x102: {  	_ =	sfence.sel $0x180000  }
0x103: {  	[bflag:$0x0] =	sbarrier.arrive $0xFFFF  }
0x104: {  	_ =	strace $0x9000004D  }
0x105: {  	[bflag:$0x2] =	sbarrier.arrive $0xFFFF  }
0x106: {  	s0 =	rddreg [dreg:$0x2]  }
0x107: {  	s0 =	sadd.s32 @!p0 $0x100000, s0  }
0x108: {  	[sflag:s0] =	ssyncadd.tile.s32 @!p0 $0x1;
	_ =	shalt  }
.Lfunc_end2:
_tile_overlayer_lowered:
.L_overlay_start_2:
0x109: {  	(tag) =	ssettag $0x2  }
0x10a: {  	s0 =	rddreg [dreg:$0x0];
	s2 =	stileid.u32  }
0x10b: {  	s1 =	rddreg [dreg:$0x1];
	p0 =	sne.s32 s2, $0x0  }
0x10c: {  	s3 =	rddreg [dreg:$0x2];
	[bflag:$0x3] =	sbarrier.arrive $0xFFFF;
	s2 =	simm.s32 @!p0 $0x1C0A  }
0x10d: {  	[timem:s3], [sflag:s2] =	dma.local @!p0 [hbm:s0], s1  }
0x10e: {  	s0 =	simm.s32 @!p0 $0xA  }
0x10f: {  	_ =	swait.ge @!p0 [sflag:s0], s1  }
0x110: {  	s1 =	ssub.s32 @!p0 $0x0, s1;
	[sflag:s0] =	ssyncset.done @!p0 $0x0  }
0x111: {  	[sflag:s0] =	ssyncadd.s32 @!p0 s1  }
0x112: {  	[bflag:$0x3] =	sbarrier.arrive $0xFFFF  }
0x113: {  	_ =	shalt  }

// kernel: kernel.8.cloned.1.call-start
scs
__scs_entry_jumppad:
0x0: {  	(pc) =	sbr.rel $0x88, $3  }
0x1: {  	(tag) =	ssettag $0x0;
	lr =	simm.s32 $0x1  }
0x2: {  	[smem:$0x3F8E] =	sst lr;
	_ =	strace $0xD0000000  }
0x3: {  	_ = 	snop  }
0x4: {  	_ = 	snop  }
0x5: {  	_ = 	snop  }
0x6: {  	_ = 	snop  }
0x7: {  	_ = 	snop  }
__scs_overlays_trampoline_lowered:
0x8: {  	[smem:$0x3F9D] =	sst s0  }
0x9: {  	[smem:$0x3F9E] =	sst s1  }
0xa: {  	[smem:$0x3F9F] =	sst s2  }
0xb: {  	[smem:$0x3FA0] =	sst s3  }
0xc: {  	[smem:$0x3FA1] =	sst s4  }
0xd: {  	[smem:$0x3FA2] =	sst s5  }
0xe: {  	[smem:$0x3FA3] =	sst s6  }
0xf: {  	[smem:$0x3FA4] =	sst s7  }
0x10: {  	[smem:$0x3FA5] =	sst s8  }
0x11: {  	[smem:$0x3FA6] =	sst s9;
	s0 =	simm.s32 @!p0 $0x0  }
0x12: {  	s1 =	sld [smem:$0x3F8C];
	s0 =	simm.s32 @p0 $0x1  }
0x13: {  	[smem:$0x3FA7] =	sst s0;
	s0 =	simm.s32 @!p1 $0x0  }
0x14: {  	s2 =	sld [smem:$0x3F8B];
	s0 =	simm.s32 @p1 $0x1  }
0x15: {  	[smem:$0x3FA8] =	sst s0;
	s0 =	simm.s32 @!p2 $0x0  }
0x16: {  	s3 =	sld [smem:$0x3FDB];
	s0 =	simm.s32 @p2 $0x1  }
0x17: {  	s4 =	simm.s32 $0x1BF5;
	[smem:$0x3FAA] =	sst s0  }
0x18: {  	s0 =	sld [smem:$0x3F8D];
	_ =	swait.ge [sflag:s4], $0x0  }
0x19: {  	s7 =	sld [smem:$0x3F8E]  }
0x1a: {  	s8 =	sadd.s32 $0xFFFFE003, lr  }
0x1b: {  	s9 =	sadd.s32 $0xFFFFFEF7, lr;
	s5 =	simm.s32 $0xFFFFFFFF;
	p2 =	slt.u32 s8, $0xFFFFF086  }
0x1c: {  	p1 =	slt.u32 s9, $0xF7A;
	s5 =	simm.s32 @!p2 $0x0  }
0x1d: {  	s5 =	simm.s32 @p1 $0x1;
	p0 =	seq.s32 s7, s2  }
0x1e: {  	s7 =	smul.u32 @!p0 $0xF7A, s2;
	p2 =	seq.s32 @!p0 s5, $0x0  }
0x1f: {  	s9 =	smul.u32 $0xF7A, s1;
	s8 =	simm.s32 @!p0 $0x1BF5;
	p2 =	por !p2, p0  }
0x20: {  	[sflag:s8] =	ssyncset.s32 @!p0 $0xFFFFF086;
	s6 =	sadd.s32 @!p0 s3, s7;
	s7 =	simm.s32 @!p0 $0x108  }
0x21: {  	s3 =	sadd.s32 s3, s9;
	s6 =	sadd.s32 @!p0 $0x88, s6;
	s7 =	simm.s32 @p2 $0x1082  }
0x22: {  	[simem:s7], [sflag:s8] =	dma.local @!p0 [hbm:s6], $0xF7A  }
0x23: {  	s9 =	sor.u32 $0xD0000000, s2;
	s6 =	simm.s32 $0x108;
	_ =	swait.ge @!p0 [sflag:s8], $0x0  }
0x24: {  	s3 =	sadd.s32 $0x88, s3;
	s6 =	simm.s32 @!p1 $0x1082;
	[sflag:s4] =	ssyncset.s32 $0xFFFFF086  }
0x25: {  	[simem:s6], [sflag:s4] =	dma.local [hbm:s3], $0xF7A  }
0x26: {  	[smem:$0x3F8E] =	sst s1;
	(tag) =	ssettag s2;
	_ =	strace s9  }
0x27: {  	s1 =	sld [smem:$0x3F9E]  }
0x28: {  	s2 =	sld [smem:$0x3F9F]  }
0x29: {  	s4 =	sld [smem:$0x3FA1]  }
0x2a: {  	p0 =	seq.s32 s5, $0x0;
	s5 =	sld [smem:$0x3FA2]  }
0x2b: {  	s6 =	sld [smem:$0x3FA3]  }
0x2c: {  	s7 =	sld [smem:$0x3FA4]  }
0x2d: {  	s3 =	simm.s32 $0x108;
	s8 =	sld [smem:$0x3FA5]  }
0x2e: {  	s3 =	simm.s32 @!p0 $0x1082;
	s9 =	sld [smem:$0x3FA6]  }
0x2f: {  	lr =	sadd.s32 s0, s3;
	s0 =	sld [smem:$0x3F9D]  }
0x30: {  	s3 =	sld [smem:$0x3FA0]  }
0x31: {  	[smem:$0x3FA9] =	sst s10  }
0x32: {  	s10 =	sld [smem:$0x3FA7];
	_ =	sdelay $0x3  }
0x33: {  	p0 =	seq.s32 s10, $0x1;
	s10 =	sld [smem:$0x3FA9];
	_ =	sdelay $0x3  }
0x34: {  	[smem:$0x3FA9] =	sst s10  }
0x35: {  	s10 =	sld [smem:$0x3FA8];
	_ =	sdelay $0x3  }
0x36: {  	p1 =	seq.s32 s10, $0x1;
	s10 =	sld [smem:$0x3FA9];
	_ =	sdelay $0x3  }
0x37: {  	[smem:$0x3FA9] =	sst s10  }
0x38: {  	s10 =	sld [smem:$0x3FAA]  }
0x39: {  	_ = 	snop;
	(pc) =	sbr.ind lr, $3  }
0x3a: {  	_ = 	snop  }
0x3b: {  	_ = 	snop  }
0x3c: {  	p2 =	seq.s32 s10, $0x1;
	s10 =	sld [smem:$0x3FA9]  }
0x3d: {  	_ =	shalt  }
0x3e: {  	_ =	shalt  }
0x3f: {  	_ =	shalt  }
0x40: {  	_ =	shalt  }
0x41: {  	_ =	shalt  }
0x42: {  	_ =	shalt  }
0x43: {  	_ =	shalt  }
0x44: {  	_ =	shalt  }
0x45: {  	_ =	shalt  }
0x46: {  	_ =	shalt  }
0x47: {  	_ =	shalt  }
0x48: {  	_ =	shalt  }
0x49: {  	_ =	shalt  }
0x4a: {  	_ =	shalt  }
0x4b: {  	_ =	shalt  }
0x4c: {  	_ =	shalt  }
0x4d: {  	_ =	shalt  }
0x4e: {  	_ =	shalt  }
0x4f: {  	_ =	shalt  }
0x50: {  	_ =	shalt  }
0x51: {  	_ =	shalt  }
0x52: {  	_ =	shalt  }
0x53: {  	_ =	shalt  }
0x54: {  	_ =	shalt  }
0x55: {  	_ =	shalt  }
0x56: {  	_ =	shalt  }
0x57: {  	_ =	shalt  }
0x58: {  	_ =	shalt  }
0x59: {  	_ =	shalt  }
0x5a: {  	_ =	shalt  }
0x5b: {  	_ =	shalt  }
0x5c: {  	_ =	shalt  }
0x5d: {  	_ =	shalt  }
0x5e: {  	_ =	shalt  }
0x5f: {  	_ =	shalt  }
0x60: {  	_ =	shalt  }
0x61: {  	_ =	shalt  }
0x62: {  	_ =	shalt  }
0x63: {  	_ =	shalt  }
0x64: {  	_ =	shalt  }
0x65: {  	_ =	shalt  }
0x66: {  	_ =	shalt  }
0x67: {  	_ =	shalt  }
0x68: {  	_ =	shalt  }
0x69: {  	_ =	shalt  }
0x6a: {  	_ =	shalt  }
0x6b: {  	_ =	shalt  }
0x6c: {  	_ =	shalt  }
0x6d: {  	_ =	shalt  }
0x6e: {  	_ =	shalt  }
0x6f: {  	_ =	shalt  }
0x70: {  	_ =	shalt  }
0x71: {  	_ =	shalt  }
0x72: {  	_ =	shalt  }
0x73: {  	_ =	shalt  }
0x74: {  	_ =	shalt  }
0x75: {  	_ =	shalt  }
0x76: {  	_ =	shalt  }
0x77: {  	_ =	shalt  }
0x78: {  	_ =	shalt  }
0x79: {  	_ =	shalt  }
0x7a: {  	_ =	shalt  }
0x7b: {  	_ =	shalt  }
0x7c: {  	_ =	shalt  }
0x7d: {  	_ =	shalt  }
0x7e: {  	_ =	shalt  }
0x7f: {  	_ =	shalt  }
0x80: {  	_ =	shalt  }
0x81: {  	_ =	shalt  }
0x82: {  	_ =	shalt  }
0x83: {  	_ =	shalt  }
0x84: {  	_ =	shalt  }
0x85: {  	_ =	shalt  }
0x86: {  	_ =	shalt  }
0x87: {  	_ =	shalt  }
.Lfunc_end0:
.L_simem_size_0:
called_computation_lowered:
.L_overlay_start_0:
0x88: {  	s2 =	sld [smem:$0x3FD9]  }
0x89: {  	s3 =	sld [smem:$0x3FFE];
	_ =	sdelay $0x1  }
0x8a: {  	s1 =	srdreg.scid  }
0x8b: {  	s0 =	sand.u32 $0x1, s1  }
0x8c: {  	s16 =	sshll.u32 s0, $0xA;
	s2 =	sadd.s32 s3, s2  }
0x8d: {  	s2 =	sadd.s32 s2, s16  }
0x8e: {  	[smem:$0x3FB5] =	sst s2  }
0x8f: {  	_ = 	snop  }
0x90: {  	(tm) =	ssettm $0x1  }
0x91: {  	s17 =	sld [smem:$0x3FFB];
	_ =	sdelay $0x3  }
0x92: {  	_ =	strace s17  }
0x93: {  	s2 =	sld [smem:$0x3FFC];
	_ =	sdelay $0x3  }
0x94: {  	_ =	strace s2  }
0x95: {  	s2 =	sld [smem:$0x3FFD];
	_ =	sdelay $0x3  }
0x96: {  	_ =	strace s2  }
0x97: {  	_ =	strace $0x8FFFFFFF  }
0x98: {  	s18 =	sld [smem:$0x3FDB];
	_ =	sdelay $0x1  }
0x99: {  	s19 =	simm.s32 $_scs_section_size  }
0x9a: {  	s4 =	simm.s32 $_size__tile_overlayer_lowered;
	s5 =	simm.s32 $_tile_overlayer_lowered  }
0x9b: {  	s22 =	simm.s32 $0x1BFF;
	s21 =	sshll.u32 s5, $0x1;
	s2 =	sadd.s32 s19, s18  }
0x9c: {  	s6 =	simm.s32 $0x0;
	s20 =	sshll.u32 s4, $0x1;
	s4 =	sadd.s32 s21, s2  }
0x9d: {  	[timem:s6], [sflag:s22] =	dma.local [hbm:s4], s20  }
0x9e: {  	_ =	swait.ge [sflag:s22], s20  }
0x9f: {  	s3 =	ssub.s32 $0x0, s20;
	[sflag:s22] =	ssyncset.done $0x0  }
0xa0: {  	[sflag:s22] =	ssyncadd.s32 s3;
	_ =	sdelay $0x1  }
0xa1: {  	s23 =	simm.s32 $0x1B8B  }
0xa2: {  	_ =	swait.ge [sflag:s23], $0x1  }
0xa3: {  	[sflag:s23] =	ssyncset.done $0x0  }
0xa4: {  	s25 =	simm.s32 $0x1B8E;
	s24 =	sld [smem:$0x3FFE];
	[sflag:s23] =	ssyncadd.s32 $0xFFFFFFFF  }
0xa5: {  	s26 =	simm.s32 $execute0_lowered;
	[smem:$0x3FD2] =	sst s25  }
0xa6: {  	s4 =	sshll.u32 s26, $0x1;
	_ =	strace $0x80000046;
	[dreg:$0x1] =	wrdreg $0xFFFFFFFF  }
0xa7: {  	s28 =	simm.s32 $_size_execute0_lowered;
	s2 =	sadd.s32 s2, s4;
	[dreg:$0x0] =	wrdreg $0x0  }
0xa8: {  	s4 =	sshll.u32 s28, $0x1;
	[dreg:$0x2] =	wrdreg s2  }
0xa9: {  	[dreg:$0x3] =	wrdreg s4  }
0xaa: {  	[dreg:$0x4] =	wrdreg $0xC0  }
0xab: {  	_ =	task [dreg:s6], $0x5FFFF  }
0xac: {  	[dreg:$0x1] =	wrdreg $0xFFFFFFFF  }
0xad: {  	[dreg:$0x0] =	wrdreg $0x60  }
0xae: {  	[dreg:$0x2] =	wrdreg s24  }
0xaf: {  	[dreg:$0x3] =	wrdreg $0x1C000  }
0xb0: {  	[dreg:$0x4] =	wrdreg $0x9  }
0xb1: {  	_ =	task.clear_ibuf [dreg:s6], $0x5FFFF;
	_ =	strace $0x90000046  }
0xb2: {  	s29 =	simm.s32 $0x9;
	_ =	strace $0x80000048  }
0xb3: {  	_ =	swait.ge [sflag:s29], $0x1  }
0xb4: {  	[sflag:s29] =	ssyncadd.s32 $0xFFFFFFFF  }
0xb5: {  	_ =	strace $0x90000048  }
0xb6: {  	_ =	sfence  }
0xb7: {  	s30 =	sld [smem:$0x0];
	_ =	sdelay $0x2  }
0xb8: {  	s31 =	sshll.u32 s1, $0xD;
	s1 =	sshrl.u32 s1, $0x2  }
0xb9: {  	s3 =	sand.u32 $0x4000, s31;
	s1 =	sadd.s32 s1, s30  }
0xba: {  	s0 =	sor.u32 s3, s0;
	s1 =	sshll.u32 s1, $0x11  }
0xbb: {  	s0 =	sor.u32 s1, s0  }
0xbc: {  	s0 =	sadd.s32 $0x8F2B, s0  }
0xbd: {  	[sflag:s0] =	ssyncadd.remote.s32 $0x1  }
0xbe: {  	_ =	sfence.sel $0xFFFF  }
0xbf: {  	[dreg:$0x0] =	wrdreg $0xFFFFFFFF;
	(pc) =	sbr.abs _section_cstart, $3  }
0xc0: {  	[dreg:$0x1] =	wrdreg $0xFFFFFFFF  }
0xc1: {  	_ =	task.clear_ibuf [dreg:s6], $0x2FFFF;
	_ =	strace $0x9FFFFFFF  }
0xc2: {  	(tm) =	ssettm $0x7FFFFFFF  }
0xc3: {  	_ =	shalt  }
tec
execute0_lowered:
.L_overlay_start_1:
0x0: {  	(tag) =	ssettag $0x1  }
0x1: {  	s0 =	rddreg [dreg:$0x0];
	s1 =	srdreg.scid  }
0x2: {  	s23 =	stileid.u32;
	s2 =	rddreg [dreg:$0x1];
	s3 =	simm.s32 $0x0  }
0x3: {  	s22 =	simm.s32 $0x2;
	s24 =	simm.s32 $0x1;
	s25 =	simm.s32 $0x80  }
0x4: {  	s26 =	simm.s32 $0x1280;
	s28 =	simm.s32 $0x1300;
	s29 =	simm.s32 $0x1380  }
0x5: {  	s30 =	simm.s32 $0x0;
	s1 =	sand.u32 $0x1, s1;
	s5 =	smul.u32 $0x9C00, s23  }
0x6: {  	s4 =	sshll.u32 s23, $0x1;
	[smem:$0x7FF] =	sst s3;
	s17 =	smul.u32 $0x2700, s23  }
0x7: {  	p0 =	sne.s32 s23, $0x0;
	s23 =	simm.s32 $0x1400;
	s4 =	sor.u32 s1, s4  }
0x8: {  	_ =	strace $0x80000047;
	s6 =	ssub.s32 $0x2, s1;
	s1 =	smul.u32 $0x27100, s1  }
0x9: {  	s4 =	smul.u32 $0x280, s4;
	s7 =	sshrl.u32 s6, $0x1;
	s5 =	sshrl.u32 s5, $0x2  }
0xa: {  	s21 =	ssub.s32 s6, s7;
	s18 =	sadd.s32 s5, s2;
	s5 =	sadd.s32 s17, s2  }
0xb: {  	s19 =	sadd.s32 s17, s1;
	s1 =	sshrl.u32 s1, $0x3;
	s4 =	sadd.s32 s4, s0  }
0xc: {  	s0 =	sadd.s32 $0x8800, s0;
	s6 =	sadd.s32 $0x300, s18;
	s7 =	sadd.s32 $0x600, s18  }
0xd: {  	s8 =	sadd.s32 $0x900, s18;
	s9 =	sadd.s32 $0xC00, s18;
	s10 =	sadd.s32 $0xF00, s18  }
0xe: {  	s11 =	sadd.s32 $0x1200, s18;
	s12 =	sadd.s32 $0x1500, s18;
	s13 =	sadd.s32 $0x1800, s18  }
0xf: {  	s14 =	sadd.s32 $0x1B00, s18;
	s15 =	sadd.s32 $0x1E00, s18;
	s16 =	sadd.s32 $0x2100, s18  }
0x10: {  	s17 =	sadd.s32 $0x2400, s18;
	s19 =	sshrl.u32 s19, $0x3;
	s18 =	sadd.s32 $0x27000, s2  }
0x11: {  	s21 =	smax.u32 s21, $0x1;
	s4 =	sadd.s32 $0x3800, s4;
	s1 =	sadd.s32 s0, s1  }
0x12: {  	v0 =	vimm.f32 $0.0e+00;
	v1 =	vimm.f32 $1.000000000e+00;
	s19 =	sadd.s32 s0, s19;
	s20 =	sadd.s32 $0x4E00, s1;
	s1 =	simm.s32 $0x1200  }
.LBB2_1:
0x13: {  	[tilespmem:s3], [sflag:$0x2] =	stream.linear.gather [hbm4b:s4+s3], $0x1400, $0x38;
	[tilespmem:$0x4350] =	vst v63  }
0x14: {  	_ =	swait.ge [sflag:s22], $0x1400  }
0x15: {  	[sflag:s22] =	ssyncset.done $0x0  }
0x16: {  	s31 =	simm.s32 $0x40;
	s0 =	simm.s32 $0x0;
	[sflag:s22] =	ssyncadd.s32 $0xFFFFEC00  }
.LBB2_2:
0x17: {  	p1 =	sne.s32 s31, $0x1FC0;
	[tilespmem:s0+$0x1400] =	vst v0;
	s0 =	smov.u32 s31;
	s31 =	sadd.s32 $0x40, s31  }
.Ltmp0:
0x18: {  	(pc) =	sbr.rel @p1 .LBB2_2-.Ltmp0, $2  }
0x19: {  	_ =	sdelay $0x2  }
0x1a: {  	s0 =	sshra.s32 s0, $0x2  }
0x1b: {  	[tilespmem:s0+$0x1400] =	vst v0  }
0x1c: {  	[spmem:s5] =	stream.linear.scatter [tilespmem:s23], [sflag:$0x1], $0x300, $0x38;
	[tilespmem:$0x4350] =	vst v63  }
0x1d: {  	_ = 	snop  }
0x1e: {  	[spmem:s6] =	stream.linear.scatter [tilespmem:s23], [sflag:$0x1], $0x300, $0x38;
	[tilespmem:$0x4350] =	vst v63  }
0x1f: {  	_ = 	snop  }
0x20: {  	[spmem:s7] =	stream.linear.scatter [tilespmem:s23], [sflag:$0x1], $0x300, $0x38;
	[tilespmem:$0x4350] =	vst v63  }
0x21: {  	_ = 	snop  }
0x22: {  	[spmem:s8] =	stream.linear.scatter [tilespmem:s23], [sflag:$0x1], $0x300, $0x38;
	[tilespmem:$0x4350] =	vst v63  }
0x23: {  	_ = 	snop  }
0x24: {  	[spmem:s9] =	stream.linear.scatter [tilespmem:s23], [sflag:$0x1], $0x300, $0x38;
	[tilespmem:$0x4350] =	vst v63  }
0x25: {  	_ = 	snop  }
0x26: {  	[spmem:s10] =	stream.linear.scatter [tilespmem:s23], [sflag:$0x1], $0x300, $0x38;
	[tilespmem:$0x4350] =	vst v63  }
0x27: {  	_ = 	snop  }
0x28: {  	[spmem:s11] =	stream.linear.scatter [tilespmem:s23], [sflag:$0x1], $0x300, $0x38;
	[tilespmem:$0x4350] =	vst v63  }
0x29: {  	_ = 	snop  }
0x2a: {  	[spmem:s12] =	stream.linear.scatter [tilespmem:s23], [sflag:$0x1], $0x300, $0x38;
	[tilespmem:$0x4350] =	vst v63  }
0x2b: {  	_ = 	snop  }
0x2c: {  	[spmem:s13] =	stream.linear.scatter [tilespmem:s23], [sflag:$0x1], $0x300, $0x38;
	[tilespmem:$0x4350] =	vst v63  }
0x2d: {  	_ = 	snop  }
0x2e: {  	[spmem:s14] =	stream.linear.scatter [tilespmem:s23], [sflag:$0x1], $0x300, $0x38;
	[tilespmem:$0x4350] =	vst v63  }
0x2f: {  	_ = 	snop  }
0x30: {  	[spmem:s15] =	stream.linear.scatter [tilespmem:s23], [sflag:$0x1], $0x300, $0x38;
	[tilespmem:$0x4350] =	vst v63  }
0x31: {  	_ = 	snop  }
0x32: {  	[spmem:s16] =	stream.linear.scatter [tilespmem:s23], [sflag:$0x1], $0x300, $0x38;
	[tilespmem:$0x4350] =	vst v63  }
0x33: {  	_ = 	snop  }
0x34: {  	[spmem:s17] =	stream.linear.scatter [tilespmem:s23], [sflag:$0x1], $0x300, $0x38;
	[tilespmem:$0x4350] =	vst v63  }
0x35: {  	_ =	swait.ge [sflag:s24], $0x300  }
0x36: {  	[sflag:s24] =	ssyncset.done $0x0  }
0x37: {  	[sflag:s24] =	ssyncadd.s32 $0xFFFFFD00  }
0x38: {  	_ =	swait.ge [sflag:s24], $0x300  }
0x39: {  	[sflag:s24] =	ssyncset.done $0x0  }
0x3a: {  	[sflag:s24] =	ssyncadd.s32 $0xFFFFFD00  }
0x3b: {  	_ =	swait.ge [sflag:s24], $0x300  }
0x3c: {  	[sflag:s24] =	ssyncset.done $0x0  }
0x3d: {  	[sflag:s24] =	ssyncadd.s32 $0xFFFFFD00  }
0x3e: {  	_ =	swait.ge [sflag:s24], $0x300  }
0x3f: {  	[sflag:s24] =	ssyncset.done $0x0  }
0x40: {  	[sflag:s24] =	ssyncadd.s32 $0xFFFFFD00  }
0x41: {  	_ =	swait.ge [sflag:s24], $0x300  }
0x42: {  	[sflag:s24] =	ssyncset.done $0x0  }
0x43: {  	[sflag:s24] =	ssyncadd.s32 $0xFFFFFD00  }
0x44: {  	_ =	swait.ge [sflag:s24], $0x300  }
0x45: {  	[sflag:s24] =	ssyncset.done $0x0  }
0x46: {  	[sflag:s24] =	ssyncadd.s32 $0xFFFFFD00  }
0x47: {  	_ =	swait.ge [sflag:s24], $0x300  }
0x48: {  	[sflag:s24] =	ssyncset.done $0x0  }
0x49: {  	[sflag:s24] =	ssyncadd.s32 $0xFFFFFD00  }
0x4a: {  	_ =	swait.ge [sflag:s24], $0x300  }
0x4b: {  	[sflag:s24] =	ssyncset.done $0x0  }
0x4c: {  	[sflag:s24] =	ssyncadd.s32 $0xFFFFFD00  }
0x4d: {  	_ =	swait.ge [sflag:s24], $0x300  }
0x4e: {  	[sflag:s24] =	ssyncset.done $0x0  }
0x4f: {  	[sflag:s24] =	ssyncadd.s32 $0xFFFFFD00  }
0x50: {  	_ =	swait.ge [sflag:s24], $0x300  }
0x51: {  	[sflag:s24] =	ssyncset.done $0x0  }
0x52: {  	[sflag:s24] =	ssyncadd.s32 $0xFFFFFD00  }
0x53: {  	_ =	swait.ge [sflag:s24], $0x300  }
0x54: {  	[sflag:s24] =	ssyncset.done $0x0  }
0x55: {  	[sflag:s24] =	ssyncadd.s32 $0xFFFFFD00  }
0x56: {  	_ =	swait.ge [sflag:s24], $0x300  }
0x57: {  	[sflag:s24] =	ssyncset.done $0x0  }
0x58: {  	[sflag:s24] =	ssyncadd.s32 $0xFFFFFD00  }
0x59: {  	_ =	swait.ge [sflag:s24], $0x300  }
0x5a: {  	[sflag:s24] =	ssyncset.done $0x0  }
0x5b: {  	s0 =	simm.s32 @!p0 $0x1400;
	[sflag:s24] =	ssyncadd.s32 $0xFFFFFD00  }
0x5c: {  	[spmem:s18] =	stream.linear.scatter @!p0 [tilespmem:s0], [sflag:$0x2], $0x100, $0x38;
	[tilespmem:$0x4350] =	vst v63  }
0x5d: {  	s0 =	simm.s32 @!p0 $0x2  }
0x5e: {  	_ =	swait.ge @!p0 [sflag:s0], $0x100  }
0x5f: {  	[sflag:s0] =	ssyncset.done @!p0 $0x0  }
0x60: {  	s31 =	simm.s32 $0x40;
	[sflag:s0] =	ssyncadd.s32 @!p0 $0xFFFFFF00;
	s0 =	simm.s32 $0x0  }
.LBB2_4:
0x61: {  	p1 =	sne.s32 s31, $0x1FC0;
	[tilespmem:s0+$0x1400] =	vst v1;
	s0 =	smov.u32 s31;
	s31 =	sadd.s32 $0x40, s31  }
.Ltmp1:
0x62: {  	(pc) =	sbr.rel @p1 .LBB2_4-.Ltmp1, $2  }
0x63: {  	_ =	sdelay $0x2  }
0x64: {  	s0 =	sshra.s32 s0, $0x2  }
0x65: {  	[tilespmem:s0+$0x1400] =	vst v1  }
0x66: {  	[bflag:$0x0] =	sbarrier.arrive $0xFFFF  }
0x67: {  	[spmem:s2] =	stream.indirect.scatter.add.f32 [tilespmem:s23], [sflag:$0x1], $0x10, s3, s25, $0xb8;
	[tilespmem:$0x4350] =	vst v63  }
0x68: {  	_ = 	snop  }
0x69: {  	[spmem:s2] =	stream.indirect.scatter.add.f32 [tilespmem:s23], [sflag:$0x1], $0x10, s25, s25, $0xb8;
	[tilespmem:$0x4350] =	vst v63  }
0x6a: {  	s31 =	simm.s32 $0x100  }
0x6b: {  	[spmem:s2] =	stream.indirect.scatter.add.f32 [tilespmem:s23], [sflag:$0x1], $0x10, s31, s25, $0xb8;
	[tilespmem:$0x4350] =	vst v63  }
0x6c: {  	s31 =	simm.s32 $0x180  }
0x6d: {  	[spmem:s2] =	stream.indirect.scatter.add.f32 [tilespmem:s23], [sflag:$0x1], $0x10, s31, s25, $0xb8;
	[tilespmem:$0x4350] =	vst v63  }
0x6e: {  	s31 =	simm.s32 $0x200  }
0x6f: {  	[spmem:s2] =	stream.indirect.scatter.add.f32 [tilespmem:s23], [sflag:$0x1], $0x10, s31, s25, $0xb8;
	[tilespmem:$0x4350] =	vst v63  }
0x70: {  	s31 =	simm.s32 $0x280  }
0x71: {  	[spmem:s2] =	stream.indirect.scatter.add.f32 [tilespmem:s23], [sflag:$0x1], $0x10, s31, s25, $0xb8;
	[tilespmem:$0x4350] =	vst v63  }
0x72: {  	s31 =	simm.s32 $0x300  }
0x73: {  	[spmem:s2] =	stream.indirect.scatter.add.f32 [tilespmem:s23], [sflag:$0x1], $0x10, s31, s25, $0xb8;
	[tilespmem:$0x4350] =	vst v63  }
0x74: {  	s31 =	simm.s32 $0x380  }
0x75: {  	[spmem:s2] =	stream.indirect.scatter.add.f32 [tilespmem:s23], [sflag:$0x1], $0x10, s31, s25, $0xb8;
	[tilespmem:$0x4350] =	vst v63  }
0x76: {  	_ =	swait.ge [sflag:s24], $0x800  }
0x77: {  	[sflag:s24] =	ssyncset.done $0x0  }
0x78: {  	[sflag:s24] =	ssyncadd.s32 $0xFFFFF800  }
0x79: {  	_ =	swait.ge [sflag:s24], $0x800  }
0x7a: {  	[sflag:s24] =	ssyncset.done $0x0  }
0x7b: {  	[sflag:s24] =	ssyncadd.s32 $0xFFFFF800  }
0x7c: {  	_ =	swait.ge [sflag:s24], $0x800  }
0x7d: {  	[sflag:s24] =	ssyncset.done $0x0  }
0x7e: {  	[sflag:s24] =	ssyncadd.s32 $0xFFFFF800  }
0x7f: {  	_ =	swait.ge [sflag:s24], $0x800  }
0x80: {  	[sflag:s24] =	ssyncset.done $0x0  }
0x81: {  	[sflag:s24] =	ssyncadd.s32 $0xFFFFF800  }
0x82: {  	_ =	swait.ge [sflag:s24], $0x800  }
0x83: {  	[sflag:s24] =	ssyncset.done $0x0  }
0x84: {  	[sflag:s24] =	ssyncadd.s32 $0xFFFFF800  }
0x85: {  	_ =	swait.ge [sflag:s24], $0x800  }
0x86: {  	[sflag:s24] =	ssyncset.done $0x0  }
0x87: {  	[sflag:s24] =	ssyncadd.s32 $0xFFFFF800  }
0x88: {  	_ =	swait.ge [sflag:s24], $0x800  }
0x89: {  	[sflag:s24] =	ssyncset.done $0x0  }
0x8a: {  	[sflag:s24] =	ssyncadd.s32 $0xFFFFF800  }
0x8b: {  	_ =	swait.ge [sflag:s24], $0x800  }
0x8c: {  	[sflag:s24] =	ssyncset.done $0x0  }
0x8d: {  	s31 =	simm.s32 $0x400;
	[sflag:s24] =	ssyncadd.s32 $0xFFFFF800  }
0x8e: {  	[spmem:s2] =	stream.indirect.scatter.add.f32 [tilespmem:s23], [sflag:$0x1], $0x10, s31, s25, $0xb8;
	[tilespmem:$0x4350] =	vst v63  }
0x8f: {  	s31 =	simm.s32 $0x480  }
0x90: {  	[spmem:s2] =	stream.indirect.scatter.add.f32 [tilespmem:s23], [sflag:$0x1], $0x10, s31, s25, $0xb8;
	[tilespmem:$0x4350] =	vst v63  }
0x91: {  	s31 =	simm.s32 $0x500  }
0x92: {  	[spmem:s2] =	stream.indirect.scatter.add.f32 [tilespmem:s23], [sflag:$0x1], $0x10, s31, s25, $0xb8;
	[tilespmem:$0x4350] =	vst v63  }
0x93: {  	s31 =	simm.s32 $0x580  }
0x94: {  	[spmem:s2] =	stream.indirect.scatter.add.f32 [tilespmem:s23], [sflag:$0x1], $0x10, s31, s25, $0xb8;
	[tilespmem:$0x4350] =	vst v63  }
0x95: {  	s31 =	simm.s32 $0x600  }
0x96: {  	[spmem:s2] =	stream.indirect.scatter.add.f32 [tilespmem:s23], [sflag:$0x1], $0x10, s31, s25, $0xb8;
	[tilespmem:$0x4350] =	vst v63  }
0x97: {  	s31 =	simm.s32 $0x680  }
0x98: {  	[spmem:s2] =	stream.indirect.scatter.add.f32 [tilespmem:s23], [sflag:$0x1], $0x10, s31, s25, $0xb8;
	[tilespmem:$0x4350] =	vst v63  }
0x99: {  	s31 =	simm.s32 $0x700  }
0x9a: {  	[spmem:s2] =	stream.indirect.scatter.add.f32 [tilespmem:s23], [sflag:$0x1], $0x10, s31, s25, $0xb8;
	[tilespmem:$0x4350] =	vst v63  }
0x9b: {  	s31 =	simm.s32 $0x780  }
0x9c: {  	[spmem:s2] =	stream.indirect.scatter.add.f32 [tilespmem:s23], [sflag:$0x1], $0x10, s31, s25, $0xb8;
	[tilespmem:$0x4350] =	vst v63  }
0x9d: {  	_ =	swait.ge [sflag:s24], $0x800  }
0x9e: {  	[sflag:s24] =	ssyncset.done $0x0  }
0x9f: {  	[sflag:s24] =	ssyncadd.s32 $0xFFFFF800  }
0xa0: {  	_ =	swait.ge [sflag:s24], $0x800  }
0xa1: {  	[sflag:s24] =	ssyncset.done $0x0  }
0xa2: {  	[sflag:s24] =	ssyncadd.s32 $0xFFFFF800  }
0xa3: {  	_ =	swait.ge [sflag:s24], $0x800  }
0xa4: {  	[sflag:s24] =	ssyncset.done $0x0  }
0xa5: {  	[sflag:s24] =	ssyncadd.s32 $0xFFFFF800  }
0xa6: {  	_ =	swait.ge [sflag:s24], $0x800  }
0xa7: {  	[sflag:s24] =	ssyncset.done $0x0  }
0xa8: {  	[sflag:s24] =	ssyncadd.s32 $0xFFFFF800  }
0xa9: {  	_ =	swait.ge [sflag:s24], $0x800  }
0xaa: {  	[sflag:s24] =	ssyncset.done $0x0  }
0xab: {  	[sflag:s24] =	ssyncadd.s32 $0xFFFFF800  }
0xac: {  	_ =	swait.ge [sflag:s24], $0x800  }
0xad: {  	[sflag:s24] =	ssyncset.done $0x0  }
0xae: {  	[sflag:s24] =	ssyncadd.s32 $0xFFFFF800  }
0xaf: {  	_ =	swait.ge [sflag:s24], $0x800  }
0xb0: {  	[sflag:s24] =	ssyncset.done $0x0  }
0xb1: {  	[sflag:s24] =	ssyncadd.s32 $0xFFFFF800  }
0xb2: {  	_ =	swait.ge [sflag:s24], $0x800  }
0xb3: {  	[sflag:s24] =	ssyncset.done $0x0  }
0xb4: {  	s31 =	simm.s32 $0x800;
	[sflag:s24] =	ssyncadd.s32 $0xFFFFF800  }
0xb5: {  	[spmem:s2] =	stream.indirect.scatter.add.f32 [tilespmem:s23], [sflag:$0x1], $0x10, s31, s25, $0xb8;
	[tilespmem:$0x4350] =	vst v63  }
0xb6: {  	s31 =	simm.s32 $0x880  }
0xb7: {  	[spmem:s2] =	stream.indirect.scatter.add.f32 [tilespmem:s23], [sflag:$0x1], $0x10, s31, s25, $0xb8;
	[tilespmem:$0x4350] =	vst v63  }
0xb8: {  	s31 =	simm.s32 $0x900  }
0xb9: {  	[spmem:s2] =	stream.indirect.scatter.add.f32 [tilespmem:s23], [sflag:$0x1], $0x10, s31, s25, $0xb8;
	[tilespmem:$0x4350] =	vst v63  }
0xba: {  	s31 =	simm.s32 $0x980  }
0xbb: {  	[spmem:s2] =	stream.indirect.scatter.add.f32 [tilespmem:s23], [sflag:$0x1], $0x10, s31, s25, $0xb8;
	[tilespmem:$0x4350] =	vst v63  }
0xbc: {  	s31 =	simm.s32 $0xA00  }
0xbd: {  	[spmem:s2] =	stream.indirect.scatter.add.f32 [tilespmem:s23], [sflag:$0x1], $0x10, s31, s25, $0xb8;
	[tilespmem:$0x4350] =	vst v63  }
0xbe: {  	s31 =	simm.s32 $0xA80  }
0xbf: {  	[spmem:s2] =	stream.indirect.scatter.add.f32 [tilespmem:s23], [sflag:$0x1], $0x10, s31, s25, $0xb8;
	[tilespmem:$0x4350] =	vst v63  }
0xc0: {  	s31 =	simm.s32 $0xB00  }
0xc1: {  	[spmem:s2] =	stream.indirect.scatter.add.f32 [tilespmem:s23], [sflag:$0x1], $0x10, s31, s25, $0xb8;
	[tilespmem:$0x4350] =	vst v63  }
0xc2: {  	s31 =	simm.s32 $0xB80  }
0xc3: {  	[spmem:s2] =	stream.indirect.scatter.add.f32 [tilespmem:s23], [sflag:$0x1], $0x10, s31, s25, $0xb8;
	[tilespmem:$0x4350] =	vst v63  }
0xc4: {  	_ =	swait.ge [sflag:s24], $0x800  }
0xc5: {  	[sflag:s24] =	ssyncset.done $0x0  }
0xc6: {  	[sflag:s24] =	ssyncadd.s32 $0xFFFFF800  }
0xc7: {  	_ =	swait.ge [sflag:s24], $0x800  }
0xc8: {  	[sflag:s24] =	ssyncset.done $0x0  }
0xc9: {  	[sflag:s24] =	ssyncadd.s32 $0xFFFFF800  }
0xca: {  	_ =	swait.ge [sflag:s24], $0x800  }
0xcb: {  	[sflag:s24] =	ssyncset.done $0x0  }
0xcc: {  	[sflag:s24] =	ssyncadd.s32 $0xFFFFF800  }
0xcd: {  	_ =	swait.ge [sflag:s24], $0x800  }
0xce: {  	[sflag:s24] =	ssyncset.done $0x0  }
0xcf: {  	[sflag:s24] =	ssyncadd.s32 $0xFFFFF800  }
0xd0: {  	_ =	swait.ge [sflag:s24], $0x800  }
0xd1: {  	[sflag:s24] =	ssyncset.done $0x0  }
0xd2: {  	[sflag:s24] =	ssyncadd.s32 $0xFFFFF800  }
0xd3: {  	_ =	swait.ge [sflag:s24], $0x800  }
0xd4: {  	[sflag:s24] =	ssyncset.done $0x0  }
0xd5: {  	[sflag:s24] =	ssyncadd.s32 $0xFFFFF800  }
0xd6: {  	_ =	swait.ge [sflag:s24], $0x800  }
0xd7: {  	[sflag:s24] =	ssyncset.done $0x0  }
0xd8: {  	[sflag:s24] =	ssyncadd.s32 $0xFFFFF800  }
0xd9: {  	_ =	swait.ge [sflag:s24], $0x800  }
0xda: {  	[sflag:s24] =	ssyncset.done $0x0  }
0xdb: {  	s31 =	simm.s32 $0xC00;
	[sflag:s24] =	ssyncadd.s32 $0xFFFFF800  }
0xdc: {  	[spmem:s2] =	stream.indirect.scatter.add.f32 [tilespmem:s23], [sflag:$0x1], $0x10, s31, s25, $0xb8;
	[tilespmem:$0x4350] =	vst v63  }
0xdd: {  	s31 =	simm.s32 $0xC80  }
0xde: {  	[spmem:s2] =	stream.indirect.scatter.add.f32 [tilespmem:s23], [sflag:$0x1], $0x10, s31, s25, $0xb8;
	[tilespmem:$0x4350] =	vst v63  }
0xdf: {  	s31 =	simm.s32 $0xD00  }
0xe0: {  	[spmem:s2] =	stream.indirect.scatter.add.f32 [tilespmem:s23], [sflag:$0x1], $0x10, s31, s25, $0xb8;
	[tilespmem:$0x4350] =	vst v63  }
0xe1: {  	s31 =	simm.s32 $0xD80  }
0xe2: {  	[spmem:s2] =	stream.indirect.scatter.add.f32 [tilespmem:s23], [sflag:$0x1], $0x10, s31, s25, $0xb8;
	[tilespmem:$0x4350] =	vst v63  }
0xe3: {  	s31 =	simm.s32 $0xE00  }
0xe4: {  	[spmem:s2] =	stream.indirect.scatter.add.f32 [tilespmem:s23], [sflag:$0x1], $0x10, s31, s25, $0xb8;
	[tilespmem:$0x4350] =	vst v63  }
0xe5: {  	s31 =	simm.s32 $0xE80  }
0xe6: {  	[spmem:s2] =	stream.indirect.scatter.add.f32 [tilespmem:s23], [sflag:$0x1], $0x10, s31, s25, $0xb8;
	[tilespmem:$0x4350] =	vst v63  }
0xe7: {  	s31 =	simm.s32 $0xF00  }
0xe8: {  	[spmem:s2] =	stream.indirect.scatter.add.f32 [tilespmem:s23], [sflag:$0x1], $0x10, s31, s25, $0xb8;
	[tilespmem:$0x4350] =	vst v63  }
0xe9: {  	s31 =	simm.s32 $0xF80  }
0xea: {  	[spmem:s2] =	stream.indirect.scatter.add.f32 [tilespmem:s23], [sflag:$0x1], $0x10, s31, s25, $0xb8;
	[tilespmem:$0x4350] =	vst v63  }
0xeb: {  	_ =	swait.ge [sflag:s24], $0x800  }
0xec: {  	[sflag:s24] =	ssyncset.done $0x0  }
0xed: {  	[sflag:s24] =	ssyncadd.s32 $0xFFFFF800  }
0xee: {  	_ =	swait.ge [sflag:s24], $0x800  }
0xef: {  	[sflag:s24] =	ssyncset.done $0x0  }
0xf0: {  	[sflag:s24] =	ssyncadd.s32 $0xFFFFF800  }
0xf1: {  	_ =	swait.ge [sflag:s24], $0x800  }
0xf2: {  	[sflag:s24] =	ssyncset.done $0x0  }
0xf3: {  	[sflag:s24] =	ssyncadd.s32 $0xFFFFF800  }
0xf4: {  	_ =	swait.ge [sflag:s24], $0x800  }
0xf5: {  	[sflag:s24] =	ssyncset.done $0x0  }
0xf6: {  	[sflag:s24] =	ssyncadd.s32 $0xFFFFF800  }
0xf7: {  	_ =	swait.ge [sflag:s24], $0x800  }
0xf8: {  	[sflag:s24] =	ssyncset.done $0x0  }
0xf9: {  	[sflag:s24] =	ssyncadd.s32 $0xFFFFF800  }
0xfa: {  	_ =	swait.ge [sflag:s24], $0x800  }
0xfb: {  	[sflag:s24] =	ssyncset.done $0x0  }
0xfc: {  	[sflag:s24] =	ssyncadd.s32 $0xFFFFF800  }
0xfd: {  	_ =	swait.ge [sflag:s24], $0x800  }
0xfe: {  	[sflag:s24] =	ssyncset.done $0x0  }
0xff: {  	[sflag:s24] =	ssyncadd.s32 $0xFFFFF800  }
0x100: {  	_ =	swait.ge [sflag:s24], $0x800  }
0x101: {  	[sflag:s24] =	ssyncset.done $0x0  }
0x102: {  	s31 =	simm.s32 $0x1000;
	[sflag:s24] =	ssyncadd.s32 $0xFFFFF800  }
0x103: {  	[spmem:s2] =	stream.indirect.scatter.add.f32 [tilespmem:s23], [sflag:$0x1], $0x10, s31, s25, $0xb8;
	[tilespmem:$0x4350] =	vst v63  }
0x104: {  	s31 =	simm.s32 $0x1080  }
0x105: {  	[spmem:s2] =	stream.indirect.scatter.add.f32 [tilespmem:s23], [sflag:$0x1], $0x10, s31, s25, $0xb8;
	[tilespmem:$0x4350] =	vst v63  }
0x106: {  	s31 =	simm.s32 $0x1100  }
0x107: {  	[spmem:s2] =	stream.indirect.scatter.add.f32 [tilespmem:s23], [sflag:$0x1], $0x10, s31, s25, $0xb8;
	[tilespmem:$0x4350] =	vst v63  }
0x108: {  	s31 =	simm.s32 $0x1180  }
0x109: {  	[spmem:s2] =	stream.indirect.scatter.add.f32 [tilespmem:s23], [sflag:$0x1], $0x10, s31, s25, $0xb8;
	[tilespmem:$0x4350] =	vst v63  }
0x10a: {  	_ = 	snop  }
0x10b: {  	[spmem:s2] =	stream.indirect.scatter.add.f32 [tilespmem:s23], [sflag:$0x1], $0x10, s1, s25, $0xb8;
	[tilespmem:$0x4350] =	vst v63  }
0x10c: {  	_ = 	snop  }
0x10d: {  	[spmem:s2] =	stream.indirect.scatter.add.f32 [tilespmem:s23], [sflag:$0x1], $0x10, s26, s25, $0xb8;
	[tilespmem:$0x4350] =	vst v63  }
0x10e: {  	_ = 	snop  }
0x10f: {  	[spmem:s2] =	stream.indirect.scatter.add.f32 [tilespmem:s23], [sflag:$0x1], $0x10, s28, s25, $0xb8;
	[tilespmem:$0x4350] =	vst v63  }
0x110: {  	_ = 	snop  }
0x111: {  	[spmem:s2] =	stream.indirect.scatter.add.f32 [tilespmem:s23], [sflag:$0x1], $0x10, s29, s25, $0xb8;
	[tilespmem:$0x4350] =	vst v63  }
0x112: {  	_ =	swait.ge [sflag:s24], $0x800  }
0x113: {  	[sflag:s24] =	ssyncset.done $0x0  }
0x114: {  	[sflag:s24] =	ssyncadd.s32 $0xFFFFF800  }
0x115: {  	_ =	swait.ge [sflag:s24], $0x800  }
0x116: {  	[sflag:s24] =	ssyncset.done $0x0  }
0x117: {  	[sflag:s24] =	ssyncadd.s32 $0xFFFFF800  }
0x118: {  	_ =	swait.ge [sflag:s24], $0x800  }
0x119: {  	[sflag:s24] =	ssyncset.done $0x0  }
0x11a: {  	[sflag:s24] =	ssyncadd.s32 $0xFFFFF800  }
0x11b: {  	_ =	swait.ge [sflag:s24], $0x800  }
0x11c: {  	[sflag:s24] =	ssyncset.done $0x0  }
0x11d: {  	[sflag:s24] =	ssyncadd.s32 $0xFFFFF800  }
0x11e: {  	_ =	swait.ge [sflag:s24], $0x800  }
0x11f: {  	[sflag:s24] =	ssyncset.done $0x0  }
0x120: {  	[sflag:s24] =	ssyncadd.s32 $0xFFFFF800  }
0x121: {  	_ =	swait.ge [sflag:s24], $0x800  }
0x122: {  	[sflag:s24] =	ssyncset.done $0x0  }
0x123: {  	[sflag:s24] =	ssyncadd.s32 $0xFFFFF800  }
0x124: {  	_ =	swait.ge [sflag:s24], $0x800  }
0x125: {  	[sflag:s24] =	ssyncset.done $0x0  }
0x126: {  	[sflag:s24] =	ssyncadd.s32 $0xFFFFF800  }
0x127: {  	_ =	swait.ge [sflag:s24], $0x800  }
0x128: {  	s31 =	stileid.u32;
	[sflag:s24] =	ssyncset.done $0x0  }
0x129: {  	s0 =	sshll.u32 s31, $0x6;
	[sflag:s24] =	ssyncadd.s32 $0xFFFFF800  }
0x12a: {  	s31 =	sshrl.u32 s5, $0x3;
	s0 =	sor.u32 $0x1C02, s0;
	[bflag:$0x0] =	sbarrier.arrive $0xFFFF  }
0x12b: {  	[hbm:s19], [sflag:s0] =	dma.local [spmem:s31], $0x4E0  }
0x12c: {  	_ =	swait.ge [sflag:s22], $0x4E0  }
0x12d: {  	s30 =	sadd.s32 $0x1, s30;
	[sflag:s22] =	ssyncset.done $0x0  }
0x12e: {  	p1 =	sne.s32 s30, s21;
	s31 =	sshrl.u32 @!p0 s18, $0x3;
	[sflag:s22] =	ssyncadd.s32 $0xFFFFFB20  }
0x12f: {  	[hbm:s20], [sflag:s0] =	dma.local @!p0 [spmem:s31], $0x20  }
.Ltmp2:
0x130: {  	_ = 	snop;
	(pc) =	sbr.rel @p1 .LBB2_1-.Ltmp2, $4  }
0x131: {  	s0 =	simm.s32 @!p0 $0x2  }
0x132: {  	_ =	swait.ge @!p0 [sflag:s0], $0x20  }
0x133: {  	[sflag:s0] =	ssyncset.done @!p0 $0x0  }
0x134: {  	[sflag:s0] =	ssyncadd.s32 @!p0 $0xFFFFFFE0  }
0x135: {  	_ =	sfence.sel $0x180000  }
0x136: {  	[bflag:$0x0] =	sbarrier.arrive $0xFFFF  }
0x137: {  	_ =	strace $0x90000047  }
0x138: {  	[bflag:$0x2] =	sbarrier.arrive $0xFFFF  }
0x139: {  	s0 =	rddreg [dreg:$0x2]  }
0x13a: {  	s0 =	sadd.s32 @!p0 $0x100000, s0  }
0x13b: {  	[sflag:s0] =	ssyncadd.tile.s32 @!p0 $0x1;
	_ =	shalt  }
.Lfunc_end2:
_tile_overlayer_lowered:
.L_overlay_start_2:
0x13c: {  	(tag) =	ssettag $0x2  }
0x13d: {  	s0 =	rddreg [dreg:$0x0];
	s2 =	stileid.u32  }
0x13e: {  	s1 =	rddreg [dreg:$0x1];
	p0 =	sne.s32 s2, $0x0  }
0x13f: {  	s3 =	rddreg [dreg:$0x2];
	[bflag:$0x3] =	sbarrier.arrive $0xFFFF;
	s2 =	simm.s32 @!p0 $0x1C02  }
0x140: {  	[timem:s3], [sflag:s2] =	dma.local @!p0 [hbm:s0], s1  }
0x141: {  	s0 =	simm.s32 @!p0 $0x2  }
0x142: {  	_ =	swait.ge @!p0 [sflag:s0], s1  }
0x143: {  	s1 =	ssub.s32 @!p0 $0x0, s1;
	[sflag:s0] =	ssyncset.done @!p0 $0x0  }
0x144: {  	[sflag:s0] =	ssyncadd.s32 @!p0 s1  }
0x145: {  	[bflag:$0x3] =	sbarrier.arrive $0xFFFF  }
0x146: {  	_ =	shalt  }

</sc_bundles>
